<compile_context>
chip_gen: v7x
topology: tpu7x:2x2x1
jax: 0.10.2.dev20260603
libtpu: 0.0.44.dev20260713+nightly
codegen_flags: <defaults>
</compile_context>

<pallas_src>
import jax
import jax.numpy as jnp
from jax import lax
from jax.experimental import pallas as pl
from jax.experimental.pallas import tpu as pltpu
from jax.experimental.pallas import tpu_sc as plsc

_NUM_NODES = 1000000
_EMBED_DIM = 32
_BATCH = 16384
_LANES = 128

_info = plsc.get_sparse_core_info()
_NC, _NS = _info.num_cores, _info.num_subcores
_NW = _NC * _NS
_B_PER_W = _BATCH // _NW
_WAVE = 8
_N_WAVES = _B_PER_W // _WAVE
_RING = 3
_N_MACRO = _N_WAVES // _RING
_N_TAIL = _N_WAVES - _N_MACRO * _RING


def _gather_body(embT_hbm, idx_hbm, outT_hbm, idx_v, tiles_v, blk_v, *sems):
    wid = lax.axis_index("s") * _NC + lax.axis_index("c")
    base = wid * _B_PER_W

    pltpu.sync_copy(idx_hbm.at[pl.ds(base, _B_PER_W)], idx_v.at[pl.ds(0, _B_PER_W)])

    def fire(w, buf):
        vecw = idx_v[pl.ds(w * _WAVE, 16)]
        for j in range(_WAVE):
            n = vecw[j]
            grp = pl.multiple_of((n // _LANES) * _LANES, _LANES)
            pltpu.async_copy(
                embT_hbm.at[:, pl.ds(grp, _LANES)],
                tiles_v.at[buf * _WAVE + j],
                sems[buf],
            )

    fire(jnp.int32(0), 0)
    fire(jnp.int32(1), 1)

    k16 = lax.iota(jnp.int32, 16)
    jv = lax.rem(k16, _WAVE)
    fh = k16 // _WAVE

    def do_wave(w, buf):
        @pl.when(w < _N_WAVES - 2)
        def _():
            fire(w + 2, (buf + 2) % _RING)

        for j in range(_WAVE):
            pltpu.make_async_copy(
                embT_hbm.at[:, pl.ds(0, _LANES)],
                tiles_v.at[buf * _WAVE + j],
                sems[buf],
            ).wait()

        nvec = plsc.load_gather(idx_v, [w * _WAVE + jv])
        lanes = lax.rem(nvec, _LANES)
        slot = buf * _WAVE + jv
        col = w * _WAVE + jv
        for fg in range(_EMBED_DIM // 2):
            fvec = fh + 2 * fg
            vals = plsc.load_gather(tiles_v, [slot, fvec, lanes])
            plsc.store_scatter(blk_v, [fvec, col], vals)

    def macro(m, carry):
        for r in range(_RING):
            do_wave(m * _RING + r, r)
        return carry

    lax.fori_loop(0, _N_MACRO, macro, jnp.int32(0))
    for r in range(_N_TAIL):
        do_wave(jnp.int32(_N_MACRO * _RING + r), r)

    col0 = pl.multiple_of(base, _LANES)
    pltpu.sync_copy(blk_v, outT_hbm.at[:, pl.ds(col0, _B_PER_W)])


@jax.jit
def kernel(batch, emb):
    idx = batch.astype(jnp.int32)
    mesh = plsc.VectorSubcoreMesh(core_axis_name="c", subcore_axis_name="s")
    gather = pl.kernel(
        _gather_body,
        out_type=jax.ShapeDtypeStruct((_EMBED_DIM, _BATCH), jnp.float32),
        mesh=mesh,
        scratch_types=[
            pltpu.VMEM((_B_PER_W + _WAVE,), jnp.int32),
            pltpu.VMEM((_RING * _WAVE, _EMBED_DIM, _LANES), jnp.float32),
            pltpu.VMEM((_EMBED_DIM, _B_PER_W), jnp.float32),
            pltpu.SemaphoreType.DMA,
            pltpu.SemaphoreType.DMA,
            pltpu.SemaphoreType.DMA,
        ],
        compiler_params=pltpu.CompilerParams(
            use_tc_tiling_on_sc=True, needs_layout_passes=False
        ),
    )
    return gather(emb.T, idx).T

# --- scband reference (transcript-rebuilt; emitter-appended) ---
"""Pipeline reference for scband-n2-vmodel-80075370266816 (READ-ONLY COPY).

The authoritative reference and input builder live on the scoring server;
editing this copy changes nothing except your own understanding.
"""

import jax, jax.numpy as jnp
import numpy as np

NUM_NODES = 1000000
EMBED_DIM = 32
BATCH = 16384

def setup_inputs(seed: int = 0) -> dict:
    key = jax.random.key(seed)
    k1, k2 = jax.random.split(key)
    batch = jax.random.randint(k1, (BATCH,), 0, NUM_NODES)
    emb = jax.random.normal(k2, (NUM_NODES, EMBED_DIM), dtype=jnp.float32)
    return {"batch": batch, "emb": emb}

def reference(batch, emb):
    # Node2Vec.forward: emb.index_select(0, batch)
    return jnp.take(emb, batch, axis=0)

if __name__ == "__main__":
    import jax
    _d = setup_inputs()
    print(jax.jit(kernel)(*tuple(_d.values())))

</pallas_src>

<mosaic_0001>
#map = affine_map<(d0, d1) -> (0, 0)>
#map1 = affine_map<(d0, d1) -> (0)>
module attributes {stable_mosaic.version = 14 : i64} {
  func.func @_gather_body(%arg0: i32, %arg1: i32, %arg2: memref<32x1000000xf32, #tpu.memory_space<hbm>>, %arg3: memref<16384xi32, #tpu.memory_space<hbm>>, %arg4: memref<32x16384xf32, #tpu.memory_space<hbm>>, %arg5: memref<520xi32, #tpu.memory_space<vmem>>, %arg6: memref<24x32x128xf32, #tpu.memory_space<vmem>>, %arg7: memref<32x512xf32, #tpu.memory_space<vmem>>, %arg8: memref<!tpu.dma_semaphore, #tpu.memory_space<semaphore_mem>>, %arg9: memref<!tpu.dma_semaphore, #tpu.memory_space<semaphore_mem>>, %arg10: memref<!tpu.dma_semaphore, #tpu.memory_space<semaphore_mem>>) attributes {dimension_semantics = [#tpu.dimension_semantics<core_parallel>, #tpu.dimension_semantics<subcore_parallel>], iteration_bounds = array<i64: 2, 16>, scalar_prefetch = 0 : i64, scratch_operands = 6 : i64, tpu.core_type = #tpu.core_type<sc_vector_subcore>, window_params = [{transform_indices = #map}, {transform_indices = #map1}, {transform_indices = #map}]} {
    %mul3A = arith.constant 2 : i32
    %mul3A_0 = arith.muli %arg1, %mul3A : i32
    %add3A = arith.addi %mul3A_0, %arg0 : i32
    %mul3A_1 = arith.constant 512 : i32
    %mul3A_2 = arith.muli %add3A, %mul3A_1 : i32
    "tpu.region"() ({
      %run_scoped3A = tpu.sem_alloc : memref<!tpu.dma_semaphore, #tpu.memory_space<semaphore_mem>>
      %dma_start3A_915 = arith.constant 0 : i32
      %dma_start3A_916 = tpu.memref_slice %arg5[%dma_start3A_915] : memref<520xi32, #tpu.memory_space<vmem>> -> memref<512xi32, #tpu.memory_space<vmem>>
      %dma_start3A_917 = tpu.memref_slice %arg3[%mul3A_2] : memref<16384xi32, #tpu.memory_space<hbm>> -> memref<512xi32, #tpu.memory_space<hbm>>
      %dma_start3A_918 = arith.constant 0 : i32
      %dma_start3A_919 = tpu.memref_slice %arg5[%dma_start3A_918] : memref<520xi32, #tpu.memory_space<vmem>> -> memref<512xi32, #tpu.memory_space<vmem>>
      %dma_start3A_920 = tpu.memref_slice %arg3[%mul3A_2] : memref<16384xi32, #tpu.memory_space<hbm>> -> memref<512xi32, #tpu.memory_space<hbm>>
      tpu.enqueue_dma source(%dma_start3A_920 : memref<512xi32, #tpu.memory_space<hbm>>) target(%dma_start3A_919 : memref<512xi32, #tpu.memory_space<vmem>>) target_semaphore(%run_scoped3A : memref<!tpu.dma_semaphore, #tpu.memory_space<semaphore_mem>>)
      %dma_wait3A_921 = arith.constant 0 : i32
      %dma_wait3A_922 = tpu.memref_slice %arg5[%dma_wait3A_921] : memref<520xi32, #tpu.memory_space<vmem>> -> memref<512xi32, #tpu.memory_space<vmem>>
      %dma_wait3A_923 = tpu.memref_slice %arg3[%mul3A_2] : memref<16384xi32, #tpu.memory_space<hbm>> -> memref<512xi32, #tpu.memory_space<hbm>>
      %dma_wait3A_924 = arith.constant 0 : i32
      %dma_wait3A_925 = tpu.memref_slice %arg5[%dma_wait3A_924] : memref<520xi32, #tpu.memory_space<vmem>> -> memref<512xi32, #tpu.memory_space<vmem>>
      %dma_wait3A_926 = tpu.memref_slice %arg3[%mul3A_2] : memref<16384xi32, #tpu.memory_space<hbm>> -> memref<512xi32, #tpu.memory_space<hbm>>
      tpu.wait_dma2 semaphore(%run_scoped3A : memref<!tpu.dma_semaphore, #tpu.memory_space<semaphore_mem>>) src(%dma_wait3A_926 : memref<512xi32, #tpu.memory_space<hbm>>) dst(%dma_wait3A_925 : memref<512xi32, #tpu.memory_space<vmem>>)
      tpu.yield
    }) : () -> ()
    %mul3A_3 = arith.constant 0 : i32
    %mul3A_4 = arith.constant 8 : i32
    %mul3A_5 = arith.muli %mul3A_3, %mul3A_4 : i32
    %get3A = arith.index_cast %mul3A_5 : i32 to index
    %get3A_6 = tpu.vector_load %arg5[%get3A] {strides = array<i32>} : memref<520xi32, #tpu.memory_space<vmem>>, vector<16xi32>,
    %slice3A = vector.extract_strided_slice %get3A_6 {offsets = [0], sizes = [1], strides = [1]} : vector<16xi32> to vector<1xi32>
    %squeeze3A = vector.extract %slice3A[0] : i32 from vector<1xi32>
    %jit3A = arith.constant 128 : i32
    %div3A = arith.divsi %squeeze3A, %jit3A : i32
    %sign3A = arith.constant 0 : i32
    %sign3A_7 = arith.cmpi sgt, %squeeze3A, %sign3A : i32
    %sign3A_8 = arith.extui %sign3A_7 : i1 to i32
    %sign3A_9 = arith.constant 0 : i32
    %sign3A_10 = arith.cmpi slt, %squeeze3A, %sign3A_9 : i32
    %sign3A_11 = arith.extui %sign3A_10 : i1 to i32
    %sign3A_12 = arith.subi %sign3A_8, %sign3A_11 : i32
    %sign3A_13 = arith.constant 0 : i32
    %sign3A_14 = arith.cmpi sgt, %jit3A, %sign3A_13 : i32
    %sign3A_15 = arith.extui %sign3A_14 : i1 to i32
    %sign3A_16 = arith.constant 0 : i32
    %sign3A_17 = arith.cmpi slt, %jit3A, %sign3A_16 : i32
    %sign3A_18 = arith.extui %sign3A_17 : i1 to i32
    %sign3A_19 = arith.subi %sign3A_15, %sign3A_18 : i32
    %ne3A = arith.cmpi ne, %sign3A_12, %sign3A_19 : i32
    %rem3A = arith.remsi %squeeze3A, %jit3A : i32
    %ne3A_20 = arith.constant 0 : i32
    %ne3A_21 = arith.cmpi ne, %rem3A, %ne3A_20 : i32
    %and3A = arith.andi %ne3A, %ne3A_21 : i1
    %sub3A = arith.constant 1 : i32
    %sub3A_22 = arith.subi %div3A, %sub3A : i32
    %select_n3A = arith.select %and3A, %sub3A_22, %div3A : i32
    %mul3A_23 = arith.constant 128 : i32
    %mul3A_24 = arith.muli %select_n3A, %mul3A_23 : i32
    %multiple_of3A = tpu.assume_multiple %mul3A_24, 128 : i32
    %dma_start3A = arith.constant 0 : i32
    %dma_start3A_25 = arith.constant 0 : i32
    %dma_start3A_26 = arith.constant 0 : i32
    %dma_start3A_27 = tpu.memref_slice %arg6[%dma_start3A, %dma_start3A_25, %dma_start3A_26] : memref<24x32x128xf32, #tpu.memory_space<vmem>> -> memref<1x32x128xf32, #tpu.memory_space<vmem>>
    %dma_start3A_28 = tpu.memref_squeeze %dma_start3A_27 : memref<1x32x128xf32, #tpu.memory_space<vmem>> -> memref<32x128xf32, #tpu.memory_space<vmem>>
    %dma_start3A_29 = arith.constant 0 : i32
    %dma_start3A_30 = tpu.memref_slice %arg2[%dma_start3A_29, %multiple_of3A] : memref<32x1000000xf32, #tpu.memory_space<hbm>> -> memref<32x128xf32, #tpu.memory_space<hbm>>
    %dma_start3A_31 = arith.constant 0 : i32
    %dma_start3A_32 = arith.constant 0 : i32
    %dma_start3A_33 = tpu.memref_slice %arg6[%dma_start3A, %dma_start3A_31, %dma_start3A_32] : memref<24x32x128xf32, #tpu.memory_space<vmem>> -> memref<1x32x128xf32, #tpu.memory_space<vmem>>
    %dma_start3A_34 = tpu.memref_squeeze %dma_start3A_33 : memref<1x32x128xf32, #tpu.memory_space<vmem>> -> memref<32x128xf32, #tpu.memory_space<vmem>>
    %dma_start3A_35 = arith.constant 0 : i32
    %dma_start3A_36 = tpu.memref_slice %arg2[%dma_start3A_35, %multiple_of3A] : memref<32x1000000xf32, #tpu.memory_space<hbm>> -> memref<32x128xf32, #tpu.memory_space<hbm>>
    tpu.enqueue_dma source(%dma_start3A_36 : memref<32x128xf32, #tpu.memory_space<hbm>>) target(%dma_start3A_34 : memref<32x128xf32, #tpu.memory_space<vmem>>) target_semaphore(%arg8 : memref<!tpu.dma_semaphore, #tpu.memory_space<semaphore_mem>>)
    %slice3A_37 = vector.extract_strided_slice %get3A_6 {offsets = [1], sizes = [1], strides = [1]} : vector<16xi32> to vector<1xi32>
    %squeeze3A_38 = vector.extract %slice3A_37[0] : i32 from vector<1xi32>
    %jit3A_39 = arith.constant 128 : i32
    %div3A_40 = arith.divsi %squeeze3A_38, %jit3A_39 : i32
    %sign3A_41 = arith.constant 0 : i32
    %sign3A_42 = arith.cmpi sgt, %squeeze3A_38, %sign3A_41 : i32
    %sign3A_43 = arith.extui %sign3A_42 : i1 to i32
    %sign3A_44 = arith.constant 0 : i32
    %sign3A_45 = arith.cmpi slt, %squeeze3A_38, %sign3A_44 : i32
    %sign3A_46 = arith.extui %sign3A_45 : i1 to i32
    %sign3A_47 = arith.subi %sign3A_43, %sign3A_46 : i32
    %sign3A_48 = arith.constant 0 : i32
    %sign3A_49 = arith.cmpi sgt, %jit3A_39, %sign3A_48 : i32
    %sign3A_50 = arith.extui %sign3A_49 : i1 to i32
    %sign3A_51 = arith.constant 0 : i32
    %sign3A_52 = arith.cmpi slt, %jit3A_39, %sign3A_51 : i32
    %sign3A_53 = arith.extui %sign3A_52 : i1 to i32
    %sign3A_54 = arith.subi %sign3A_50, %sign3A_53 : i32
    %ne3A_55 = arith.cmpi ne, %sign3A_47, %sign3A_54 : i32
    %rem3A_56 = arith.remsi %squeeze3A_38, %jit3A_39 : i32
    %ne3A_57 = arith.constant 0 : i32
    %ne3A_58 = arith.cmpi ne, %rem3A_56, %ne3A_57 : i32
    %and3A_59 = arith.andi %ne3A_55, %ne3A_58 : i1
    %sub3A_60 = arith.constant 1 : i32
    %sub3A_61 = arith.subi %div3A_40, %sub3A_60 : i32
    %select_n3A_62 = arith.select %and3A_59, %sub3A_61, %div3A_40 : i32
    %mul3A_63 = arith.constant 128 : i32
    %mul3A_64 = arith.muli %select_n3A_62, %mul3A_63 : i32
    %multiple_of3A_65 = tpu.assume_multiple %mul3A_64, 128 : i32
    %dma_start3A_66 = arith.constant 1 : i32
    %dma_start3A_67 = arith.constant 0 : i32
    %dma_start3A_68 = arith.constant 0 : i32
    %dma_start3A_69 = tpu.memref_slice %arg6[%dma_start3A_66, %dma_start3A_67, %dma_start3A_68] : memref<24x32x128xf32, #tpu.memory_space<vmem>> -> memref<1x32x128xf32, #tpu.memory_space<vmem>>
    %dma_start3A_70 = tpu.memref_squeeze %dma_start3A_69 : memref<1x32x128xf32, #tpu.memory_space<vmem>> -> memref<32x128xf32, #tpu.memory_space<vmem>>
    %dma_start3A_71 = arith.constant 0 : i32
    %dma_start3A_72 = tpu.memref_slice %arg2[%dma_start3A_71, %multiple_of3A_65] : memref<32x1000000xf32, #tpu.memory_space<hbm>> -> memref<32x128xf32, #tpu.memory_space<hbm>>
    %dma_start3A_73 = arith.constant 0 : i32
    %dma_start3A_74 = arith.constant 0 : i32
    %dma_start3A_75 = tpu.memref_slice %arg6[%dma_start3A_66, %dma_start3A_73, %dma_start3A_74] : memref<24x32x128xf32, #tpu.memory_space<vmem>> -> memref<1x32x128xf32, #tpu.memory_space<vmem>>
    %dma_start3A_76 = tpu.memref_squeeze %dma_start3A_75 : memref<1x32x128xf32, #tpu.memory_space<vmem>> -> memref<32x128xf32, #tpu.memory_space<vmem>>
    %dma_start3A_77 = arith.constant 0 : i32
    %dma_start3A_78 = tpu.memref_slice %arg2[%dma_start3A_77, %multiple_of3A_65] : memref<32x1000000xf32, #tpu.memory_space<hbm>> -> memref<32x128xf32, #tpu.memory_space<hbm>>
    tpu.enqueue_dma source(%dma_start3A_78 : memref<32x128xf32, #tpu.memory_space<hbm>>) target(%dma_start3A_76 : memref<32x128xf32, #tpu.memory_space<vmem>>) target_semaphore(%arg8 : memref<!tpu.dma_semaphore, #tpu.memory_space<semaphore_mem>>)
    %slice3A_79 = vector.extract_strided_slice %get3A_6 {offsets = [2], sizes = [1], strides = [1]} : vector<16xi32> to vector<1xi32>
    %squeeze3A_80 = vector.extract %slice3A_79[0] : i32 from vector<1xi32>
    %jit3A_81 = arith.constant 128 : i32
    %div3A_82 = arith.divsi %squeeze3A_80, %jit3A_81 : i32
    %sign3A_83 = arith.constant 0 : i32
    %sign3A_84 = arith.cmpi sgt, %squeeze3A_80, %sign3A_83 : i32
    %sign3A_85 = arith.extui %sign3A_84 : i1 to i32
    %sign3A_86 = arith.constant 0 : i32
    %sign3A_87 = arith.cmpi slt, %squeeze3A_80, %sign3A_86 : i32
    %sign3A_88 = arith.extui %sign3A_87 : i1 to i32
    %sign3A_89 = arith.subi %sign3A_85, %sign3A_88 : i32
    %sign3A_90 = arith.constant 0 : i32
    %sign3A_91 = arith.cmpi sgt, %jit3A_81, %sign3A_90 : i32
    %sign3A_92 = arith.extui %sign3A_91 : i1 to i32
    %sign3A_93 = arith.constant 0 : i32
    %sign3A_94 = arith.cmpi slt, %jit3A_81, %sign3A_93 : i32
    %sign3A_95 = arith.extui %sign3A_94 : i1 to i32
    %sign3A_96 = arith.subi %sign3A_92, %sign3A_95 : i32
    %ne3A_97 = arith.cmpi ne, %sign3A_89, %sign3A_96 : i32
    %rem3A_98 = arith.remsi %squeeze3A_80, %jit3A_81 : i32
    %ne3A_99 = arith.constant 0 : i32
    %ne3A_100 = arith.cmpi ne, %rem3A_98, %ne3A_99 : i32
    %and3A_101 = arith.andi %ne3A_97, %ne3A_100 : i1
    %sub3A_102 = arith.constant 1 : i32
    %sub3A_103 = arith.subi %div3A_82, %sub3A_102 : i32
    %select_n3A_104 = arith.select %and3A_101, %sub3A_103, %div3A_82 : i32
    %mul3A_105 = arith.constant 128 : i32
    %mul3A_106 = arith.muli %select_n3A_104, %mul3A_105 : i32
    %multiple_of3A_107 = tpu.assume_multiple %mul3A_106, 128 : i32
    %dma_start3A_108 = arith.constant 2 : i32
    %dma_start3A_109 = arith.constant 0 : i32
    %dma_start3A_110 = arith.constant 0 : i32
    %dma_start3A_111 = tpu.memref_slice %arg6[%dma_start3A_108, %dma_start3A_109, %dma_start3A_110] : memref<24x32x128xf32, #tpu.memory_space<vmem>> -> memref<1x32x128xf32, #tpu.memory_space<vmem>>
    %dma_start3A_112 = tpu.memref_squeeze %dma_start3A_111 : memref<1x32x128xf32, #tpu.memory_space<vmem>> -> memref<32x128xf32, #tpu.memory_space<vmem>>
    %dma_start3A_113 = arith.constant 0 : i32
    %dma_start3A_114 = tpu.memref_slice %arg2[%dma_start3A_113, %multiple_of3A_107] : memref<32x1000000xf32, #tpu.memory_space<hbm>> -> memref<32x128xf32, #tpu.memory_space<hbm>>
    %dma_start3A_115 = arith.constant 0 : i32
    %dma_start3A_116 = arith.constant 0 : i32
    %dma_start3A_117 = tpu.memref_slice %arg6[%dma_start3A_108, %dma_start3A_115, %dma_start3A_116] : memref<24x32x128xf32, #tpu.memory_space<vmem>> -> memref<1x32x128xf32, #tpu.memory_space<vmem>>
    %dma_start3A_118 = tpu.memref_squeeze %dma_start3A_117 : memref<1x32x128xf32, #tpu.memory_space<vmem>> -> memref<32x128xf32, #tpu.memory_space<vmem>>
    %dma_start3A_119 = arith.constant 0 : i32
    %dma_start3A_120 = tpu.memref_slice %arg2[%dma_start3A_119, %multiple_of3A_107] : memref<32x1000000xf32, #tpu.memory_space<hbm>> -> memref<32x128xf32, #tpu.memory_space<hbm>>
    tpu.enqueue_dma source(%dma_start3A_120 : memref<32x128xf32, #tpu.memory_space<hbm>>) target(%dma_start3A_118 : memref<32x128xf32, #tpu.memory_space<vmem>>) target_semaphore(%arg8 : memref<!tpu.dma_semaphore, #tpu.memory_space<semaphore_mem>>)
    %slice3A_121 = vector.extract_strided_slice %get3A_6 {offsets = [3], sizes = [1], strides = [1]} : vector<16xi32> to vector<1xi32>
    %squeeze3A_122 = vector.extract %slice3A_121[0] : i32 from vector<1xi32>
    %jit3A_123 = arith.constant 128 : i32
    %div3A_124 = arith.divsi %squeeze3A_122, %jit3A_123 : i32
    %sign3A_125 = arith.constant 0 : i32
    %sign3A_126 = arith.cmpi sgt, %squeeze3A_122, %sign3A_125 : i32
    %sign3A_127 = arith.extui %sign3A_126 : i1 to i32
    %sign3A_128 = arith.constant 0 : i32
    %sign3A_129 = arith.cmpi slt, %squeeze3A_122, %sign3A_128 : i32
    %sign3A_130 = arith.extui %sign3A_129 : i1 to i32
    %sign3A_131 = arith.subi %sign3A_127, %sign3A_130 : i32
    %sign3A_132 = arith.constant 0 : i32
    %sign3A_133 = arith.cmpi sgt, %jit3A_123, %sign3A_132 : i32
    %sign3A_134 = arith.extui %sign3A_133 : i1 to i32
    %sign3A_135 = arith.constant 0 : i32
    %sign3A_136 = arith.cmpi slt, %jit3A_123, %sign3A_135 : i32
    %sign3A_137 = arith.extui %sign3A_136 : i1 to i32
    %sign3A_138 = arith.subi %sign3A_134, %sign3A_137 : i32
    %ne3A_139 = arith.cmpi ne, %sign3A_131, %sign3A_138 : i32
    %rem3A_140 = arith.remsi %squeeze3A_122, %jit3A_123 : i32
    %ne3A_141 = arith.constant 0 : i32
    %ne3A_142 = arith.cmpi ne, %rem3A_140, %ne3A_141 : i32
    %and3A_143 = arith.andi %ne3A_139, %ne3A_142 : i1
    %sub3A_144 = arith.constant 1 : i32
    %sub3A_145 = arith.subi %div3A_124, %sub3A_144 : i32
    %select_n3A_146 = arith.select %and3A_143, %sub3A_145, %div3A_124 : i32
    %mul3A_147 = arith.constant 128 : i32
    %mul3A_148 = arith.muli %select_n3A_146, %mul3A_147 : i32
    %multiple_of3A_149 = tpu.assume_multiple %mul3A_148, 128 : i32
    %dma_start3A_150 = arith.constant 3 : i32
    %dma_start3A_151 = arith.constant 0 : i32
    %dma_start3A_152 = arith.constant 0 : i32
    %dma_start3A_153 = tpu.memref_slice %arg6[%dma_start3A_150, %dma_start3A_151, %dma_start3A_152] : memref<24x32x128xf32, #tpu.memory_space<vmem>> -> memref<1x32x128xf32, #tpu.memory_space<vmem>>
    %dma_start3A_154 = tpu.memref_squeeze %dma_start3A_153 : memref<1x32x128xf32, #tpu.memory_space<vmem>> -> memref<32x128xf32, #tpu.memory_space<vmem>>
    %dma_start3A_155 = arith.constant 0 : i32
    %dma_start3A_156 = tpu.memref_slice %arg2[%dma_start3A_155, %multiple_of3A_149] : memref<32x1000000xf32, #tpu.memory_space<hbm>> -> memref<32x128xf32, #tpu.memory_space<hbm>>
    %dma_start3A_157 = arith.constant 0 : i32
    %dma_start3A_158 = arith.constant 0 : i32
    %dma_start3A_159 = tpu.memref_slice %arg6[%dma_start3A_150, %dma_start3A_157, %dma_start3A_158] : memref<24x32x128xf32, #tpu.memory_space<vmem>> -> memref<1x32x128xf32, #tpu.memory_space<vmem>>
    %dma_start3A_160 = tpu.memref_squeeze %dma_start3A_159 : memref<1x32x128xf32, #tpu.memory_space<vmem>> -> memref<32x128xf32, #tpu.memory_space<vmem>>
    %dma_start3A_161 = arith.constant 0 : i32
    %dma_start3A_162 = tpu.memref_slice %arg2[%dma_start3A_161, %multiple_of3A_149] : memref<32x1000000xf32, #tpu.memory_space<hbm>> -> memref<32x128xf32, #tpu.memory_space<hbm>>
    tpu.enqueue_dma source(%dma_start3A_162 : memref<32x128xf32, #tpu.memory_space<hbm>>) target(%dma_start3A_160 : memref<32x128xf32, #tpu.memory_space<vmem>>) target_semaphore(%arg8 : memref<!tpu.dma_semaphore, #tpu.memory_space<semaphore_mem>>)
    %slice3A_163 = vector.extract_strided_slice %get3A_6 {offsets = [4], sizes = [1], strides = [1]} : vector<16xi32> to vector<1xi32>
    %squeeze3A_164 = vector.extract %slice3A_163[0] : i32 from vector<1xi32>
    %jit3A_165 = arith.constant 128 : i32
    %div3A_166 = arith.divsi %squeeze3A_164, %jit3A_165 : i32
    %sign3A_167 = arith.constant 0 : i32
    %sign3A_168 = arith.cmpi sgt, %squeeze3A_164, %sign3A_167 : i32
    %sign3A_169 = arith.extui %sign3A_168 : i1 to i32
    %sign3A_170 = arith.constant 0 : i32
    %sign3A_171 = arith.cmpi slt, %squeeze3A_164, %sign3A_170 : i32
    %sign3A_172 = arith.extui %sign3A_171 : i1 to i32
    %sign3A_173 = arith.subi %sign3A_169, %sign3A_172 : i32
    %sign3A_174 = arith.constant 0 : i32
    %sign3A_175 = arith.cmpi sgt, %jit3A_165, %sign3A_174 : i32
    %sign3A_176 = arith.extui %sign3A_175 : i1 to i32
    %sign3A_177 = arith.constant 0 : i32
    %sign3A_178 = arith.cmpi slt, %jit3A_165, %sign3A_177 : i32
    %sign3A_179 = arith.extui %sign3A_178 : i1 to i32
    %sign3A_180 = arith.subi %sign3A_176, %sign3A_179 : i32
    %ne3A_181 = arith.cmpi ne, %sign3A_173, %sign3A_180 : i32
    %rem3A_182 = arith.remsi %squeeze3A_164, %jit3A_165 : i32
    %ne3A_183 = arith.constant 0 : i32
    %ne3A_184 = arith.cmpi ne, %rem3A_182, %ne3A_183 : i32
    %and3A_185 = arith.andi %ne3A_181, %ne3A_184 : i1
    %sub3A_186 = arith.constant 1 : i32
    %sub3A_187 = arith.subi %div3A_166, %sub3A_186 : i32
    %select_n3A_188 = arith.select %and3A_185, %sub3A_187, %div3A_166 : i32
    %mul3A_189 = arith.constant 128 : i32
    %mul3A_190 = arith.muli %select_n3A_188, %mul3A_189 : i32
    %multiple_of3A_191 = tpu.assume_multiple %mul3A_190, 128 : i32
    %dma_start3A_192 = arith.constant 4 : i32
    %dma_start3A_193 = arith.constant 0 : i32
    %dma_start3A_194 = arith.constant 0 : i32
    %dma_start3A_195 = tpu.memref_slice %arg6[%dma_start3A_192, %dma_start3A_193, %dma_start3A_194] : memref<24x32x128xf32, #tpu.memory_space<vmem>> -> memref<1x32x128xf32, #tpu.memory_space<vmem>>
    %dma_start3A_196 = tpu.memref_squeeze %dma_start3A_195 : memref<1x32x128xf32, #tpu.memory_space<vmem>> -> memref<32x128xf32, #tpu.memory_space<vmem>>
    %dma_start3A_197 = arith.constant 0 : i32
    %dma_start3A_198 = tpu.memref_slice %arg2[%dma_start3A_197, %multiple_of3A_191] : memref<32x1000000xf32, #tpu.memory_space<hbm>> -> memref<32x128xf32, #tpu.memory_space<hbm>>
    %dma_start3A_199 = arith.constant 0 : i32
    %dma_start3A_200 = arith.constant 0 : i32
    %dma_start3A_201 = tpu.memref_slice %arg6[%dma_start3A_192, %dma_start3A_199, %dma_start3A_200] : memref<24x32x128xf32, #tpu.memory_space<vmem>> -> memref<1x32x128xf32, #tpu.memory_space<vmem>>
    %dma_start3A_202 = tpu.memref_squeeze %dma_start3A_201 : memref<1x32x128xf32, #tpu.memory_space<vmem>> -> memref<32x128xf32, #tpu.memory_space<vmem>>
    %dma_start3A_203 = arith.constant 0 : i32
    %dma_start3A_204 = tpu.memref_slice %arg2[%dma_start3A_203, %multiple_of3A_191] : memref<32x1000000xf32, #tpu.memory_space<hbm>> -> memref<32x128xf32, #tpu.memory_space<hbm>>
    tpu.enqueue_dma source(%dma_start3A_204 : memref<32x128xf32, #tpu.memory_space<hbm>>) target(%dma_start3A_202 : memref<32x128xf32, #tpu.memory_space<vmem>>) target_semaphore(%arg8 : memref<!tpu.dma_semaphore, #tpu.memory_space<semaphore_mem>>)
    %slice3A_205 = vector.extract_strided_slice %get3A_6 {offsets = [5], sizes = [1], strides = [1]} : vector<16xi32> to vector<1xi32>
    %squeeze3A_206 = vector.extract %slice3A_205[0] : i32 from vector<1xi32>
    %jit3A_207 = arith.constant 128 : i32
    %div3A_208 = arith.divsi %squeeze3A_206, %jit3A_207 : i32
    %sign3A_209 = arith.constant 0 : i32
    %sign3A_210 = arith.cmpi sgt, %squeeze3A_206, %sign3A_209 : i32
    %sign3A_211 = arith.extui %sign3A_210 : i1 to i32
    %sign3A_212 = arith.constant 0 : i32
    %sign3A_213 = arith.cmpi slt, %squeeze3A_206, %sign3A_212 : i32
    %sign3A_214 = arith.extui %sign3A_213 : i1 to i32
    %sign3A_215 = arith.subi %sign3A_211, %sign3A_214 : i32
    %sign3A_216 = arith.constant 0 : i32
    %sign3A_217 = arith.cmpi sgt, %jit3A_207, %sign3A_216 : i32
    %sign3A_218 = arith.extui %sign3A_217 : i1 to i32
    %sign3A_219 = arith.constant 0 : i32
    %sign3A_220 = arith.cmpi slt, %jit3A_207, %sign3A_219 : i32
    %sign3A_221 = arith.extui %sign3A_220 : i1 to i32
    %sign3A_222 = arith.subi %sign3A_218, %sign3A_221 : i32
    %ne3A_223 = arith.cmpi ne, %sign3A_215, %sign3A_222 : i32
    %rem3A_224 = arith.remsi %squeeze3A_206, %jit3A_207 : i32
    %ne3A_225 = arith.constant 0 : i32
    %ne3A_226 = arith.cmpi ne, %rem3A_224, %ne3A_225 : i32
    %and3A_227 = arith.andi %ne3A_223, %ne3A_226 : i1
    %sub3A_228 = arith.constant 1 : i32
    %sub3A_229 = arith.subi %div3A_208, %sub3A_228 : i32
    %select_n3A_230 = arith.select %and3A_227, %sub3A_229, %div3A_208 : i32
    %mul3A_231 = arith.constant 128 : i32
    %mul3A_232 = arith.muli %select_n3A_230, %mul3A_231 : i32
    %multiple_of3A_233 = tpu.assume_multiple %mul3A_232, 128 : i32
    %dma_start3A_234 = arith.constant 5 : i32
    %dma_start3A_235 = arith.constant 0 : i32
    %dma_start3A_236 = arith.constant 0 : i32
    %dma_start3A_237 = tpu.memref_slice %arg6[%dma_start3A_234, %dma_start3A_235, %dma_start3A_236] : memref<24x32x128xf32, #tpu.memory_space<vmem>> -> memref<1x32x128xf32, #tpu.memory_space<vmem>>
    %dma_start3A_238 = tpu.memref_squeeze %dma_start3A_237 : memref<1x32x128xf32, #tpu.memory_space<vmem>> -> memref<32x128xf32, #tpu.memory_space<vmem>>
    %dma_start3A_239 = arith.constant 0 : i32
    %dma_start3A_240 = tpu.memref_slice %arg2[%dma_start3A_239, %multiple_of3A_233] : memref<32x1000000xf32, #tpu.memory_space<hbm>> -> memref<32x128xf32, #tpu.memory_space<hbm>>
    %dma_start3A_241 = arith.constant 0 : i32
    %dma_start3A_242 = arith.constant 0 : i32
    %dma_start3A_243 = tpu.memref_slice %arg6[%dma_start3A_234, %dma_start3A_241, %dma_start3A_242] : memref<24x32x128xf32, #tpu.memory_space<vmem>> -> memref<1x32x128xf32, #tpu.memory_space<vmem>>
    %dma_start3A_244 = tpu.memref_squeeze %dma_start3A_243 : memref<1x32x128xf32, #tpu.memory_space<vmem>> -> memref<32x128xf32, #tpu.memory_space<vmem>>
    %dma_start3A_245 = arith.constant 0 : i32
    %dma_start3A_246 = tpu.memref_slice %arg2[%dma_start3A_245, %multiple_of3A_233] : memref<32x1000000xf32, #tpu.memory_space<hbm>> -> memref<32x128xf32, #tpu.memory_space<hbm>>
    tpu.enqueue_dma source(%dma_start3A_246 : memref<32x128xf32, #tpu.memory_space<hbm>>) target(%dma_start3A_244 : memref<32x128xf32, #tpu.memory_space<vmem>>) target_semaphore(%arg8 : memref<!tpu.dma_semaphore, #tpu.memory_space<semaphore_mem>>)
    %slice3A_247 = vector.extract_strided_slice %get3A_6 {offsets = [6], sizes = [1], strides = [1]} : vector<16xi32> to vector<1xi32>
    %squeeze3A_248 = vector.extract %slice3A_247[0] : i32 from vector<1xi32>
    %jit3A_249 = arith.constant 128 : i32
    %div3A_250 = arith.divsi %squeeze3A_248, %jit3A_249 : i32
    %sign3A_251 = arith.constant 0 : i32
    %sign3A_252 = arith.cmpi sgt, %squeeze3A_248, %sign3A_251 : i32
    %sign3A_253 = arith.extui %sign3A_252 : i1 to i32
    %sign3A_254 = arith.constant 0 : i32
    %sign3A_255 = arith.cmpi slt, %squeeze3A_248, %sign3A_254 : i32
    %sign3A_256 = arith.extui %sign3A_255 : i1 to i32
    %sign3A_257 = arith.subi %sign3A_253, %sign3A_256 : i32
    %sign3A_258 = arith.constant 0 : i32
    %sign3A_259 = arith.cmpi sgt, %jit3A_249, %sign3A_258 : i32
    %sign3A_260 = arith.extui %sign3A_259 : i1 to i32
    %sign3A_261 = arith.constant 0 : i32
    %sign3A_262 = arith.cmpi slt, %jit3A_249, %sign3A_261 : i32
    %sign3A_263 = arith.extui %sign3A_262 : i1 to i32
    %sign3A_264 = arith.subi %sign3A_260, %sign3A_263 : i32
    %ne3A_265 = arith.cmpi ne, %sign3A_257, %sign3A_264 : i32
    %rem3A_266 = arith.remsi %squeeze3A_248, %jit3A_249 : i32
    %ne3A_267 = arith.constant 0 : i32
    %ne3A_268 = arith.cmpi ne, %rem3A_266, %ne3A_267 : i32
    %and3A_269 = arith.andi %ne3A_265, %ne3A_268 : i1
    %sub3A_270 = arith.constant 1 : i32
    %sub3A_271 = arith.subi %div3A_250, %sub3A_270 : i32
    %select_n3A_272 = arith.select %and3A_269, %sub3A_271, %div3A_250 : i32
    %mul3A_273 = arith.constant 128 : i32
    %mul3A_274 = arith.muli %select_n3A_272, %mul3A_273 : i32
    %multiple_of3A_275 = tpu.assume_multiple %mul3A_274, 128 : i32
    %dma_start3A_276 = arith.constant 6 : i32
    %dma_start3A_277 = arith.constant 0 : i32
    %dma_start3A_278 = arith.constant 0 : i32
    %dma_start3A_279 = tpu.memref_slice %arg6[%dma_start3A_276, %dma_start3A_277, %dma_start3A_278] : memref<24x32x128xf32, #tpu.memory_space<vmem>> -> memref<1x32x128xf32, #tpu.memory_space<vmem>>
    %dma_start3A_280 = tpu.memref_squeeze %dma_start3A_279 : memref<1x32x128xf32, #tpu.memory_space<vmem>> -> memref<32x128xf32, #tpu.memory_space<vmem>>
    %dma_start3A_281 = arith.constant 0 : i32
    %dma_start3A_282 = tpu.memref_slice %arg2[%dma_start3A_281, %multiple_of3A_275] : memref<32x1000000xf32, #tpu.memory_space<hbm>> -> memref<32x128xf32, #tpu.memory_space<hbm>>
    %dma_start3A_283 = arith.constant 0 : i32
    %dma_start3A_284 = arith.constant 0 : i32
    %dma_start3A_285 = tpu.memref_slice %arg6[%dma_start3A_276, %dma_start3A_283, %dma_start3A_284] : memref<24x32x128xf32, #tpu.memory_space<vmem>> -> memref<1x32x128xf32, #tpu.memory_space<vmem>>
    %dma_start3A_286 = tpu.memref_squeeze %dma_start3A_285 : memref<1x32x128xf32, #tpu.memory_space<vmem>> -> memref<32x128xf32, #tpu.memory_space<vmem>>
    %dma_start3A_287 = arith.constant 0 : i32
    %dma_start3A_288 = tpu.memref_slice %arg2[%dma_start3A_287, %multiple_of3A_275] : memref<32x1000000xf32, #tpu.memory_space<hbm>> -> memref<32x128xf32, #tpu.memory_space<hbm>>
    tpu.enqueue_dma source(%dma_start3A_288 : memref<32x128xf32, #tpu.memory_space<hbm>>) target(%dma_start3A_286 : memref<32x128xf32, #tpu.memory_space<vmem>>) target_semaphore(%arg8 : memref<!tpu.dma_semaphore, #tpu.memory_space<semaphore_mem>>)
    %slice3A_289 = vector.extract_strided_slice %get3A_6 {offsets = [7], sizes = [1], strides = [1]} : vector<16xi32> to vector<1xi32>
    %squeeze3A_290 = vector.extract %slice3A_289[0] : i32 from vector<1xi32>
    %jit3A_291 = arith.constant 128 : i32
    %div3A_292 = arith.divsi %squeeze3A_290, %jit3A_291 : i32
    %sign3A_293 = arith.constant 0 : i32
    %sign3A_294 = arith.cmpi sgt, %squeeze3A_290, %sign3A_293 : i32
    %sign3A_295 = arith.extui %sign3A_294 : i1 to i32
    %sign3A_296 = arith.constant 0 : i32
    %sign3A_297 = arith.cmpi slt, %squeeze3A_290, %sign3A_296 : i32
    %sign3A_298 = arith.extui %sign3A_297 : i1 to i32
    %sign3A_299 = arith.subi %sign3A_295, %sign3A_298 : i32
    %sign3A_300 = arith.constant 0 : i32
    %sign3A_301 = arith.cmpi sgt, %jit3A_291, %sign3A_300 : i32
    %sign3A_302 = arith.extui %sign3A_301 : i1 to i32
    %sign3A_303 = arith.constant 0 : i32
    %sign3A_304 = arith.cmpi slt, %jit3A_291, %sign3A_303 : i32
    %sign3A_305 = arith.extui %sign3A_304 : i1 to i32
    %sign3A_306 = arith.subi %sign3A_302, %sign3A_305 : i32
    %ne3A_307 = arith.cmpi ne, %sign3A_299, %sign3A_306 : i32
    %rem3A_308 = arith.remsi %squeeze3A_290, %jit3A_291 : i32
    %ne3A_309 = arith.constant 0 : i32
    %ne3A_310 = arith.cmpi ne, %rem3A_308, %ne3A_309 : i32
    %and3A_311 = arith.andi %ne3A_307, %ne3A_310 : i1
    %sub3A_312 = arith.constant 1 : i32
    %sub3A_313 = arith.subi %div3A_292, %sub3A_312 : i32
    %select_n3A_314 = arith.select %and3A_311, %sub3A_313, %div3A_292 : i32
    %mul3A_315 = arith.constant 128 : i32
    %mul3A_316 = arith.muli %select_n3A_314, %mul3A_315 : i32
    %multiple_of3A_317 = tpu.assume_multiple %mul3A_316, 128 : i32
    %dma_start3A_318 = arith.constant 7 : i32
    %dma_start3A_319 = arith.constant 0 : i32
    %dma_start3A_320 = arith.constant 0 : i32
    %dma_start3A_321 = tpu.memref_slice %arg6[%dma_start3A_318, %dma_start3A_319, %dma_start3A_320] : memref<24x32x128xf32, #tpu.memory_space<vmem>> -> memref<1x32x128xf32, #tpu.memory_space<vmem>>
    %dma_start3A_322 = tpu.memref_squeeze %dma_start3A_321 : memref<1x32x128xf32, #tpu.memory_space<vmem>> -> memref<32x128xf32, #tpu.memory_space<vmem>>
    %dma_start3A_323 = arith.constant 0 : i32
    %dma_start3A_324 = tpu.memref_slice %arg2[%dma_start3A_323, %multiple_of3A_317] : memref<32x1000000xf32, #tpu.memory_space<hbm>> -> memref<32x128xf32, #tpu.memory_space<hbm>>
    %dma_start3A_325 = arith.constant 0 : i32
    %dma_start3A_326 = arith.constant 0 : i32
    %dma_start3A_327 = tpu.memref_slice %arg6[%dma_start3A_318, %dma_start3A_325, %dma_start3A_326] : memref<24x32x128xf32, #tpu.memory_space<vmem>> -> memref<1x32x128xf32, #tpu.memory_space<vmem>>
    %dma_start3A_328 = tpu.memref_squeeze %dma_start3A_327 : memref<1x32x128xf32, #tpu.memory_space<vmem>> -> memref<32x128xf32, #tpu.memory_space<vmem>>
    %dma_start3A_329 = arith.constant 0 : i32
    %dma_start3A_330 = tpu.memref_slice %arg2[%dma_start3A_329, %multiple_of3A_317] : memref<32x1000000xf32, #tpu.memory_space<hbm>> -> memref<32x128xf32, #tpu.memory_space<hbm>>
    tpu.enqueue_dma source(%dma_start3A_330 : memref<32x128xf32, #tpu.memory_space<hbm>>) target(%dma_start3A_328 : memref<32x128xf32, #tpu.memory_space<vmem>>) target_semaphore(%arg8 : memref<!tpu.dma_semaphore, #tpu.memory_space<semaphore_mem>>)
    %mul3A_331 = arith.constant 1 : i32
    %mul3A_332 = arith.constant 8 : i32
    %mul3A_333 = arith.muli %mul3A_331, %mul3A_332 : i32
    %get3A_334 = arith.index_cast %mul3A_333 : i32 to index
    %get3A_335 = tpu.vector_load %arg5[%get3A_334] {strides = array<i32>} : memref<520xi32, #tpu.memory_space<vmem>>, vector<16xi32>,
    %slice3A_336 = vector.extract_strided_slice %get3A_335 {offsets = [0], sizes = [1], strides = [1]} : vector<16xi32> to vector<1xi32>
    %squeeze3A_337 = vector.extract %slice3A_336[0] : i32 from vector<1xi32>
    %jit3A_338 = arith.constant 128 : i32
    %div3A_339 = arith.divsi %squeeze3A_337, %jit3A_338 : i32
    %sign3A_340 = arith.constant 0 : i32
    %sign3A_341 = arith.cmpi sgt, %squeeze3A_337, %sign3A_340 : i32
    %sign3A_342 = arith.extui %sign3A_341 : i1 to i32
    %sign3A_343 = arith.constant 0 : i32
    %sign3A_344 = arith.cmpi slt, %squeeze3A_337, %sign3A_343 : i32
    %sign3A_345 = arith.extui %sign3A_344 : i1 to i32
    %sign3A_346 = arith.subi %sign3A_342, %sign3A_345 : i32
    %sign3A_347 = arith.constant 0 : i32
    %sign3A_348 = arith.cmpi sgt, %jit3A_338, %sign3A_347 : i32
    %sign3A_349 = arith.extui %sign3A_348 : i1 to i32
    %sign3A_350 = arith.constant 0 : i32
    %sign3A_351 = arith.cmpi slt, %jit3A_338, %sign3A_350 : i32
    %sign3A_352 = arith.extui %sign3A_351 : i1 to i32
    %sign3A_353 = arith.subi %sign3A_349, %sign3A_352 : i32
    %ne3A_354 = arith.cmpi ne, %sign3A_346, %sign3A_353 : i32
    %rem3A_355 = arith.remsi %squeeze3A_337, %jit3A_338 : i32
    %ne3A_356 = arith.constant 0 : i32
    %ne3A_357 = arith.cmpi ne, %rem3A_355, %ne3A_356 : i32
    %and3A_358 = arith.andi %ne3A_354, %ne3A_357 : i1
    %sub3A_359 = arith.constant 1 : i32
    %sub3A_360 = arith.subi %div3A_339, %sub3A_359 : i32
    %select_n3A_361 = arith.select %and3A_358, %sub3A_360, %div3A_339 : i32
    %mul3A_362 = arith.constant 128 : i32
    %mul3A_363 = arith.muli %select_n3A_361, %mul3A_362 : i32
    %multiple_of3A_364 = tpu.assume_multiple %mul3A_363, 128 : i32
    %dma_start3A_365 = arith.constant 8 : i32
    %dma_start3A_366 = arith.constant 0 : i32
    %dma_start3A_367 = arith.constant 0 : i32
    %dma_start3A_368 = tpu.memref_slice %arg6[%dma_start3A_365, %dma_start3A_366, %dma_start3A_367] : memref<24x32x128xf32, #tpu.memory_space<vmem>> -> memref<1x32x128xf32, #tpu.memory_space<vmem>>
    %dma_start3A_369 = tpu.memref_squeeze %dma_start3A_368 : memref<1x32x128xf32, #tpu.memory_space<vmem>> -> memref<32x128xf32, #tpu.memory_space<vmem>>
    %dma_start3A_370 = arith.constant 0 : i32
    %dma_start3A_371 = tpu.memref_slice %arg2[%dma_start3A_370, %multiple_of3A_364] : memref<32x1000000xf32, #tpu.memory_space<hbm>> -> memref<32x128xf32, #tpu.memory_space<hbm>>
    %dma_start3A_372 = arith.constant 0 : i32
    %dma_start3A_373 = arith.constant 0 : i32
    %dma_start3A_374 = tpu.memref_slice %arg6[%dma_start3A_365, %dma_start3A_372, %dma_start3A_373] : memref<24x32x128xf32, #tpu.memory_space<vmem>> -> memref<1x32x128xf32, #tpu.memory_space<vmem>>
    %dma_start3A_375 = tpu.memref_squeeze %dma_start3A_374 : memref<1x32x128xf32, #tpu.memory_space<vmem>> -> memref<32x128xf32, #tpu.memory_space<vmem>>
    %dma_start3A_376 = arith.constant 0 : i32
    %dma_start3A_377 = tpu.memref_slice %arg2[%dma_start3A_376, %multiple_of3A_364] : memref<32x1000000xf32, #tpu.memory_space<hbm>> -> memref<32x128xf32, #tpu.memory_space<hbm>>
    tpu.enqueue_dma source(%dma_start3A_377 : memref<32x128xf32, #tpu.memory_space<hbm>>) target(%dma_start3A_375 : memref<32x128xf32, #tpu.memory_space<vmem>>) target_semaphore(%arg9 : memref<!tpu.dma_semaphore, #tpu.memory_space<semaphore_mem>>)
    %slice3A_378 = vector.extract_strided_slice %get3A_335 {offsets = [1], sizes = [1], strides = [1]} : vector<16xi32> to vector<1xi32>
    %squeeze3A_379 = vector.extract %slice3A_378[0] : i32 from vector<1xi32>
    %jit3A_380 = arith.constant 128 : i32
    %div3A_381 = arith.divsi %squeeze3A_379, %jit3A_380 : i32
    %sign3A_382 = arith.constant 0 : i32
    %sign3A_383 = arith.cmpi sgt, %squeeze3A_379, %sign3A_382 : i32
    %sign3A_384 = arith.extui %sign3A_383 : i1 to i32
    %sign3A_385 = arith.constant 0 : i32
    %sign3A_386 = arith.cmpi slt, %squeeze3A_379, %sign3A_385 : i32
    %sign3A_387 = arith.extui %sign3A_386 : i1 to i32
    %sign3A_388 = arith.subi %sign3A_384, %sign3A_387 : i32
    %sign3A_389 = arith.constant 0 : i32
    %sign3A_390 = arith.cmpi sgt, %jit3A_380, %sign3A_389 : i32
    %sign3A_391 = arith.extui %sign3A_390 : i1 to i32
    %sign3A_392 = arith.constant 0 : i32
    %sign3A_393 = arith.cmpi slt, %jit3A_380, %sign3A_392 : i32
    %sign3A_394 = arith.extui %sign3A_393 : i1 to i32
    %sign3A_395 = arith.subi %sign3A_391, %sign3A_394 : i32
    %ne3A_396 = arith.cmpi ne, %sign3A_388, %sign3A_395 : i32
    %rem3A_397 = arith.remsi %squeeze3A_379, %jit3A_380 : i32
    %ne3A_398 = arith.constant 0 : i32
    %ne3A_399 = arith.cmpi ne, %rem3A_397, %ne3A_398 : i32
    %and3A_400 = arith.andi %ne3A_396, %ne3A_399 : i1
    %sub3A_401 = arith.constant 1 : i32
    %sub3A_402 = arith.subi %div3A_381, %sub3A_401 : i32
    %select_n3A_403 = arith.select %and3A_400, %sub3A_402, %div3A_381 : i32
    %mul3A_404 = arith.constant 128 : i32
    %mul3A_405 = arith.muli %select_n3A_403, %mul3A_404 : i32
    %multiple_of3A_406 = tpu.assume_multiple %mul3A_405, 128 : i32
    %dma_start3A_407 = arith.constant 9 : i32
    %dma_start3A_408 = arith.constant 0 : i32
    %dma_start3A_409 = arith.constant 0 : i32
    %dma_start3A_410 = tpu.memref_slice %arg6[%dma_start3A_407, %dma_start3A_408, %dma_start3A_409] : memref<24x32x128xf32, #tpu.memory_space<vmem>> -> memref<1x32x128xf32, #tpu.memory_space<vmem>>
    %dma_start3A_411 = tpu.memref_squeeze %dma_start3A_410 : memref<1x32x128xf32, #tpu.memory_space<vmem>> -> memref<32x128xf32, #tpu.memory_space<vmem>>
    %dma_start3A_412 = arith.constant 0 : i32
    %dma_start3A_413 = tpu.memref_slice %arg2[%dma_start3A_412, %multiple_of3A_406] : memref<32x1000000xf32, #tpu.memory_space<hbm>> -> memref<32x128xf32, #tpu.memory_space<hbm>>
    %dma_start3A_414 = arith.constant 0 : i32
    %dma_start3A_415 = arith.constant 0 : i32
    %dma_start3A_416 = tpu.memref_slice %arg6[%dma_start3A_407, %dma_start3A_414, %dma_start3A_415] : memref<24x32x128xf32, #tpu.memory_space<vmem>> -> memref<1x32x128xf32, #tpu.memory_space<vmem>>
    %dma_start3A_417 = tpu.memref_squeeze %dma_start3A_416 : memref<1x32x128xf32, #tpu.memory_space<vmem>> -> memref<32x128xf32, #tpu.memory_space<vmem>>
    %dma_start3A_418 = arith.constant 0 : i32
    %dma_start3A_419 = tpu.memref_slice %arg2[%dma_start3A_418, %multiple_of3A_406] : memref<32x1000000xf32, #tpu.memory_space<hbm>> -> memref<32x128xf32, #tpu.memory_space<hbm>>
    tpu.enqueue_dma source(%dma_start3A_419 : memref<32x128xf32, #tpu.memory_space<hbm>>) target(%dma_start3A_417 : memref<32x128xf32, #tpu.memory_space<vmem>>) target_semaphore(%arg9 : memref<!tpu.dma_semaphore, #tpu.memory_space<semaphore_mem>>)
    %slice3A_420 = vector.extract_strided_slice %get3A_335 {offsets = [2], sizes = [1], strides = [1]} : vector<16xi32> to vector<1xi32>
    %squeeze3A_421 = vector.extract %slice3A_420[0] : i32 from vector<1xi32>
    %jit3A_422 = arith.constant 128 : i32
    %div3A_423 = arith.divsi %squeeze3A_421, %jit3A_422 : i32
    %sign3A_424 = arith.constant 0 : i32
    %sign3A_425 = arith.cmpi sgt, %squeeze3A_421, %sign3A_424 : i32
    %sign3A_426 = arith.extui %sign3A_425 : i1 to i32
    %sign3A_427 = arith.constant 0 : i32
    %sign3A_428 = arith.cmpi slt, %squeeze3A_421, %sign3A_427 : i32
    %sign3A_429 = arith.extui %sign3A_428 : i1 to i32
    %sign3A_430 = arith.subi %sign3A_426, %sign3A_429 : i32
    %sign3A_431 = arith.constant 0 : i32
    %sign3A_432 = arith.cmpi sgt, %jit3A_422, %sign3A_431 : i32
    %sign3A_433 = arith.extui %sign3A_432 : i1 to i32
    %sign3A_434 = arith.constant 0 : i32
    %sign3A_435 = arith.cmpi slt, %jit3A_422, %sign3A_434 : i32
    %sign3A_436 = arith.extui %sign3A_435 : i1 to i32
    %sign3A_437 = arith.subi %sign3A_433, %sign3A_436 : i32
    %ne3A_438 = arith.cmpi ne, %sign3A_430, %sign3A_437 : i32
    %rem3A_439 = arith.remsi %squeeze3A_421, %jit3A_422 : i32
    %ne3A_440 = arith.constant 0 : i32
    %ne3A_441 = arith.cmpi ne, %rem3A_439, %ne3A_440 : i32
    %and3A_442 = arith.andi %ne3A_438, %ne3A_441 : i1
    %sub3A_443 = arith.constant 1 : i32
    %sub3A_444 = arith.subi %div3A_423, %sub3A_443 : i32
    %select_n3A_445 = arith.select %and3A_442, %sub3A_444, %div3A_423 : i32
    %mul3A_446 = arith.constant 128 : i32
    %mul3A_447 = arith.muli %select_n3A_445, %mul3A_446 : i32
    %multiple_of3A_448 = tpu.assume_multiple %mul3A_447, 128 : i32
    %dma_start3A_449 = arith.constant 10 : i32
    %dma_start3A_450 = arith.constant 0 : i32
    %dma_start3A_451 = arith.constant 0 : i32
    %dma_start3A_452 = tpu.memref_slice %arg6[%dma_start3A_449, %dma_start3A_450, %dma_start3A_451] : memref<24x32x128xf32, #tpu.memory_space<vmem>> -> memref<1x32x128xf32, #tpu.memory_space<vmem>>
    %dma_start3A_453 = tpu.memref_squeeze %dma_start3A_452 : memref<1x32x128xf32, #tpu.memory_space<vmem>> -> memref<32x128xf32, #tpu.memory_space<vmem>>
    %dma_start3A_454 = arith.constant 0 : i32
    %dma_start3A_455 = tpu.memref_slice %arg2[%dma_start3A_454, %multiple_of3A_448] : memref<32x1000000xf32, #tpu.memory_space<hbm>> -> memref<32x128xf32, #tpu.memory_space<hbm>>
    %dma_start3A_456 = arith.constant 0 : i32
    %dma_start3A_457 = arith.constant 0 : i32
    %dma_start3A_458 = tpu.memref_slice %arg6[%dma_start3A_449, %dma_start3A_456, %dma_start3A_457] : memref<24x32x128xf32, #tpu.memory_space<vmem>> -> memref<1x32x128xf32, #tpu.memory_space<vmem>>
    %dma_start3A_459 = tpu.memref_squeeze %dma_start3A_458 : memref<1x32x128xf32, #tpu.memory_space<vmem>> -> memref<32x128xf32, #tpu.memory_space<vmem>>
    %dma_start3A_460 = arith.constant 0 : i32
    %dma_start3A_461 = tpu.memref_slice %arg2[%dma_start3A_460, %multiple_of3A_448] : memref<32x1000000xf32, #tpu.memory_space<hbm>> -> memref<32x128xf32, #tpu.memory_space<hbm>>
    tpu.enqueue_dma source(%dma_start3A_461 : memref<32x128xf32, #tpu.memory_space<hbm>>) target(%dma_start3A_459 : memref<32x128xf32, #tpu.memory_space<vmem>>) target_semaphore(%arg9 : memref<!tpu.dma_semaphore, #tpu.memory_space<semaphore_mem>>)
    %slice3A_462 = vector.extract_strided_slice %get3A_335 {offsets = [3], sizes = [1], strides = [1]} : vector<16xi32> to vector<1xi32>
    %squeeze3A_463 = vector.extract %slice3A_462[0] : i32 from vector<1xi32>
    %jit3A_464 = arith.constant 128 : i32
    %div3A_465 = arith.divsi %squeeze3A_463, %jit3A_464 : i32
    %sign3A_466 = arith.constant 0 : i32
    %sign3A_467 = arith.cmpi sgt, %squeeze3A_463, %sign3A_466 : i32
    %sign3A_468 = arith.extui %sign3A_467 : i1 to i32
    %sign3A_469 = arith.constant 0 : i32
    %sign3A_470 = arith.cmpi slt, %squeeze3A_463, %sign3A_469 : i32
    %sign3A_471 = arith.extui %sign3A_470 : i1 to i32
    %sign3A_472 = arith.subi %sign3A_468, %sign3A_471 : i32
    %sign3A_473 = arith.constant 0 : i32
    %sign3A_474 = arith.cmpi sgt, %jit3A_464, %sign3A_473 : i32
    %sign3A_475 = arith.extui %sign3A_474 : i1 to i32
    %sign3A_476 = arith.constant 0 : i32
    %sign3A_477 = arith.cmpi slt, %jit3A_464, %sign3A_476 : i32
    %sign3A_478 = arith.extui %sign3A_477 : i1 to i32
    %sign3A_479 = arith.subi %sign3A_475, %sign3A_478 : i32
    %ne3A_480 = arith.cmpi ne, %sign3A_472, %sign3A_479 : i32
    %rem3A_481 = arith.remsi %squeeze3A_463, %jit3A_464 : i32
    %ne3A_482 = arith.constant 0 : i32
    %ne3A_483 = arith.cmpi ne, %rem3A_481, %ne3A_482 : i32
    %and3A_484 = arith.andi %ne3A_480, %ne3A_483 : i1
    %sub3A_485 = arith.constant 1 : i32
    %sub3A_486 = arith.subi %div3A_465, %sub3A_485 : i32
    %select_n3A_487 = arith.select %and3A_484, %sub3A_486, %div3A_465 : i32
    %mul3A_488 = arith.constant 128 : i32
    %mul3A_489 = arith.muli %select_n3A_487, %mul3A_488 : i32
    %multiple_of3A_490 = tpu.assume_multiple %mul3A_489, 128 : i32
    %dma_start3A_491 = arith.constant 11 : i32
    %dma_start3A_492 = arith.constant 0 : i32
    %dma_start3A_493 = arith.constant 0 : i32
    %dma_start3A_494 = tpu.memref_slice %arg6[%dma_start3A_491, %dma_start3A_492, %dma_start3A_493] : memref<24x32x128xf32, #tpu.memory_space<vmem>> -> memref<1x32x128xf32, #tpu.memory_space<vmem>>
    %dma_start3A_495 = tpu.memref_squeeze %dma_start3A_494 : memref<1x32x128xf32, #tpu.memory_space<vmem>> -> memref<32x128xf32, #tpu.memory_space<vmem>>
    %dma_start3A_496 = arith.constant 0 : i32
    %dma_start3A_497 = tpu.memref_slice %arg2[%dma_start3A_496, %multiple_of3A_490] : memref<32x1000000xf32, #tpu.memory_space<hbm>> -> memref<32x128xf32, #tpu.memory_space<hbm>>
    %dma_start3A_498 = arith.constant 0 : i32
    %dma_start3A_499 = arith.constant 0 : i32
    %dma_start3A_500 = tpu.memref_slice %arg6[%dma_start3A_491, %dma_start3A_498, %dma_start3A_499] : memref<24x32x128xf32, #tpu.memory_space<vmem>> -> memref<1x32x128xf32, #tpu.memory_space<vmem>>
    %dma_start3A_501 = tpu.memref_squeeze %dma_start3A_500 : memref<1x32x128xf32, #tpu.memory_space<vmem>> -> memref<32x128xf32, #tpu.memory_space<vmem>>
    %dma_start3A_502 = arith.constant 0 : i32
    %dma_start3A_503 = tpu.memref_slice %arg2[%dma_start3A_502, %multiple_of3A_490] : memref<32x1000000xf32, #tpu.memory_space<hbm>> -> memref<32x128xf32, #tpu.memory_space<hbm>>
    tpu.enqueue_dma source(%dma_start3A_503 : memref<32x128xf32, #tpu.memory_space<hbm>>) target(%dma_start3A_501 : memref<32x128xf32, #tpu.memory_space<vmem>>) target_semaphore(%arg9 : memref<!tpu.dma_semaphore, #tpu.memory_space<semaphore_mem>>)
    %slice3A_504 = vector.extract_strided_slice %get3A_335 {offsets = [4], sizes = [1], strides = [1]} : vector<16xi32> to vector<1xi32>
    %squeeze3A_505 = vector.extract %slice3A_504[0] : i32 from vector<1xi32>
    %jit3A_506 = arith.constant 128 : i32
    %div3A_507 = arith.divsi %squeeze3A_505, %jit3A_506 : i32
    %sign3A_508 = arith.constant 0 : i32
    %sign3A_509 = arith.cmpi sgt, %squeeze3A_505, %sign3A_508 : i32
    %sign3A_510 = arith.extui %sign3A_509 : i1 to i32
    %sign3A_511 = arith.constant 0 : i32
    %sign3A_512 = arith.cmpi slt, %squeeze3A_505, %sign3A_511 : i32
    %sign3A_513 = arith.extui %sign3A_512 : i1 to i32
    %sign3A_514 = arith.subi %sign3A_510, %sign3A_513 : i32
    %sign3A_515 = arith.constant 0 : i32
    %sign3A_516 = arith.cmpi sgt, %jit3A_506, %sign3A_515 : i32
    %sign3A_517 = arith.extui %sign3A_516 : i1 to i32
    %sign3A_518 = arith.constant 0 : i32
    %sign3A_519 = arith.cmpi slt, %jit3A_506, %sign3A_518 : i32
    %sign3A_520 = arith.extui %sign3A_519 : i1 to i32
    %sign3A_521 = arith.subi %sign3A_517, %sign3A_520 : i32
    %ne3A_522 = arith.cmpi ne, %sign3A_514, %sign3A_521 : i32
    %rem3A_523 = arith.remsi %squeeze3A_505, %jit3A_506 : i32
    %ne3A_524 = arith.constant 0 : i32
    %ne3A_525 = arith.cmpi ne, %rem3A_523, %ne3A_524 : i32
    %and3A_526 = arith.andi %ne3A_522, %ne3A_525 : i1
    %sub3A_527 = arith.constant 1 : i32
    %sub3A_528 = arith.subi %div3A_507, %sub3A_527 : i32
    %select_n3A_529 = arith.select %and3A_526, %sub3A_528, %div3A_507 : i32
    %mul3A_530 = arith.constant 128 : i32
    %mul3A_531 = arith.muli %select_n3A_529, %mul3A_530 : i32
    %multiple_of3A_532 = tpu.assume_multiple %mul3A_531, 128 : i32
    %dma_start3A_533 = arith.constant 12 : i32
    %dma_start3A_534 = arith.constant 0 : i32
    %dma_start3A_535 = arith.constant 0 : i32
    %dma_start3A_536 = tpu.memref_slice %arg6[%dma_start3A_533, %dma_start3A_534, %dma_start3A_535] : memref<24x32x128xf32, #tpu.memory_space<vmem>> -> memref<1x32x128xf32, #tpu.memory_space<vmem>>
    %dma_start3A_537 = tpu.memref_squeeze %dma_start3A_536 : memref<1x32x128xf32, #tpu.memory_space<vmem>> -> memref<32x128xf32, #tpu.memory_space<vmem>>
    %dma_start3A_538 = arith.constant 0 : i32
    %dma_start3A_539 = tpu.memref_slice %arg2[%dma_start3A_538, %multiple_of3A_532] : memref<32x1000000xf32, #tpu.memory_space<hbm>> -> memref<32x128xf32, #tpu.memory_space<hbm>>
    %dma_start3A_540 = arith.constant 0 : i32
    %dma_start3A_541 = arith.constant 0 : i32
    %dma_start3A_542 = tpu.memref_slice %arg6[%dma_start3A_533, %dma_start3A_540, %dma_start3A_541] : memref<24x32x128xf32, #tpu.memory_space<vmem>> -> memref<1x32x128xf32, #tpu.memory_space<vmem>>
    %dma_start3A_543 = tpu.memref_squeeze %dma_start3A_542 : memref<1x32x128xf32, #tpu.memory_space<vmem>> -> memref<32x128xf32, #tpu.memory_space<vmem>>
    %dma_start3A_544 = arith.constant 0 : i32
    %dma_start3A_545 = tpu.memref_slice %arg2[%dma_start3A_544, %multiple_of3A_532] : memref<32x1000000xf32, #tpu.memory_space<hbm>> -> memref<32x128xf32, #tpu.memory_space<hbm>>
    tpu.enqueue_dma source(%dma_start3A_545 : memref<32x128xf32, #tpu.memory_space<hbm>>) target(%dma_start3A_543 : memref<32x128xf32, #tpu.memory_space<vmem>>) target_semaphore(%arg9 : memref<!tpu.dma_semaphore, #tpu.memory_space<semaphore_mem>>)
    %slice3A_546 = vector.extract_strided_slice %get3A_335 {offsets = [5], sizes = [1], strides = [1]} : vector<16xi32> to vector<1xi32>
    %squeeze3A_547 = vector.extract %slice3A_546[0] : i32 from vector<1xi32>
    %jit3A_548 = arith.constant 128 : i32
    %div3A_549 = arith.divsi %squeeze3A_547, %jit3A_548 : i32
    %sign3A_550 = arith.constant 0 : i32
    %sign3A_551 = arith.cmpi sgt, %squeeze3A_547, %sign3A_550 : i32
    %sign3A_552 = arith.extui %sign3A_551 : i1 to i32
    %sign3A_553 = arith.constant 0 : i32
    %sign3A_554 = arith.cmpi slt, %squeeze3A_547, %sign3A_553 : i32
    %sign3A_555 = arith.extui %sign3A_554 : i1 to i32
    %sign3A_556 = arith.subi %sign3A_552, %sign3A_555 : i32
    %sign3A_557 = arith.constant 0 : i32
    %sign3A_558 = arith.cmpi sgt, %jit3A_548, %sign3A_557 : i32
    %sign3A_559 = arith.extui %sign3A_558 : i1 to i32
    %sign3A_560 = arith.constant 0 : i32
    %sign3A_561 = arith.cmpi slt, %jit3A_548, %sign3A_560 : i32
    %sign3A_562 = arith.extui %sign3A_561 : i1 to i32
    %sign3A_563 = arith.subi %sign3A_559, %sign3A_562 : i32
    %ne3A_564 = arith.cmpi ne, %sign3A_556, %sign3A_563 : i32
    %rem3A_565 = arith.remsi %squeeze3A_547, %jit3A_548 : i32
    %ne3A_566 = arith.constant 0 : i32
    %ne3A_567 = arith.cmpi ne, %rem3A_565, %ne3A_566 : i32
    %and3A_568 = arith.andi %ne3A_564, %ne3A_567 : i1
    %sub3A_569 = arith.constant 1 : i32
    %sub3A_570 = arith.subi %div3A_549, %sub3A_569 : i32
    %select_n3A_571 = arith.select %and3A_568, %sub3A_570, %div3A_549 : i32
    %mul3A_572 = arith.constant 128 : i32
    %mul3A_573 = arith.muli %select_n3A_571, %mul3A_572 : i32
    %multiple_of3A_574 = tpu.assume_multiple %mul3A_573, 128 : i32
    %dma_start3A_575 = arith.constant 13 : i32
    %dma_start3A_576 = arith.constant 0 : i32
    %dma_start3A_577 = arith.constant 0 : i32
    %dma_start3A_578 = tpu.memref_slice %arg6[%dma_start3A_575, %dma_start3A_576, %dma_start3A_577] : memref<24x32x128xf32, #tpu.memory_space<vmem>> -> memref<1x32x128xf32, #tpu.memory_space<vmem>>
    %dma_start3A_579 = tpu.memref_squeeze %dma_start3A_578 : memref<1x32x128xf32, #tpu.memory_space<vmem>> -> memref<32x128xf32, #tpu.memory_space<vmem>>
    %dma_start3A_580 = arith.constant 0 : i32
    %dma_start3A_581 = tpu.memref_slice %arg2[%dma_start3A_580, %multiple_of3A_574] : memref<32x1000000xf32, #tpu.memory_space<hbm>> -> memref<32x128xf32, #tpu.memory_space<hbm>>
    %dma_start3A_582 = arith.constant 0 : i32
    %dma_start3A_583 = arith.constant 0 : i32
    %dma_start3A_584 = tpu.memref_slice %arg6[%dma_start3A_575, %dma_start3A_582, %dma_start3A_583] : memref<24x32x128xf32, #tpu.memory_space<vmem>> -> memref<1x32x128xf32, #tpu.memory_space<vmem>>
    %dma_start3A_585 = tpu.memref_squeeze %dma_start3A_584 : memref<1x32x128xf32, #tpu.memory_space<vmem>> -> memref<32x128xf32, #tpu.memory_space<vmem>>
    %dma_start3A_586 = arith.constant 0 : i32
    %dma_start3A_587 = tpu.memref_slice %arg2[%dma_start3A_586, %multiple_of3A_574] : memref<32x1000000xf32, #tpu.memory_space<hbm>> -> memref<32x128xf32, #tpu.memory_space<hbm>>
    tpu.enqueue_dma source(%dma_start3A_587 : memref<32x128xf32, #tpu.memory_space<hbm>>) target(%dma_start3A_585 : memref<32x128xf32, #tpu.memory_space<vmem>>) target_semaphore(%arg9 : memref<!tpu.dma_semaphore, #tpu.memory_space<semaphore_mem>>)
    %slice3A_588 = vector.extract_strided_slice %get3A_335 {offsets = [6], sizes = [1], strides = [1]} : vector<16xi32> to vector<1xi32>
    %squeeze3A_589 = vector.extract %slice3A_588[0] : i32 from vector<1xi32>
    %jit3A_590 = arith.constant 128 : i32
    %div3A_591 = arith.divsi %squeeze3A_589, %jit3A_590 : i32
    %sign3A_592 = arith.constant 0 : i32
    %sign3A_593 = arith.cmpi sgt, %squeeze3A_589, %sign3A_592 : i32
    %sign3A_594 = arith.extui %sign3A_593 : i1 to i32
    %sign3A_595 = arith.constant 0 : i32
    %sign3A_596 = arith.cmpi slt, %squeeze3A_589, %sign3A_595 : i32
    %sign3A_597 = arith.extui %sign3A_596 : i1 to i32
    %sign3A_598 = arith.subi %sign3A_594, %sign3A_597 : i32
    %sign3A_599 = arith.constant 0 : i32
    %sign3A_600 = arith.cmpi sgt, %jit3A_590, %sign3A_599 : i32
    %sign3A_601 = arith.extui %sign3A_600 : i1 to i32
    %sign3A_602 = arith.constant 0 : i32
    %sign3A_603 = arith.cmpi slt, %jit3A_590, %sign3A_602 : i32
    %sign3A_604 = arith.extui %sign3A_603 : i1 to i32
    %sign3A_605 = arith.subi %sign3A_601, %sign3A_604 : i32
    %ne3A_606 = arith.cmpi ne, %sign3A_598, %sign3A_605 : i32
    %rem3A_607 = arith.remsi %squeeze3A_589, %jit3A_590 : i32
    %ne3A_608 = arith.constant 0 : i32
    %ne3A_609 = arith.cmpi ne, %rem3A_607, %ne3A_608 : i32
    %and3A_610 = arith.andi %ne3A_606, %ne3A_609 : i1
    %sub3A_611 = arith.constant 1 : i32
    %sub3A_612 = arith.subi %div3A_591, %sub3A_611 : i32
    %select_n3A_613 = arith.select %and3A_610, %sub3A_612, %div3A_591 : i32
    %mul3A_614 = arith.constant 128 : i32
    %mul3A_615 = arith.muli %select_n3A_613, %mul3A_614 : i32
    %multiple_of3A_616 = tpu.assume_multiple %mul3A_615, 128 : i32
    %dma_start3A_617 = arith.constant 14 : i32
    %dma_start3A_618 = arith.constant 0 : i32
    %dma_start3A_619 = arith.constant 0 : i32
    %dma_start3A_620 = tpu.memref_slice %arg6[%dma_start3A_617, %dma_start3A_618, %dma_start3A_619] : memref<24x32x128xf32, #tpu.memory_space<vmem>> -> memref<1x32x128xf32, #tpu.memory_space<vmem>>
    %dma_start3A_621 = tpu.memref_squeeze %dma_start3A_620 : memref<1x32x128xf32, #tpu.memory_space<vmem>> -> memref<32x128xf32, #tpu.memory_space<vmem>>
    %dma_start3A_622 = arith.constant 0 : i32
    %dma_start3A_623 = tpu.memref_slice %arg2[%dma_start3A_622, %multiple_of3A_616] : memref<32x1000000xf32, #tpu.memory_space<hbm>> -> memref<32x128xf32, #tpu.memory_space<hbm>>
    %dma_start3A_624 = arith.constant 0 : i32
    %dma_start3A_625 = arith.constant 0 : i32
    %dma_start3A_626 = tpu.memref_slice %arg6[%dma_start3A_617, %dma_start3A_624, %dma_start3A_625] : memref<24x32x128xf32, #tpu.memory_space<vmem>> -> memref<1x32x128xf32, #tpu.memory_space<vmem>>
    %dma_start3A_627 = tpu.memref_squeeze %dma_start3A_626 : memref<1x32x128xf32, #tpu.memory_space<vmem>> -> memref<32x128xf32, #tpu.memory_space<vmem>>
    %dma_start3A_628 = arith.constant 0 : i32
    %dma_start3A_629 = tpu.memref_slice %arg2[%dma_start3A_628, %multiple_of3A_616] : memref<32x1000000xf32, #tpu.memory_space<hbm>> -> memref<32x128xf32, #tpu.memory_space<hbm>>
    tpu.enqueue_dma source(%dma_start3A_629 : memref<32x128xf32, #tpu.memory_space<hbm>>) target(%dma_start3A_627 : memref<32x128xf32, #tpu.memory_space<vmem>>) target_semaphore(%arg9 : memref<!tpu.dma_semaphore, #tpu.memory_space<semaphore_mem>>)
    %slice3A_630 = vector.extract_strided_slice %get3A_335 {offsets = [7], sizes = [1], strides = [1]} : vector<16xi32> to vector<1xi32>
    %squeeze3A_631 = vector.extract %slice3A_630[0] : i32 from vector<1xi32>
    %jit3A_632 = arith.constant 128 : i32
    %div3A_633 = arith.divsi %squeeze3A_631, %jit3A_632 : i32
    %sign3A_634 = arith.constant 0 : i32
    %sign3A_635 = arith.cmpi sgt, %squeeze3A_631, %sign3A_634 : i32
    %sign3A_636 = arith.extui %sign3A_635 : i1 to i32
    %sign3A_637 = arith.constant 0 : i32
    %sign3A_638 = arith.cmpi slt, %squeeze3A_631, %sign3A_637 : i32
    %sign3A_639 = arith.extui %sign3A_638 : i1 to i32
    %sign3A_640 = arith.subi %sign3A_636, %sign3A_639 : i32
    %sign3A_641 = arith.constant 0 : i32
    %sign3A_642 = arith.cmpi sgt, %jit3A_632, %sign3A_641 : i32
    %sign3A_643 = arith.extui %sign3A_642 : i1 to i32
    %sign3A_644 = arith.constant 0 : i32
    %sign3A_645 = arith.cmpi slt, %jit3A_632, %sign3A_644 : i32
    %sign3A_646 = arith.extui %sign3A_645 : i1 to i32
    %sign3A_647 = arith.subi %sign3A_643, %sign3A_646 : i32
    %ne3A_648 = arith.cmpi ne, %sign3A_640, %sign3A_647 : i32
    %rem3A_649 = arith.remsi %squeeze3A_631, %jit3A_632 : i32
    %ne3A_650 = arith.constant 0 : i32
    %ne3A_651 = arith.cmpi ne, %rem3A_649, %ne3A_650 : i32
    %and3A_652 = arith.andi %ne3A_648, %ne3A_651 : i1
    %sub3A_653 = arith.constant 1 : i32
    %sub3A_654 = arith.subi %div3A_633, %sub3A_653 : i32
    %select_n3A_655 = arith.select %and3A_652, %sub3A_654, %div3A_633 : i32
    %mul3A_656 = arith.constant 128 : i32
    %mul3A_657 = arith.muli %select_n3A_655, %mul3A_656 : i32
    %multiple_of3A_658 = tpu.assume_multiple %mul3A_657, 128 : i32
    %dma_start3A_659 = arith.constant 15 : i32
    %dma_start3A_660 = arith.constant 0 : i32
    %dma_start3A_661 = arith.constant 0 : i32
    %dma_start3A_662 = tpu.memref_slice %arg6[%dma_start3A_659, %dma_start3A_660, %dma_start3A_661] : memref<24x32x128xf32, #tpu.memory_space<vmem>> -> memref<1x32x128xf32, #tpu.memory_space<vmem>>
    %dma_start3A_663 = tpu.memref_squeeze %dma_start3A_662 : memref<1x32x128xf32, #tpu.memory_space<vmem>> -> memref<32x128xf32, #tpu.memory_space<vmem>>
    %dma_start3A_664 = arith.constant 0 : i32
    %dma_start3A_665 = tpu.memref_slice %arg2[%dma_start3A_664, %multiple_of3A_658] : memref<32x1000000xf32, #tpu.memory_space<hbm>> -> memref<32x128xf32, #tpu.memory_space<hbm>>
    %dma_start3A_666 = arith.constant 0 : i32
    %dma_start3A_667 = arith.constant 0 : i32
    %dma_start3A_668 = tpu.memref_slice %arg6[%dma_start3A_659, %dma_start3A_666, %dma_start3A_667] : memref<24x32x128xf32, #tpu.memory_space<vmem>> -> memref<1x32x128xf32, #tpu.memory_space<vmem>>
    %dma_start3A_669 = tpu.memref_squeeze %dma_start3A_668 : memref<1x32x128xf32, #tpu.memory_space<vmem>> -> memref<32x128xf32, #tpu.memory_space<vmem>>
    %dma_start3A_670 = arith.constant 0 : i32
    %dma_start3A_671 = tpu.memref_slice %arg2[%dma_start3A_670, %multiple_of3A_658] : memref<32x1000000xf32, #tpu.memory_space<hbm>> -> memref<32x128xf32, #tpu.memory_space<hbm>>
    tpu.enqueue_dma source(%dma_start3A_671 : memref<32x128xf32, #tpu.memory_space<hbm>>) target(%dma_start3A_669 : memref<32x128xf32, #tpu.memory_space<vmem>>) target_semaphore(%arg9 : memref<!tpu.dma_semaphore, #tpu.memory_space<semaphore_mem>>)
    %iota3A = tpu.iota {dimensions = array<i32: 0>} : vector<16xi32>
    %rem3A_672 = arith.constant 8 : i32
    %rem3A_673 = vector.broadcast %rem3A_672 : i32 to vector<16xi32>
    %rem3A_674 = arith.remsi %iota3A, %rem3A_673 : vector<16xi32>
    %jit3A_675 = arith.constant 8 : i32
    %div3A_676 = vector.broadcast %jit3A_675 : i32 to vector<16xi32>
    %div3A_677 = arith.divsi %iota3A, %div3A_676 : vector<16xi32>
    %sign3A_678 = arith.constant 0 : i32
    %sign3A_679 = vector.broadcast %sign3A_678 : i32 to vector<16xi32>
    %sign3A_680 = arith.cmpi sgt, %iota3A, %sign3A_679 : vector<16xi32>
    %sign3A_681 = arith.extui %sign3A_680 : vector<16xi1> to vector<16xi32>
    %sign3A_682 = arith.constant 0 : i32
    %sign3A_683 = vector.broadcast %sign3A_682 : i32 to vector<16xi32>
    %sign3A_684 = arith.cmpi slt, %iota3A, %sign3A_683 : vector<16xi32>
    %sign3A_685 = arith.extui %sign3A_684 : vector<16xi1> to vector<16xi32>
    %sign3A_686 = arith.subi %sign3A_681, %sign3A_685 : vector<16xi32>
    %sign3A_687 = arith.constant 0 : i32
    %sign3A_688 = arith.cmpi sgt, %jit3A_675, %sign3A_687 : i32
    %sign3A_689 = arith.extui %sign3A_688 : i1 to i32
    %sign3A_690 = arith.constant 0 : i32
    %sign3A_691 = arith.cmpi slt, %jit3A_675, %sign3A_690 : i32
    %sign3A_692 = arith.extui %sign3A_691 : i1 to i32
    %sign3A_693 = arith.subi %sign3A_689, %sign3A_692 : i32
    %ne3A_694 = vector.broadcast %sign3A_693 : i32 to vector<16xi32>
    %ne3A_695 = arith.cmpi ne, %sign3A_686, %ne3A_694 : vector<16xi32>
    %rem3A_696 = vector.broadcast %jit3A_675 : i32 to vector<16xi32>
    %rem3A_697 = arith.remsi %iota3A, %rem3A_696 : vector<16xi32>
    %ne3A_698 = arith.constant 0 : i32
    %ne3A_699 = vector.broadcast %ne3A_698 : i32 to vector<16xi32>
    %ne3A_700 = arith.cmpi ne, %rem3A_697, %ne3A_699 : vector<16xi32>
    %and3A_701 = arith.andi %ne3A_695, %ne3A_700 : vector<16xi1>
    %sub3A_702 = arith.constant 1 : i32
    %sub3A_703 = vector.broadcast %sub3A_702 : i32 to vector<16xi32>
    %sub3A_704 = arith.subi %div3A_677, %sub3A_703 : vector<16xi32>
    %select_n3A_705 = arith.select %and3A_701, %sub3A_704, %div3A_677 : vector<16xi1>, vector<16xi32>
    %scan3A = arith.constant 0 : i32
    %scan3A_706 = arith.constant 0 : i32
    %scan3A_707 = arith.constant 21 : i32
    %scan3A_708 = arith.addi %scan3A_706, %scan3A_707 : i32
    %scan3A_709 = arith.constant 1 : i32
    scf.for %scan3A_915 = %scan3A_706 to %scan3A_708 step %scan3A_709  : i32 {
      %mul3A_916 = arith.constant 3 : i32
      %mul3A_917 = arith.muli %scan3A_915, %mul3A_916 : i32
      %add3A_918 = arith.constant 0 : i32
      %add3A_919 = arith.addi %mul3A_917, %add3A_918 : i32
      %lt3A_920 = arith.constant 62 : i32
      %lt3A_921 = arith.cmpi slt, %add3A_919, %lt3A_920 : i32
      %convert_element_type3A_922 = arith.extui %lt3A_921 : i1 to i32
      %cond3A_923 = arith.constant 0 : i32
      %cond3A_924 = arith.cmpi ne, %convert_element_type3A_922, %cond3A_923 : i32
      scf.if %cond3A_924 {
        %add3A_1540 = arith.constant 2 : i32
        %add3A_1541 = arith.addi %add3A_919, %add3A_1540 : i32
        %mul3A_1542 = arith.constant 8 : i32
        %mul3A_1543 = arith.muli %add3A_1541, %mul3A_1542 : i32
        %get3A_1544 = arith.index_cast %mul3A_1543 : i32 to index
        %get3A_1545 = tpu.vector_load %arg5[%get3A_1544] {strides = array<i32>} : memref<520xi32, #tpu.memory_space<vmem>>, vector<16xi32>,
        %slice3A_1546 = vector.extract_strided_slice %get3A_1545 {offsets = [0], sizes = [1], strides = [1]} : vector<16xi32> to vector<1xi32>
        %squeeze3A_1547 = vector.extract %slice3A_1546[0] : i32 from vector<1xi32>
        %jit3A_1548 = arith.constant 128 : i32
        %div3A_1549 = arith.divsi %squeeze3A_1547, %jit3A_1548 : i32
        %sign3A_1550 = arith.constant 0 : i32
        %sign3A_1551 = arith.cmpi sgt, %squeeze3A_1547, %sign3A_1550 : i32
        %sign3A_1552 = arith.extui %sign3A_1551 : i1 to i32
        %sign3A_1553 = arith.constant 0 : i32
        %sign3A_1554 = arith.cmpi slt, %squeeze3A_1547, %sign3A_1553 : i32
        %sign3A_1555 = arith.extui %sign3A_1554 : i1 to i32
        %sign3A_1556 = arith.subi %sign3A_1552, %sign3A_1555 : i32
        %sign3A_1557 = arith.constant 0 : i32
        %sign3A_1558 = arith.cmpi sgt, %jit3A_1548, %sign3A_1557 : i32
        %sign3A_1559 = arith.extui %sign3A_1558 : i1 to i32
        %sign3A_1560 = arith.constant 0 : i32
        %sign3A_1561 = arith.cmpi slt, %jit3A_1548, %sign3A_1560 : i32
        %sign3A_1562 = arith.extui %sign3A_1561 : i1 to i32
        %sign3A_1563 = arith.subi %sign3A_1559, %sign3A_1562 : i32
        %ne3A_1564 = arith.cmpi ne, %sign3A_1556, %sign3A_1563 : i32
        %rem3A_1565 = arith.remsi %squeeze3A_1547, %jit3A_1548 : i32
        %ne3A_1566 = arith.constant 0 : i32
        %ne3A_1567 = arith.cmpi ne, %rem3A_1565, %ne3A_1566 : i32
        %and3A_1568 = arith.andi %ne3A_1564, %ne3A_1567 : i1
        %sub3A_1569 = arith.constant 1 : i32
        %sub3A_1570 = arith.subi %div3A_1549, %sub3A_1569 : i32
        %select_n3A_1571 = arith.select %and3A_1568, %sub3A_1570, %div3A_1549 : i32
        %mul3A_1572 = arith.constant 128 : i32
        %mul3A_1573 = arith.muli %select_n3A_1571, %mul3A_1572 : i32
        %multiple_of3A_1574 = tpu.assume_multiple %mul3A_1573, 128 : i32
        %dma_start3A_1575 = arith.constant 16 : i32
        %dma_start3A_1576 = arith.constant 0 : i32
        %dma_start3A_1577 = arith.constant 0 : i32
        %dma_start3A_1578 = tpu.memref_slice %arg6[%dma_start3A_1575, %dma_start3A_1576, %dma_start3A_1577] : memref<24x32x128xf32, #tpu.memory_space<vmem>> -> memref<1x32x128xf32, #tpu.memory_space<vmem>>
        %dma_start3A_1579 = tpu.memref_squeeze %dma_start3A_1578 : memref<1x32x128xf32, #tpu.memory_space<vmem>> -> memref<32x128xf32, #tpu.memory_space<vmem>>
        %dma_start3A_1580 = arith.constant 0 : i32
        %dma_start3A_1581 = tpu.memref_slice %arg2[%dma_start3A_1580, %multiple_of3A_1574] : memref<32x1000000xf32, #tpu.memory_space<hbm>> -> memref<32x128xf32, #tpu.memory_space<hbm>>
        %dma_start3A_1582 = arith.constant 0 : i32
        %dma_start3A_1583 = arith.constant 0 : i32
        %dma_start3A_1584 = tpu.memref_slice %arg6[%dma_start3A_1575, %dma_start3A_1582, %dma_start3A_1583] : memref<24x32x128xf32, #tpu.memory_space<vmem>> -> memref<1x32x128xf32, #tpu.memory_space<vmem>>
        %dma_start3A_1585 = tpu.memref_squeeze %dma_start3A_1584 : memref<1x32x128xf32, #tpu.memory_space<vmem>> -> memref<32x128xf32, #tpu.memory_space<vmem>>
        %dma_start3A_1586 = arith.constant 0 : i32
        %dma_start3A_1587 = tpu.memref_slice %arg2[%dma_start3A_1586, %multiple_of3A_1574] : memref<32x1000000xf32, #tpu.memory_space<hbm>> -> memref<32x128xf32, #tpu.memory_space<hbm>>
        tpu.enqueue_dma source(%dma_start3A_1587 : memref<32x128xf32, #tpu.memory_space<hbm>>) target(%dma_start3A_1585 : memref<32x128xf32, #tpu.memory_space<vmem>>) target_semaphore(%arg10 : memref<!tpu.dma_semaphore, #tpu.memory_space<semaphore_mem>>)
        %slice3A_1588 = vector.extract_strided_slice %get3A_1545 {offsets = [1], sizes = [1], strides = [1]} : vector<16xi32> to vector<1xi32>
        %squeeze3A_1589 = vector.extract %slice3A_1588[0] : i32 from vector<1xi32>
        %jit3A_1590 = arith.constant 128 : i32
        %div3A_1591 = arith.divsi %squeeze3A_1589, %jit3A_1590 : i32
        %sign3A_1592 = arith.constant 0 : i32
        %sign3A_1593 = arith.cmpi sgt, %squeeze3A_1589, %sign3A_1592 : i32
        %sign3A_1594 = arith.extui %sign3A_1593 : i1 to i32
        %sign3A_1595 = arith.constant 0 : i32
        %sign3A_1596 = arith.cmpi slt, %squeeze3A_1589, %sign3A_1595 : i32
        %sign3A_1597 = arith.extui %sign3A_1596 : i1 to i32
        %sign3A_1598 = arith.subi %sign3A_1594, %sign3A_1597 : i32
        %sign3A_1599 = arith.constant 0 : i32
        %sign3A_1600 = arith.cmpi sgt, %jit3A_1590, %sign3A_1599 : i32
        %sign3A_1601 = arith.extui %sign3A_1600 : i1 to i32
        %sign3A_1602 = arith.constant 0 : i32
        %sign3A_1603 = arith.cmpi slt, %jit3A_1590, %sign3A_1602 : i32
        %sign3A_1604 = arith.extui %sign3A_1603 : i1 to i32
        %sign3A_1605 = arith.subi %sign3A_1601, %sign3A_1604 : i32
        %ne3A_1606 = arith.cmpi ne, %sign3A_1598, %sign3A_1605 : i32
        %rem3A_1607 = arith.remsi %squeeze3A_1589, %jit3A_1590 : i32
        %ne3A_1608 = arith.constant 0 : i32
        %ne3A_1609 = arith.cmpi ne, %rem3A_1607, %ne3A_1608 : i32
        %and3A_1610 = arith.andi %ne3A_1606, %ne3A_1609 : i1
        %sub3A_1611 = arith.constant 1 : i32
        %sub3A_1612 = arith.subi %div3A_1591, %sub3A_1611 : i32
        %select_n3A_1613 = arith.select %and3A_1610, %sub3A_1612, %div3A_1591 : i32
        %mul3A_1614 = arith.constant 128 : i32
        %mul3A_1615 = arith.muli %select_n3A_1613, %mul3A_1614 : i32
        %multiple_of3A_1616 = tpu.assume_multiple %mul3A_1615, 128 : i32
        %dma_start3A_1617 = arith.constant 17 : i32
        %dma_start3A_1618 = arith.constant 0 : i32
        %dma_start3A_1619 = arith.constant 0 : i32
        %dma_start3A_1620 = tpu.memref_slice %arg6[%dma_start3A_1617, %dma_start3A_1618, %dma_start3A_1619] : memref<24x32x128xf32, #tpu.memory_space<vmem>> -> memref<1x32x128xf32, #tpu.memory_space<vmem>>
        %dma_start3A_1621 = tpu.memref_squeeze %dma_start3A_1620 : memref<1x32x128xf32, #tpu.memory_space<vmem>> -> memref<32x128xf32, #tpu.memory_space<vmem>>
        %dma_start3A_1622 = arith.constant 0 : i32
        %dma_start3A_1623 = tpu.memref_slice %arg2[%dma_start3A_1622, %multiple_of3A_1616] : memref<32x1000000xf32, #tpu.memory_space<hbm>> -> memref<32x128xf32, #tpu.memory_space<hbm>>
        %dma_start3A_1624 = arith.constant 0 : i32
        %dma_start3A_1625 = arith.constant 0 : i32
        %dma_start3A_1626 = tpu.memref_slice %arg6[%dma_start3A_1617, %dma_start3A_1624, %dma_start3A_1625] : memref<24x32x128xf32, #tpu.memory_space<vmem>> -> memref<1x32x128xf32, #tpu.memory_space<vmem>>
        %dma_start3A_1627 = tpu.memref_squeeze %dma_start3A_1626 : memref<1x32x128xf32, #tpu.memory_space<vmem>> -> memref<32x128xf32, #tpu.memory_space<vmem>>
        %dma_start3A_1628 = arith.constant 0 : i32
        %dma_start3A_1629 = tpu.memref_slice %arg2[%dma_start3A_1628, %multiple_of3A_1616] : memref<32x1000000xf32, #tpu.memory_space<hbm>> -> memref<32x128xf32, #tpu.memory_space<hbm>>
        tpu.enqueue_dma source(%dma_start3A_1629 : memref<32x128xf32, #tpu.memory_space<hbm>>) target(%dma_start3A_1627 : memref<32x128xf32, #tpu.memory_space<vmem>>) target_semaphore(%arg10 : memref<!tpu.dma_semaphore, #tpu.memory_space<semaphore_mem>>)
        %slice3A_1630 = vector.extract_strided_slice %get3A_1545 {offsets = [2], sizes = [1], strides = [1]} : vector<16xi32> to vector<1xi32>
        %squeeze3A_1631 = vector.extract %slice3A_1630[0] : i32 from vector<1xi32>
        %jit3A_1632 = arith.constant 128 : i32
        %div3A_1633 = arith.divsi %squeeze3A_1631, %jit3A_1632 : i32
        %sign3A_1634 = arith.constant 0 : i32
        %sign3A_1635 = arith.cmpi sgt, %squeeze3A_1631, %sign3A_1634 : i32
        %sign3A_1636 = arith.extui %sign3A_1635 : i1 to i32
        %sign3A_1637 = arith.constant 0 : i32
        %sign3A_1638 = arith.cmpi slt, %squeeze3A_1631, %sign3A_1637 : i32
        %sign3A_1639 = arith.extui %sign3A_1638 : i1 to i32
        %sign3A_1640 = arith.subi %sign3A_1636, %sign3A_1639 : i32
        %sign3A_1641 = arith.constant 0 : i32
        %sign3A_1642 = arith.cmpi sgt, %jit3A_1632, %sign3A_1641 : i32
        %sign3A_1643 = arith.extui %sign3A_1642 : i1 to i32
        %sign3A_1644 = arith.constant 0 : i32
        %sign3A_1645 = arith.cmpi slt, %jit3A_1632, %sign3A_1644 : i32
        %sign3A_1646 = arith.extui %sign3A_1645 : i1 to i32
        %sign3A_1647 = arith.subi %sign3A_1643, %sign3A_1646 : i32
        %ne3A_1648 = arith.cmpi ne, %sign3A_1640, %sign3A_1647 : i32
        %rem3A_1649 = arith.remsi %squeeze3A_1631, %jit3A_1632 : i32
        %ne3A_1650 = arith.constant 0 : i32
        %ne3A_1651 = arith.cmpi ne, %rem3A_1649, %ne3A_1650 : i32
        %and3A_1652 = arith.andi %ne3A_1648, %ne3A_1651 : i1
        %sub3A_1653 = arith.constant 1 : i32
        %sub3A_1654 = arith.subi %div3A_1633, %sub3A_1653 : i32
        %select_n3A_1655 = arith.select %and3A_1652, %sub3A_1654, %div3A_1633 : i32
        %mul3A_1656 = arith.constant 128 : i32
        %mul3A_1657 = arith.muli %select_n3A_1655, %mul3A_1656 : i32
        %multiple_of3A_1658 = tpu.assume_multiple %mul3A_1657, 128 : i32
        %dma_start3A_1659 = arith.constant 18 : i32
        %dma_start3A_1660 = arith.constant 0 : i32
        %dma_start3A_1661 = arith.constant 0 : i32
        %dma_start3A_1662 = tpu.memref_slice %arg6[%dma_start3A_1659, %dma_start3A_1660, %dma_start3A_1661] : memref<24x32x128xf32, #tpu.memory_space<vmem>> -> memref<1x32x128xf32, #tpu.memory_space<vmem>>
        %dma_start3A_1663 = tpu.memref_squeeze %dma_start3A_1662 : memref<1x32x128xf32, #tpu.memory_space<vmem>> -> memref<32x128xf32, #tpu.memory_space<vmem>>
        %dma_start3A_1664 = arith.constant 0 : i32
        %dma_start3A_1665 = tpu.memref_slice %arg2[%dma_start3A_1664, %multiple_of3A_1658] : memref<32x1000000xf32, #tpu.memory_space<hbm>> -> memref<32x128xf32, #tpu.memory_space<hbm>>
        %dma_start3A_1666 = arith.constant 0 : i32
        %dma_start3A_1667 = arith.constant 0 : i32
        %dma_start3A_1668 = tpu.memref_slice %arg6[%dma_start3A_1659, %dma_start3A_1666, %dma_start3A_1667] : memref<24x32x128xf32, #tpu.memory_space<vmem>> -> memref<1x32x128xf32, #tpu.memory_space<vmem>>
        %dma_start3A_1669 = tpu.memref_squeeze %dma_start3A_1668 : memref<1x32x128xf32, #tpu.memory_space<vmem>> -> memref<32x128xf32, #tpu.memory_space<vmem>>
        %dma_start3A_1670 = arith.constant 0 : i32
        %dma_start3A_1671 = tpu.memref_slice %arg2[%dma_start3A_1670, %multiple_of3A_1658] : memref<32x1000000xf32, #tpu.memory_space<hbm>> -> memref<32x128xf32, #tpu.memory_space<hbm>>
        tpu.enqueue_dma source(%dma_start3A_1671 : memref<32x128xf32, #tpu.memory_space<hbm>>) target(%dma_start3A_1669 : memref<32x128xf32, #tpu.memory_space<vmem>>) target_semaphore(%arg10 : memref<!tpu.dma_semaphore, #tpu.memory_space<semaphore_mem>>)
        %slice3A_1672 = vector.extract_strided_slice %get3A_1545 {offsets = [3], sizes = [1], strides = [1]} : vector<16xi32> to vector<1xi32>
        %squeeze3A_1673 = vector.extract %slice3A_1672[0] : i32 from vector<1xi32>
        %jit3A_1674 = arith.constant 128 : i32
        %div3A_1675 = arith.divsi %squeeze3A_1673, %jit3A_1674 : i32
        %sign3A_1676 = arith.constant 0 : i32
        %sign3A_1677 = arith.cmpi sgt, %squeeze3A_1673, %sign3A_1676 : i32
        %sign3A_1678 = arith.extui %sign3A_1677 : i1 to i32
        %sign3A_1679 = arith.constant 0 : i32
        %sign3A_1680 = arith.cmpi slt, %squeeze3A_1673, %sign3A_1679 : i32
        %sign3A_1681 = arith.extui %sign3A_1680 : i1 to i32
        %sign3A_1682 = arith.subi %sign3A_1678, %sign3A_1681 : i32
        %sign3A_1683 = arith.constant 0 : i32
        %sign3A_1684 = arith.cmpi sgt, %jit3A_1674, %sign3A_1683 : i32
        %sign3A_1685 = arith.extui %sign3A_1684 : i1 to i32
        %sign3A_1686 = arith.constant 0 : i32
        %sign3A_1687 = arith.cmpi slt, %jit3A_1674, %sign3A_1686 : i32
        %sign3A_1688 = arith.extui %sign3A_1687 : i1 to i32
        %sign3A_1689 = arith.subi %sign3A_1685, %sign3A_1688 : i32
        %ne3A_1690 = arith.cmpi ne, %sign3A_1682, %sign3A_1689 : i32
        %rem3A_1691 = arith.remsi %squeeze3A_1673, %jit3A_1674 : i32
        %ne3A_1692 = arith.constant 0 : i32
        %ne3A_1693 = arith.cmpi ne, %rem3A_1691, %ne3A_1692 : i32
        %and3A_1694 = arith.andi %ne3A_1690, %ne3A_1693 : i1
        %sub3A_1695 = arith.constant 1 : i32
        %sub3A_1696 = arith.subi %div3A_1675, %sub3A_1695 : i32
        %select_n3A_1697 = arith.select %and3A_1694, %sub3A_1696, %div3A_1675 : i32
        %mul3A_1698 = arith.constant 128 : i32
        %mul3A_1699 = arith.muli %select_n3A_1697, %mul3A_1698 : i32
        %multiple_of3A_1700 = tpu.assume_multiple %mul3A_1699, 128 : i32
        %dma_start3A_1701 = arith.constant 19 : i32
        %dma_start3A_1702 = arith.constant 0 : i32
        %dma_start3A_1703 = arith.constant 0 : i32
        %dma_start3A_1704 = tpu.memref_slice %arg6[%dma_start3A_1701, %dma_start3A_1702, %dma_start3A_1703] : memref<24x32x128xf32, #tpu.memory_space<vmem>> -> memref<1x32x128xf32, #tpu.memory_space<vmem>>
        %dma_start3A_1705 = tpu.memref_squeeze %dma_start3A_1704 : memref<1x32x128xf32, #tpu.memory_space<vmem>> -> memref<32x128xf32, #tpu.memory_space<vmem>>
        %dma_start3A_1706 = arith.constant 0 : i32
        %dma_start3A_1707 = tpu.memref_slice %arg2[%dma_start3A_1706, %multiple_of3A_1700] : memref<32x1000000xf32, #tpu.memory_space<hbm>> -> memref<32x128xf32, #tpu.memory_space<hbm>>
        %dma_start3A_1708 = arith.constant 0 : i32
        %dma_start3A_1709 = arith.constant 0 : i32
        %dma_start3A_1710 = tpu.memref_slice %arg6[%dma_start3A_1701, %dma_start3A_1708, %dma_start3A_1709] : memref<24x32x128xf32, #tpu.memory_space<vmem>> -> memref<1x32x128xf32, #tpu.memory_space<vmem>>
        %dma_start3A_1711 = tpu.memref_squeeze %dma_start3A_1710 : memref<1x32x128xf32, #tpu.memory_space<vmem>> -> memref<32x128xf32, #tpu.memory_space<vmem>>
        %dma_start3A_1712 = arith.constant 0 : i32
        %dma_start3A_1713 = tpu.memref_slice %arg2[%dma_start3A_1712, %multiple_of3A_1700] : memref<32x1000000xf32, #tpu.memory_space<hbm>> -> memref<32x128xf32, #tpu.memory_space<hbm>>
        tpu.enqueue_dma source(%dma_start3A_1713 : memref<32x128xf32, #tpu.memory_space<hbm>>) target(%dma_start3A_1711 : memref<32x128xf32, #tpu.memory_space<vmem>>) target_semaphore(%arg10 : memref<!tpu.dma_semaphore, #tpu.memory_space<semaphore_mem>>)
        %slice3A_1714 = vector.extract_strided_slice %get3A_1545 {offsets = [4], sizes = [1], strides = [1]} : vector<16xi32> to vector<1xi32>
        %squeeze3A_1715 = vector.extract %slice3A_1714[0] : i32 from vector<1xi32>
        %jit3A_1716 = arith.constant 128 : i32
        %div3A_1717 = arith.divsi %squeeze3A_1715, %jit3A_1716 : i32
        %sign3A_1718 = arith.constant 0 : i32
        %sign3A_1719 = arith.cmpi sgt, %squeeze3A_1715, %sign3A_1718 : i32
        %sign3A_1720 = arith.extui %sign3A_1719 : i1 to i32
        %sign3A_1721 = arith.constant 0 : i32
        %sign3A_1722 = arith.cmpi slt, %squeeze3A_1715, %sign3A_1721 : i32
        %sign3A_1723 = arith.extui %sign3A_1722 : i1 to i32
        %sign3A_1724 = arith.subi %sign3A_1720, %sign3A_1723 : i32
        %sign3A_1725 = arith.constant 0 : i32
        %sign3A_1726 = arith.cmpi sgt, %jit3A_1716, %sign3A_1725 : i32
        %sign3A_1727 = arith.extui %sign3A_1726 : i1 to i32
        %sign3A_1728 = arith.constant 0 : i32
        %sign3A_1729 = arith.cmpi slt, %jit3A_1716, %sign3A_1728 : i32
        %sign3A_1730 = arith.extui %sign3A_1729 : i1 to i32
        %sign3A_1731 = arith.subi %sign3A_1727, %sign3A_1730 : i32
        %ne3A_1732 = arith.cmpi ne, %sign3A_1724, %sign3A_1731 : i32
        %rem3A_1733 = arith.remsi %squeeze3A_1715, %jit3A_1716 : i32
        %ne3A_1734 = arith.constant 0 : i32
        %ne3A_1735 = arith.cmpi ne, %rem3A_1733, %ne3A_1734 : i32
        %and3A_1736 = arith.andi %ne3A_1732, %ne3A_1735 : i1
        %sub3A_1737 = arith.constant 1 : i32
        %sub3A_1738 = arith.subi %div3A_1717, %sub3A_1737 : i32
        %select_n3A_1739 = arith.select %and3A_1736, %sub3A_1738, %div3A_1717 : i32
        %mul3A_1740 = arith.constant 128 : i32
        %mul3A_1741 = arith.muli %select_n3A_1739, %mul3A_1740 : i32
        %multiple_of3A_1742 = tpu.assume_multiple %mul3A_1741, 128 : i32
        %dma_start3A_1743 = arith.constant 20 : i32
        %dma_start3A_1744 = arith.constant 0 : i32
        %dma_start3A_1745 = arith.constant 0 : i32
        %dma_start3A_1746 = tpu.memref_slice %arg6[%dma_start3A_1743, %dma_start3A_1744, %dma_start3A_1745] : memref<24x32x128xf32, #tpu.memory_space<vmem>> -> memref<1x32x128xf32, #tpu.memory_space<vmem>>
        %dma_start3A_1747 = tpu.memref_squeeze %dma_start3A_1746 : memref<1x32x128xf32, #tpu.memory_space<vmem>> -> memref<32x128xf32, #tpu.memory_space<vmem>>
        %dma_start3A_1748 = arith.constant 0 : i32
        %dma_start3A_1749 = tpu.memref_slice %arg2[%dma_start3A_1748, %multiple_of3A_1742] : memref<32x1000000xf32, #tpu.memory_space<hbm>> -> memref<32x128xf32, #tpu.memory_space<hbm>>
        %dma_start3A_1750 = arith.constant 0 : i32
        %dma_start3A_1751 = arith.constant 0 : i32
        %dma_start3A_1752 = tpu.memref_slice %arg6[%dma_start3A_1743, %dma_start3A_1750, %dma_start3A_1751] : memref<24x32x128xf32, #tpu.memory_space<vmem>> -> memref<1x32x128xf32, #tpu.memory_space<vmem>>
        %dma_start3A_1753 = tpu.memref_squeeze %dma_start3A_1752 : memref<1x32x128xf32, #tpu.memory_space<vmem>> -> memref<32x128xf32, #tpu.memory_space<vmem>>
        %dma_start3A_1754 = arith.constant 0 : i32
        %dma_start3A_1755 = tpu.memref_slice %arg2[%dma_start3A_1754, %multiple_of3A_1742] : memref<32x1000000xf32, #tpu.memory_space<hbm>> -> memref<32x128xf32, #tpu.memory_space<hbm>>
        tpu.enqueue_dma source(%dma_start3A_1755 : memref<32x128xf32, #tpu.memory_space<hbm>>) target(%dma_start3A_1753 : memref<32x128xf32, #tpu.memory_space<vmem>>) target_semaphore(%arg10 : memref<!tpu.dma_semaphore, #tpu.memory_space<semaphore_mem>>)
        %slice3A_1756 = vector.extract_strided_slice %get3A_1545 {offsets = [5], sizes = [1], strides = [1]} : vector<16xi32> to vector<1xi32>
        %squeeze3A_1757 = vector.extract %slice3A_1756[0] : i32 from vector<1xi32>
        %jit3A_1758 = arith.constant 128 : i32
        %div3A_1759 = arith.divsi %squeeze3A_1757, %jit3A_1758 : i32
        %sign3A_1760 = arith.constant 0 : i32
        %sign3A_1761 = arith.cmpi sgt, %squeeze3A_1757, %sign3A_1760 : i32
        %sign3A_1762 = arith.extui %sign3A_1761 : i1 to i32
        %sign3A_1763 = arith.constant 0 : i32
        %sign3A_1764 = arith.cmpi slt, %squeeze3A_1757, %sign3A_1763 : i32
        %sign3A_1765 = arith.extui %sign3A_1764 : i1 to i32
        %sign3A_1766 = arith.subi %sign3A_1762, %sign3A_1765 : i32
        %sign3A_1767 = arith.constant 0 : i32
        %sign3A_1768 = arith.cmpi sgt, %jit3A_1758, %sign3A_1767 : i32
        %sign3A_1769 = arith.extui %sign3A_1768 : i1 to i32
        %sign3A_1770 = arith.constant 0 : i32
        %sign3A_1771 = arith.cmpi slt, %jit3A_1758, %sign3A_1770 : i32
        %sign3A_1772 = arith.extui %sign3A_1771 : i1 to i32
        %sign3A_1773 = arith.subi %sign3A_1769, %sign3A_1772 : i32
        %ne3A_1774 = arith.cmpi ne, %sign3A_1766, %sign3A_1773 : i32
        %rem3A_1775 = arith.remsi %squeeze3A_1757, %jit3A_1758 : i32
        %ne3A_1776 = arith.constant 0 : i32
        %ne3A_1777 = arith.cmpi ne, %rem3A_1775, %ne3A_1776 : i32
        %and3A_1778 = arith.andi %ne3A_1774, %ne3A_1777 : i1
        %sub3A_1779 = arith.constant 1 : i32
        %sub3A_1780 = arith.subi %div3A_1759, %sub3A_1779 : i32
        %select_n3A_1781 = arith.select %and3A_1778, %sub3A_1780, %div3A_1759 : i32
        %mul3A_1782 = arith.constant 128 : i32
        %mul3A_1783 = arith.muli %select_n3A_1781, %mul3A_1782 : i32
        %multiple_of3A_1784 = tpu.assume_multiple %mul3A_1783, 128 : i32
        %dma_start3A_1785 = arith.constant 21 : i32
        %dma_start3A_1786 = arith.constant 0 : i32
        %dma_start3A_1787 = arith.constant 0 : i32
        %dma_start3A_1788 = tpu.memref_slice %arg6[%dma_start3A_1785, %dma_start3A_1786, %dma_start3A_1787] : memref<24x32x128xf32, #tpu.memory_space<vmem>> -> memref<1x32x128xf32, #tpu.memory_space<vmem>>
        %dma_start3A_1789 = tpu.memref_squeeze %dma_start3A_1788 : memref<1x32x128xf32, #tpu.memory_space<vmem>> -> memref<32x128xf32, #tpu.memory_space<vmem>>
        %dma_start3A_1790 = arith.constant 0 : i32
        %dma_start3A_1791 = tpu.memref_slice %arg2[%dma_start3A_1790, %multiple_of3A_1784] : memref<32x1000000xf32, #tpu.memory_space<hbm>> -> memref<32x128xf32, #tpu.memory_space<hbm>>
        %dma_start3A_1792 = arith.constant 0 : i32
        %dma_start3A_1793 = arith.constant 0 : i32
        %dma_start3A_1794 = tpu.memref_slice %arg6[%dma_start3A_1785, %dma_start3A_1792, %dma_start3A_1793] : memref<24x32x128xf32, #tpu.memory_space<vmem>> -> memref<1x32x128xf32, #tpu.memory_space<vmem>>
        %dma_start3A_1795 = tpu.memref_squeeze %dma_start3A_1794 : memref<1x32x128xf32, #tpu.memory_space<vmem>> -> memref<32x128xf32, #tpu.memory_space<vmem>>
        %dma_start3A_1796 = arith.constant 0 : i32
        %dma_start3A_1797 = tpu.memref_slice %arg2[%dma_start3A_1796, %multiple_of3A_1784] : memref<32x1000000xf32, #tpu.memory_space<hbm>> -> memref<32x128xf32, #tpu.memory_space<hbm>>
        tpu.enqueue_dma source(%dma_start3A_1797 : memref<32x128xf32, #tpu.memory_space<hbm>>) target(%dma_start3A_1795 : memref<32x128xf32, #tpu.memory_space<vmem>>) target_semaphore(%arg10 : memref<!tpu.dma_semaphore, #tpu.memory_space<semaphore_mem>>)
        %slice3A_1798 = vector.extract_strided_slice %get3A_1545 {offsets = [6], sizes = [1], strides = [1]} : vector<16xi32> to vector<1xi32>
        %squeeze3A_1799 = vector.extract %slice3A_1798[0] : i32 from vector<1xi32>
        %jit3A_1800 = arith.constant 128 : i32
        %div3A_1801 = arith.divsi %squeeze3A_1799, %jit3A_1800 : i32
        %sign3A_1802 = arith.constant 0 : i32
        %sign3A_1803 = arith.cmpi sgt, %squeeze3A_1799, %sign3A_1802 : i32
        %sign3A_1804 = arith.extui %sign3A_1803 : i1 to i32
        %sign3A_1805 = arith.constant 0 : i32
        %sign3A_1806 = arith.cmpi slt, %squeeze3A_1799, %sign3A_1805 : i32
        %sign3A_1807 = arith.extui %sign3A_1806 : i1 to i32
        %sign3A_1808 = arith.subi %sign3A_1804, %sign3A_1807 : i32
        %sign3A_1809 = arith.constant 0 : i32
        %sign3A_1810 = arith.cmpi sgt, %jit3A_1800, %sign3A_1809 : i32
        %sign3A_1811 = arith.extui %sign3A_1810 : i1 to i32
        %sign3A_1812 = arith.constant 0 : i32
        %sign3A_1813 = arith.cmpi slt, %jit3A_1800, %sign3A_1812 : i32
        %sign3A_1814 = arith.extui %sign3A_1813 : i1 to i32
        %sign3A_1815 = arith.subi %sign3A_1811, %sign3A_1814 : i32
        %ne3A_1816 = arith.cmpi ne, %sign3A_1808, %sign3A_1815 : i32
        %rem3A_1817 = arith.remsi %squeeze3A_1799, %jit3A_1800 : i32
        %ne3A_1818 = arith.constant 0 : i32
        %ne3A_1819 = arith.cmpi ne, %rem3A_1817, %ne3A_1818 : i32
        %and3A_1820 = arith.andi %ne3A_1816, %ne3A_1819 : i1
        %sub3A_1821 = arith.constant 1 : i32
        %sub3A_1822 = arith.subi %div3A_1801, %sub3A_1821 : i32
        %select_n3A_1823 = arith.select %and3A_1820, %sub3A_1822, %div3A_1801 : i32
        %mul3A_1824 = arith.constant 128 : i32
        %mul3A_1825 = arith.muli %select_n3A_1823, %mul3A_1824 : i32
        %multiple_of3A_1826 = tpu.assume_multiple %mul3A_1825, 128 : i32
        %dma_start3A_1827 = arith.constant 22 : i32
        %dma_start3A_1828 = arith.constant 0 : i32
        %dma_start3A_1829 = arith.constant 0 : i32
        %dma_start3A_1830 = tpu.memref_slice %arg6[%dma_start3A_1827, %dma_start3A_1828, %dma_start3A_1829] : memref<24x32x128xf32, #tpu.memory_space<vmem>> -> memref<1x32x128xf32, #tpu.memory_space<vmem>>
        %dma_start3A_1831 = tpu.memref_squeeze %dma_start3A_1830 : memref<1x32x128xf32, #tpu.memory_space<vmem>> -> memref<32x128xf32, #tpu.memory_space<vmem>>
        %dma_start3A_1832 = arith.constant 0 : i32
        %dma_start3A_1833 = tpu.memref_slice %arg2[%dma_start3A_1832, %multiple_of3A_1826] : memref<32x1000000xf32, #tpu.memory_space<hbm>> -> memref<32x128xf32, #tpu.memory_space<hbm>>
        %dma_start3A_1834 = arith.constant 0 : i32
        %dma_start3A_1835 = arith.constant 0 : i32
        %dma_start3A_1836 = tpu.memref_slice %arg6[%dma_start3A_1827, %dma_start3A_1834, %dma_start3A_1835] : memref<24x32x128xf32, #tpu.memory_space<vmem>> -> memref<1x32x128xf32, #tpu.memory_space<vmem>>
        %dma_start3A_1837 = tpu.memref_squeeze %dma_start3A_1836 : memref<1x32x128xf32, #tpu.memory_space<vmem>> -> memref<32x128xf32, #tpu.memory_space<vmem>>
        %dma_start3A_1838 = arith.constant 0 : i32
        %dma_start3A_1839 = tpu.memref_slice %arg2[%dma_start3A_1838, %multiple_of3A_1826] : memref<32x1000000xf32, #tpu.memory_space<hbm>> -> memref<32x128xf32, #tpu.memory_space<hbm>>
        tpu.enqueue_dma source(%dma_start3A_1839 : memref<32x128xf32, #tpu.memory_space<hbm>>) target(%dma_start3A_1837 : memref<32x128xf32, #tpu.memory_space<vmem>>) target_semaphore(%arg10 : memref<!tpu.dma_semaphore, #tpu.memory_space<semaphore_mem>>)
        %slice3A_1840 = vector.extract_strided_slice %get3A_1545 {offsets = [7], sizes = [1], strides = [1]} : vector<16xi32> to vector<1xi32>
        %squeeze3A_1841 = vector.extract %slice3A_1840[0] : i32 from vector<1xi32>
        %jit3A_1842 = arith.constant 128 : i32
        %div3A_1843 = arith.divsi %squeeze3A_1841, %jit3A_1842 : i32
        %sign3A_1844 = arith.constant 0 : i32
        %sign3A_1845 = arith.cmpi sgt, %squeeze3A_1841, %sign3A_1844 : i32
        %sign3A_1846 = arith.extui %sign3A_1845 : i1 to i32
        %sign3A_1847 = arith.constant 0 : i32
        %sign3A_1848 = arith.cmpi slt, %squeeze3A_1841, %sign3A_1847 : i32
        %sign3A_1849 = arith.extui %sign3A_1848 : i1 to i32
        %sign3A_1850 = arith.subi %sign3A_1846, %sign3A_1849 : i32
        %sign3A_1851 = arith.constant 0 : i32
        %sign3A_1852 = arith.cmpi sgt, %jit3A_1842, %sign3A_1851 : i32
        %sign3A_1853 = arith.extui %sign3A_1852 : i1 to i32
        %sign3A_1854 = arith.constant 0 : i32
        %sign3A_1855 = arith.cmpi slt, %jit3A_1842, %sign3A_1854 : i32
        %sign3A_1856 = arith.extui %sign3A_1855 : i1 to i32
        %sign3A_1857 = arith.subi %sign3A_1853, %sign3A_1856 : i32
        %ne3A_1858 = arith.cmpi ne, %sign3A_1850, %sign3A_1857 : i32
        %rem3A_1859 = arith.remsi %squeeze3A_1841, %jit3A_1842 : i32
        %ne3A_1860 = arith.constant 0 : i32
        %ne3A_1861 = arith.cmpi ne, %rem3A_1859, %ne3A_1860 : i32
        %and3A_1862 = arith.andi %ne3A_1858, %ne3A_1861 : i1
        %sub3A_1863 = arith.constant 1 : i32
        %sub3A_1864 = arith.subi %div3A_1843, %sub3A_1863 : i32
        %select_n3A_1865 = arith.select %and3A_1862, %sub3A_1864, %div3A_1843 : i32
        %mul3A_1866 = arith.constant 128 : i32
        %mul3A_1867 = arith.muli %select_n3A_1865, %mul3A_1866 : i32
        %multiple_of3A_1868 = tpu.assume_multiple %mul3A_1867, 128 : i32
        %dma_start3A_1869 = arith.constant 23 : i32
        %dma_start3A_1870 = arith.constant 0 : i32
        %dma_start3A_1871 = arith.constant 0 : i32
        %dma_start3A_1872 = tpu.memref_slice %arg6[%dma_start3A_1869, %dma_start3A_1870, %dma_start3A_1871] : memref<24x32x128xf32, #tpu.memory_space<vmem>> -> memref<1x32x128xf32, #tpu.memory_space<vmem>>
        %dma_start3A_1873 = tpu.memref_squeeze %dma_start3A_1872 : memref<1x32x128xf32, #tpu.memory_space<vmem>> -> memref<32x128xf32, #tpu.memory_space<vmem>>
        %dma_start3A_1874 = arith.constant 0 : i32
        %dma_start3A_1875 = tpu.memref_slice %arg2[%dma_start3A_1874, %multiple_of3A_1868] : memref<32x1000000xf32, #tpu.memory_space<hbm>> -> memref<32x128xf32, #tpu.memory_space<hbm>>
        %dma_start3A_1876 = arith.constant 0 : i32
        %dma_start3A_1877 = arith.constant 0 : i32
        %dma_start3A_1878 = tpu.memref_slice %arg6[%dma_start3A_1869, %dma_start3A_1876, %dma_start3A_1877] : memref<24x32x128xf32, #tpu.memory_space<vmem>> -> memref<1x32x128xf32, #tpu.memory_space<vmem>>
        %dma_start3A_1879 = tpu.memref_squeeze %dma_start3A_1878 : memref<1x32x128xf32, #tpu.memory_space<vmem>> -> memref<32x128xf32, #tpu.memory_space<vmem>>
        %dma_start3A_1880 = arith.constant 0 : i32
        %dma_start3A_1881 = tpu.memref_slice %arg2[%dma_start3A_1880, %multiple_of3A_1868] : memref<32x1000000xf32, #tpu.memory_space<hbm>> -> memref<32x128xf32, #tpu.memory_space<hbm>>
        tpu.enqueue_dma source(%dma_start3A_1881 : memref<32x128xf32, #tpu.memory_space<hbm>>) target(%dma_start3A_1879 : memref<32x128xf32, #tpu.memory_space<vmem>>) target_semaphore(%arg10 : memref<!tpu.dma_semaphore, #tpu.memory_space<semaphore_mem>>)
      } else {
      }
      %dma_wait3A_925 = arith.constant 0 : i32
      %dma_wait3A_926 = arith.constant 0 : i32
      %dma_wait3A_927 = arith.constant 0 : i32
      %dma_wait3A_928 = tpu.memref_slice %arg6[%dma_wait3A_925, %dma_wait3A_926, %dma_wait3A_927] : memref<24x32x128xf32, #tpu.memory_space<vmem>> -> memref<1x32x128xf32, #tpu.memory_space<vmem>>
      %dma_wait3A_929 = tpu.memref_squeeze %dma_wait3A_928 : memref<1x32x128xf32, #tpu.memory_space<vmem>> -> memref<32x128xf32, #tpu.memory_space<vmem>>
      %dma_wait3A_930 = arith.constant 0 : i32
      %dma_wait3A_931 = arith.constant 0 : i32
      %dma_wait3A_932 = tpu.memref_slice %arg2[%dma_wait3A_930, %dma_wait3A_931] : memref<32x1000000xf32, #tpu.memory_space<hbm>> -> memref<32x128xf32, #tpu.memory_space<hbm>>
      %dma_wait3A_933 = arith.constant 0 : i32
      %dma_wait3A_934 = arith.constant 0 : i32
      %dma_wait3A_935 = tpu.memref_slice %arg6[%dma_wait3A_925, %dma_wait3A_933, %dma_wait3A_934] : memref<24x32x128xf32, #tpu.memory_space<vmem>> -> memref<1x32x128xf32, #tpu.memory_space<vmem>>
      %dma_wait3A_936 = tpu.memref_squeeze %dma_wait3A_935 : memref<1x32x128xf32, #tpu.memory_space<vmem>> -> memref<32x128xf32, #tpu.memory_space<vmem>>
      %dma_wait3A_937 = arith.constant 0 : i32
      %dma_wait3A_938 = arith.constant 0 : i32
      %dma_wait3A_939 = tpu.memref_slice %arg2[%dma_wait3A_937, %dma_wait3A_938] : memref<32x1000000xf32, #tpu.memory_space<hbm>> -> memref<32x128xf32, #tpu.memory_space<hbm>>
      tpu.wait_dma2 semaphore(%arg8 : memref<!tpu.dma_semaphore, #tpu.memory_space<semaphore_mem>>) src(%dma_wait3A_939 : memref<32x128xf32, #tpu.memory_space<hbm>>) dst(%dma_wait3A_936 : memref<32x128xf32, #tpu.memory_space<vmem>>)
      %dma_wait3A_940 = arith.constant 1 : i32
      %dma_wait3A_941 = arith.constant 0 : i32
      %dma_wait3A_942 = arith.constant 0 : i32
      %dma_wait3A_943 = tpu.memref_slice %arg6[%dma_wait3A_940, %dma_wait3A_941, %dma_wait3A_942] : memref<24x32x128xf32, #tpu.memory_space<vmem>> -> memref<1x32x128xf32, #tpu.memory_space<vmem>>
      %dma_wait3A_944 = tpu.memref_squeeze %dma_wait3A_943 : memref<1x32x128xf32, #tpu.memory_space<vmem>> -> memref<32x128xf32, #tpu.memory_space<vmem>>
      %dma_wait3A_945 = arith.constant 0 : i32
      %dma_wait3A_946 = arith.constant 0 : i32
      %dma_wait3A_947 = tpu.memref_slice %arg2[%dma_wait3A_945, %dma_wait3A_946] : memref<32x1000000xf32, #tpu.memory_space<hbm>> -> memref<32x128xf32, #tpu.memory_space<hbm>>
      %dma_wait3A_948 = arith.constant 0 : i32
      %dma_wait3A_949 = arith.constant 0 : i32
      %dma_wait3A_950 = tpu.memref_slice %arg6[%dma_wait3A_940, %dma_wait3A_948, %dma_wait3A_949] : memref<24x32x128xf32, #tpu.memory_space<vmem>> -> memref<1x32x128xf32, #tpu.memory_space<vmem>>
      %dma_wait3A_951 = tpu.memref_squeeze %dma_wait3A_950 : memref<1x32x128xf32, #tpu.memory_space<vmem>> -> memref<32x128xf32, #tpu.memory_space<vmem>>
      %dma_wait3A_952 = arith.constant 0 : i32
      %dma_wait3A_953 = arith.constant 0 : i32
      %dma_wait3A_954 = tpu.memref_slice %arg2[%dma_wait3A_952, %dma_wait3A_953] : memref<32x1000000xf32, #tpu.memory_space<hbm>> -> memref<32x128xf32, #tpu.memory_space<hbm>>
      tpu.wait_dma2 semaphore(%arg8 : memref<!tpu.dma_semaphore, #tpu.memory_space<semaphore_mem>>) src(%dma_wait3A_954 : memref<32x128xf32, #tpu.memory_space<hbm>>) dst(%dma_wait3A_951 : memref<32x128xf32, #tpu.memory_space<vmem>>)
      %dma_wait3A_955 = arith.constant 2 : i32
      %dma_wait3A_956 = arith.constant 0 : i32
      %dma_wait3A_957 = arith.constant 0 : i32
      %dma_wait3A_958 = tpu.memref_slice %arg6[%dma_wait3A_955, %dma_wait3A_956, %dma_wait3A_957] : memref<24x32x128xf32, #tpu.memory_space<vmem>> -> memref<1x32x128xf32, #tpu.memory_space<vmem>>
      %dma_wait3A_959 = tpu.memref_squeeze %dma_wait3A_958 : memref<1x32x128xf32, #tpu.memory_space<vmem>> -> memref<32x128xf32, #tpu.memory_space<vmem>>
      %dma_wait3A_960 = arith.constant 0 : i32
      %dma_wait3A_961 = arith.constant 0 : i32
      %dma_wait3A_962 = tpu.memref_slice %arg2[%dma_wait3A_960, %dma_wait3A_961] : memref<32x1000000xf32, #tpu.memory_space<hbm>> -> memref<32x128xf32, #tpu.memory_space<hbm>>
      %dma_wait3A_963 = arith.constant 0 : i32
      %dma_wait3A_964 = arith.constant 0 : i32
      %dma_wait3A_965 = tpu.memref_slice %arg6[%dma_wait3A_955, %dma_wait3A_963, %dma_wait3A_964] : memref<24x32x128xf32, #tpu.memory_space<vmem>> -> memref<1x32x128xf32, #tpu.memory_space<vmem>>
      %dma_wait3A_966 = tpu.memref_squeeze %dma_wait3A_965 : memref<1x32x128xf32, #tpu.memory_space<vmem>> -> memref<32x128xf32, #tpu.memory_space<vmem>>
      %dma_wait3A_967 = arith.constant 0 : i32
      %dma_wait3A_968 = arith.constant 0 : i32
      %dma_wait3A_969 = tpu.memref_slice %arg2[%dma_wait3A_967, %dma_wait3A_968] : memref<32x1000000xf32, #tpu.memory_space<hbm>> -> memref<32x128xf32, #tpu.memory_space<hbm>>
      tpu.wait_dma2 semaphore(%arg8 : memref<!tpu.dma_semaphore, #tpu.memory_space<semaphore_mem>>) src(%dma_wait3A_969 : memref<32x128xf32, #tpu.memory_space<hbm>>) dst(%dma_wait3A_966 : memref<32x128xf32, #tpu.memory_space<vmem>>)
      %dma_wait3A_970 = arith.constant 3 : i32
      %dma_wait3A_971 = arith.constant 0 : i32
      %dma_wait3A_972 = arith.constant 0 : i32
      %dma_wait3A_973 = tpu.memref_slice %arg6[%dma_wait3A_970, %dma_wait3A_971, %dma_wait3A_972] : memref<24x32x128xf32, #tpu.memory_space<vmem>> -> memref<1x32x128xf32, #tpu.memory_space<vmem>>
      %dma_wait3A_974 = tpu.memref_squeeze %dma_wait3A_973 : memref<1x32x128xf32, #tpu.memory_space<vmem>> -> memref<32x128xf32, #tpu.memory_space<vmem>>
      %dma_wait3A_975 = arith.constant 0 : i32
      %dma_wait3A_976 = arith.constant 0 : i32
      %dma_wait3A_977 = tpu.memref_slice %arg2[%dma_wait3A_975, %dma_wait3A_976] : memref<32x1000000xf32, #tpu.memory_space<hbm>> -> memref<32x128xf32, #tpu.memory_space<hbm>>
      %dma_wait3A_978 = arith.constant 0 : i32
      %dma_wait3A_979 = arith.constant 0 : i32
      %dma_wait3A_980 = tpu.memref_slice %arg6[%dma_wait3A_970, %dma_wait3A_978, %dma_wait3A_979] : memref<24x32x128xf32, #tpu.memory_space<vmem>> -> memref<1x32x128xf32, #tpu.memory_space<vmem>>
      %dma_wait3A_981 = tpu.memref_squeeze %dma_wait3A_980 : memref<1x32x128xf32, #tpu.memory_space<vmem>> -> memref<32x128xf32, #tpu.memory_space<vmem>>
      %dma_wait3A_982 = arith.constant 0 : i32
      %dma_wait3A_983 = arith.constant 0 : i32
      %dma_wait3A_984 = tpu.memref_slice %arg2[%dma_wait3A_982, %dma_wait3A_983] : memref<32x1000000xf32, #tpu.memory_space<hbm>> -> memref<32x128xf32, #tpu.memory_space<hbm>>
      tpu.wait_dma2 semaphore(%arg8 : memref<!tpu.dma_semaphore, #tpu.memory_space<semaphore_mem>>) src(%dma_wait3A_984 : memref<32x128xf32, #tpu.memory_space<hbm>>) dst(%dma_wait3A_981 : memref<32x128xf32, #tpu.memory_space<vmem>>)
      %dma_wait3A_985 = arith.constant 4 : i32
      %dma_wait3A_986 = arith.constant 0 : i32
      %dma_wait3A_987 = arith.constant 0 : i32
      %dma_wait3A_988 = tpu.memref_slice %arg6[%dma_wait3A_985, %dma_wait3A_986, %dma_wait3A_987] : memref<24x32x128xf32, #tpu.memory_space<vmem>> -> memref<1x32x128xf32, #tpu.memory_space<vmem>>
      %dma_wait3A_989 = tpu.memref_squeeze %dma_wait3A_988 : memref<1x32x128xf32, #tpu.memory_space<vmem>> -> memref<32x128xf32, #tpu.memory_space<vmem>>
      %dma_wait3A_990 = arith.constant 0 : i32
      %dma_wait3A_991 = arith.constant 0 : i32
      %dma_wait3A_992 = tpu.memref_slice %arg2[%dma_wait3A_990, %dma_wait3A_991] : memref<32x1000000xf32, #tpu.memory_space<hbm>> -> memref<32x128xf32, #tpu.memory_space<hbm>>
      %dma_wait3A_993 = arith.constant 0 : i32
      %dma_wait3A_994 = arith.constant 0 : i32
      %dma_wait3A_995 = tpu.memref_slice %arg6[%dma_wait3A_985, %dma_wait3A_993, %dma_wait3A_994] : memref<24x32x128xf32, #tpu.memory_space<vmem>> -> memref<1x32x128xf32, #tpu.memory_space<vmem>>
      %dma_wait3A_996 = tpu.memref_squeeze %dma_wait3A_995 : memref<1x32x128xf32, #tpu.memory_space<vmem>> -> memref<32x128xf32, #tpu.memory_space<vmem>>
      %dma_wait3A_997 = arith.constant 0 : i32
      %dma_wait3A_998 = arith.constant 0 : i32
      %dma_wait3A_999 = tpu.memref_slice %arg2[%dma_wait3A_997, %dma_wait3A_998] : memref<32x1000000xf32, #tpu.memory_space<hbm>> -> memref<32x128xf32, #tpu.memory_space<hbm>>
      tpu.wait_dma2 semaphore(%arg8 : memref<!tpu.dma_semaphore, #tpu.memory_space<semaphore_mem>>) src(%dma_wait3A_999 : memref<32x128xf32, #tpu.memory_space<hbm>>) dst(%dma_wait3A_996 : memref<32x128xf32, #tpu.memory_space<vmem>>)
      %dma_wait3A_1000 = arith.constant 5 : i32
      %dma_wait3A_1001 = arith.constant 0 : i32
      %dma_wait3A_1002 = arith.constant 0 : i32
      %dma_wait3A_1003 = tpu.memref_slice %arg6[%dma_wait3A_1000, %dma_wait3A_1001, %dma_wait3A_1002] : memref<24x32x128xf32, #tpu.memory_space<vmem>> -> memref<1x32x128xf32, #tpu.memory_space<vmem>>
      %dma_wait3A_1004 = tpu.memref_squeeze %dma_wait3A_1003 : memref<1x32x128xf32, #tpu.memory_space<vmem>> -> memref<32x128xf32, #tpu.memory_space<vmem>>
      %dma_wait3A_1005 = arith.constant 0 : i32
      %dma_wait3A_1006 = arith.constant 0 : i32
      %dma_wait3A_1007 = tpu.memref_slice %arg2[%dma_wait3A_1005, %dma_wait3A_1006] : memref<32x1000000xf32, #tpu.memory_space<hbm>> -> memref<32x128xf32, #tpu.memory_space<hbm>>
      %dma_wait3A_1008 = arith.constant 0 : i32
      %dma_wait3A_1009 = arith.constant 0 : i32
      %dma_wait3A_1010 = tpu.memref_slice %arg6[%dma_wait3A_1000, %dma_wait3A_1008, %dma_wait3A_1009] : memref<24x32x128xf32, #tpu.memory_space<vmem>> -> memref<1x32x128xf32, #tpu.memory_space<vmem>>
      %dma_wait3A_1011 = tpu.memref_squeeze %dma_wait3A_1010 : memref<1x32x128xf32, #tpu.memory_space<vmem>> -> memref<32x128xf32, #tpu.memory_space<vmem>>
      %dma_wait3A_1012 = arith.constant 0 : i32
      %dma_wait3A_1013 = arith.constant 0 : i32
      %dma_wait3A_1014 = tpu.memref_slice %arg2[%dma_wait3A_1012, %dma_wait3A_1013] : memref<32x1000000xf32, #tpu.memory_space<hbm>> -> memref<32x128xf32, #tpu.memory_space<hbm>>
      tpu.wait_dma2 semaphore(%arg8 : memref<!tpu.dma_semaphore, #tpu.memory_space<semaphore_mem>>) src(%dma_wait3A_1014 : memref<32x128xf32, #tpu.memory_space<hbm>>) dst(%dma_wait3A_1011 : memref<32x128xf32, #tpu.memory_space<vmem>>)
      %dma_wait3A_1015 = arith.constant 6 : i32
      %dma_wait3A_1016 = arith.constant 0 : i32
      %dma_wait3A_1017 = arith.constant 0 : i32
      %dma_wait3A_1018 = tpu.memref_slice %arg6[%dma_wait3A_1015, %dma_wait3A_1016, %dma_wait3A_1017] : memref<24x32x128xf32, #tpu.memory_space<vmem>> -> memref<1x32x128xf32, #tpu.memory_space<vmem>>
      %dma_wait3A_1019 = tpu.memref_squeeze %dma_wait3A_1018 : memref<1x32x128xf32, #tpu.memory_space<vmem>> -> memref<32x128xf32, #tpu.memory_space<vmem>>
      %dma_wait3A_1020 = arith.constant 0 : i32
      %dma_wait3A_1021 = arith.constant 0 : i32
      %dma_wait3A_1022 = tpu.memref_slice %arg2[%dma_wait3A_1020, %dma_wait3A_1021] : memref<32x1000000xf32, #tpu.memory_space<hbm>> -> memref<32x128xf32, #tpu.memory_space<hbm>>
      %dma_wait3A_1023 = arith.constant 0 : i32
      %dma_wait3A_1024 = arith.constant 0 : i32
      %dma_wait3A_1025 = tpu.memref_slice %arg6[%dma_wait3A_1015, %dma_wait3A_1023, %dma_wait3A_1024] : memref<24x32x128xf32, #tpu.memory_space<vmem>> -> memref<1x32x128xf32, #tpu.memory_space<vmem>>
      %dma_wait3A_1026 = tpu.memref_squeeze %dma_wait3A_1025 : memref<1x32x128xf32, #tpu.memory_space<vmem>> -> memref<32x128xf32, #tpu.memory_space<vmem>>
      %dma_wait3A_1027 = arith.constant 0 : i32
      %dma_wait3A_1028 = arith.constant 0 : i32
      %dma_wait3A_1029 = tpu.memref_slice %arg2[%dma_wait3A_1027, %dma_wait3A_1028] : memref<32x1000000xf32, #tpu.memory_space<hbm>> -> memref<32x128xf32, #tpu.memory_space<hbm>>
      tpu.wait_dma2 semaphore(%arg8 : memref<!tpu.dma_semaphore, #tpu.memory_space<semaphore_mem>>) src(%dma_wait3A_1029 : memref<32x128xf32, #tpu.memory_space<hbm>>) dst(%dma_wait3A_1026 : memref<32x128xf32, #tpu.memory_space<vmem>>)
      %dma_wait3A_1030 = arith.constant 7 : i32
      %dma_wait3A_1031 = arith.constant 0 : i32
      %dma_wait3A_1032 = arith.constant 0 : i32
      %dma_wait3A_1033 = tpu.memref_slice %arg6[%dma_wait3A_1030, %dma_wait3A_1031, %dma_wait3A_1032] : memref<24x32x128xf32, #tpu.memory_space<vmem>> -> memref<1x32x128xf32, #tpu.memory_space<vmem>>
      %dma_wait3A_1034 = tpu.memref_squeeze %dma_wait3A_1033 : memref<1x32x128xf32, #tpu.memory_space<vmem>> -> memref<32x128xf32, #tpu.memory_space<vmem>>
      %dma_wait3A_1035 = arith.constant 0 : i32
      %dma_wait3A_1036 = arith.constant 0 : i32
      %dma_wait3A_1037 = tpu.memref_slice %arg2[%dma_wait3A_1035, %dma_wait3A_1036] : memref<32x1000000xf32, #tpu.memory_space<hbm>> -> memref<32x128xf32, #tpu.memory_space<hbm>>
      %dma_wait3A_1038 = arith.constant 0 : i32
      %dma_wait3A_1039 = arith.constant 0 : i32
      %dma_wait3A_1040 = tpu.memref_slice %arg6[%dma_wait3A_1030, %dma_wait3A_1038, %dma_wait3A_1039] : memref<24x32x128xf32, #tpu.memory_space<vmem>> -> memref<1x32x128xf32, #tpu.memory_space<vmem>>
      %dma_wait3A_1041 = tpu.memref_squeeze %dma_wait3A_1040 : memref<1x32x128xf32, #tpu.memory_space<vmem>> -> memref<32x128xf32, #tpu.memory_space<vmem>>
      %dma_wait3A_1042 = arith.constant 0 : i32
      %dma_wait3A_1043 = arith.constant 0 : i32
      %dma_wait3A_1044 = tpu.memref_slice %arg2[%dma_wait3A_1042, %dma_wait3A_1043] : memref<32x1000000xf32, #tpu.memory_space<hbm>> -> memref<32x128xf32, #tpu.memory_space<hbm>>
      tpu.wait_dma2 semaphore(%arg8 : memref<!tpu.dma_semaphore, #tpu.memory_space<semaphore_mem>>) src(%dma_wait3A_1044 : memref<32x128xf32, #tpu.memory_space<hbm>>) dst(%dma_wait3A_1041 : memref<32x128xf32, #tpu.memory_space<vmem>>)
      %mul3A_1045 = arith.constant 8 : i32
      %mul3A_1046 = arith.muli %add3A_919, %mul3A_1045 : i32
      %add3A_1047 = vector.broadcast %mul3A_1046 : i32 to vector<16xi32>
      %add3A_1048 = arith.addi %add3A_1047, %rem3A_674 : vector<16xi32>
      %gather3A_1049 = tpu.vector_load_idx %arg5[%add3A_1048] : memref<520xi32, #tpu.memory_space<vmem>>[vector<16xi32>], vector<16xi32>,
      %rem3A_1050 = arith.constant 128 : i32
      %rem3A_1051 = vector.broadcast %rem3A_1050 : i32 to vector<16xi32>
      %rem3A_1052 = arith.remsi %gather3A_1049, %rem3A_1051 : vector<16xi32>
      %add3A_1053 = arith.constant 0 : i32
      %add3A_1054 = vector.broadcast %add3A_1053 : i32 to vector<16xi32>
      %add3A_1055 = arith.addi %add3A_1054, %rem3A_674 : vector<16xi32>
      %mul3A_1056 = arith.constant 8 : i32
      %mul3A_1057 = arith.muli %add3A_919, %mul3A_1056 : i32
      %add3A_1058 = vector.broadcast %mul3A_1057 : i32 to vector<16xi32>
      %add3A_1059 = arith.addi %add3A_1058, %rem3A_674 : vector<16xi32>
      %add3A_1060 = arith.constant 0 : i32
      %add3A_1061 = vector.broadcast %add3A_1060 : i32 to vector<16xi32>
      %add3A_1062 = arith.addi %select_n3A_705, %add3A_1061 : vector<16xi32>
      %gather3A_1063 = tpu.vector_load_idx %arg6[%add3A_1055, %add3A_1062, %rem3A_1052] : memref<24x32x128xf32, #tpu.memory_space<vmem>>[vector<16xi32>, vector<16xi32>, vector<16xi32>], vector<16xf32>,
      tpu.vector_store_idx %arg7[%add3A_1062, %add3A_1059], %gather3A_1063 : memref<32x512xf32, #tpu.memory_space<vmem>>[vector<16xi32>, vector<16xi32>], vector<16xf32>,
      %add3A_1064 = arith.constant 2 : i32
      %add3A_1065 = vector.broadcast %add3A_1064 : i32 to vector<16xi32>
      %add3A_1066 = arith.addi %select_n3A_705, %add3A_1065 : vector<16xi32>
      %gather3A_1067 = tpu.vector_load_idx %arg6[%add3A_1055, %add3A_1066, %rem3A_1052] : memref<24x32x128xf32, #tpu.memory_space<vmem>>[vector<16xi32>, vector<16xi32>, vector<16xi32>], vector<16xf32>,
      tpu.vector_store_idx %arg7[%add3A_1066, %add3A_1059], %gather3A_1067 : memref<32x512xf32, #tpu.memory_space<vmem>>[vector<16xi32>, vector<16xi32>], vector<16xf32>,
      %add3A_1068 = arith.constant 4 : i32
      %add3A_1069 = vector.broadcast %add3A_1068 : i32 to vector<16xi32>
      %add3A_1070 = arith.addi %select_n3A_705, %add3A_1069 : vector<16xi32>
      %gather3A_1071 = tpu.vector_load_idx %arg6[%add3A_1055, %add3A_1070, %rem3A_1052] : memref<24x32x128xf32, #tpu.memory_space<vmem>>[vector<16xi32>, vector<16xi32>, vector<16xi32>], vector<16xf32>,
      tpu.vector_store_idx %arg7[%add3A_1070, %add3A_1059], %gather3A_1071 : memref<32x512xf32, #tpu.memory_space<vmem>>[vector<16xi32>, vector<16xi32>], vector<16xf32>,
      %add3A_1072 = arith.constant 6 : i32
      %add3A_1073 = vector.broadcast %add3A_1072 : i32 to vector<16xi32>
      %add3A_1074 = arith.addi %select_n3A_705, %add3A_1073 : vector<16xi32>
      %gather3A_1075 = tpu.vector_load_idx %arg6[%add3A_1055, %add3A_1074, %rem3A_1052] : memref<24x32x128xf32, #tpu.memory_space<vmem>>[vector<16xi32>, vector<16xi32>, vector<16xi32>], vector<16xf32>,
      tpu.vector_store_idx %arg7[%add3A_1074, %add3A_1059], %gather3A_1075 : memref<32x512xf32, #tpu.memory_space<vmem>>[vector<16xi32>, vector<16xi32>], vector<16xf32>,
      %add3A_1076 = arith.constant 8 : i32
      %add3A_1077 = vector.broadcast %add3A_1076 : i32 to vector<16xi32>
      %add3A_1078 = arith.addi %select_n3A_705, %add3A_1077 : vector<16xi32>
      %gather3A_1079 = tpu.vector_load_idx %arg6[%add3A_1055, %add3A_1078, %rem3A_1052] : memref<24x32x128xf32, #tpu.memory_space<vmem>>[vector<16xi32>, vector<16xi32>, vector<16xi32>], vector<16xf32>,
      tpu.vector_store_idx %arg7[%add3A_1078, %add3A_1059], %gather3A_1079 : memref<32x512xf32, #tpu.memory_space<vmem>>[vector<16xi32>, vector<16xi32>], vector<16xf32>,
      %add3A_1080 = arith.constant 10 : i32
      %add3A_1081 = vector.broadcast %add3A_1080 : i32 to vector<16xi32>
      %add3A_1082 = arith.addi %select_n3A_705, %add3A_1081 : vector<16xi32>
      %gather3A_1083 = tpu.vector_load_idx %arg6[%add3A_1055, %add3A_1082, %rem3A_1052] : memref<24x32x128xf32, #tpu.memory_space<vmem>>[vector<16xi32>, vector<16xi32>, vector<16xi32>], vector<16xf32>,
      tpu.vector_store_idx %arg7[%add3A_1082, %add3A_1059], %gather3A_1083 : memref<32x512xf32, #tpu.memory_space<vmem>>[vector<16xi32>, vector<16xi32>], vector<16xf32>,
      %add3A_1084 = arith.constant 12 : i32
      %add3A_1085 = vector.broadcast %add3A_1084 : i32 to vector<16xi32>
      %add3A_1086 = arith.addi %select_n3A_705, %add3A_1085 : vector<16xi32>
      %gather3A_1087 = tpu.vector_load_idx %arg6[%add3A_1055, %add3A_1086, %rem3A_1052] : memref<24x32x128xf32, #tpu.memory_space<vmem>>[vector<16xi32>, vector<16xi32>, vector<16xi32>], vector<16xf32>,
      tpu.vector_store_idx %arg7[%add3A_1086, %add3A_1059], %gather3A_1087 : memref<32x512xf32, #tpu.memory_space<vmem>>[vector<16xi32>, vector<16xi32>], vector<16xf32>,
      %add3A_1088 = arith.constant 14 : i32
      %add3A_1089 = vector.broadcast %add3A_1088 : i32 to vector<16xi32>
      %add3A_1090 = arith.addi %select_n3A_705, %add3A_1089 : vector<16xi32>
      %gather3A_1091 = tpu.vector_load_idx %arg6[%add3A_1055, %add3A_1090, %rem3A_1052] : memref<24x32x128xf32, #tpu.memory_space<vmem>>[vector<16xi32>, vector<16xi32>, vector<16xi32>], vector<16xf32>,
      tpu.vector_store_idx %arg7[%add3A_1090, %add3A_1059], %gather3A_1091 : memref<32x512xf32, #tpu.memory_space<vmem>>[vector<16xi32>, vector<16xi32>], vector<16xf32>,
      %add3A_1092 = arith.constant 16 : i32
      %add3A_1093 = vector.broadcast %add3A_1092 : i32 to vector<16xi32>
      %add3A_1094 = arith.addi %select_n3A_705, %add3A_1093 : vector<16xi32>
      %gather3A_1095 = tpu.vector_load_idx %arg6[%add3A_1055, %add3A_1094, %rem3A_1052] : memref<24x32x128xf32, #tpu.memory_space<vmem>>[vector<16xi32>, vector<16xi32>, vector<16xi32>], vector<16xf32>,
      tpu.vector_store_idx %arg7[%add3A_1094, %add3A_1059], %gather3A_1095 : memref<32x512xf32, #tpu.memory_space<vmem>>[vector<16xi32>, vector<16xi32>], vector<16xf32>,
      %add3A_1096 = arith.constant 18 : i32
      %add3A_1097 = vector.broadcast %add3A_1096 : i32 to vector<16xi32>
      %add3A_1098 = arith.addi %select_n3A_705, %add3A_1097 : vector<16xi32>
      %gather3A_1099 = tpu.vector_load_idx %arg6[%add3A_1055, %add3A_1098, %rem3A_1052] : memref<24x32x128xf32, #tpu.memory_space<vmem>>[vector<16xi32>, vector<16xi32>, vector<16xi32>], vector<16xf32>,
      tpu.vector_store_idx %arg7[%add3A_1098, %add3A_1059], %gather3A_1099 : memref<32x512xf32, #tpu.memory_space<vmem>>[vector<16xi32>, vector<16xi32>], vector<16xf32>,
      %add3A_1100 = arith.constant 20 : i32
      %add3A_1101 = vector.broadcast %add3A_1100 : i32 to vector<16xi32>
      %add3A_1102 = arith.addi %select_n3A_705, %add3A_1101 : vector<16xi32>
      %gather3A_1103 = tpu.vector_load_idx %arg6[%add3A_1055, %add3A_1102, %rem3A_1052] : memref<24x32x128xf32, #tpu.memory_space<vmem>>[vector<16xi32>, vector<16xi32>, vector<16xi32>], vector<16xf32>,
      tpu.vector_store_idx %arg7[%add3A_1102, %add3A_1059], %gather3A_1103 : memref<32x512xf32, #tpu.memory_space<vmem>>[vector<16xi32>, vector<16xi32>], vector<16xf32>,
      %add3A_1104 = arith.constant 22 : i32
      %add3A_1105 = vector.broadcast %add3A_1104 : i32 to vector<16xi32>
      %add3A_1106 = arith.addi %select_n3A_705, %add3A_1105 : vector<16xi32>
      %gather3A_1107 = tpu.vector_load_idx %arg6[%add3A_1055, %add3A_1106, %rem3A_1052] : memref<24x32x128xf32, #tpu.memory_space<vmem>>[vector<16xi32>, vector<16xi32>, vector<16xi32>], vector<16xf32>,
      tpu.vector_store_idx %arg7[%add3A_1106, %add3A_1059], %gather3A_1107 : memref<32x512xf32, #tpu.memory_space<vmem>>[vector<16xi32>, vector<16xi32>], vector<16xf32>,
      %add3A_1108 = arith.constant 24 : i32
      %add3A_1109 = vector.broadcast %add3A_1108 : i32 to vector<16xi32>
      %add3A_1110 = arith.addi %select_n3A_705, %add3A_1109 : vector<16xi32>
      %gather3A_1111 = tpu.vector_load_idx %arg6[%add3A_1055, %add3A_1110, %rem3A_1052] : memref<24x32x128xf32, #tpu.memory_space<vmem>>[vector<16xi32>, vector<16xi32>, vector<16xi32>], vector<16xf32>,
      tpu.vector_store_idx %arg7[%add3A_1110, %add3A_1059], %gather3A_1111 : memref<32x512xf32, #tpu.memory_space<vmem>>[vector<16xi32>, vector<16xi32>], vector<16xf32>,
      %add3A_1112 = arith.constant 26 : i32
      %add3A_1113 = vector.broadcast %add3A_1112 : i32 to vector<16xi32>
      %add3A_1114 = arith.addi %select_n3A_705, %add3A_1113 : vector<16xi32>
      %gather3A_1115 = tpu.vector_load_idx %arg6[%add3A_1055, %add3A_1114, %rem3A_1052] : memref<24x32x128xf32, #tpu.memory_space<vmem>>[vector<16xi32>, vector<16xi32>, vector<16xi32>], vector<16xf32>,
      tpu.vector_store_idx %arg7[%add3A_1114, %add3A_1059], %gather3A_1115 : memref<32x512xf32, #tpu.memory_space<vmem>>[vector<16xi32>, vector<16xi32>], vector<16xf32>,
      %add3A_1116 = arith.constant 28 : i32
      %add3A_1117 = vector.broadcast %add3A_1116 : i32 to vector<16xi32>
      %add3A_1118 = arith.addi %select_n3A_705, %add3A_1117 : vector<16xi32>
      %gather3A_1119 = tpu.vector_load_idx %arg6[%add3A_1055, %add3A_1118, %rem3A_1052] : memref<24x32x128xf32, #tpu.memory_space<vmem>>[vector<16xi32>, vector<16xi32>, vector<16xi32>], vector<16xf32>,
      tpu.vector_store_idx %arg7[%add3A_1118, %add3A_1059], %gather3A_1119 : memref<32x512xf32, #tpu.memory_space<vmem>>[vector<16xi32>, vector<16xi32>], vector<16xf32>,
      %add3A_1120 = arith.constant 30 : i32
      %add3A_1121 = vector.broadcast %add3A_1120 : i32 to vector<16xi32>
      %add3A_1122 = arith.addi %select_n3A_705, %add3A_1121 : vector<16xi32>
      %gather3A_1123 = tpu.vector_load_idx %arg6[%add3A_1055, %add3A_1122, %rem3A_1052] : memref<24x32x128xf32, #tpu.memory_space<vmem>>[vector<16xi32>, vector<16xi32>, vector<16xi32>], vector<16xf32>,
      tpu.vector_store_idx %arg7[%add3A_1122, %add3A_1059], %gather3A_1123 : memref<32x512xf32, #tpu.memory_space<vmem>>[vector<16xi32>, vector<16xi32>], vector<16xf32>,
      %mul3A_1124 = arith.constant 3 : i32
      %mul3A_1125 = arith.muli %scan3A_915, %mul3A_1124 : i32
      %add3A_1126 = arith.constant 1 : i32
      %add3A_1127 = arith.addi %mul3A_1125, %add3A_1126 : i32
      %lt3A_1128 = arith.constant 62 : i32
      %lt3A_1129 = arith.cmpi slt, %add3A_1127, %lt3A_1128 : i32
      %convert_element_type3A_1130 = arith.extui %lt3A_1129 : i1 to i32
      %cond3A_1131 = arith.constant 0 : i32
      %cond3A_1132 = arith.cmpi ne, %convert_element_type3A_1130, %cond3A_1131 : i32
      scf.if %cond3A_1132 {
        %add3A_1540 = arith.constant 2 : i32
        %add3A_1541 = arith.addi %add3A_1127, %add3A_1540 : i32
        %mul3A_1542 = arith.constant 8 : i32
        %mul3A_1543 = arith.muli %add3A_1541, %mul3A_1542 : i32
        %get3A_1544 = arith.index_cast %mul3A_1543 : i32 to index
        %get3A_1545 = tpu.vector_load %arg5[%get3A_1544] {strides = array<i32>} : memref<520xi32, #tpu.memory_space<vmem>>, vector<16xi32>,
        %slice3A_1546 = vector.extract_strided_slice %get3A_1545 {offsets = [0], sizes = [1], strides = [1]} : vector<16xi32> to vector<1xi32>
        %squeeze3A_1547 = vector.extract %slice3A_1546[0] : i32 from vector<1xi32>
        %jit3A_1548 = arith.constant 128 : i32
        %div3A_1549 = arith.divsi %squeeze3A_1547, %jit3A_1548 : i32
        %sign3A_1550 = arith.constant 0 : i32
        %sign3A_1551 = arith.cmpi sgt, %squeeze3A_1547, %sign3A_1550 : i32
        %sign3A_1552 = arith.extui %sign3A_1551 : i1 to i32
        %sign3A_1553 = arith.constant 0 : i32
        %sign3A_1554 = arith.cmpi slt, %squeeze3A_1547, %sign3A_1553 : i32
        %sign3A_1555 = arith.extui %sign3A_1554 : i1 to i32
        %sign3A_1556 = arith.subi %sign3A_1552, %sign3A_1555 : i32
        %sign3A_1557 = arith.constant 0 : i32
        %sign3A_1558 = arith.cmpi sgt, %jit3A_1548, %sign3A_1557 : i32
        %sign3A_1559 = arith.extui %sign3A_1558 : i1 to i32
        %sign3A_1560 = arith.constant 0 : i32
        %sign3A_1561 = arith.cmpi slt, %jit3A_1548, %sign3A_1560 : i32
        %sign3A_1562 = arith.extui %sign3A_1561 : i1 to i32
        %sign3A_1563 = arith.subi %sign3A_1559, %sign3A_1562 : i32
        %ne3A_1564 = arith.cmpi ne, %sign3A_1556, %sign3A_1563 : i32
        %rem3A_1565 = arith.remsi %squeeze3A_1547, %jit3A_1548 : i32
        %ne3A_1566 = arith.constant 0 : i32
        %ne3A_1567 = arith.cmpi ne, %rem3A_1565, %ne3A_1566 : i32
        %and3A_1568 = arith.andi %ne3A_1564, %ne3A_1567 : i1
        %sub3A_1569 = arith.constant 1 : i32
        %sub3A_1570 = arith.subi %div3A_1549, %sub3A_1569 : i32
        %select_n3A_1571 = arith.select %and3A_1568, %sub3A_1570, %div3A_1549 : i32
        %mul3A_1572 = arith.constant 128 : i32
        %mul3A_1573 = arith.muli %select_n3A_1571, %mul3A_1572 : i32
        %multiple_of3A_1574 = tpu.assume_multiple %mul3A_1573, 128 : i32
        %dma_start3A_1575 = arith.constant 0 : i32
        %dma_start3A_1576 = arith.constant 0 : i32
        %dma_start3A_1577 = arith.constant 0 : i32
        %dma_start3A_1578 = tpu.memref_slice %arg6[%dma_start3A_1575, %dma_start3A_1576, %dma_start3A_1577] : memref<24x32x128xf32, #tpu.memory_space<vmem>> -> memref<1x32x128xf32, #tpu.memory_space<vmem>>
        %dma_start3A_1579 = tpu.memref_squeeze %dma_start3A_1578 : memref<1x32x128xf32, #tpu.memory_space<vmem>> -> memref<32x128xf32, #tpu.memory_space<vmem>>
        %dma_start3A_1580 = arith.constant 0 : i32
        %dma_start3A_1581 = tpu.memref_slice %arg2[%dma_start3A_1580, %multiple_of3A_1574] : memref<32x1000000xf32, #tpu.memory_space<hbm>> -> memref<32x128xf32, #tpu.memory_space<hbm>>
        %dma_start3A_1582 = arith.constant 0 : i32
        %dma_start3A_1583 = arith.constant 0 : i32
        %dma_start3A_1584 = tpu.memref_slice %arg6[%dma_start3A_1575, %dma_start3A_1582, %dma_start3A_1583] : memref<24x32x128xf32, #tpu.memory_space<vmem>> -> memref<1x32x128xf32, #tpu.memory_space<vmem>>
        %dma_start3A_1585 = tpu.memref_squeeze %dma_start3A_1584 : memref<1x32x128xf32, #tpu.memory_space<vmem>> -> memref<32x128xf32, #tpu.memory_space<vmem>>
        %dma_start3A_1586 = arith.constant 0 : i32
        %dma_start3A_1587 = tpu.memref_slice %arg2[%dma_start3A_1586, %multiple_of3A_1574] : memref<32x1000000xf32, #tpu.memory_space<hbm>> -> memref<32x128xf32, #tpu.memory_space<hbm>>
        tpu.enqueue_dma source(%dma_start3A_1587 : memref<32x128xf32, #tpu.memory_space<hbm>>) target(%dma_start3A_1585 : memref<32x128xf32, #tpu.memory_space<vmem>>) target_semaphore(%arg8 : memref<!tpu.dma_semaphore, #tpu.memory_space<semaphore_mem>>)
        %slice3A_1588 = vector.extract_strided_slice %get3A_1545 {offsets = [1], sizes = [1], strides = [1]} : vector<16xi32> to vector<1xi32>
        %squeeze3A_1589 = vector.extract %slice3A_1588[0] : i32 from vector<1xi32>
        %jit3A_1590 = arith.constant 128 : i32
        %div3A_1591 = arith.divsi %squeeze3A_1589, %jit3A_1590 : i32
        %sign3A_1592 = arith.constant 0 : i32
        %sign3A_1593 = arith.cmpi sgt, %squeeze3A_1589, %sign3A_1592 : i32
        %sign3A_1594 = arith.extui %sign3A_1593 : i1 to i32
        %sign3A_1595 = arith.constant 0 : i32
        %sign3A_1596 = arith.cmpi slt, %squeeze3A_1589, %sign3A_1595 : i32
        %sign3A_1597 = arith.extui %sign3A_1596 : i1 to i32
        %sign3A_1598 = arith.subi %sign3A_1594, %sign3A_1597 : i32
        %sign3A_1599 = arith.constant 0 : i32
        %sign3A_1600 = arith.cmpi sgt, %jit3A_1590, %sign3A_1599 : i32
        %sign3A_1601 = arith.extui %sign3A_1600 : i1 to i32
        %sign3A_1602 = arith.constant 0 : i32
        %sign3A_1603 = arith.cmpi slt, %jit3A_1590, %sign3A_1602 : i32
        %sign3A_1604 = arith.extui %sign3A_1603 : i1 to i32
        %sign3A_1605 = arith.subi %sign3A_1601, %sign3A_1604 : i32
        %ne3A_1606 = arith.cmpi ne, %sign3A_1598, %sign3A_1605 : i32
        %rem3A_1607 = arith.remsi %squeeze3A_1589, %jit3A_1590 : i32
        %ne3A_1608 = arith.constant 0 : i32
        %ne3A_1609 = arith.cmpi ne, %rem3A_1607, %ne3A_1608 : i32
        %and3A_1610 = arith.andi %ne3A_1606, %ne3A_1609 : i1
        %sub3A_1611 = arith.constant 1 : i32
        %sub3A_1612 = arith.subi %div3A_1591, %sub3A_1611 : i32
        %select_n3A_1613 = arith.select %and3A_1610, %sub3A_1612, %div3A_1591 : i32
        %mul3A_1614 = arith.constant 128 : i32
        %mul3A_1615 = arith.muli %select_n3A_1613, %mul3A_1614 : i32
        %multiple_of3A_1616 = tpu.assume_multiple %mul3A_1615, 128 : i32
        %dma_start3A_1617 = arith.constant 1 : i32
        %dma_start3A_1618 = arith.constant 0 : i32
        %dma_start3A_1619 = arith.constant 0 : i32
        %dma_start3A_1620 = tpu.memref_slice %arg6[%dma_start3A_1617, %dma_start3A_1618, %dma_start3A_1619] : memref<24x32x128xf32, #tpu.memory_space<vmem>> -> memref<1x32x128xf32, #tpu.memory_space<vmem>>
        %dma_start3A_1621 = tpu.memref_squeeze %dma_start3A_1620 : memref<1x32x128xf32, #tpu.memory_space<vmem>> -> memref<32x128xf32, #tpu.memory_space<vmem>>
        %dma_start3A_1622 = arith.constant 0 : i32
        %dma_start3A_1623 = tpu.memref_slice %arg2[%dma_start3A_1622, %multiple_of3A_1616] : memref<32x1000000xf32, #tpu.memory_space<hbm>> -> memref<32x128xf32, #tpu.memory_space<hbm>>
        %dma_start3A_1624 = arith.constant 0 : i32
        %dma_start3A_1625 = arith.constant 0 : i32
        %dma_start3A_1626 = tpu.memref_slice %arg6[%dma_start3A_1617, %dma_start3A_1624, %dma_start3A_1625] : memref<24x32x128xf32, #tpu.memory_space<vmem>> -> memref<1x32x128xf32, #tpu.memory_space<vmem>>
        %dma_start3A_1627 = tpu.memref_squeeze %dma_start3A_1626 : memref<1x32x128xf32, #tpu.memory_space<vmem>> -> memref<32x128xf32, #tpu.memory_space<vmem>>
        %dma_start3A_1628 = arith.constant 0 : i32
        %dma_start3A_1629 = tpu.memref_slice %arg2[%dma_start3A_1628, %multiple_of3A_1616] : memref<32x1000000xf32, #tpu.memory_space<hbm>> -> memref<32x128xf32, #tpu.memory_space<hbm>>
        tpu.enqueue_dma source(%dma_start3A_1629 : memref<32x128xf32, #tpu.memory_space<hbm>>) target(%dma_start3A_1627 : memref<32x128xf32, #tpu.memory_space<vmem>>) target_semaphore(%arg8 : memref<!tpu.dma_semaphore, #tpu.memory_space<semaphore_mem>>)
        %slice3A_1630 = vector.extract_strided_slice %get3A_1545 {offsets = [2], sizes = [1], strides = [1]} : vector<16xi32> to vector<1xi32>
        %squeeze3A_1631 = vector.extract %slice3A_1630[0] : i32 from vector<1xi32>
        %jit3A_1632 = arith.constant 128 : i32
        %div3A_1633 = arith.divsi %squeeze3A_1631, %jit3A_1632 : i32
        %sign3A_1634 = arith.constant 0 : i32
        %sign3A_1635 = arith.cmpi sgt, %squeeze3A_1631, %sign3A_1634 : i32
        %sign3A_1636 = arith.extui %sign3A_1635 : i1 to i32
        %sign3A_1637 = arith.constant 0 : i32
        %sign3A_1638 = arith.cmpi slt, %squeeze3A_1631, %sign3A_1637 : i32
        %sign3A_1639 = arith.extui %sign3A_1638 : i1 to i32
        %sign3A_1640 = arith.subi %sign3A_1636, %sign3A_1639 : i32
        %sign3A_1641 = arith.constant 0 : i32
        %sign3A_1642 = arith.cmpi sgt, %jit3A_1632, %sign3A_1641 : i32
        %sign3A_1643 = arith.extui %sign3A_1642 : i1 to i32
        %sign3A_1644 = arith.constant 0 : i32
        %sign3A_1645 = arith.cmpi slt, %jit3A_1632, %sign3A_1644 : i32
        %sign3A_1646 = arith.extui %sign3A_1645 : i1 to i32
        %sign3A_1647 = arith.subi %sign3A_1643, %sign3A_1646 : i32
        %ne3A_1648 = arith.cmpi ne, %sign3A_1640, %sign3A_1647 : i32
        %rem3A_1649 = arith.remsi %squeeze3A_1631, %jit3A_1632 : i32
        %ne3A_1650 = arith.constant 0 : i32
        %ne3A_1651 = arith.cmpi ne, %rem3A_1649, %ne3A_1650 : i32
        %and3A_1652 = arith.andi %ne3A_1648, %ne3A_1651 : i1
        %sub3A_1653 = arith.constant 1 : i32
        %sub3A_1654 = arith.subi %div3A_1633, %sub3A_1653 : i32
        %select_n3A_1655 = arith.select %and3A_1652, %sub3A_1654, %div3A_1633 : i32
        %mul3A_1656 = arith.constant 128 : i32
        %mul3A_1657 = arith.muli %select_n3A_1655, %mul3A_1656 : i32
        %multiple_of3A_1658 = tpu.assume_multiple %mul3A_1657, 128 : i32
        %dma_start3A_1659 = arith.constant 2 : i32
        %dma_start3A_1660 = arith.constant 0 : i32
        %dma_start3A_1661 = arith.constant 0 : i32
        %dma_start3A_1662 = tpu.memref_slice %arg6[%dma_start3A_1659, %dma_start3A_1660, %dma_start3A_1661] : memref<24x32x128xf32, #tpu.memory_space<vmem>> -> memref<1x32x128xf32, #tpu.memory_space<vmem>>
        %dma_start3A_1663 = tpu.memref_squeeze %dma_start3A_1662 : memref<1x32x128xf32, #tpu.memory_space<vmem>> -> memref<32x128xf32, #tpu.memory_space<vmem>>
        %dma_start3A_1664 = arith.constant 0 : i32
        %dma_start3A_1665 = tpu.memref_slice %arg2[%dma_start3A_1664, %multiple_of3A_1658] : memref<32x1000000xf32, #tpu.memory_space<hbm>> -> memref<32x128xf32, #tpu.memory_space<hbm>>
        %dma_start3A_1666 = arith.constant 0 : i32
        %dma_start3A_1667 = arith.constant 0 : i32
        %dma_start3A_1668 = tpu.memref_slice %arg6[%dma_start3A_1659, %dma_start3A_1666, %dma_start3A_1667] : memref<24x32x128xf32, #tpu.memory_space<vmem>> -> memref<1x32x128xf32, #tpu.memory_space<vmem>>
        %dma_start3A_1669 = tpu.memref_squeeze %dma_start3A_1668 : memref<1x32x128xf32, #tpu.memory_space<vmem>> -> memref<32x128xf32, #tpu.memory_space<vmem>>
        %dma_start3A_1670 = arith.constant 0 : i32
        %dma_start3A_1671 = tpu.memref_slice %arg2[%dma_start3A_1670, %multiple_of3A_1658] : memref<32x1000000xf32, #tpu.memory_space<hbm>> -> memref<32x128xf32, #tpu.memory_space<hbm>>
        tpu.enqueue_dma source(%dma_start3A_1671 : memref<32x128xf32, #tpu.memory_space<hbm>>) target(%dma_start3A_1669 : memref<32x128xf32, #tpu.memory_space<vmem>>) target_semaphore(%arg8 : memref<!tpu.dma_semaphore, #tpu.memory_space<semaphore_mem>>)
        %slice3A_1672 = vector.extract_strided_slice %get3A_1545 {offsets = [3], sizes = [1], strides = [1]} : vector<16xi32> to vector<1xi32>
        %squeeze3A_1673 = vector.extract %slice3A_1672[0] : i32 from vector<1xi32>
        %jit3A_1674 = arith.constant 128 : i32
        %div3A_1675 = arith.divsi %squeeze3A_1673, %jit3A_1674 : i32
        %sign3A_1676 = arith.constant 0 : i32
        %sign3A_1677 = arith.cmpi sgt, %squeeze3A_1673, %sign3A_1676 : i32
        %sign3A_1678 = arith.extui %sign3A_1677 : i1 to i32
        %sign3A_1679 = arith.constant 0 : i32
        %sign3A_1680 = arith.cmpi slt, %squeeze3A_1673, %sign3A_1679 : i32
        %sign3A_1681 = arith.extui %sign3A_1680 : i1 to i32
        %sign3A_1682 = arith.subi %sign3A_1678, %sign3A_1681 : i32
        %sign3A_1683 = arith.constant 0 : i32
        %sign3A_1684 = arith.cmpi sgt, %jit3A_1674, %sign3A_1683 : i32
        %sign3A_1685 = arith.extui %sign3A_1684 : i1 to i32
        %sign3A_1686 = arith.constant 0 : i32
        %sign3A_1687 = arith.cmpi slt, %jit3A_1674, %sign3A_1686 : i32
        %sign3A_1688 = arith.extui %sign3A_1687 : i1 to i32
        %sign3A_1689 = arith.subi %sign3A_1685, %sign3A_1688 : i32
        %ne3A_1690 = arith.cmpi ne, %sign3A_1682, %sign3A_1689 : i32
        %rem3A_1691 = arith.remsi %squeeze3A_1673, %jit3A_1674 : i32
        %ne3A_1692 = arith.constant 0 : i32
        %ne3A_1693 = arith.cmpi ne, %rem3A_1691, %ne3A_1692 : i32
        %and3A_1694 = arith.andi %ne3A_1690, %ne3A_1693 : i1
        %sub3A_1695 = arith.constant 1 : i32
        %sub3A_1696 = arith.subi %div3A_1675, %sub3A_1695 : i32
        %select_n3A_1697 = arith.select %and3A_1694, %sub3A_1696, %div3A_1675 : i32
        %mul3A_1698 = arith.constant 128 : i32
        %mul3A_1699 = arith.muli %select_n3A_1697, %mul3A_1698 : i32
        %multiple_of3A_1700 = tpu.assume_multiple %mul3A_1699, 128 : i32
        %dma_start3A_1701 = arith.constant 3 : i32
        %dma_start3A_1702 = arith.constant 0 : i32
        %dma_start3A_1703 = arith.constant 0 : i32
        %dma_start3A_1704 = tpu.memref_slice %arg6[%dma_start3A_1701, %dma_start3A_1702, %dma_start3A_1703] : memref<24x32x128xf32, #tpu.memory_space<vmem>> -> memref<1x32x128xf32, #tpu.memory_space<vmem>>
        %dma_start3A_1705 = tpu.memref_squeeze %dma_start3A_1704 : memref<1x32x128xf32, #tpu.memory_space<vmem>> -> memref<32x128xf32, #tpu.memory_space<vmem>>
        %dma_start3A_1706 = arith.constant 0 : i32
        %dma_start3A_1707 = tpu.memref_slice %arg2[%dma_start3A_1706, %multiple_of3A_1700] : memref<32x1000000xf32, #tpu.memory_space<hbm>> -> memref<32x128xf32, #tpu.memory_space<hbm>>
        %dma_start3A_1708 = arith.constant 0 : i32
        %dma_start3A_1709 = arith.constant 0 : i32
        %dma_start3A_1710 = tpu.memref_slice %arg6[%dma_start3A_1701, %dma_start3A_1708, %dma_start3A_1709] : memref<24x32x128xf32, #tpu.memory_space<vmem>> -> memref<1x32x128xf32, #tpu.memory_space<vmem>>
        %dma_start3A_1711 = tpu.memref_squeeze %dma_start3A_1710 : memref<1x32x128xf32, #tpu.memory_space<vmem>> -> memref<32x128xf32, #tpu.memory_space<vmem>>
        %dma_start3A_1712 = arith.constant 0 : i32
        %dma_start3A_1713 = tpu.memref_slice %arg2[%dma_start3A_1712, %multiple_of3A_1700] : memref<32x1000000xf32, #tpu.memory_space<hbm>> -> memref<32x128xf32, #tpu.memory_space<hbm>>
        tpu.enqueue_dma source(%dma_start3A_1713 : memref<32x128xf32, #tpu.memory_space<hbm>>) target(%dma_start3A_1711 : memref<32x128xf32, #tpu.memory_space<vmem>>) target_semaphore(%arg8 : memref<!tpu.dma_semaphore, #tpu.memory_space<semaphore_mem>>)
        %slice3A_1714 = vector.extract_strided_slice %get3A_1545 {offsets = [4], sizes = [1], strides = [1]} : vector<16xi32> to vector<1xi32>
        %squeeze3A_1715 = vector.extract %slice3A_1714[0] : i32 from vector<1xi32>
        %jit3A_1716 = arith.constant 128 : i32
        %div3A_1717 = arith.divsi %squeeze3A_1715, %jit3A_1716 : i32
        %sign3A_1718 = arith.constant 0 : i32
        %sign3A_1719 = arith.cmpi sgt, %squeeze3A_1715, %sign3A_1718 : i32
        %sign3A_1720 = arith.extui %sign3A_1719 : i1 to i32
        %sign3A_1721 = arith.constant 0 : i32
        %sign3A_1722 = arith.cmpi slt, %squeeze3A_1715, %sign3A_1721 : i32
        %sign3A_1723 = arith.extui %sign3A_1722 : i1 to i32
        %sign3A_1724 = arith.subi %sign3A_1720, %sign3A_1723 : i32
        %sign3A_1725 = arith.constant 0 : i32
        %sign3A_1726 = arith.cmpi sgt, %jit3A_1716, %sign3A_1725 : i32
        %sign3A_1727 = arith.extui %sign3A_1726 : i1 to i32
        %sign3A_1728 = arith.constant 0 : i32
        %sign3A_1729 = arith.cmpi slt, %jit3A_1716, %sign3A_1728 : i32
        %sign3A_1730 = arith.extui %sign3A_1729 : i1 to i32
        %sign3A_1731 = arith.subi %sign3A_1727, %sign3A_1730 : i32
        %ne3A_1732 = arith.cmpi ne, %sign3A_1724, %sign3A_1731 : i32
        %rem3A_1733 = arith.remsi %squeeze3A_1715, %jit3A_1716 : i32
        %ne3A_1734 = arith.constant 0 : i32
        %ne3A_1735 = arith.cmpi ne, %rem3A_1733, %ne3A_1734 : i32
        %and3A_1736 = arith.andi %ne3A_1732, %ne3A_1735 : i1
        %sub3A_1737 = arith.constant 1 : i32
        %sub3A_1738 = arith.subi %div3A_1717, %sub3A_1737 : i32
        %select_n3A_1739 = arith.select %and3A_1736, %sub3A_1738, %div3A_1717 : i32
        %mul3A_1740 = arith.constant 128 : i32
        %mul3A_1741 = arith.muli %select_n3A_1739, %mul3A_1740 : i32
        %multiple_of3A_1742 = tpu.assume_multiple %mul3A_1741, 128 : i32
        %dma_start3A_1743 = arith.constant 4 : i32
        %dma_start3A_1744 = arith.constant 0 : i32
        %dma_start3A_1745 = arith.constant 0 : i32
        %dma_start3A_1746 = tpu.memref_slice %arg6[%dma_start3A_1743, %dma_start3A_1744, %dma_start3A_1745] : memref<24x32x128xf32, #tpu.memory_space<vmem>> -> memref<1x32x128xf32, #tpu.memory_space<vmem>>
        %dma_start3A_1747 = tpu.memref_squeeze %dma_start3A_1746 : memref<1x32x128xf32, #tpu.memory_space<vmem>> -> memref<32x128xf32, #tpu.memory_space<vmem>>
        %dma_start3A_1748 = arith.constant 0 : i32
        %dma_start3A_1749 = tpu.memref_slice %arg2[%dma_start3A_1748, %multiple_of3A_1742] : memref<32x1000000xf32, #tpu.memory_space<hbm>> -> memref<32x128xf32, #tpu.memory_space<hbm>>
        %dma_start3A_1750 = arith.constant 0 : i32
        %dma_start3A_1751 = arith.constant 0 : i32
        %dma_start3A_1752 = tpu.memref_slice %arg6[%dma_start3A_1743, %dma_start3A_1750, %dma_start3A_1751] : memref<24x32x128xf32, #tpu.memory_space<vmem>> -> memref<1x32x128xf32, #tpu.memory_space<vmem>>
        %dma_start3A_1753 = tpu.memref_squeeze %dma_start3A_1752 : memref<1x32x128xf32, #tpu.memory_space<vmem>> -> memref<32x128xf32, #tpu.memory_space<vmem>>
        %dma_start3A_1754 = arith.constant 0 : i32
        %dma_start3A_1755 = tpu.memref_slice %arg2[%dma_start3A_1754, %multiple_of3A_1742] : memref<32x1000000xf32, #tpu.memory_space<hbm>> -> memref<32x128xf32, #tpu.memory_space<hbm>>
        tpu.enqueue_dma source(%dma_start3A_1755 : memref<32x128xf32, #tpu.memory_space<hbm>>) target(%dma_start3A_1753 : memref<32x128xf32, #tpu.memory_space<vmem>>) target_semaphore(%arg8 : memref<!tpu.dma_semaphore, #tpu.memory_space<semaphore_mem>>)
        %slice3A_1756 = vector.extract_strided_slice %get3A_1545 {offsets = [5], sizes = [1], strides = [1]} : vector<16xi32> to vector<1xi32>
        %squeeze3A_1757 = vector.extract %slice3A_1756[0] : i32 from vector<1xi32>
        %jit3A_1758 = arith.constant 128 : i32
        %div3A_1759 = arith.divsi %squeeze3A_1757, %jit3A_1758 : i32
        %sign3A_1760 = arith.constant 0 : i32
        %sign3A_1761 = arith.cmpi sgt, %squeeze3A_1757, %sign3A_1760 : i32
        %sign3A_1762 = arith.extui %sign3A_1761 : i1 to i32
        %sign3A_1763 = arith.constant 0 : i32
        %sign3A_1764 = arith.cmpi slt, %squeeze3A_1757, %sign3A_1763 : i32
        %sign3A_1765 = arith.extui %sign3A_1764 : i1 to i32
        %sign3A_1766 = arith.subi %sign3A_1762, %sign3A_1765 : i32
        %sign3A_1767 = arith.constant 0 : i32
        %sign3A_1768 = arith.cmpi sgt, %jit3A_1758, %sign3A_1767 : i32
        %sign3A_1769 = arith.extui %sign3A_1768 : i1 to i32
        %sign3A_1770 = arith.constant 0 : i32
        %sign3A_1771 = arith.cmpi slt, %jit3A_1758, %sign3A_1770 : i32
        %sign3A_1772 = arith.extui %sign3A_1771 : i1 to i32
        %sign3A_1773 = arith.subi %sign3A_1769, %sign3A_1772 : i32
        %ne3A_1774 = arith.cmpi ne, %sign3A_1766, %sign3A_1773 : i32
        %rem3A_1775 = arith.remsi %squeeze3A_1757, %jit3A_1758 : i32
        %ne3A_1776 = arith.constant 0 : i32
        %ne3A_1777 = arith.cmpi ne, %rem3A_1775, %ne3A_1776 : i32
        %and3A_1778 = arith.andi %ne3A_1774, %ne3A_1777 : i1
        %sub3A_1779 = arith.constant 1 : i32
        %sub3A_1780 = arith.subi %div3A_1759, %sub3A_1779 : i32
        %select_n3A_1781 = arith.select %and3A_1778, %sub3A_1780, %div3A_1759 : i32
        %mul3A_1782 = arith.constant 128 : i32
        %mul3A_1783 = arith.muli %select_n3A_1781, %mul3A_1782 : i32
        %multiple_of3A_1784 = tpu.assume_multiple %mul3A_1783, 128 : i32
        %dma_start3A_1785 = arith.constant 5 : i32
        %dma_start3A_1786 = arith.constant 0 : i32
        %dma_start3A_1787 = arith.constant 0 : i32
        %dma_start3A_1788 = tpu.memref_slice %arg6[%dma_start3A_1785, %dma_start3A_1786, %dma_start3A_1787] : memref<24x32x128xf32, #tpu.memory_space<vmem>> -> memref<1x32x128xf32, #tpu.memory_space<vmem>>
        %dma_start3A_1789 = tpu.memref_squeeze %dma_start3A_1788 : memref<1x32x128xf32, #tpu.memory_space<vmem>> -> memref<32x128xf32, #tpu.memory_space<vmem>>
        %dma_start3A_1790 = arith.constant 0 : i32
        %dma_start3A_1791 = tpu.memref_slice %arg2[%dma_start3A_1790, %multiple_of3A_1784] : memref<32x1000000xf32, #tpu.memory_space<hbm>> -> memref<32x128xf32, #tpu.memory_space<hbm>>
        %dma_start3A_1792 = arith.constant 0 : i32
        %dma_start3A_1793 = arith.constant 0 : i32
        %dma_start3A_1794 = tpu.memref_slice %arg6[%dma_start3A_1785, %dma_start3A_1792, %dma_start3A_1793] : memref<24x32x128xf32, #tpu.memory_space<vmem>> -> memref<1x32x128xf32, #tpu.memory_space<vmem>>
        %dma_start3A_1795 = tpu.memref_squeeze %dma_start3A_1794 : memref<1x32x128xf32, #tpu.memory_space<vmem>> -> memref<32x128xf32, #tpu.memory_space<vmem>>
        %dma_start3A_1796 = arith.constant 0 : i32
        %dma_start3A_1797 = tpu.memref_slice %arg2[%dma_start3A_1796, %multiple_of3A_1784] : memref<32x1000000xf32, #tpu.memory_space<hbm>> -> memref<32x128xf32, #tpu.memory_space<hbm>>
        tpu.enqueue_dma source(%dma_start3A_1797 : memref<32x128xf32, #tpu.memory_space<hbm>>) target(%dma_start3A_1795 : memref<32x128xf32, #tpu.memory_space<vmem>>) target_semaphore(%arg8 : memref<!tpu.dma_semaphore, #tpu.memory_space<semaphore_mem>>)
        %slice3A_1798 = vector.extract_strided_slice %get3A_1545 {offsets = [6], sizes = [1], strides = [1]} : vector<16xi32> to vector<1xi32>
        %squeeze3A_1799 = vector.extract %slice3A_1798[0] : i32 from vector<1xi32>
        %jit3A_1800 = arith.constant 128 : i32
        %div3A_1801 = arith.divsi %squeeze3A_1799, %jit3A_1800 : i32
        %sign3A_1802 = arith.constant 0 : i32
        %sign3A_1803 = arith.cmpi sgt, %squeeze3A_1799, %sign3A_1802 : i32
        %sign3A_1804 = arith.extui %sign3A_1803 : i1 to i32
        %sign3A_1805 = arith.constant 0 : i32
        %sign3A_1806 = arith.cmpi slt, %squeeze3A_1799, %sign3A_1805 : i32
        %sign3A_1807 = arith.extui %sign3A_1806 : i1 to i32
        %sign3A_1808 = arith.subi %sign3A_1804, %sign3A_1807 : i32
        %sign3A_1809 = arith.constant 0 : i32
        %sign3A_1810 = arith.cmpi sgt, %jit3A_1800, %sign3A_1809 : i32
        %sign3A_1811 = arith.extui %sign3A_1810 : i1 to i32
        %sign3A_1812 = arith.constant 0 : i32
        %sign3A_1813 = arith.cmpi slt, %jit3A_1800, %sign3A_1812 : i32
        %sign3A_1814 = arith.extui %sign3A_1813 : i1 to i32
        %sign3A_1815 = arith.subi %sign3A_1811, %sign3A_1814 : i32
        %ne3A_1816 = arith.cmpi ne, %sign3A_1808, %sign3A_1815 : i32
        %rem3A_1817 = arith.remsi %squeeze3A_1799, %jit3A_1800 : i32
        %ne3A_1818 = arith.constant 0 : i32
        %ne3A_1819 = arith.cmpi ne, %rem3A_1817, %ne3A_1818 : i32
        %and3A_1820 = arith.andi %ne3A_1816, %ne3A_1819 : i1
        %sub3A_1821 = arith.constant 1 : i32
        %sub3A_1822 = arith.subi %div3A_1801, %sub3A_1821 : i32
        %select_n3A_1823 = arith.select %and3A_1820, %sub3A_1822, %div3A_1801 : i32
        %mul3A_1824 = arith.constant 128 : i32
        %mul3A_1825 = arith.muli %select_n3A_1823, %mul3A_1824 : i32
        %multiple_of3A_1826 = tpu.assume_multiple %mul3A_1825, 128 : i32
        %dma_start3A_1827 = arith.constant 6 : i32
        %dma_start3A_1828 = arith.constant 0 : i32
        %dma_start3A_1829 = arith.constant 0 : i32
        %dma_start3A_1830 = tpu.memref_slice %arg6[%dma_start3A_1827, %dma_start3A_1828, %dma_start3A_1829] : memref<24x32x128xf32, #tpu.memory_space<vmem>> -> memref<1x32x128xf32, #tpu.memory_space<vmem>>
        %dma_start3A_1831 = tpu.memref_squeeze %dma_start3A_1830 : memref<1x32x128xf32, #tpu.memory_space<vmem>> -> memref<32x128xf32, #tpu.memory_space<vmem>>
        %dma_start3A_1832 = arith.constant 0 : i32
        %dma_start3A_1833 = tpu.memref_slice %arg2[%dma_start3A_1832, %multiple_of3A_1826] : memref<32x1000000xf32, #tpu.memory_space<hbm>> -> memref<32x128xf32, #tpu.memory_space<hbm>>
        %dma_start3A_1834 = arith.constant 0 : i32
        %dma_start3A_1835 = arith.constant 0 : i32
        %dma_start3A_1836 = tpu.memref_slice %arg6[%dma_start3A_1827, %dma_start3A_1834, %dma_start3A_1835] : memref<24x32x128xf32, #tpu.memory_space<vmem>> -> memref<1x32x128xf32, #tpu.memory_space<vmem>>
        %dma_start3A_1837 = tpu.memref_squeeze %dma_start3A_1836 : memref<1x32x128xf32, #tpu.memory_space<vmem>> -> memref<32x128xf32, #tpu.memory_space<vmem>>
        %dma_start3A_1838 = arith.constant 0 : i32
        %dma_start3A_1839 = tpu.memref_slice %arg2[%dma_start3A_1838, %multiple_of3A_1826] : memref<32x1000000xf32, #tpu.memory_space<hbm>> -> memref<32x128xf32, #tpu.memory_space<hbm>>
        tpu.enqueue_dma source(%dma_start3A_1839 : memref<32x128xf32, #tpu.memory_space<hbm>>) target(%dma_start3A_1837 : memref<32x128xf32, #tpu.memory_space<vmem>>) target_semaphore(%arg8 : memref<!tpu.dma_semaphore, #tpu.memory_space<semaphore_mem>>)
        %slice3A_1840 = vector.extract_strided_slice %get3A_1545 {offsets = [7], sizes = [1], strides = [1]} : vector<16xi32> to vector<1xi32>
        %squeeze3A_1841 = vector.extract %slice3A_1840[0] : i32 from vector<1xi32>
        %jit3A_1842 = arith.constant 128 : i32
        %div3A_1843 = arith.divsi %squeeze3A_1841, %jit3A_1842 : i32
        %sign3A_1844 = arith.constant 0 : i32
        %sign3A_1845 = arith.cmpi sgt, %squeeze3A_1841, %sign3A_1844 : i32
        %sign3A_1846 = arith.extui %sign3A_1845 : i1 to i32
        %sign3A_1847 = arith.constant 0 : i32
        %sign3A_1848 = arith.cmpi slt, %squeeze3A_1841, %sign3A_1847 : i32
        %sign3A_1849 = arith.extui %sign3A_1848 : i1 to i32
        %sign3A_1850 = arith.subi %sign3A_1846, %sign3A_1849 : i32
        %sign3A_1851 = arith.constant 0 : i32
        %sign3A_1852 = arith.cmpi sgt, %jit3A_1842, %sign3A_1851 : i32
        %sign3A_1853 = arith.extui %sign3A_1852 : i1 to i32
        %sign3A_1854 = arith.constant 0 : i32
        %sign3A_1855 = arith.cmpi slt, %jit3A_1842, %sign3A_1854 : i32
        %sign3A_1856 = arith.extui %sign3A_1855 : i1 to i32
        %sign3A_1857 = arith.subi %sign3A_1853, %sign3A_1856 : i32
        %ne3A_1858 = arith.cmpi ne, %sign3A_1850, %sign3A_1857 : i32
        %rem3A_1859 = arith.remsi %squeeze3A_1841, %jit3A_1842 : i32
        %ne3A_1860 = arith.constant 0 : i32
        %ne3A_1861 = arith.cmpi ne, %rem3A_1859, %ne3A_1860 : i32
        %and3A_1862 = arith.andi %ne3A_1858, %ne3A_1861 : i1
        %sub3A_1863 = arith.constant 1 : i32
        %sub3A_1864 = arith.subi %div3A_1843, %sub3A_1863 : i32
        %select_n3A_1865 = arith.select %and3A_1862, %sub3A_1864, %div3A_1843 : i32
        %mul3A_1866 = arith.constant 128 : i32
        %mul3A_1867 = arith.muli %select_n3A_1865, %mul3A_1866 : i32
        %multiple_of3A_1868 = tpu.assume_multiple %mul3A_1867, 128 : i32
        %dma_start3A_1869 = arith.constant 7 : i32
        %dma_start3A_1870 = arith.constant 0 : i32
        %dma_start3A_1871 = arith.constant 0 : i32
        %dma_start3A_1872 = tpu.memref_slice %arg6[%dma_start3A_1869, %dma_start3A_1870, %dma_start3A_1871] : memref<24x32x128xf32, #tpu.memory_space<vmem>> -> memref<1x32x128xf32, #tpu.memory_space<vmem>>
        %dma_start3A_1873 = tpu.memref_squeeze %dma_start3A_1872 : memref<1x32x128xf32, #tpu.memory_space<vmem>> -> memref<32x128xf32, #tpu.memory_space<vmem>>
        %dma_start3A_1874 = arith.constant 0 : i32
        %dma_start3A_1875 = tpu.memref_slice %arg2[%dma_start3A_1874, %multiple_of3A_1868] : memref<32x1000000xf32, #tpu.memory_space<hbm>> -> memref<32x128xf32, #tpu.memory_space<hbm>>
        %dma_start3A_1876 = arith.constant 0 : i32
        %dma_start3A_1877 = arith.constant 0 : i32
        %dma_start3A_1878 = tpu.memref_slice %arg6[%dma_start3A_1869, %dma_start3A_1876, %dma_start3A_1877] : memref<24x32x128xf32, #tpu.memory_space<vmem>> -> memref<1x32x128xf32, #tpu.memory_space<vmem>>
        %dma_start3A_1879 = tpu.memref_squeeze %dma_start3A_1878 : memref<1x32x128xf32, #tpu.memory_space<vmem>> -> memref<32x128xf32, #tpu.memory_space<vmem>>
        %dma_start3A_1880 = arith.constant 0 : i32
        %dma_start3A_1881 = tpu.memref_slice %arg2[%dma_start3A_1880, %multiple_of3A_1868] : memref<32x1000000xf32, #tpu.memory_space<hbm>> -> memref<32x128xf32, #tpu.memory_space<hbm>>
        tpu.enqueue_dma source(%dma_start3A_1881 : memref<32x128xf32, #tpu.memory_space<hbm>>) target(%dma_start3A_1879 : memref<32x128xf32, #tpu.memory_space<vmem>>) target_semaphore(%arg8 : memref<!tpu.dma_semaphore, #tpu.memory_space<semaphore_mem>>)
      } else {
      }
      %dma_wait3A_1133 = arith.constant 8 : i32
      %dma_wait3A_1134 = arith.constant 0 : i32
      %dma_wait3A_1135 = arith.constant 0 : i32
      %dma_wait3A_1136 = tpu.memref_slice %arg6[%dma_wait3A_1133, %dma_wait3A_1134, %dma_wait3A_1135] : memref<24x32x128xf32, #tpu.memory_space<vmem>> -> memref<1x32x128xf32, #tpu.memory_space<vmem>>
      %dma_wait3A_1137 = tpu.memref_squeeze %dma_wait3A_1136 : memref<1x32x128xf32, #tpu.memory_space<vmem>> -> memref<32x128xf32, #tpu.memory_space<vmem>>
      %dma_wait3A_1138 = arith.constant 0 : i32
      %dma_wait3A_1139 = arith.constant 0 : i32
      %dma_wait3A_1140 = tpu.memref_slice %arg2[%dma_wait3A_1138, %dma_wait3A_1139] : memref<32x1000000xf32, #tpu.memory_space<hbm>> -> memref<32x128xf32, #tpu.memory_space<hbm>>
      %dma_wait3A_1141 = arith.constant 0 : i32
      %dma_wait3A_1142 = arith.constant 0 : i32
      %dma_wait3A_1143 = tpu.memref_slice %arg6[%dma_wait3A_1133, %dma_wait3A_1141, %dma_wait3A_1142] : memref<24x32x128xf32, #tpu.memory_space<vmem>> -> memref<1x32x128xf32, #tpu.memory_space<vmem>>
      %dma_wait3A_1144 = tpu.memref_squeeze %dma_wait3A_1143 : memref<1x32x128xf32, #tpu.memory_space<vmem>> -> memref<32x128xf32, #tpu.memory_space<vmem>>
      %dma_wait3A_1145 = arith.constant 0 : i32
      %dma_wait3A_1146 = arith.constant 0 : i32
      %dma_wait3A_1147 = tpu.memref_slice %arg2[%dma_wait3A_1145, %dma_wait3A_1146] : memref<32x1000000xf32, #tpu.memory_space<hbm>> -> memref<32x128xf32, #tpu.memory_space<hbm>>
      tpu.wait_dma2 semaphore(%arg9 : memref<!tpu.dma_semaphore, #tpu.memory_space<semaphore_mem>>) src(%dma_wait3A_1147 : memref<32x128xf32, #tpu.memory_space<hbm>>) dst(%dma_wait3A_1144 : memref<32x128xf32, #tpu.memory_space<vmem>>)
      %dma_wait3A_1148 = arith.constant 9 : i32
      %dma_wait3A_1149 = arith.constant 0 : i32
      %dma_wait3A_1150 = arith.constant 0 : i32
      %dma_wait3A_1151 = tpu.memref_slice %arg6[%dma_wait3A_1148, %dma_wait3A_1149, %dma_wait3A_1150] : memref<24x32x128xf32, #tpu.memory_space<vmem>> -> memref<1x32x128xf32, #tpu.memory_space<vmem>>
      %dma_wait3A_1152 = tpu.memref_squeeze %dma_wait3A_1151 : memref<1x32x128xf32, #tpu.memory_space<vmem>> -> memref<32x128xf32, #tpu.memory_space<vmem>>
      %dma_wait3A_1153 = arith.constant 0 : i32
      %dma_wait3A_1154 = arith.constant 0 : i32
      %dma_wait3A_1155 = tpu.memref_slice %arg2[%dma_wait3A_1153, %dma_wait3A_1154] : memref<32x1000000xf32, #tpu.memory_space<hbm>> -> memref<32x128xf32, #tpu.memory_space<hbm>>
      %dma_wait3A_1156 = arith.constant 0 : i32
      %dma_wait3A_1157 = arith.constant 0 : i32
      %dma_wait3A_1158 = tpu.memref_slice %arg6[%dma_wait3A_1148, %dma_wait3A_1156, %dma_wait3A_1157] : memref<24x32x128xf32, #tpu.memory_space<vmem>> -> memref<1x32x128xf32, #tpu.memory_space<vmem>>
      %dma_wait3A_1159 = tpu.memref_squeeze %dma_wait3A_1158 : memref<1x32x128xf32, #tpu.memory_space<vmem>> -> memref<32x128xf32, #tpu.memory_space<vmem>>
      %dma_wait3A_1160 = arith.constant 0 : i32
      %dma_wait3A_1161 = arith.constant 0 : i32
      %dma_wait3A_1162 = tpu.memref_slice %arg2[%dma_wait3A_1160, %dma_wait3A_1161] : memref<32x1000000xf32, #tpu.memory_space<hbm>> -> memref<32x128xf32, #tpu.memory_space<hbm>>
      tpu.wait_dma2 semaphore(%arg9 : memref<!tpu.dma_semaphore, #tpu.memory_space<semaphore_mem>>) src(%dma_wait3A_1162 : memref<32x128xf32, #tpu.memory_space<hbm>>) dst(%dma_wait3A_1159 : memref<32x128xf32, #tpu.memory_space<vmem>>)
      %dma_wait3A_1163 = arith.constant 10 : i32
      %dma_wait3A_1164 = arith.constant 0 : i32
      %dma_wait3A_1165 = arith.constant 0 : i32
      %dma_wait3A_1166 = tpu.memref_slice %arg6[%dma_wait3A_1163, %dma_wait3A_1164, %dma_wait3A_1165] : memref<24x32x128xf32, #tpu.memory_space<vmem>> -> memref<1x32x128xf32, #tpu.memory_space<vmem>>
      %dma_wait3A_1167 = tpu.memref_squeeze %dma_wait3A_1166 : memref<1x32x128xf32, #tpu.memory_space<vmem>> -> memref<32x128xf32, #tpu.memory_space<vmem>>
      %dma_wait3A_1168 = arith.constant 0 : i32
      %dma_wait3A_1169 = arith.constant 0 : i32
      %dma_wait3A_1170 = tpu.memref_slice %arg2[%dma_wait3A_1168, %dma_wait3A_1169] : memref<32x1000000xf32, #tpu.memory_space<hbm>> -> memref<32x128xf32, #tpu.memory_space<hbm>>
      %dma_wait3A_1171 = arith.constant 0 : i32
      %dma_wait3A_1172 = arith.constant 0 : i32
      %dma_wait3A_1173 = tpu.memref_slice %arg6[%dma_wait3A_1163, %dma_wait3A_1171, %dma_wait3A_1172] : memref<24x32x128xf32, #tpu.memory_space<vmem>> -> memref<1x32x128xf32, #tpu.memory_space<vmem>>
      %dma_wait3A_1174 = tpu.memref_squeeze %dma_wait3A_1173 : memref<1x32x128xf32, #tpu.memory_space<vmem>> -> memref<32x128xf32, #tpu.memory_space<vmem>>
      %dma_wait3A_1175 = arith.constant 0 : i32
      %dma_wait3A_1176 = arith.constant 0 : i32
      %dma_wait3A_1177 = tpu.memref_slice %arg2[%dma_wait3A_1175, %dma_wait3A_1176] : memref<32x1000000xf32, #tpu.memory_space<hbm>> -> memref<32x128xf32, #tpu.memory_space<hbm>>
      tpu.wait_dma2 semaphore(%arg9 : memref<!tpu.dma_semaphore, #tpu.memory_space<semaphore_mem>>) src(%dma_wait3A_1177 : memref<32x128xf32, #tpu.memory_space<hbm>>) dst(%dma_wait3A_1174 : memref<32x128xf32, #tpu.memory_space<vmem>>)
      %dma_wait3A_1178 = arith.constant 11 : i32
      %dma_wait3A_1179 = arith.constant 0 : i32
      %dma_wait3A_1180 = arith.constant 0 : i32
      %dma_wait3A_1181 = tpu.memref_slice %arg6[%dma_wait3A_1178, %dma_wait3A_1179, %dma_wait3A_1180] : memref<24x32x128xf32, #tpu.memory_space<vmem>> -> memref<1x32x128xf32, #tpu.memory_space<vmem>>
      %dma_wait3A_1182 = tpu.memref_squeeze %dma_wait3A_1181 : memref<1x32x128xf32, #tpu.memory_space<vmem>> -> memref<32x128xf32, #tpu.memory_space<vmem>>
      %dma_wait3A_1183 = arith.constant 0 : i32
      %dma_wait3A_1184 = arith.constant 0 : i32
      %dma_wait3A_1185 = tpu.memref_slice %arg2[%dma_wait3A_1183, %dma_wait3A_1184] : memref<32x1000000xf32, #tpu.memory_space<hbm>> -> memref<32x128xf32, #tpu.memory_space<hbm>>
      %dma_wait3A_1186 = arith.constant 0 : i32
      %dma_wait3A_1187 = arith.constant 0 : i32
      %dma_wait3A_1188 = tpu.memref_slice %arg6[%dma_wait3A_1178, %dma_wait3A_1186, %dma_wait3A_1187] : memref<24x32x128xf32, #tpu.memory_space<vmem>> -> memref<1x32x128xf32, #tpu.memory_space<vmem>>
      %dma_wait3A_1189 = tpu.memref_squeeze %dma_wait3A_1188 : memref<1x32x128xf32, #tpu.memory_space<vmem>> -> memref<32x128xf32, #tpu.memory_space<vmem>>
      %dma_wait3A_1190 = arith.constant 0 : i32
      %dma_wait3A_1191 = arith.constant 0 : i32
      %dma_wait3A_1192 = tpu.memref_slice %arg2[%dma_wait3A_1190, %dma_wait3A_1191] : memref<32x1000000xf32, #tpu.memory_space<hbm>> -> memref<32x128xf32, #tpu.memory_space<hbm>>
      tpu.wait_dma2 semaphore(%arg9 : memref<!tpu.dma_semaphore, #tpu.memory_space<semaphore_mem>>) src(%dma_wait3A_1192 : memref<32x128xf32, #tpu.memory_space<hbm>>) dst(%dma_wait3A_1189 : memref<32x128xf32, #tpu.memory_space<vmem>>)
      %dma_wait3A_1193 = arith.constant 12 : i32
      %dma_wait3A_1194 = arith.constant 0 : i32
      %dma_wait3A_1195 = arith.constant 0 : i32
      %dma_wait3A_1196 = tpu.memref_slice %arg6[%dma_wait3A_1193, %dma_wait3A_1194, %dma_wait3A_1195] : memref<24x32x128xf32, #tpu.memory_space<vmem>> -> memref<1x32x128xf32, #tpu.memory_space<vmem>>
      %dma_wait3A_1197 = tpu.memref_squeeze %dma_wait3A_1196 : memref<1x32x128xf32, #tpu.memory_space<vmem>> -> memref<32x128xf32, #tpu.memory_space<vmem>>
      %dma_wait3A_1198 = arith.constant 0 : i32
      %dma_wait3A_1199 = arith.constant 0 : i32
      %dma_wait3A_1200 = tpu.memref_slice %arg2[%dma_wait3A_1198, %dma_wait3A_1199] : memref<32x1000000xf32, #tpu.memory_space<hbm>> -> memref<32x128xf32, #tpu.memory_space<hbm>>
      %dma_wait3A_1201 = arith.constant 0 : i32
      %dma_wait3A_1202 = arith.constant 0 : i32
      %dma_wait3A_1203 = tpu.memref_slice %arg6[%dma_wait3A_1193, %dma_wait3A_1201, %dma_wait3A_1202] : memref<24x32x128xf32, #tpu.memory_space<vmem>> -> memref<1x32x128xf32, #tpu.memory_space<vmem>>
      %dma_wait3A_1204 = tpu.memref_squeeze %dma_wait3A_1203 : memref<1x32x128xf32, #tpu.memory_space<vmem>> -> memref<32x128xf32, #tpu.memory_space<vmem>>
      %dma_wait3A_1205 = arith.constant 0 : i32
      %dma_wait3A_1206 = arith.constant 0 : i32
      %dma_wait3A_1207 = tpu.memref_slice %arg2[%dma_wait3A_1205, %dma_wait3A_1206] : memref<32x1000000xf32, #tpu.memory_space<hbm>> -> memref<32x128xf32, #tpu.memory_space<hbm>>
      tpu.wait_dma2 semaphore(%arg9 : memref<!tpu.dma_semaphore, #tpu.memory_space<semaphore_mem>>) src(%dma_wait3A_1207 : memref<32x128xf32, #tpu.memory_space<hbm>>) dst(%dma_wait3A_1204 : memref<32x128xf32, #tpu.memory_space<vmem>>)
      %dma_wait3A_1208 = arith.constant 13 : i32
      %dma_wait3A_1209 = arith.constant 0 : i32
      %dma_wait3A_1210 = arith.constant 0 : i32
      %dma_wait3A_1211 = tpu.memref_slice %arg6[%dma_wait3A_1208, %dma_wait3A_1209, %dma_wait3A_1210] : memref<24x32x128xf32, #tpu.memory_space<vmem>> -> memref<1x32x128xf32, #tpu.memory_space<vmem>>
      %dma_wait3A_1212 = tpu.memref_squeeze %dma_wait3A_1211 : memref<1x32x128xf32, #tpu.memory_space<vmem>> -> memref<32x128xf32, #tpu.memory_space<vmem>>
      %dma_wait3A_1213 = arith.constant 0 : i32
      %dma_wait3A_1214 = arith.constant 0 : i32
      %dma_wait3A_1215 = tpu.memref_slice %arg2[%dma_wait3A_1213, %dma_wait3A_1214] : memref<32x1000000xf32, #tpu.memory_space<hbm>> -> memref<32x128xf32, #tpu.memory_space<hbm>>
      %dma_wait3A_1216 = arith.constant 0 : i32
      %dma_wait3A_1217 = arith.constant 0 : i32
      %dma_wait3A_1218 = tpu.memref_slice %arg6[%dma_wait3A_1208, %dma_wait3A_1216, %dma_wait3A_1217] : memref<24x32x128xf32, #tpu.memory_space<vmem>> -> memref<1x32x128xf32, #tpu.memory_space<vmem>>
      %dma_wait3A_1219 = tpu.memref_squeeze %dma_wait3A_1218 : memref<1x32x128xf32, #tpu.memory_space<vmem>> -> memref<32x128xf32, #tpu.memory_space<vmem>>
      %dma_wait3A_1220 = arith.constant 0 : i32
      %dma_wait3A_1221 = arith.constant 0 : i32
      %dma_wait3A_1222 = tpu.memref_slice %arg2[%dma_wait3A_1220, %dma_wait3A_1221] : memref<32x1000000xf32, #tpu.memory_space<hbm>> -> memref<32x128xf32, #tpu.memory_space<hbm>>
      tpu.wait_dma2 semaphore(%arg9 : memref<!tpu.dma_semaphore, #tpu.memory_space<semaphore_mem>>) src(%dma_wait3A_1222 : memref<32x128xf32, #tpu.memory_space<hbm>>) dst(%dma_wait3A_1219 : memref<32x128xf32, #tpu.memory_space<vmem>>)
      %dma_wait3A_1223 = arith.constant 14 : i32
      %dma_wait3A_1224 = arith.constant 0 : i32
      %dma_wait3A_1225 = arith.constant 0 : i32
      %dma_wait3A_1226 = tpu.memref_slice %arg6[%dma_wait3A_1223, %dma_wait3A_1224, %dma_wait3A_1225] : memref<24x32x128xf32, #tpu.memory_space<vmem>> -> memref<1x32x128xf32, #tpu.memory_space<vmem>>
      %dma_wait3A_1227 = tpu.memref_squeeze %dma_wait3A_1226 : memref<1x32x128xf32, #tpu.memory_space<vmem>> -> memref<32x128xf32, #tpu.memory_space<vmem>>
      %dma_wait3A_1228 = arith.constant 0 : i32
      %dma_wait3A_1229 = arith.constant 0 : i32
      %dma_wait3A_1230 = tpu.memref_slice %arg2[%dma_wait3A_1228, %dma_wait3A_1229] : memref<32x1000000xf32, #tpu.memory_space<hbm>> -> memref<32x128xf32, #tpu.memory_space<hbm>>
      %dma_wait3A_1231 = arith.constant 0 : i32
      %dma_wait3A_1232 = arith.constant 0 : i32
      %dma_wait3A_1233 = tpu.memref_slice %arg6[%dma_wait3A_1223, %dma_wait3A_1231, %dma_wait3A_1232] : memref<24x32x128xf32, #tpu.memory_space<vmem>> -> memref<1x32x128xf32, #tpu.memory_space<vmem>>
      %dma_wait3A_1234 = tpu.memref_squeeze %dma_wait3A_1233 : memref<1x32x128xf32, #tpu.memory_space<vmem>> -> memref<32x128xf32, #tpu.memory_space<vmem>>
      %dma_wait3A_1235 = arith.constant 0 : i32
      %dma_wait3A_1236 = arith.constant 0 : i32
      %dma_wait3A_1237 = tpu.memref_slice %arg2[%dma_wait3A_1235, %dma_wait3A_1236] : memref<32x1000000xf32, #tpu.memory_space<hbm>> -> memref<32x128xf32, #tpu.memory_space<hbm>>
      tpu.wait_dma2 semaphore(%arg9 : memref<!tpu.dma_semaphore, #tpu.memory_space<semaphore_mem>>) src(%dma_wait3A_1237 : memref<32x128xf32, #tpu.memory_space<hbm>>) dst(%dma_wait3A_1234 : memref<32x128xf32, #tpu.memory_space<vmem>>)
      %dma_wait3A_1238 = arith.constant 15 : i32
      %dma_wait3A_1239 = arith.constant 0 : i32
      %dma_wait3A_1240 = arith.constant 0 : i32
      %dma_wait3A_1241 = tpu.memref_slice %arg6[%dma_wait3A_1238, %dma_wait3A_1239, %dma_wait3A_1240] : memref<24x32x128xf32, #tpu.memory_space<vmem>> -> memref<1x32x128xf32, #tpu.memory_space<vmem>>
      %dma_wait3A_1242 = tpu.memref_squeeze %dma_wait3A_1241 : memref<1x32x128xf32, #tpu.memory_space<vmem>> -> memref<32x128xf32, #tpu.memory_space<vmem>>
      %dma_wait3A_1243 = arith.constant 0 : i32
      %dma_wait3A_1244 = arith.constant 0 : i32
      %dma_wait3A_1245 = tpu.memref_slice %arg2[%dma_wait3A_1243, %dma_wait3A_1244] : memref<32x1000000xf32, #tpu.memory_space<hbm>> -> memref<32x128xf32, #tpu.memory_space<hbm>>
      %dma_wait3A_1246 = arith.constant 0 : i32
      %dma_wait3A_1247 = arith.constant 0 : i32
      %dma_wait3A_1248 = tpu.memref_slice %arg6[%dma_wait3A_1238, %dma_wait3A_1246, %dma_wait3A_1247] : memref<24x32x128xf32, #tpu.memory_space<vmem>> -> memref<1x32x128xf32, #tpu.memory_space<vmem>>
      %dma_wait3A_1249 = tpu.memref_squeeze %dma_wait3A_1248 : memref<1x32x128xf32, #tpu.memory_space<vmem>> -> memref<32x128xf32, #tpu.memory_space<vmem>>
      %dma_wait3A_1250 = arith.constant 0 : i32
      %dma_wait3A_1251 = arith.constant 0 : i32
      %dma_wait3A_1252 = tpu.memref_slice %arg2[%dma_wait3A_1250, %dma_wait3A_1251] : memref<32x1000000xf32, #tpu.memory_space<hbm>> -> memref<32x128xf32, #tpu.memory_space<hbm>>
      tpu.wait_dma2 semaphore(%arg9 : memref<!tpu.dma_semaphore, #tpu.memory_space<semaphore_mem>>) src(%dma_wait3A_1252 : memref<32x128xf32, #tpu.memory_space<hbm>>) dst(%dma_wait3A_1249 : memref<32x128xf32, #tpu.memory_space<vmem>>)
      %mul3A_1253 = arith.constant 8 : i32
      %mul3A_1254 = arith.muli %add3A_1127, %mul3A_1253 : i32
      %add3A_1255 = vector.broadcast %mul3A_1254 : i32 to vector<16xi32>
      %add3A_1256 = arith.addi %add3A_1255, %rem3A_674 : vector<16xi32>
      %gather3A_1257 = tpu.vector_load_idx %arg5[%add3A_1256] : memref<520xi32, #tpu.memory_space<vmem>>[vector<16xi32>], vector<16xi32>,
      %rem3A_1258 = arith.constant 128 : i32
      %rem3A_1259 = vector.broadcast %rem3A_1258 : i32 to vector<16xi32>
      %rem3A_1260 = arith.remsi %gather3A_1257, %rem3A_1259 : vector<16xi32>
      %add3A_1261 = arith.constant 8 : i32
      %add3A_1262 = vector.broadcast %add3A_1261 : i32 to vector<16xi32>
      %add3A_1263 = arith.addi %add3A_1262, %rem3A_674 : vector<16xi32>
      %mul3A_1264 = arith.constant 8 : i32
      %mul3A_1265 = arith.muli %add3A_1127, %mul3A_1264 : i32
      %add3A_1266 = vector.broadcast %mul3A_1265 : i32 to vector<16xi32>
      %add3A_1267 = arith.addi %add3A_1266, %rem3A_674 : vector<16xi32>
      %add3A_1268 = arith.constant 0 : i32
      %add3A_1269 = vector.broadcast %add3A_1268 : i32 to vector<16xi32>
      %add3A_1270 = arith.addi %select_n3A_705, %add3A_1269 : vector<16xi32>
      %gather3A_1271 = tpu.vector_load_idx %arg6[%add3A_1263, %add3A_1270, %rem3A_1260] : memref<24x32x128xf32, #tpu.memory_space<vmem>>[vector<16xi32>, vector<16xi32>, vector<16xi32>], vector<16xf32>,
      tpu.vector_store_idx %arg7[%add3A_1270, %add3A_1267], %gather3A_1271 : memref<32x512xf32, #tpu.memory_space<vmem>>[vector<16xi32>, vector<16xi32>], vector<16xf32>,
      %add3A_1272 = arith.constant 2 : i32
      %add3A_1273 = vector.broadcast %add3A_1272 : i32 to vector<16xi32>
      %add3A_1274 = arith.addi %select_n3A_705, %add3A_1273 : vector<16xi32>
      %gather3A_1275 = tpu.vector_load_idx %arg6[%add3A_1263, %add3A_1274, %rem3A_1260] : memref<24x32x128xf32, #tpu.memory_space<vmem>>[vector<16xi32>, vector<16xi32>, vector<16xi32>], vector<16xf32>,
      tpu.vector_store_idx %arg7[%add3A_1274, %add3A_1267], %gather3A_1275 : memref<32x512xf32, #tpu.memory_space<vmem>>[vector<16xi32>, vector<16xi32>], vector<16xf32>,
      %add3A_1276 = arith.constant 4 : i32
      %add3A_1277 = vector.broadcast %add3A_1276 : i32 to vector<16xi32>
      %add3A_1278 = arith.addi %select_n3A_705, %add3A_1277 : vector<16xi32>
      %gather3A_1279 = tpu.vector_load_idx %arg6[%add3A_1263, %add3A_1278, %rem3A_1260] : memref<24x32x128xf32, #tpu.memory_space<vmem>>[vector<16xi32>, vector<16xi32>, vector<16xi32>], vector<16xf32>,
      tpu.vector_store_idx %arg7[%add3A_1278, %add3A_1267], %gather3A_1279 : memref<32x512xf32, #tpu.memory_space<vmem>>[vector<16xi32>, vector<16xi32>], vector<16xf32>,
      %add3A_1280 = arith.constant 6 : i32
      %add3A_1281 = vector.broadcast %add3A_1280 : i32 to vector<16xi32>
      %add3A_1282 = arith.addi %select_n3A_705, %add3A_1281 : vector<16xi32>
      %gather3A_1283 = tpu.vector_load_idx %arg6[%add3A_1263, %add3A_1282, %rem3A_1260] : memref<24x32x128xf32, #tpu.memory_space<vmem>>[vector<16xi32>, vector<16xi32>, vector<16xi32>], vector<16xf32>,
      tpu.vector_store_idx %arg7[%add3A_1282, %add3A_1267], %gather3A_1283 : memref<32x512xf32, #tpu.memory_space<vmem>>[vector<16xi32>, vector<16xi32>], vector<16xf32>,
      %add3A_1284 = arith.constant 8 : i32
      %add3A_1285 = vector.broadcast %add3A_1284 : i32 to vector<16xi32>
      %add3A_1286 = arith.addi %select_n3A_705, %add3A_1285 : vector<16xi32>
      %gather3A_1287 = tpu.vector_load_idx %arg6[%add3A_1263, %add3A_1286, %rem3A_1260] : memref<24x32x128xf32, #tpu.memory_space<vmem>>[vector<16xi32>, vector<16xi32>, vector<16xi32>], vector<16xf32>,
      tpu.vector_store_idx %arg7[%add3A_1286, %add3A_1267], %gather3A_1287 : memref<32x512xf32, #tpu.memory_space<vmem>>[vector<16xi32>, vector<16xi32>], vector<16xf32>,
      %add3A_1288 = arith.constant 10 : i32
      %add3A_1289 = vector.broadcast %add3A_1288 : i32 to vector<16xi32>
      %add3A_1290 = arith.addi %select_n3A_705, %add3A_1289 : vector<16xi32>
      %gather3A_1291 = tpu.vector_load_idx %arg6[%add3A_1263, %add3A_1290, %rem3A_1260] : memref<24x32x128xf32, #tpu.memory_space<vmem>>[vector<16xi32>, vector<16xi32>, vector<16xi32>], vector<16xf32>,
      tpu.vector_store_idx %arg7[%add3A_1290, %add3A_1267], %gather3A_1291 : memref<32x512xf32, #tpu.memory_space<vmem>>[vector<16xi32>, vector<16xi32>], vector<16xf32>,
      %add3A_1292 = arith.constant 12 : i32
      %add3A_1293 = vector.broadcast %add3A_1292 : i32 to vector<16xi32>
      %add3A_1294 = arith.addi %select_n3A_705, %add3A_1293 : vector<16xi32>
      %gather3A_1295 = tpu.vector_load_idx %arg6[%add3A_1263, %add3A_1294, %rem3A_1260] : memref<24x32x128xf32, #tpu.memory_space<vmem>>[vector<16xi32>, vector<16xi32>, vector<16xi32>], vector<16xf32>,
      tpu.vector_store_idx %arg7[%add3A_1294, %add3A_1267], %gather3A_1295 : memref<32x512xf32, #tpu.memory_space<vmem>>[vector<16xi32>, vector<16xi32>], vector<16xf32>,
      %add3A_1296 = arith.constant 14 : i32
      %add3A_1297 = vector.broadcast %add3A_1296 : i32 to vector<16xi32>
      %add3A_1298 = arith.addi %select_n3A_705, %add3A_1297 : vector<16xi32>
      %gather3A_1299 = tpu.vector_load_idx %arg6[%add3A_1263, %add3A_1298, %rem3A_1260] : memref<24x32x128xf32, #tpu.memory_space<vmem>>[vector<16xi32>, vector<16xi32>, vector<16xi32>], vector<16xf32>,
      tpu.vector_store_idx %arg7[%add3A_1298, %add3A_1267], %gather3A_1299 : memref<32x512xf32, #tpu.memory_space<vmem>>[vector<16xi32>, vector<16xi32>], vector<16xf32>,
      %add3A_1300 = arith.constant 16 : i32
      %add3A_1301 = vector.broadcast %add3A_1300 : i32 to vector<16xi32>
      %add3A_1302 = arith.addi %select_n3A_705, %add3A_1301 : vector<16xi32>
      %gather3A_1303 = tpu.vector_load_idx %arg6[%add3A_1263, %add3A_1302, %rem3A_1260] : memref<24x32x128xf32, #tpu.memory_space<vmem>>[vector<16xi32>, vector<16xi32>, vector<16xi32>], vector<16xf32>,
      tpu.vector_store_idx %arg7[%add3A_1302, %add3A_1267], %gather3A_1303 : memref<32x512xf32, #tpu.memory_space<vmem>>[vector<16xi32>, vector<16xi32>], vector<16xf32>,
      %add3A_1304 = arith.constant 18 : i32
      %add3A_1305 = vector.broadcast %add3A_1304 : i32 to vector<16xi32>
      %add3A_1306 = arith.addi %select_n3A_705, %add3A_1305 : vector<16xi32>
      %gather3A_1307 = tpu.vector_load_idx %arg6[%add3A_1263, %add3A_1306, %rem3A_1260] : memref<24x32x128xf32, #tpu.memory_space<vmem>>[vector<16xi32>, vector<16xi32>, vector<16xi32>], vector<16xf32>,
      tpu.vector_store_idx %arg7[%add3A_1306, %add3A_1267], %gather3A_1307 : memref<32x512xf32, #tpu.memory_space<vmem>>[vector<16xi32>, vector<16xi32>], vector<16xf32>,
      %add3A_1308 = arith.constant 20 : i32
      %add3A_1309 = vector.broadcast %add3A_1308 : i32 to vector<16xi32>
      %add3A_1310 = arith.addi %select_n3A_705, %add3A_1309 : vector<16xi32>
      %gather3A_1311 = tpu.vector_load_idx %arg6[%add3A_1263, %add3A_1310, %rem3A_1260] : memref<24x32x128xf32, #tpu.memory_space<vmem>>[vector<16xi32>, vector<16xi32>, vector<16xi32>], vector<16xf32>,
      tpu.vector_store_idx %arg7[%add3A_1310, %add3A_1267], %gather3A_1311 : memref<32x512xf32, #tpu.memory_space<vmem>>[vector<16xi32>, vector<16xi32>], vector<16xf32>,
      %add3A_1312 = arith.constant 22 : i32
      %add3A_1313 = vector.broadcast %add3A_1312 : i32 to vector<16xi32>
      %add3A_1314 = arith.addi %select_n3A_705, %add3A_1313 : vector<16xi32>
      %gather3A_1315 = tpu.vector_load_idx %arg6[%add3A_1263, %add3A_1314, %rem3A_1260] : memref<24x32x128xf32, #tpu.memory_space<vmem>>[vector<16xi32>, vector<16xi32>, vector<16xi32>], vector<16xf32>,
      tpu.vector_store_idx %arg7[%add3A_1314, %add3A_1267], %gather3A_1315 : memref<32x512xf32, #tpu.memory_space<vmem>>[vector<16xi32>, vector<16xi32>], vector<16xf32>,
      %add3A_1316 = arith.constant 24 : i32
      %add3A_1317 = vector.broadcast %add3A_1316 : i32 to vector<16xi32>
      %add3A_1318 = arith.addi %select_n3A_705, %add3A_1317 : vector<16xi32>
      %gather3A_1319 = tpu.vector_load_idx %arg6[%add3A_1263, %add3A_1318, %rem3A_1260] : memref<24x32x128xf32, #tpu.memory_space<vmem>>[vector<16xi32>, vector<16xi32>, vector<16xi32>], vector<16xf32>,
      tpu.vector_store_idx %arg7[%add3A_1318, %add3A_1267], %gather3A_1319 : memref<32x512xf32, #tpu.memory_space<vmem>>[vector<16xi32>, vector<16xi32>], vector<16xf32>,
      %add3A_1320 = arith.constant 26 : i32
      %add3A_1321 = vector.broadcast %add3A_1320 : i32 to vector<16xi32>
      %add3A_1322 = arith.addi %select_n3A_705, %add3A_1321 : vector<16xi32>
      %gather3A_1323 = tpu.vector_load_idx %arg6[%add3A_1263, %add3A_1322, %rem3A_1260] : memref<24x32x128xf32, #tpu.memory_space<vmem>>[vector<16xi32>, vector<16xi32>, vector<16xi32>], vector<16xf32>,
      tpu.vector_store_idx %arg7[%add3A_1322, %add3A_1267], %gather3A_1323 : memref<32x512xf32, #tpu.memory_space<vmem>>[vector<16xi32>, vector<16xi32>], vector<16xf32>,
      %add3A_1324 = arith.constant 28 : i32
      %add3A_1325 = vector.broadcast %add3A_1324 : i32 to vector<16xi32>
      %add3A_1326 = arith.addi %select_n3A_705, %add3A_1325 : vector<16xi32>
      %gather3A_1327 = tpu.vector_load_idx %arg6[%add3A_1263, %add3A_1326, %rem3A_1260] : memref<24x32x128xf32, #tpu.memory_space<vmem>>[vector<16xi32>, vector<16xi32>, vector<16xi32>], vector<16xf32>,
      tpu.vector_store_idx %arg7[%add3A_1326, %add3A_1267], %gather3A_1327 : memref<32x512xf32, #tpu.memory_space<vmem>>[vector<16xi32>, vector<16xi32>], vector<16xf32>,
      %add3A_1328 = arith.constant 30 : i32
      %add3A_1329 = vector.broadcast %add3A_1328 : i32 to vector<16xi32>
      %add3A_1330 = arith.addi %select_n3A_705, %add3A_1329 : vector<16xi32>
      %gather3A_1331 = tpu.vector_load_idx %arg6[%add3A_1263, %add3A_1330, %rem3A_1260] : memref<24x32x128xf32, #tpu.memory_space<vmem>>[vector<16xi32>, vector<16xi32>, vector<16xi32>], vector<16xf32>,
      tpu.vector_store_idx %arg7[%add3A_1330, %add3A_1267], %gather3A_1331 : memref<32x512xf32, #tpu.memory_space<vmem>>[vector<16xi32>, vector<16xi32>], vector<16xf32>,
      %mul3A_1332 = arith.constant 3 : i32
      %mul3A_1333 = arith.muli %scan3A_915, %mul3A_1332 : i32
      %add3A_1334 = arith.constant 2 : i32
      %add3A_1335 = arith.addi %mul3A_1333, %add3A_1334 : i32
      %lt3A_1336 = arith.constant 62 : i32
      %lt3A_1337 = arith.cmpi slt, %add3A_1335, %lt3A_1336 : i32
      %convert_element_type3A_1338 = arith.extui %lt3A_1337 : i1 to i32
      %cond3A_1339 = arith.constant 0 : i32
      %cond3A_1340 = arith.cmpi ne, %convert_element_type3A_1338, %cond3A_1339 : i32
      scf.if %cond3A_1340 {
        %add3A_1540 = arith.constant 2 : i32
        %add3A_1541 = arith.addi %add3A_1335, %add3A_1540 : i32
        %mul3A_1542 = arith.constant 8 : i32
        %mul3A_1543 = arith.muli %add3A_1541, %mul3A_1542 : i32
        %get3A_1544 = arith.index_cast %mul3A_1543 : i32 to index
        %get3A_1545 = tpu.vector_load %arg5[%get3A_1544] {strides = array<i32>} : memref<520xi32, #tpu.memory_space<vmem>>, vector<16xi32>,
        %slice3A_1546 = vector.extract_strided_slice %get3A_1545 {offsets = [0], sizes = [1], strides = [1]} : vector<16xi32> to vector<1xi32>
        %squeeze3A_1547 = vector.extract %slice3A_1546[0] : i32 from vector<1xi32>
        %jit3A_1548 = arith.constant 128 : i32
        %div3A_1549 = arith.divsi %squeeze3A_1547, %jit3A_1548 : i32
        %sign3A_1550 = arith.constant 0 : i32
        %sign3A_1551 = arith.cmpi sgt, %squeeze3A_1547, %sign3A_1550 : i32
        %sign3A_1552 = arith.extui %sign3A_1551 : i1 to i32
        %sign3A_1553 = arith.constant 0 : i32
        %sign3A_1554 = arith.cmpi slt, %squeeze3A_1547, %sign3A_1553 : i32
        %sign3A_1555 = arith.extui %sign3A_1554 : i1 to i32
        %sign3A_1556 = arith.subi %sign3A_1552, %sign3A_1555 : i32
        %sign3A_1557 = arith.constant 0 : i32
        %sign3A_1558 = arith.cmpi sgt, %jit3A_1548, %sign3A_1557 : i32
        %sign3A_1559 = arith.extui %sign3A_1558 : i1 to i32
        %sign3A_1560 = arith.constant 0 : i32
        %sign3A_1561 = arith.cmpi slt, %jit3A_1548, %sign3A_1560 : i32
        %sign3A_1562 = arith.extui %sign3A_1561 : i1 to i32
        %sign3A_1563 = arith.subi %sign3A_1559, %sign3A_1562 : i32
        %ne3A_1564 = arith.cmpi ne, %sign3A_1556, %sign3A_1563 : i32
        %rem3A_1565 = arith.remsi %squeeze3A_1547, %jit3A_1548 : i32
        %ne3A_1566 = arith.constant 0 : i32
        %ne3A_1567 = arith.cmpi ne, %rem3A_1565, %ne3A_1566 : i32
        %and3A_1568 = arith.andi %ne3A_1564, %ne3A_1567 : i1
        %sub3A_1569 = arith.constant 1 : i32
        %sub3A_1570 = arith.subi %div3A_1549, %sub3A_1569 : i32
        %select_n3A_1571 = arith.select %and3A_1568, %sub3A_1570, %div3A_1549 : i32
        %mul3A_1572 = arith.constant 128 : i32
        %mul3A_1573 = arith.muli %select_n3A_1571, %mul3A_1572 : i32
        %multiple_of3A_1574 = tpu.assume_multiple %mul3A_1573, 128 : i32
        %dma_start3A_1575 = arith.constant 8 : i32
        %dma_start3A_1576 = arith.constant 0 : i32
        %dma_start3A_1577 = arith.constant 0 : i32
        %dma_start3A_1578 = tpu.memref_slice %arg6[%dma_start3A_1575, %dma_start3A_1576, %dma_start3A_1577] : memref<24x32x128xf32, #tpu.memory_space<vmem>> -> memref<1x32x128xf32, #tpu.memory_space<vmem>>
        %dma_start3A_1579 = tpu.memref_squeeze %dma_start3A_1578 : memref<1x32x128xf32, #tpu.memory_space<vmem>> -> memref<32x128xf32, #tpu.memory_space<vmem>>
        %dma_start3A_1580 = arith.constant 0 : i32
        %dma_start3A_1581 = tpu.memref_slice %arg2[%dma_start3A_1580, %multiple_of3A_1574] : memref<32x1000000xf32, #tpu.memory_space<hbm>> -> memref<32x128xf32, #tpu.memory_space<hbm>>
        %dma_start3A_1582 = arith.constant 0 : i32
        %dma_start3A_1583 = arith.constant 0 : i32
        %dma_start3A_1584 = tpu.memref_slice %arg6[%dma_start3A_1575, %dma_start3A_1582, %dma_start3A_1583] : memref<24x32x128xf32, #tpu.memory_space<vmem>> -> memref<1x32x128xf32, #tpu.memory_space<vmem>>
        %dma_start3A_1585 = tpu.memref_squeeze %dma_start3A_1584 : memref<1x32x128xf32, #tpu.memory_space<vmem>> -> memref<32x128xf32, #tpu.memory_space<vmem>>
        %dma_start3A_1586 = arith.constant 0 : i32
        %dma_start3A_1587 = tpu.memref_slice %arg2[%dma_start3A_1586, %multiple_of3A_1574] : memref<32x1000000xf32, #tpu.memory_space<hbm>> -> memref<32x128xf32, #tpu.memory_space<hbm>>
        tpu.enqueue_dma source(%dma_start3A_1587 : memref<32x128xf32, #tpu.memory_space<hbm>>) target(%dma_start3A_1585 : memref<32x128xf32, #tpu.memory_space<vmem>>) target_semaphore(%arg9 : memref<!tpu.dma_semaphore, #tpu.memory_space<semaphore_mem>>)
        %slice3A_1588 = vector.extract_strided_slice %get3A_1545 {offsets = [1], sizes = [1], strides = [1]} : vector<16xi32> to vector<1xi32>
        %squeeze3A_1589 = vector.extract %slice3A_1588[0] : i32 from vector<1xi32>
        %jit3A_1590 = arith.constant 128 : i32
        %div3A_1591 = arith.divsi %squeeze3A_1589, %jit3A_1590 : i32
        %sign3A_1592 = arith.constant 0 : i32
        %sign3A_1593 = arith.cmpi sgt, %squeeze3A_1589, %sign3A_1592 : i32
        %sign3A_1594 = arith.extui %sign3A_1593 : i1 to i32
        %sign3A_1595 = arith.constant 0 : i32
        %sign3A_1596 = arith.cmpi slt, %squeeze3A_1589, %sign3A_1595 : i32
        %sign3A_1597 = arith.extui %sign3A_1596 : i1 to i32
        %sign3A_1598 = arith.subi %sign3A_1594, %sign3A_1597 : i32
        %sign3A_1599 = arith.constant 0 : i32
        %sign3A_1600 = arith.cmpi sgt, %jit3A_1590, %sign3A_1599 : i32
        %sign3A_1601 = arith.extui %sign3A_1600 : i1 to i32
        %sign3A_1602 = arith.constant 0 : i32
        %sign3A_1603 = arith.cmpi slt, %jit3A_1590, %sign3A_1602 : i32
        %sign3A_1604 = arith.extui %sign3A_1603 : i1 to i32
        %sign3A_1605 = arith.subi %sign3A_1601, %sign3A_1604 : i32
        %ne3A_1606 = arith.cmpi ne, %sign3A_1598, %sign3A_1605 : i32
        %rem3A_1607 = arith.remsi %squeeze3A_1589, %jit3A_1590 : i32
        %ne3A_1608 = arith.constant 0 : i32
        %ne3A_1609 = arith.cmpi ne, %rem3A_1607, %ne3A_1608 : i32
        %and3A_1610 = arith.andi %ne3A_1606, %ne3A_1609 : i1
        %sub3A_1611 = arith.constant 1 : i32
        %sub3A_1612 = arith.subi %div3A_1591, %sub3A_1611 : i32
        %select_n3A_1613 = arith.select %and3A_1610, %sub3A_1612, %div3A_1591 : i32
        %mul3A_1614 = arith.constant 128 : i32
        %mul3A_1615 = arith.muli %select_n3A_1613, %mul3A_1614 : i32
        %multiple_of3A_1616 = tpu.assume_multiple %mul3A_1615, 128 : i32
        %dma_start3A_1617 = arith.constant 9 : i32
        %dma_start3A_1618 = arith.constant 0 : i32
        %dma_start3A_1619 = arith.constant 0 : i32
        %dma_start3A_1620 = tpu.memref_slice %arg6[%dma_start3A_1617, %dma_start3A_1618, %dma_start3A_1619] : memref<24x32x128xf32, #tpu.memory_space<vmem>> -> memref<1x32x128xf32, #tpu.memory_space<vmem>>
        %dma_start3A_1621 = tpu.memref_squeeze %dma_start3A_1620 : memref<1x32x128xf32, #tpu.memory_space<vmem>> -> memref<32x128xf32, #tpu.memory_space<vmem>>
        %dma_start3A_1622 = arith.constant 0 : i32
        %dma_start3A_1623 = tpu.memref_slice %arg2[%dma_start3A_1622, %multiple_of3A_1616] : memref<32x1000000xf32, #tpu.memory_space<hbm>> -> memref<32x128xf32, #tpu.memory_space<hbm>>
        %dma_start3A_1624 = arith.constant 0 : i32
        %dma_start3A_1625 = arith.constant 0 : i32
        %dma_start3A_1626 = tpu.memref_slice %arg6[%dma_start3A_1617, %dma_start3A_1624, %dma_start3A_1625] : memref<24x32x128xf32, #tpu.memory_space<vmem>> -> memref<1x32x128xf32, #tpu.memory_space<vmem>>
        %dma_start3A_1627 = tpu.memref_squeeze %dma_start3A_1626 : memref<1x32x128xf32, #tpu.memory_space<vmem>> -> memref<32x128xf32, #tpu.memory_space<vmem>>
        %dma_start3A_1628 = arith.constant 0 : i32
        %dma_start3A_1629 = tpu.memref_slice %arg2[%dma_start3A_1628, %multiple_of3A_1616] : memref<32x1000000xf32, #tpu.memory_space<hbm>> -> memref<32x128xf32, #tpu.memory_space<hbm>>
        tpu.enqueue_dma source(%dma_start3A_1629 : memref<32x128xf32, #tpu.memory_space<hbm>>) target(%dma_start3A_1627 : memref<32x128xf32, #tpu.memory_space<vmem>>) target_semaphore(%arg9 : memref<!tpu.dma_semaphore, #tpu.memory_space<semaphore_mem>>)
        %slice3A_1630 = vector.extract_strided_slice %get3A_1545 {offsets = [2], sizes = [1], strides = [1]} : vector<16xi32> to vector<1xi32>
        %squeeze3A_1631 = vector.extract %slice3A_1630[0] : i32 from vector<1xi32>
        %jit3A_1632 = arith.constant 128 : i32
        %div3A_1633 = arith.divsi %squeeze3A_1631, %jit3A_1632 : i32
        %sign3A_1634 = arith.constant 0 : i32
        %sign3A_1635 = arith.cmpi sgt, %squeeze3A_1631, %sign3A_1634 : i32
        %sign3A_1636 = arith.extui %sign3A_1635 : i1 to i32
        %sign3A_1637 = arith.constant 0 : i32
        %sign3A_1638 = arith.cmpi slt, %squeeze3A_1631, %sign3A_1637 : i32
        %sign3A_1639 = arith.extui %sign3A_1638 : i1 to i32
        %sign3A_1640 = arith.subi %sign3A_1636, %sign3A_1639 : i32
        %sign3A_1641 = arith.constant 0 : i32
        %sign3A_1642 = arith.cmpi sgt, %jit3A_1632, %sign3A_1641 : i32
        %sign3A_1643 = arith.extui %sign3A_1642 : i1 to i32
        %sign3A_1644 = arith.constant 0 : i32
        %sign3A_1645 = arith.cmpi slt, %jit3A_1632, %sign3A_1644 : i32
        %sign3A_1646 = arith.extui %sign3A_1645 : i1 to i32
        %sign3A_1647 = arith.subi %sign3A_1643, %sign3A_1646 : i32
        %ne3A_1648 = arith.cmpi ne, %sign3A_1640, %sign3A_1647 : i32
        %rem3A_1649 = arith.remsi %squeeze3A_1631, %jit3A_1632 : i32
        %ne3A_1650 = arith.constant 0 : i32
        %ne3A_1651 = arith.cmpi ne, %rem3A_1649, %ne3A_1650 : i32
        %and3A_1652 = arith.andi %ne3A_1648, %ne3A_1651 : i1
        %sub3A_1653 = arith.constant 1 : i32
        %sub3A_1654 = arith.subi %div3A_1633, %sub3A_1653 : i32
        %select_n3A_1655 = arith.select %and3A_1652, %sub3A_1654, %div3A_1633 : i32
        %mul3A_1656 = arith.constant 128 : i32
        %mul3A_1657 = arith.muli %select_n3A_1655, %mul3A_1656 : i32
        %multiple_of3A_1658 = tpu.assume_multiple %mul3A_1657, 128 : i32
        %dma_start3A_1659 = arith.constant 10 : i32
        %dma_start3A_1660 = arith.constant 0 : i32
        %dma_start3A_1661 = arith.constant 0 : i32
        %dma_start3A_1662 = tpu.memref_slice %arg6[%dma_start3A_1659, %dma_start3A_1660, %dma_start3A_1661] : memref<24x32x128xf32, #tpu.memory_space<vmem>> -> memref<1x32x128xf32, #tpu.memory_space<vmem>>
        %dma_start3A_1663 = tpu.memref_squeeze %dma_start3A_1662 : memref<1x32x128xf32, #tpu.memory_space<vmem>> -> memref<32x128xf32, #tpu.memory_space<vmem>>
        %dma_start3A_1664 = arith.constant 0 : i32
        %dma_start3A_1665 = tpu.memref_slice %arg2[%dma_start3A_1664, %multiple_of3A_1658] : memref<32x1000000xf32, #tpu.memory_space<hbm>> -> memref<32x128xf32, #tpu.memory_space<hbm>>
        %dma_start3A_1666 = arith.constant 0 : i32
        %dma_start3A_1667 = arith.constant 0 : i32
        %dma_start3A_1668 = tpu.memref_slice %arg6[%dma_start3A_1659, %dma_start3A_1666, %dma_start3A_1667] : memref<24x32x128xf32, #tpu.memory_space<vmem>> -> memref<1x32x128xf32, #tpu.memory_space<vmem>>
        %dma_start3A_1669 = tpu.memref_squeeze %dma_start3A_1668 : memref<1x32x128xf32, #tpu.memory_space<vmem>> -> memref<32x128xf32, #tpu.memory_space<vmem>>
        %dma_start3A_1670 = arith.constant 0 : i32
        %dma_start3A_1671 = tpu.memref_slice %arg2[%dma_start3A_1670, %multiple_of3A_1658] : memref<32x1000000xf32, #tpu.memory_space<hbm>> -> memref<32x128xf32, #tpu.memory_space<hbm>>
        tpu.enqueue_dma source(%dma_start3A_1671 : memref<32x128xf32, #tpu.memory_space<hbm>>) target(%dma_start3A_1669 : memref<32x128xf32, #tpu.memory_space<vmem>>) target_semaphore(%arg9 : memref<!tpu.dma_semaphore, #tpu.memory_space<semaphore_mem>>)
        %slice3A_1672 = vector.extract_strided_slice %get3A_1545 {offsets = [3], sizes = [1], strides = [1]} : vector<16xi32> to vector<1xi32>
        %squeeze3A_1673 = vector.extract %slice3A_1672[0] : i32 from vector<1xi32>
        %jit3A_1674 = arith.constant 128 : i32
        %div3A_1675 = arith.divsi %squeeze3A_1673, %jit3A_1674 : i32
        %sign3A_1676 = arith.constant 0 : i32
        %sign3A_1677 = arith.cmpi sgt, %squeeze3A_1673, %sign3A_1676 : i32
        %sign3A_1678 = arith.extui %sign3A_1677 : i1 to i32
        %sign3A_1679 = arith.constant 0 : i32
        %sign3A_1680 = arith.cmpi slt, %squeeze3A_1673, %sign3A_1679 : i32
        %sign3A_1681 = arith.extui %sign3A_1680 : i1 to i32
        %sign3A_1682 = arith.subi %sign3A_1678, %sign3A_1681 : i32
        %sign3A_1683 = arith.constant 0 : i32
        %sign3A_1684 = arith.cmpi sgt, %jit3A_1674, %sign3A_1683 : i32
        %sign3A_1685 = arith.extui %sign3A_1684 : i1 to i32
        %sign3A_1686 = arith.constant 0 : i32
        %sign3A_1687 = arith.cmpi slt, %jit3A_1674, %sign3A_1686 : i32
        %sign3A_1688 = arith.extui %sign3A_1687 : i1 to i32
        %sign3A_1689 = arith.subi %sign3A_1685, %sign3A_1688 : i32
        %ne3A_1690 = arith.cmpi ne, %sign3A_1682, %sign3A_1689 : i32
        %rem3A_1691 = arith.remsi %squeeze3A_1673, %jit3A_1674 : i32
        %ne3A_1692 = arith.constant 0 : i32
        %ne3A_1693 = arith.cmpi ne, %rem3A_1691, %ne3A_1692 : i32
        %and3A_1694 = arith.andi %ne3A_1690, %ne3A_1693 : i1
        %sub3A_1695 = arith.constant 1 : i32
        %sub3A_1696 = arith.subi %div3A_1675, %sub3A_1695 : i32
        %select_n3A_1697 = arith.select %and3A_1694, %sub3A_1696, %div3A_1675 : i32
        %mul3A_1698 = arith.constant 128 : i32
        %mul3A_1699 = arith.muli %select_n3A_1697, %mul3A_1698 : i32
        %multiple_of3A_1700 = tpu.assume_multiple %mul3A_1699, 128 : i32
        %dma_start3A_1701 = arith.constant 11 : i32
        %dma_start3A_1702 = arith.constant 0 : i32
        %dma_start3A_1703 = arith.constant 0 : i32
        %dma_start3A_1704 = tpu.memref_slice %arg6[%dma_start3A_1701, %dma_start3A_1702, %dma_start3A_1703] : memref<24x32x128xf32, #tpu.memory_space<vmem>> -> memref<1x32x128xf32, #tpu.memory_space<vmem>>
        %dma_start3A_1705 = tpu.memref_squeeze %dma_start3A_1704 : memref<1x32x128xf32, #tpu.memory_space<vmem>> -> memref<32x128xf32, #tpu.memory_space<vmem>>
        %dma_start3A_1706 = arith.constant 0 : i32
        %dma_start3A_1707 = tpu.memref_slice %arg2[%dma_start3A_1706, %multiple_of3A_1700] : memref<32x1000000xf32, #tpu.memory_space<hbm>> -> memref<32x128xf32, #tpu.memory_space<hbm>>
        %dma_start3A_1708 = arith.constant 0 : i32
        %dma_start3A_1709 = arith.constant 0 : i32
        %dma_start3A_1710 = tpu.memref_slice %arg6[%dma_start3A_1701, %dma_start3A_1708, %dma_start3A_1709] : memref<24x32x128xf32, #tpu.memory_space<vmem>> -> memref<1x32x128xf32, #tpu.memory_space<vmem>>
        %dma_start3A_1711 = tpu.memref_squeeze %dma_start3A_1710 : memref<1x32x128xf32, #tpu.memory_space<vmem>> -> memref<32x128xf32, #tpu.memory_space<vmem>>
        %dma_start3A_1712 = arith.constant 0 : i32
        %dma_start3A_1713 = tpu.memref_slice %arg2[%dma_start3A_1712, %multiple_of3A_1700] : memref<32x1000000xf32, #tpu.memory_space<hbm>> -> memref<32x128xf32, #tpu.memory_space<hbm>>
        tpu.enqueue_dma source(%dma_start3A_1713 : memref<32x128xf32, #tpu.memory_space<hbm>>) target(%dma_start3A_1711 : memref<32x128xf32, #tpu.memory_space<vmem>>) target_semaphore(%arg9 : memref<!tpu.dma_semaphore, #tpu.memory_space<semaphore_mem>>)
        %slice3A_1714 = vector.extract_strided_slice %get3A_1545 {offsets = [4], sizes = [1], strides = [1]} : vector<16xi32> to vector<1xi32>
        %squeeze3A_1715 = vector.extract %slice3A_1714[0] : i32 from vector<1xi32>
        %jit3A_1716 = arith.constant 128 : i32
        %div3A_1717 = arith.divsi %squeeze3A_1715, %jit3A_1716 : i32
        %sign3A_1718 = arith.constant 0 : i32
        %sign3A_1719 = arith.cmpi sgt, %squeeze3A_1715, %sign3A_1718 : i32
        %sign3A_1720 = arith.extui %sign3A_1719 : i1 to i32
        %sign3A_1721 = arith.constant 0 : i32
        %sign3A_1722 = arith.cmpi slt, %squeeze3A_1715, %sign3A_1721 : i32
        %sign3A_1723 = arith.extui %sign3A_1722 : i1 to i32
        %sign3A_1724 = arith.subi %sign3A_1720, %sign3A_1723 : i32
        %sign3A_1725 = arith.constant 0 : i32
        %sign3A_1726 = arith.cmpi sgt, %jit3A_1716, %sign3A_1725 : i32
        %sign3A_1727 = arith.extui %sign3A_1726 : i1 to i32
        %sign3A_1728 = arith.constant 0 : i32
        %sign3A_1729 = arith.cmpi slt, %jit3A_1716, %sign3A_1728 : i32
        %sign3A_1730 = arith.extui %sign3A_1729 : i1 to i32
        %sign3A_1731 = arith.subi %sign3A_1727, %sign3A_1730 : i32
        %ne3A_1732 = arith.cmpi ne, %sign3A_1724, %sign3A_1731 : i32
        %rem3A_1733 = arith.remsi %squeeze3A_1715, %jit3A_1716 : i32
        %ne3A_1734 = arith.constant 0 : i32
        %ne3A_1735 = arith.cmpi ne, %rem3A_1733, %ne3A_1734 : i32
        %and3A_1736 = arith.andi %ne3A_1732, %ne3A_1735 : i1
        %sub3A_1737 = arith.constant 1 : i32
        %sub3A_1738 = arith.subi %div3A_1717, %sub3A_1737 : i32
        %select_n3A_1739 = arith.select %and3A_1736, %sub3A_1738, %div3A_1717 : i32
        %mul3A_1740 = arith.constant 128 : i32
        %mul3A_1741 = arith.muli %select_n3A_1739, %mul3A_1740 : i32
        %multiple_of3A_1742 = tpu.assume_multiple %mul3A_1741, 128 : i32
        %dma_start3A_1743 = arith.constant 12 : i32
        %dma_start3A_1744 = arith.constant 0 : i32
        %dma_start3A_1745 = arith.constant 0 : i32
        %dma_start3A_1746 = tpu.memref_slice %arg6[%dma_start3A_1743, %dma_start3A_1744, %dma_start3A_1745] : memref<24x32x128xf32, #tpu.memory_space<vmem>> -> memref<1x32x128xf32, #tpu.memory_space<vmem>>
        %dma_start3A_1747 = tpu.memref_squeeze %dma_start3A_1746 : memref<1x32x128xf32, #tpu.memory_space<vmem>> -> memref<32x128xf32, #tpu.memory_space<vmem>>
        %dma_start3A_1748 = arith.constant 0 : i32
        %dma_start3A_1749 = tpu.memref_slice %arg2[%dma_start3A_1748, %multiple_of3A_1742] : memref<32x1000000xf32, #tpu.memory_space<hbm>> -> memref<32x128xf32, #tpu.memory_space<hbm>>
        %dma_start3A_1750 = arith.constant 0 : i32
        %dma_start3A_1751 = arith.constant 0 : i32
        %dma_start3A_1752 = tpu.memref_slice %arg6[%dma_start3A_1743, %dma_start3A_1750, %dma_start3A_1751] : memref<24x32x128xf32, #tpu.memory_space<vmem>> -> memref<1x32x128xf32, #tpu.memory_space<vmem>>
        %dma_start3A_1753 = tpu.memref_squeeze %dma_start3A_1752 : memref<1x32x128xf32, #tpu.memory_space<vmem>> -> memref<32x128xf32, #tpu.memory_space<vmem>>
        %dma_start3A_1754 = arith.constant 0 : i32
        %dma_start3A_1755 = tpu.memref_slice %arg2[%dma_start3A_1754, %multiple_of3A_1742] : memref<32x1000000xf32, #tpu.memory_space<hbm>> -> memref<32x128xf32, #tpu.memory_space<hbm>>
        tpu.enqueue_dma source(%dma_start3A_1755 : memref<32x128xf32, #tpu.memory_space<hbm>>) target(%dma_start3A_1753 : memref<32x128xf32, #tpu.memory_space<vmem>>) target_semaphore(%arg9 : memref<!tpu.dma_semaphore, #tpu.memory_space<semaphore_mem>>)
        %slice3A_1756 = vector.extract_strided_slice %get3A_1545 {offsets = [5], sizes = [1], strides = [1]} : vector<16xi32> to vector<1xi32>
        %squeeze3A_1757 = vector.extract %slice3A_1756[0] : i32 from vector<1xi32>
        %jit3A_1758 = arith.constant 128 : i32
        %div3A_1759 = arith.divsi %squeeze3A_1757, %jit3A_1758 : i32
        %sign3A_1760 = arith.constant 0 : i32
        %sign3A_1761 = arith.cmpi sgt, %squeeze3A_1757, %sign3A_1760 : i32
        %sign3A_1762 = arith.extui %sign3A_1761 : i1 to i32
        %sign3A_1763 = arith.constant 0 : i32
        %sign3A_1764 = arith.cmpi slt, %squeeze3A_1757, %sign3A_1763 : i32
        %sign3A_1765 = arith.extui %sign3A_1764 : i1 to i32
        %sign3A_1766 = arith.subi %sign3A_1762, %sign3A_1765 : i32
        %sign3A_1767 = arith.constant 0 : i32
        %sign3A_1768 = arith.cmpi sgt, %jit3A_1758, %sign3A_1767 : i32
        %sign3A_1769 = arith.extui %sign3A_1768 : i1 to i32
        %sign3A_1770 = arith.constant 0 : i32
        %sign3A_1771 = arith.cmpi slt, %jit3A_1758, %sign3A_1770 : i32
        %sign3A_1772 = arith.extui %sign3A_1771 : i1 to i32
        %sign3A_1773 = arith.subi %sign3A_1769, %sign3A_1772 : i32
        %ne3A_1774 = arith.cmpi ne, %sign3A_1766, %sign3A_1773 : i32
        %rem3A_1775 = arith.remsi %squeeze3A_1757, %jit3A_1758 : i32
        %ne3A_1776 = arith.constant 0 : i32
        %ne3A_1777 = arith.cmpi ne, %rem3A_1775, %ne3A_1776 : i32
        %and3A_1778 = arith.andi %ne3A_1774, %ne3A_1777 : i1
        %sub3A_1779 = arith.constant 1 : i32
        %sub3A_1780 = arith.subi %div3A_1759, %sub3A_1779 : i32
        %select_n3A_1781 = arith.select %and3A_1778, %sub3A_1780, %div3A_1759 : i32
        %mul3A_1782 = arith.constant 128 : i32
        %mul3A_1783 = arith.muli %select_n3A_1781, %mul3A_1782 : i32
        %multiple_of3A_1784 = tpu.assume_multiple %mul3A_1783, 128 : i32
        %dma_start3A_1785 = arith.constant 13 : i32
        %dma_start3A_1786 = arith.constant 0 : i32
        %dma_start3A_1787 = arith.constant 0 : i32
        %dma_start3A_1788 = tpu.memref_slice %arg6[%dma_start3A_1785, %dma_start3A_1786, %dma_start3A_1787] : memref<24x32x128xf32, #tpu.memory_space<vmem>> -> memref<1x32x128xf32, #tpu.memory_space<vmem>>
        %dma_start3A_1789 = tpu.memref_squeeze %dma_start3A_1788 : memref<1x32x128xf32, #tpu.memory_space<vmem>> -> memref<32x128xf32, #tpu.memory_space<vmem>>
        %dma_start3A_1790 = arith.constant 0 : i32
        %dma_start3A_1791 = tpu.memref_slice %arg2[%dma_start3A_1790, %multiple_of3A_1784] : memref<32x1000000xf32, #tpu.memory_space<hbm>> -> memref<32x128xf32, #tpu.memory_space<hbm>>
        %dma_start3A_1792 = arith.constant 0 : i32
        %dma_start3A_1793 = arith.constant 0 : i32
        %dma_start3A_1794 = tpu.memref_slice %arg6[%dma_start3A_1785, %dma_start3A_1792, %dma_start3A_1793] : memref<24x32x128xf32, #tpu.memory_space<vmem>> -> memref<1x32x128xf32, #tpu.memory_space<vmem>>
        %dma_start3A_1795 = tpu.memref_squeeze %dma_start3A_1794 : memref<1x32x128xf32, #tpu.memory_space<vmem>> -> memref<32x128xf32, #tpu.memory_space<vmem>>
        %dma_start3A_1796 = arith.constant 0 : i32
        %dma_start3A_1797 = tpu.memref_slice %arg2[%dma_start3A_1796, %multiple_of3A_1784] : memref<32x1000000xf32, #tpu.memory_space<hbm>> -> memref<32x128xf32, #tpu.memory_space<hbm>>
        tpu.enqueue_dma source(%dma_start3A_1797 : memref<32x128xf32, #tpu.memory_space<hbm>>) target(%dma_start3A_1795 : memref<32x128xf32, #tpu.memory_space<vmem>>) target_semaphore(%arg9 : memref<!tpu.dma_semaphore, #tpu.memory_space<semaphore_mem>>)
        %slice3A_1798 = vector.extract_strided_slice %get3A_1545 {offsets = [6], sizes = [1], strides = [1]} : vector<16xi32> to vector<1xi32>
        %squeeze3A_1799 = vector.extract %slice3A_1798[0] : i32 from vector<1xi32>
        %jit3A_1800 = arith.constant 128 : i32
        %div3A_1801 = arith.divsi %squeeze3A_1799, %jit3A_1800 : i32
        %sign3A_1802 = arith.constant 0 : i32
        %sign3A_1803 = arith.cmpi sgt, %squeeze3A_1799, %sign3A_1802 : i32
        %sign3A_1804 = arith.extui %sign3A_1803 : i1 to i32
        %sign3A_1805 = arith.constant 0 : i32
        %sign3A_1806 = arith.cmpi slt, %squeeze3A_1799, %sign3A_1805 : i32
        %sign3A_1807 = arith.extui %sign3A_1806 : i1 to i32
        %sign3A_1808 = arith.subi %sign3A_1804, %sign3A_1807 : i32
        %sign3A_1809 = arith.constant 0 : i32
        %sign3A_1810 = arith.cmpi sgt, %jit3A_1800, %sign3A_1809 : i32
        %sign3A_1811 = arith.extui %sign3A_1810 : i1 to i32
        %sign3A_1812 = arith.constant 0 : i32
        %sign3A_1813 = arith.cmpi slt, %jit3A_1800, %sign3A_1812 : i32
        %sign3A_1814 = arith.extui %sign3A_1813 : i1 to i32
        %sign3A_1815 = arith.subi %sign3A_1811, %sign3A_1814 : i32
        %ne3A_1816 = arith.cmpi ne, %sign3A_1808, %sign3A_1815 : i32
        %rem3A_1817 = arith.remsi %squeeze3A_1799, %jit3A_1800 : i32
        %ne3A_1818 = arith.constant 0 : i32
        %ne3A_1819 = arith.cmpi ne, %rem3A_1817, %ne3A_1818 : i32
        %and3A_1820 = arith.andi %ne3A_1816, %ne3A_1819 : i1
        %sub3A_1821 = arith.constant 1 : i32
        %sub3A_1822 = arith.subi %div3A_1801, %sub3A_1821 : i32
        %select_n3A_1823 = arith.select %and3A_1820, %sub3A_1822, %div3A_1801 : i32
        %mul3A_1824 = arith.constant 128 : i32
        %mul3A_1825 = arith.muli %select_n3A_1823, %mul3A_1824 : i32
        %multiple_of3A_1826 = tpu.assume_multiple %mul3A_1825, 128 : i32
        %dma_start3A_1827 = arith.constant 14 : i32
        %dma_start3A_1828 = arith.constant 0 : i32
        %dma_start3A_1829 = arith.constant 0 : i32
        %dma_start3A_1830 = tpu.memref_slice %arg6[%dma_start3A_1827, %dma_start3A_1828, %dma_start3A_1829] : memref<24x32x128xf32, #tpu.memory_space<vmem>> -> memref<1x32x128xf32, #tpu.memory_space<vmem>>
        %dma_start3A_1831 = tpu.memref_squeeze %dma_start3A_1830 : memref<1x32x128xf32, #tpu.memory_space<vmem>> -> memref<32x128xf32, #tpu.memory_space<vmem>>
        %dma_start3A_1832 = arith.constant 0 : i32
        %dma_start3A_1833 = tpu.memref_slice %arg2[%dma_start3A_1832, %multiple_of3A_1826] : memref<32x1000000xf32, #tpu.memory_space<hbm>> -> memref<32x128xf32, #tpu.memory_space<hbm>>
        %dma_start3A_1834 = arith.constant 0 : i32
        %dma_start3A_1835 = arith.constant 0 : i32
        %dma_start3A_1836 = tpu.memref_slice %arg6[%dma_start3A_1827, %dma_start3A_1834, %dma_start3A_1835] : memref<24x32x128xf32, #tpu.memory_space<vmem>> -> memref<1x32x128xf32, #tpu.memory_space<vmem>>
        %dma_start3A_1837 = tpu.memref_squeeze %dma_start3A_1836 : memref<1x32x128xf32, #tpu.memory_space<vmem>> -> memref<32x128xf32, #tpu.memory_space<vmem>>
        %dma_start3A_1838 = arith.constant 0 : i32
        %dma_start3A_1839 = tpu.memref_slice %arg2[%dma_start3A_1838, %multiple_of3A_1826] : memref<32x1000000xf32, #tpu.memory_space<hbm>> -> memref<32x128xf32, #tpu.memory_space<hbm>>
        tpu.enqueue_dma source(%dma_start3A_1839 : memref<32x128xf32, #tpu.memory_space<hbm>>) target(%dma_start3A_1837 : memref<32x128xf32, #tpu.memory_space<vmem>>) target_semaphore(%arg9 : memref<!tpu.dma_semaphore, #tpu.memory_space<semaphore_mem>>)
        %slice3A_1840 = vector.extract_strided_slice %get3A_1545 {offsets = [7], sizes = [1], strides = [1]} : vector<16xi32> to vector<1xi32>
        %squeeze3A_1841 = vector.extract %slice3A_1840[0] : i32 from vector<1xi32>
        %jit3A_1842 = arith.constant 128 : i32
        %div3A_1843 = arith.divsi %squeeze3A_1841, %jit3A_1842 : i32
        %sign3A_1844 = arith.constant 0 : i32
        %sign3A_1845 = arith.cmpi sgt, %squeeze3A_1841, %sign3A_1844 : i32
        %sign3A_1846 = arith.extui %sign3A_1845 : i1 to i32
        %sign3A_1847 = arith.constant 0 : i32
        %sign3A_1848 = arith.cmpi slt, %squeeze3A_1841, %sign3A_1847 : i32
        %sign3A_1849 = arith.extui %sign3A_1848 : i1 to i32
        %sign3A_1850 = arith.subi %sign3A_1846, %sign3A_1849 : i32
        %sign3A_1851 = arith.constant 0 : i32
        %sign3A_1852 = arith.cmpi sgt, %jit3A_1842, %sign3A_1851 : i32
        %sign3A_1853 = arith.extui %sign3A_1852 : i1 to i32
        %sign3A_1854 = arith.constant 0 : i32
        %sign3A_1855 = arith.cmpi slt, %jit3A_1842, %sign3A_1854 : i32
        %sign3A_1856 = arith.extui %sign3A_1855 : i1 to i32
        %sign3A_1857 = arith.subi %sign3A_1853, %sign3A_1856 : i32
        %ne3A_1858 = arith.cmpi ne, %sign3A_1850, %sign3A_1857 : i32
        %rem3A_1859 = arith.remsi %squeeze3A_1841, %jit3A_1842 : i32
        %ne3A_1860 = arith.constant 0 : i32
        %ne3A_1861 = arith.cmpi ne, %rem3A_1859, %ne3A_1860 : i32
        %and3A_1862 = arith.andi %ne3A_1858, %ne3A_1861 : i1
        %sub3A_1863 = arith.constant 1 : i32
        %sub3A_1864 = arith.subi %div3A_1843, %sub3A_1863 : i32
        %select_n3A_1865 = arith.select %and3A_1862, %sub3A_1864, %div3A_1843 : i32
        %mul3A_1866 = arith.constant 128 : i32
        %mul3A_1867 = arith.muli %select_n3A_1865, %mul3A_1866 : i32
        %multiple_of3A_1868 = tpu.assume_multiple %mul3A_1867, 128 : i32
        %dma_start3A_1869 = arith.constant 15 : i32
        %dma_start3A_1870 = arith.constant 0 : i32
        %dma_start3A_1871 = arith.constant 0 : i32
        %dma_start3A_1872 = tpu.memref_slice %arg6[%dma_start3A_1869, %dma_start3A_1870, %dma_start3A_1871] : memref<24x32x128xf32, #tpu.memory_space<vmem>> -> memref<1x32x128xf32, #tpu.memory_space<vmem>>
        %dma_start3A_1873 = tpu.memref_squeeze %dma_start3A_1872 : memref<1x32x128xf32, #tpu.memory_space<vmem>> -> memref<32x128xf32, #tpu.memory_space<vmem>>
        %dma_start3A_1874 = arith.constant 0 : i32
        %dma_start3A_1875 = tpu.memref_slice %arg2[%dma_start3A_1874, %multiple_of3A_1868] : memref<32x1000000xf32, #tpu.memory_space<hbm>> -> memref<32x128xf32, #tpu.memory_space<hbm>>
        %dma_start3A_1876 = arith.constant 0 : i32
        %dma_start3A_1877 = arith.constant 0 : i32
        %dma_start3A_1878 = tpu.memref_slice %arg6[%dma_start3A_1869, %dma_start3A_1876, %dma_start3A_1877] : memref<24x32x128xf32, #tpu.memory_space<vmem>> -> memref<1x32x128xf32, #tpu.memory_space<vmem>>
        %dma_start3A_1879 = tpu.memref_squeeze %dma_start3A_1878 : memref<1x32x128xf32, #tpu.memory_space<vmem>> -> memref<32x128xf32, #tpu.memory_space<vmem>>
        %dma_start3A_1880 = arith.constant 0 : i32
        %dma_start3A_1881 = tpu.memref_slice %arg2[%dma_start3A_1880, %multiple_of3A_1868] : memref<32x1000000xf32, #tpu.memory_space<hbm>> -> memref<32x128xf32, #tpu.memory_space<hbm>>
        tpu.enqueue_dma source(%dma_start3A_1881 : memref<32x128xf32, #tpu.memory_space<hbm>>) target(%dma_start3A_1879 : memref<32x128xf32, #tpu.memory_space<vmem>>) target_semaphore(%arg9 : memref<!tpu.dma_semaphore, #tpu.memory_space<semaphore_mem>>)
      } else {
      }
      %dma_wait3A_1341 = arith.constant 16 : i32
      %dma_wait3A_1342 = arith.constant 0 : i32
      %dma_wait3A_1343 = arith.constant 0 : i32
      %dma_wait3A_1344 = tpu.memref_slice %arg6[%dma_wait3A_1341, %dma_wait3A_1342, %dma_wait3A_1343] : memref<24x32x128xf32, #tpu.memory_space<vmem>> -> memref<1x32x128xf32, #tpu.memory_space<vmem>>
      %dma_wait3A_1345 = tpu.memref_squeeze %dma_wait3A_1344 : memref<1x32x128xf32, #tpu.memory_space<vmem>> -> memref<32x128xf32, #tpu.memory_space<vmem>>
      %dma_wait3A_1346 = arith.constant 0 : i32
      %dma_wait3A_1347 = arith.constant 0 : i32
      %dma_wait3A_1348 = tpu.memref_slice %arg2[%dma_wait3A_1346, %dma_wait3A_1347] : memref<32x1000000xf32, #tpu.memory_space<hbm>> -> memref<32x128xf32, #tpu.memory_space<hbm>>
      %dma_wait3A_1349 = arith.constant 0 : i32
      %dma_wait3A_1350 = arith.constant 0 : i32
      %dma_wait3A_1351 = tpu.memref_slice %arg6[%dma_wait3A_1341, %dma_wait3A_1349, %dma_wait3A_1350] : memref<24x32x128xf32, #tpu.memory_space<vmem>> -> memref<1x32x128xf32, #tpu.memory_space<vmem>>
      %dma_wait3A_1352 = tpu.memref_squeeze %dma_wait3A_1351 : memref<1x32x128xf32, #tpu.memory_space<vmem>> -> memref<32x128xf32, #tpu.memory_space<vmem>>
      %dma_wait3A_1353 = arith.constant 0 : i32
      %dma_wait3A_1354 = arith.constant 0 : i32
      %dma_wait3A_1355 = tpu.memref_slice %arg2[%dma_wait3A_1353, %dma_wait3A_1354] : memref<32x1000000xf32, #tpu.memory_space<hbm>> -> memref<32x128xf32, #tpu.memory_space<hbm>>
      tpu.wait_dma2 semaphore(%arg10 : memref<!tpu.dma_semaphore, #tpu.memory_space<semaphore_mem>>) src(%dma_wait3A_1355 : memref<32x128xf32, #tpu.memory_space<hbm>>) dst(%dma_wait3A_1352 : memref<32x128xf32, #tpu.memory_space<vmem>>)
      %dma_wait3A_1356 = arith.constant 17 : i32
      %dma_wait3A_1357 = arith.constant 0 : i32
      %dma_wait3A_1358 = arith.constant 0 : i32
      %dma_wait3A_1359 = tpu.memref_slice %arg6[%dma_wait3A_1356, %dma_wait3A_1357, %dma_wait3A_1358] : memref<24x32x128xf32, #tpu.memory_space<vmem>> -> memref<1x32x128xf32, #tpu.memory_space<vmem>>
      %dma_wait3A_1360 = tpu.memref_squeeze %dma_wait3A_1359 : memref<1x32x128xf32, #tpu.memory_space<vmem>> -> memref<32x128xf32, #tpu.memory_space<vmem>>
      %dma_wait3A_1361 = arith.constant 0 : i32
      %dma_wait3A_1362 = arith.constant 0 : i32
      %dma_wait3A_1363 = tpu.memref_slice %arg2[%dma_wait3A_1361, %dma_wait3A_1362] : memref<32x1000000xf32, #tpu.memory_space<hbm>> -> memref<32x128xf32, #tpu.memory_space<hbm>>
      %dma_wait3A_1364 = arith.constant 0 : i32
      %dma_wait3A_1365 = arith.constant 0 : i32
      %dma_wait3A_1366 = tpu.memref_slice %arg6[%dma_wait3A_1356, %dma_wait3A_1364, %dma_wait3A_1365] : memref<24x32x128xf32, #tpu.memory_space<vmem>> -> memref<1x32x128xf32, #tpu.memory_space<vmem>>
      %dma_wait3A_1367 = tpu.memref_squeeze %dma_wait3A_1366 : memref<1x32x128xf32, #tpu.memory_space<vmem>> -> memref<32x128xf32, #tpu.memory_space<vmem>>
      %dma_wait3A_1368 = arith.constant 0 : i32
      %dma_wait3A_1369 = arith.constant 0 : i32
      %dma_wait3A_1370 = tpu.memref_slice %arg2[%dma_wait3A_1368, %dma_wait3A_1369] : memref<32x1000000xf32, #tpu.memory_space<hbm>> -> memref<32x128xf32, #tpu.memory_space<hbm>>
      tpu.wait_dma2 semaphore(%arg10 : memref<!tpu.dma_semaphore, #tpu.memory_space<semaphore_mem>>) src(%dma_wait3A_1370 : memref<32x128xf32, #tpu.memory_space<hbm>>) dst(%dma_wait3A_1367 : memref<32x128xf32, #tpu.memory_space<vmem>>)
      %dma_wait3A_1371 = arith.constant 18 : i32
      %dma_wait3A_1372 = arith.constant 0 : i32
      %dma_wait3A_1373 = arith.constant 0 : i32
      %dma_wait3A_1374 = tpu.memref_slice %arg6[%dma_wait3A_1371, %dma_wait3A_1372, %dma_wait3A_1373] : memref<24x32x128xf32, #tpu.memory_space<vmem>> -> memref<1x32x128xf32, #tpu.memory_space<vmem>>
      %dma_wait3A_1375 = tpu.memref_squeeze %dma_wait3A_1374 : memref<1x32x128xf32, #tpu.memory_space<vmem>> -> memref<32x128xf32, #tpu.memory_space<vmem>>
      %dma_wait3A_1376 = arith.constant 0 : i32
      %dma_wait3A_1377 = arith.constant 0 : i32
      %dma_wait3A_1378 = tpu.memref_slice %arg2[%dma_wait3A_1376, %dma_wait3A_1377] : memref<32x1000000xf32, #tpu.memory_space<hbm>> -> memref<32x128xf32, #tpu.memory_space<hbm>>
      %dma_wait3A_1379 = arith.constant 0 : i32
      %dma_wait3A_1380 = arith.constant 0 : i32
      %dma_wait3A_1381 = tpu.memref_slice %arg6[%dma_wait3A_1371, %dma_wait3A_1379, %dma_wait3A_1380] : memref<24x32x128xf32, #tpu.memory_space<vmem>> -> memref<1x32x128xf32, #tpu.memory_space<vmem>>
      %dma_wait3A_1382 = tpu.memref_squeeze %dma_wait3A_1381 : memref<1x32x128xf32, #tpu.memory_space<vmem>> -> memref<32x128xf32, #tpu.memory_space<vmem>>
      %dma_wait3A_1383 = arith.constant 0 : i32
      %dma_wait3A_1384 = arith.constant 0 : i32
      %dma_wait3A_1385 = tpu.memref_slice %arg2[%dma_wait3A_1383, %dma_wait3A_1384] : memref<32x1000000xf32, #tpu.memory_space<hbm>> -> memref<32x128xf32, #tpu.memory_space<hbm>>
      tpu.wait_dma2 semaphore(%arg10 : memref<!tpu.dma_semaphore, #tpu.memory_space<semaphore_mem>>) src(%dma_wait3A_1385 : memref<32x128xf32, #tpu.memory_space<hbm>>) dst(%dma_wait3A_1382 : memref<32x128xf32, #tpu.memory_space<vmem>>)
      %dma_wait3A_1386 = arith.constant 19 : i32
      %dma_wait3A_1387 = arith.constant 0 : i32
      %dma_wait3A_1388 = arith.constant 0 : i32
      %dma_wait3A_1389 = tpu.memref_slice %arg6[%dma_wait3A_1386, %dma_wait3A_1387, %dma_wait3A_1388] : memref<24x32x128xf32, #tpu.memory_space<vmem>> -> memref<1x32x128xf32, #tpu.memory_space<vmem>>
      %dma_wait3A_1390 = tpu.memref_squeeze %dma_wait3A_1389 : memref<1x32x128xf32, #tpu.memory_space<vmem>> -> memref<32x128xf32, #tpu.memory_space<vmem>>
      %dma_wait3A_1391 = arith.constant 0 : i32
      %dma_wait3A_1392 = arith.constant 0 : i32
      %dma_wait3A_1393 = tpu.memref_slice %arg2[%dma_wait3A_1391, %dma_wait3A_1392] : memref<32x1000000xf32, #tpu.memory_space<hbm>> -> memref<32x128xf32, #tpu.memory_space<hbm>>
      %dma_wait3A_1394 = arith.constant 0 : i32
      %dma_wait3A_1395 = arith.constant 0 : i32
      %dma_wait3A_1396 = tpu.memref_slice %arg6[%dma_wait3A_1386, %dma_wait3A_1394, %dma_wait3A_1395] : memref<24x32x128xf32, #tpu.memory_space<vmem>> -> memref<1x32x128xf32, #tpu.memory_space<vmem>>
      %dma_wait3A_1397 = tpu.memref_squeeze %dma_wait3A_1396 : memref<1x32x128xf32, #tpu.memory_space<vmem>> -> memref<32x128xf32, #tpu.memory_space<vmem>>
      %dma_wait3A_1398 = arith.constant 0 : i32
      %dma_wait3A_1399 = arith.constant 0 : i32
      %dma_wait3A_1400 = tpu.memref_slice %arg2[%dma_wait3A_1398, %dma_wait3A_1399] : memref<32x1000000xf32, #tpu.memory_space<hbm>> -> memref<32x128xf32, #tpu.memory_space<hbm>>
      tpu.wait_dma2 semaphore(%arg10 : memref<!tpu.dma_semaphore, #tpu.memory_space<semaphore_mem>>) src(%dma_wait3A_1400 : memref<32x128xf32, #tpu.memory_space<hbm>>) dst(%dma_wait3A_1397 : memref<32x128xf32, #tpu.memory_space<vmem>>)
      %dma_wait3A_1401 = arith.constant 20 : i32
      %dma_wait3A_1402 = arith.constant 0 : i32
      %dma_wait3A_1403 = arith.constant 0 : i32
      %dma_wait3A_1404 = tpu.memref_slice %arg6[%dma_wait3A_1401, %dma_wait3A_1402, %dma_wait3A_1403] : memref<24x32x128xf32, #tpu.memory_space<vmem>> -> memref<1x32x128xf32, #tpu.memory_space<vmem>>
      %dma_wait3A_1405 = tpu.memref_squeeze %dma_wait3A_1404 : memref<1x32x128xf32, #tpu.memory_space<vmem>> -> memref<32x128xf32, #tpu.memory_space<vmem>>
      %dma_wait3A_1406 = arith.constant 0 : i32
      %dma_wait3A_1407 = arith.constant 0 : i32
      %dma_wait3A_1408 = tpu.memref_slice %arg2[%dma_wait3A_1406, %dma_wait3A_1407] : memref<32x1000000xf32, #tpu.memory_space<hbm>> -> memref<32x128xf32, #tpu.memory_space<hbm>>
      %dma_wait3A_1409 = arith.constant 0 : i32
      %dma_wait3A_1410 = arith.constant 0 : i32
      %dma_wait3A_1411 = tpu.memref_slice %arg6[%dma_wait3A_1401, %dma_wait3A_1409, %dma_wait3A_1410] : memref<24x32x128xf32, #tpu.memory_space<vmem>> -> memref<1x32x128xf32, #tpu.memory_space<vmem>>
      %dma_wait3A_1412 = tpu.memref_squeeze %dma_wait3A_1411 : memref<1x32x128xf32, #tpu.memory_space<vmem>> -> memref<32x128xf32, #tpu.memory_space<vmem>>
      %dma_wait3A_1413 = arith.constant 0 : i32
      %dma_wait3A_1414 = arith.constant 0 : i32
      %dma_wait3A_1415 = tpu.memref_slice %arg2[%dma_wait3A_1413, %dma_wait3A_1414] : memref<32x1000000xf32, #tpu.memory_space<hbm>> -> memref<32x128xf32, #tpu.memory_space<hbm>>
      tpu.wait_dma2 semaphore(%arg10 : memref<!tpu.dma_semaphore, #tpu.memory_space<semaphore_mem>>) src(%dma_wait3A_1415 : memref<32x128xf32, #tpu.memory_space<hbm>>) dst(%dma_wait3A_1412 : memref<32x128xf32, #tpu.memory_space<vmem>>)
      %dma_wait3A_1416 = arith.constant 21 : i32
      %dma_wait3A_1417 = arith.constant 0 : i32
      %dma_wait3A_1418 = arith.constant 0 : i32
      %dma_wait3A_1419 = tpu.memref_slice %arg6[%dma_wait3A_1416, %dma_wait3A_1417, %dma_wait3A_1418] : memref<24x32x128xf32, #tpu.memory_space<vmem>> -> memref<1x32x128xf32, #tpu.memory_space<vmem>>
      %dma_wait3A_1420 = tpu.memref_squeeze %dma_wait3A_1419 : memref<1x32x128xf32, #tpu.memory_space<vmem>> -> memref<32x128xf32, #tpu.memory_space<vmem>>
      %dma_wait3A_1421 = arith.constant 0 : i32
      %dma_wait3A_1422 = arith.constant 0 : i32
      %dma_wait3A_1423 = tpu.memref_slice %arg2[%dma_wait3A_1421, %dma_wait3A_1422] : memref<32x1000000xf32, #tpu.memory_space<hbm>> -> memref<32x128xf32, #tpu.memory_space<hbm>>
      %dma_wait3A_1424 = arith.constant 0 : i32
      %dma_wait3A_1425 = arith.constant 0 : i32
      %dma_wait3A_1426 = tpu.memref_slice %arg6[%dma_wait3A_1416, %dma_wait3A_1424, %dma_wait3A_1425] : memref<24x32x128xf32, #tpu.memory_space<vmem>> -> memref<1x32x128xf32, #tpu.memory_space<vmem>>
      %dma_wait3A_1427 = tpu.memref_squeeze %dma_wait3A_1426 : memref<1x32x128xf32, #tpu.memory_space<vmem>> -> memref<32x128xf32, #tpu.memory_space<vmem>>
      %dma_wait3A_1428 = arith.constant 0 : i32
      %dma_wait3A_1429 = arith.constant 0 : i32
      %dma_wait3A_1430 = tpu.memref_slice %arg2[%dma_wait3A_1428, %dma_wait3A_1429] : memref<32x1000000xf32, #tpu.memory_space<hbm>> -> memref<32x128xf32, #tpu.memory_space<hbm>>
      tpu.wait_dma2 semaphore(%arg10 : memref<!tpu.dma_semaphore, #tpu.memory_space<semaphore_mem>>) src(%dma_wait3A_1430 : memref<32x128xf32, #tpu.memory_space<hbm>>) dst(%dma_wait3A_1427 : memref<32x128xf32, #tpu.memory_space<vmem>>)
      %dma_wait3A_1431 = arith.constant 22 : i32
      %dma_wait3A_1432 = arith.constant 0 : i32
      %dma_wait3A_1433 = arith.constant 0 : i32
      %dma_wait3A_1434 = tpu.memref_slice %arg6[%dma_wait3A_1431, %dma_wait3A_1432, %dma_wait3A_1433] : memref<24x32x128xf32, #tpu.memory_space<vmem>> -> memref<1x32x128xf32, #tpu.memory_space<vmem>>
      %dma_wait3A_1435 = tpu.memref_squeeze %dma_wait3A_1434 : memref<1x32x128xf32, #tpu.memory_space<vmem>> -> memref<32x128xf32, #tpu.memory_space<vmem>>
      %dma_wait3A_1436 = arith.constant 0 : i32
      %dma_wait3A_1437 = arith.constant 0 : i32
      %dma_wait3A_1438 = tpu.memref_slice %arg2[%dma_wait3A_1436, %dma_wait3A_1437] : memref<32x1000000xf32, #tpu.memory_space<hbm>> -> memref<32x128xf32, #tpu.memory_space<hbm>>
      %dma_wait3A_1439 = arith.constant 0 : i32
      %dma_wait3A_1440 = arith.constant 0 : i32
      %dma_wait3A_1441 = tpu.memref_slice %arg6[%dma_wait3A_1431, %dma_wait3A_1439, %dma_wait3A_1440] : memref<24x32x128xf32, #tpu.memory_space<vmem>> -> memref<1x32x128xf32, #tpu.memory_space<vmem>>
      %dma_wait3A_1442 = tpu.memref_squeeze %dma_wait3A_1441 : memref<1x32x128xf32, #tpu.memory_space<vmem>> -> memref<32x128xf32, #tpu.memory_space<vmem>>
      %dma_wait3A_1443 = arith.constant 0 : i32
      %dma_wait3A_1444 = arith.constant 0 : i32
      %dma_wait3A_1445 = tpu.memref_slice %arg2[%dma_wait3A_1443, %dma_wait3A_1444] : memref<32x1000000xf32, #tpu.memory_space<hbm>> -> memref<32x128xf32, #tpu.memory_space<hbm>>
      tpu.wait_dma2 semaphore(%arg10 : memref<!tpu.dma_semaphore, #tpu.memory_space<semaphore_mem>>) src(%dma_wait3A_1445 : memref<32x128xf32, #tpu.memory_space<hbm>>) dst(%dma_wait3A_1442 : memref<32x128xf32, #tpu.memory_space<vmem>>)
      %dma_wait3A_1446 = arith.constant 23 : i32
      %dma_wait3A_1447 = arith.constant 0 : i32
      %dma_wait3A_1448 = arith.constant 0 : i32
      %dma_wait3A_1449 = tpu.memref_slice %arg6[%dma_wait3A_1446, %dma_wait3A_1447, %dma_wait3A_1448] : memref<24x32x128xf32, #tpu.memory_space<vmem>> -> memref<1x32x128xf32, #tpu.memory_space<vmem>>
      %dma_wait3A_1450 = tpu.memref_squeeze %dma_wait3A_1449 : memref<1x32x128xf32, #tpu.memory_space<vmem>> -> memref<32x128xf32, #tpu.memory_space<vmem>>
      %dma_wait3A_1451 = arith.constant 0 : i32
      %dma_wait3A_1452 = arith.constant 0 : i32
      %dma_wait3A_1453 = tpu.memref_slice %arg2[%dma_wait3A_1451, %dma_wait3A_1452] : memref<32x1000000xf32, #tpu.memory_space<hbm>> -> memref<32x128xf32, #tpu.memory_space<hbm>>
      %dma_wait3A_1454 = arith.constant 0 : i32
      %dma_wait3A_1455 = arith.constant 0 : i32
      %dma_wait3A_1456 = tpu.memref_slice %arg6[%dma_wait3A_1446, %dma_wait3A_1454, %dma_wait3A_1455] : memref<24x32x128xf32, #tpu.memory_space<vmem>> -> memref<1x32x128xf32, #tpu.memory_space<vmem>>
      %dma_wait3A_1457 = tpu.memref_squeeze %dma_wait3A_1456 : memref<1x32x128xf32, #tpu.memory_space<vmem>> -> memref<32x128xf32, #tpu.memory_space<vmem>>
      %dma_wait3A_1458 = arith.constant 0 : i32
      %dma_wait3A_1459 = arith.constant 0 : i32
      %dma_wait3A_1460 = tpu.memref_slice %arg2[%dma_wait3A_1458, %dma_wait3A_1459] : memref<32x1000000xf32, #tpu.memory_space<hbm>> -> memref<32x128xf32, #tpu.memory_space<hbm>>
      tpu.wait_dma2 semaphore(%arg10 : memref<!tpu.dma_semaphore, #tpu.memory_space<semaphore_mem>>) src(%dma_wait3A_1460 : memref<32x128xf32, #tpu.memory_space<hbm>>) dst(%dma_wait3A_1457 : memref<32x128xf32, #tpu.memory_space<vmem>>)
      %mul3A_1461 = arith.constant 8 : i32
      %mul3A_1462 = arith.muli %add3A_1335, %mul3A_1461 : i32
      %add3A_1463 = vector.broadcast %mul3A_1462 : i32 to vector<16xi32>
      %add3A_1464 = arith.addi %add3A_1463, %rem3A_674 : vector<16xi32>
      %gather3A_1465 = tpu.vector_load_idx %arg5[%add3A_1464] : memref<520xi32, #tpu.memory_space<vmem>>[vector<16xi32>], vector<16xi32>,
      %rem3A_1466 = arith.constant 128 : i32
      %rem3A_1467 = vector.broadcast %rem3A_1466 : i32 to vector<16xi32>
      %rem3A_1468 = arith.remsi %gather3A_1465, %rem3A_1467 : vector<16xi32>
      %add3A_1469 = arith.constant 16 : i32
      %add3A_1470 = vector.broadcast %add3A_1469 : i32 to vector<16xi32>
      %add3A_1471 = arith.addi %add3A_1470, %rem3A_674 : vector<16xi32>
      %mul3A_1472 = arith.constant 8 : i32
      %mul3A_1473 = arith.muli %add3A_1335, %mul3A_1472 : i32
      %add3A_1474 = vector.broadcast %mul3A_1473 : i32 to vector<16xi32>
      %add3A_1475 = arith.addi %add3A_1474, %rem3A_674 : vector<16xi32>
      %add3A_1476 = arith.constant 0 : i32
      %add3A_1477 = vector.broadcast %add3A_1476 : i32 to vector<16xi32>
      %add3A_1478 = arith.addi %select_n3A_705, %add3A_1477 : vector<16xi32>
      %gather3A_1479 = tpu.vector_load_idx %arg6[%add3A_1471, %add3A_1478, %rem3A_1468] : memref<24x32x128xf32, #tpu.memory_space<vmem>>[vector<16xi32>, vector<16xi32>, vector<16xi32>], vector<16xf32>,
      tpu.vector_store_idx %arg7[%add3A_1478, %add3A_1475], %gather3A_1479 : memref<32x512xf32, #tpu.memory_space<vmem>>[vector<16xi32>, vector<16xi32>], vector<16xf32>,
      %add3A_1480 = arith.constant 2 : i32
      %add3A_1481 = vector.broadcast %add3A_1480 : i32 to vector<16xi32>
      %add3A_1482 = arith.addi %select_n3A_705, %add3A_1481 : vector<16xi32>
      %gather3A_1483 = tpu.vector_load_idx %arg6[%add3A_1471, %add3A_1482, %rem3A_1468] : memref<24x32x128xf32, #tpu.memory_space<vmem>>[vector<16xi32>, vector<16xi32>, vector<16xi32>], vector<16xf32>,
      tpu.vector_store_idx %arg7[%add3A_1482, %add3A_1475], %gather3A_1483 : memref<32x512xf32, #tpu.memory_space<vmem>>[vector<16xi32>, vector<16xi32>], vector<16xf32>,
      %add3A_1484 = arith.constant 4 : i32
      %add3A_1485 = vector.broadcast %add3A_1484 : i32 to vector<16xi32>
      %add3A_1486 = arith.addi %select_n3A_705, %add3A_1485 : vector<16xi32>
      %gather3A_1487 = tpu.vector_load_idx %arg6[%add3A_1471, %add3A_1486, %rem3A_1468] : memref<24x32x128xf32, #tpu.memory_space<vmem>>[vector<16xi32>, vector<16xi32>, vector<16xi32>], vector<16xf32>,
      tpu.vector_store_idx %arg7[%add3A_1486, %add3A_1475], %gather3A_1487 : memref<32x512xf32, #tpu.memory_space<vmem>>[vector<16xi32>, vector<16xi32>], vector<16xf32>,
      %add3A_1488 = arith.constant 6 : i32
      %add3A_1489 = vector.broadcast %add3A_1488 : i32 to vector<16xi32>
      %add3A_1490 = arith.addi %select_n3A_705, %add3A_1489 : vector<16xi32>
      %gather3A_1491 = tpu.vector_load_idx %arg6[%add3A_1471, %add3A_1490, %rem3A_1468] : memref<24x32x128xf32, #tpu.memory_space<vmem>>[vector<16xi32>, vector<16xi32>, vector<16xi32>], vector<16xf32>,
      tpu.vector_store_idx %arg7[%add3A_1490, %add3A_1475], %gather3A_1491 : memref<32x512xf32, #tpu.memory_space<vmem>>[vector<16xi32>, vector<16xi32>], vector<16xf32>,
      %add3A_1492 = arith.constant 8 : i32
      %add3A_1493 = vector.broadcast %add3A_1492 : i32 to vector<16xi32>
      %add3A_1494 = arith.addi %select_n3A_705, %add3A_1493 : vector<16xi32>
      %gather3A_1495 = tpu.vector_load_idx %arg6[%add3A_1471, %add3A_1494, %rem3A_1468] : memref<24x32x128xf32, #tpu.memory_space<vmem>>[vector<16xi32>, vector<16xi32>, vector<16xi32>], vector<16xf32>,
      tpu.vector_store_idx %arg7[%add3A_1494, %add3A_1475], %gather3A_1495 : memref<32x512xf32, #tpu.memory_space<vmem>>[vector<16xi32>, vector<16xi32>], vector<16xf32>,
      %add3A_1496 = arith.constant 10 : i32
      %add3A_1497 = vector.broadcast %add3A_1496 : i32 to vector<16xi32>
      %add3A_1498 = arith.addi %select_n3A_705, %add3A_1497 : vector<16xi32>
      %gather3A_1499 = tpu.vector_load_idx %arg6[%add3A_1471, %add3A_1498, %rem3A_1468] : memref<24x32x128xf32, #tpu.memory_space<vmem>>[vector<16xi32>, vector<16xi32>, vector<16xi32>], vector<16xf32>,
      tpu.vector_store_idx %arg7[%add3A_1498, %add3A_1475], %gather3A_1499 : memref<32x512xf32, #tpu.memory_space<vmem>>[vector<16xi32>, vector<16xi32>], vector<16xf32>,
      %add3A_1500 = arith.constant 12 : i32
      %add3A_1501 = vector.broadcast %add3A_1500 : i32 to vector<16xi32>
      %add3A_1502 = arith.addi %select_n3A_705, %add3A_1501 : vector<16xi32>
      %gather3A_1503 = tpu.vector_load_idx %arg6[%add3A_1471, %add3A_1502, %rem3A_1468] : memref<24x32x128xf32, #tpu.memory_space<vmem>>[vector<16xi32>, vector<16xi32>, vector<16xi32>], vector<16xf32>,
      tpu.vector_store_idx %arg7[%add3A_1502, %add3A_1475], %gather3A_1503 : memref<32x512xf32, #tpu.memory_space<vmem>>[vector<16xi32>, vector<16xi32>], vector<16xf32>,
      %add3A_1504 = arith.constant 14 : i32
      %add3A_1505 = vector.broadcast %add3A_1504 : i32 to vector<16xi32>
      %add3A_1506 = arith.addi %select_n3A_705, %add3A_1505 : vector<16xi32>
      %gather3A_1507 = tpu.vector_load_idx %arg6[%add3A_1471, %add3A_1506, %rem3A_1468] : memref<24x32x128xf32, #tpu.memory_space<vmem>>[vector<16xi32>, vector<16xi32>, vector<16xi32>], vector<16xf32>,
      tpu.vector_store_idx %arg7[%add3A_1506, %add3A_1475], %gather3A_1507 : memref<32x512xf32, #tpu.memory_space<vmem>>[vector<16xi32>, vector<16xi32>], vector<16xf32>,
      %add3A_1508 = arith.constant 16 : i32
      %add3A_1509 = vector.broadcast %add3A_1508 : i32 to vector<16xi32>
      %add3A_1510 = arith.addi %select_n3A_705, %add3A_1509 : vector<16xi32>
      %gather3A_1511 = tpu.vector_load_idx %arg6[%add3A_1471, %add3A_1510, %rem3A_1468] : memref<24x32x128xf32, #tpu.memory_space<vmem>>[vector<16xi32>, vector<16xi32>, vector<16xi32>], vector<16xf32>,
      tpu.vector_store_idx %arg7[%add3A_1510, %add3A_1475], %gather3A_1511 : memref<32x512xf32, #tpu.memory_space<vmem>>[vector<16xi32>, vector<16xi32>], vector<16xf32>,
      %add3A_1512 = arith.constant 18 : i32
      %add3A_1513 = vector.broadcast %add3A_1512 : i32 to vector<16xi32>
      %add3A_1514 = arith.addi %select_n3A_705, %add3A_1513 : vector<16xi32>
      %gather3A_1515 = tpu.vector_load_idx %arg6[%add3A_1471, %add3A_1514, %rem3A_1468] : memref<24x32x128xf32, #tpu.memory_space<vmem>>[vector<16xi32>, vector<16xi32>, vector<16xi32>], vector<16xf32>,
      tpu.vector_store_idx %arg7[%add3A_1514, %add3A_1475], %gather3A_1515 : memref<32x512xf32, #tpu.memory_space<vmem>>[vector<16xi32>, vector<16xi32>], vector<16xf32>,
      %add3A_1516 = arith.constant 20 : i32
      %add3A_1517 = vector.broadcast %add3A_1516 : i32 to vector<16xi32>
      %add3A_1518 = arith.addi %select_n3A_705, %add3A_1517 : vector<16xi32>
      %gather3A_1519 = tpu.vector_load_idx %arg6[%add3A_1471, %add3A_1518, %rem3A_1468] : memref<24x32x128xf32, #tpu.memory_space<vmem>>[vector<16xi32>, vector<16xi32>, vector<16xi32>], vector<16xf32>,
      tpu.vector_store_idx %arg7[%add3A_1518, %add3A_1475], %gather3A_1519 : memref<32x512xf32, #tpu.memory_space<vmem>>[vector<16xi32>, vector<16xi32>], vector<16xf32>,
      %add3A_1520 = arith.constant 22 : i32
      %add3A_1521 = vector.broadcast %add3A_1520 : i32 to vector<16xi32>
      %add3A_1522 = arith.addi %select_n3A_705, %add3A_1521 : vector<16xi32>
      %gather3A_1523 = tpu.vector_load_idx %arg6[%add3A_1471, %add3A_1522, %rem3A_1468] : memref<24x32x128xf32, #tpu.memory_space<vmem>>[vector<16xi32>, vector<16xi32>, vector<16xi32>], vector<16xf32>,
      tpu.vector_store_idx %arg7[%add3A_1522, %add3A_1475], %gather3A_1523 : memref<32x512xf32, #tpu.memory_space<vmem>>[vector<16xi32>, vector<16xi32>], vector<16xf32>,
      %add3A_1524 = arith.constant 24 : i32
      %add3A_1525 = vector.broadcast %add3A_1524 : i32 to vector<16xi32>
      %add3A_1526 = arith.addi %select_n3A_705, %add3A_1525 : vector<16xi32>
      %gather3A_1527 = tpu.vector_load_idx %arg6[%add3A_1471, %add3A_1526, %rem3A_1468] : memref<24x32x128xf32, #tpu.memory_space<vmem>>[vector<16xi32>, vector<16xi32>, vector<16xi32>], vector<16xf32>,
      tpu.vector_store_idx %arg7[%add3A_1526, %add3A_1475], %gather3A_1527 : memref<32x512xf32, #tpu.memory_space<vmem>>[vector<16xi32>, vector<16xi32>], vector<16xf32>,
      %add3A_1528 = arith.constant 26 : i32
      %add3A_1529 = vector.broadcast %add3A_1528 : i32 to vector<16xi32>
      %add3A_1530 = arith.addi %select_n3A_705, %add3A_1529 : vector<16xi32>
      %gather3A_1531 = tpu.vector_load_idx %arg6[%add3A_1471, %add3A_1530, %rem3A_1468] : memref<24x32x128xf32, #tpu.memory_space<vmem>>[vector<16xi32>, vector<16xi32>, vector<16xi32>], vector<16xf32>,
      tpu.vector_store_idx %arg7[%add3A_1530, %add3A_1475], %gather3A_1531 : memref<32x512xf32, #tpu.memory_space<vmem>>[vector<16xi32>, vector<16xi32>], vector<16xf32>,
      %add3A_1532 = arith.constant 28 : i32
      %add3A_1533 = vector.broadcast %add3A_1532 : i32 to vector<16xi32>
      %add3A_1534 = arith.addi %select_n3A_705, %add3A_1533 : vector<16xi32>
      %gather3A_1535 = tpu.vector_load_idx %arg6[%add3A_1471, %add3A_1534, %rem3A_1468] : memref<24x32x128xf32, #tpu.memory_space<vmem>>[vector<16xi32>, vector<16xi32>, vector<16xi32>], vector<16xf32>,
      tpu.vector_store_idx %arg7[%add3A_1534, %add3A_1475], %gather3A_1535 : memref<32x512xf32, #tpu.memory_space<vmem>>[vector<16xi32>, vector<16xi32>], vector<16xf32>,
      %add3A_1536 = arith.constant 30 : i32
      %add3A_1537 = vector.broadcast %add3A_1536 : i32 to vector<16xi32>
      %add3A_1538 = arith.addi %select_n3A_705, %add3A_1537 : vector<16xi32>
      %gather3A_1539 = tpu.vector_load_idx %arg6[%add3A_1471, %add3A_1538, %rem3A_1468] : memref<24x32x128xf32, #tpu.memory_space<vmem>>[vector<16xi32>, vector<16xi32>, vector<16xi32>], vector<16xf32>,
      tpu.vector_store_idx %arg7[%add3A_1538, %add3A_1475], %gather3A_1539 : memref<32x512xf32, #tpu.memory_space<vmem>>[vector<16xi32>, vector<16xi32>], vector<16xf32>,
    }
    %scan3A_710 = arith.constant 21 : i32
    %lt3A = arith.constant 63 : i32
    %lt3A_711 = arith.constant 62 : i32
    %lt3A_712 = arith.cmpi slt, %lt3A, %lt3A_711 : i32
    %convert_element_type3A = arith.extui %lt3A_712 : i1 to i32
    %cond3A = arith.constant 63 : i32
    %cond3A_713 = arith.constant 0 : i32
    %cond3A_714 = arith.cmpi ne, %convert_element_type3A, %cond3A_713 : i32
    scf.if %cond3A_714 {
      %add3A_915 = arith.constant 2 : i32
      %add3A_916 = arith.addi %cond3A, %add3A_915 : i32
      %mul3A_917 = arith.constant 8 : i32
      %mul3A_918 = arith.muli %add3A_916, %mul3A_917 : i32
      %get3A_919 = arith.index_cast %mul3A_918 : i32 to index
      %get3A_920 = tpu.vector_load %arg5[%get3A_919] {strides = array<i32>} : memref<520xi32, #tpu.memory_space<vmem>>, vector<16xi32>,
      %slice3A_921 = vector.extract_strided_slice %get3A_920 {offsets = [0], sizes = [1], strides = [1]} : vector<16xi32> to vector<1xi32>
      %squeeze3A_922 = vector.extract %slice3A_921[0] : i32 from vector<1xi32>
      %jit3A_923 = arith.constant 128 : i32
      %div3A_924 = arith.divsi %squeeze3A_922, %jit3A_923 : i32
      %sign3A_925 = arith.constant 0 : i32
      %sign3A_926 = arith.cmpi sgt, %squeeze3A_922, %sign3A_925 : i32
      %sign3A_927 = arith.extui %sign3A_926 : i1 to i32
      %sign3A_928 = arith.constant 0 : i32
      %sign3A_929 = arith.cmpi slt, %squeeze3A_922, %sign3A_928 : i32
      %sign3A_930 = arith.extui %sign3A_929 : i1 to i32
      %sign3A_931 = arith.subi %sign3A_927, %sign3A_930 : i32
      %sign3A_932 = arith.constant 0 : i32
      %sign3A_933 = arith.cmpi sgt, %jit3A_923, %sign3A_932 : i32
      %sign3A_934 = arith.extui %sign3A_933 : i1 to i32
      %sign3A_935 = arith.constant 0 : i32
      %sign3A_936 = arith.cmpi slt, %jit3A_923, %sign3A_935 : i32
      %sign3A_937 = arith.extui %sign3A_936 : i1 to i32
      %sign3A_938 = arith.subi %sign3A_934, %sign3A_937 : i32
      %ne3A_939 = arith.cmpi ne, %sign3A_931, %sign3A_938 : i32
      %rem3A_940 = arith.remsi %squeeze3A_922, %jit3A_923 : i32
      %ne3A_941 = arith.constant 0 : i32
      %ne3A_942 = arith.cmpi ne, %rem3A_940, %ne3A_941 : i32
      %and3A_943 = arith.andi %ne3A_939, %ne3A_942 : i1
      %sub3A_944 = arith.constant 1 : i32
      %sub3A_945 = arith.subi %div3A_924, %sub3A_944 : i32
      %select_n3A_946 = arith.select %and3A_943, %sub3A_945, %div3A_924 : i32
      %mul3A_947 = arith.constant 128 : i32
      %mul3A_948 = arith.muli %select_n3A_946, %mul3A_947 : i32
      %multiple_of3A_949 = tpu.assume_multiple %mul3A_948, 128 : i32
      %dma_start3A_950 = arith.constant 16 : i32
      %dma_start3A_951 = arith.constant 0 : i32
      %dma_start3A_952 = arith.constant 0 : i32
      %dma_start3A_953 = tpu.memref_slice %arg6[%dma_start3A_950, %dma_start3A_951, %dma_start3A_952] : memref<24x32x128xf32, #tpu.memory_space<vmem>> -> memref<1x32x128xf32, #tpu.memory_space<vmem>>
      %dma_start3A_954 = tpu.memref_squeeze %dma_start3A_953 : memref<1x32x128xf32, #tpu.memory_space<vmem>> -> memref<32x128xf32, #tpu.memory_space<vmem>>
      %dma_start3A_955 = arith.constant 0 : i32
      %dma_start3A_956 = tpu.memref_slice %arg2[%dma_start3A_955, %multiple_of3A_949] : memref<32x1000000xf32, #tpu.memory_space<hbm>> -> memref<32x128xf32, #tpu.memory_space<hbm>>
      %dma_start3A_957 = arith.constant 0 : i32
      %dma_start3A_958 = arith.constant 0 : i32
      %dma_start3A_959 = tpu.memref_slice %arg6[%dma_start3A_950, %dma_start3A_957, %dma_start3A_958] : memref<24x32x128xf32, #tpu.memory_space<vmem>> -> memref<1x32x128xf32, #tpu.memory_space<vmem>>
      %dma_start3A_960 = tpu.memref_squeeze %dma_start3A_959 : memref<1x32x128xf32, #tpu.memory_space<vmem>> -> memref<32x128xf32, #tpu.memory_space<vmem>>
      %dma_start3A_961 = arith.constant 0 : i32
      %dma_start3A_962 = tpu.memref_slice %arg2[%dma_start3A_961, %multiple_of3A_949] : memref<32x1000000xf32, #tpu.memory_space<hbm>> -> memref<32x128xf32, #tpu.memory_space<hbm>>
      tpu.enqueue_dma source(%dma_start3A_962 : memref<32x128xf32, #tpu.memory_space<hbm>>) target(%dma_start3A_960 : memref<32x128xf32, #tpu.memory_space<vmem>>) target_semaphore(%arg10 : memref<!tpu.dma_semaphore, #tpu.memory_space<semaphore_mem>>)
      %slice3A_963 = vector.extract_strided_slice %get3A_920 {offsets = [1], sizes = [1], strides = [1]} : vector<16xi32> to vector<1xi32>
      %squeeze3A_964 = vector.extract %slice3A_963[0] : i32 from vector<1xi32>
      %jit3A_965 = arith.constant 128 : i32
      %div3A_966 = arith.divsi %squeeze3A_964, %jit3A_965 : i32
      %sign3A_967 = arith.constant 0 : i32
      %sign3A_968 = arith.cmpi sgt, %squeeze3A_964, %sign3A_967 : i32
      %sign3A_969 = arith.extui %sign3A_968 : i1 to i32
      %sign3A_970 = arith.constant 0 : i32
      %sign3A_971 = arith.cmpi slt, %squeeze3A_964, %sign3A_970 : i32
      %sign3A_972 = arith.extui %sign3A_971 : i1 to i32
      %sign3A_973 = arith.subi %sign3A_969, %sign3A_972 : i32
      %sign3A_974 = arith.constant 0 : i32
      %sign3A_975 = arith.cmpi sgt, %jit3A_965, %sign3A_974 : i32
      %sign3A_976 = arith.extui %sign3A_975 : i1 to i32
      %sign3A_977 = arith.constant 0 : i32
      %sign3A_978 = arith.cmpi slt, %jit3A_965, %sign3A_977 : i32
      %sign3A_979 = arith.extui %sign3A_978 : i1 to i32
      %sign3A_980 = arith.subi %sign3A_976, %sign3A_979 : i32
      %ne3A_981 = arith.cmpi ne, %sign3A_973, %sign3A_980 : i32
      %rem3A_982 = arith.remsi %squeeze3A_964, %jit3A_965 : i32
      %ne3A_983 = arith.constant 0 : i32
      %ne3A_984 = arith.cmpi ne, %rem3A_982, %ne3A_983 : i32
      %and3A_985 = arith.andi %ne3A_981, %ne3A_984 : i1
      %sub3A_986 = arith.constant 1 : i32
      %sub3A_987 = arith.subi %div3A_966, %sub3A_986 : i32
      %select_n3A_988 = arith.select %and3A_985, %sub3A_987, %div3A_966 : i32
      %mul3A_989 = arith.constant 128 : i32
      %mul3A_990 = arith.muli %select_n3A_988, %mul3A_989 : i32
      %multiple_of3A_991 = tpu.assume_multiple %mul3A_990, 128 : i32
      %dma_start3A_992 = arith.constant 17 : i32
      %dma_start3A_993 = arith.constant 0 : i32
      %dma_start3A_994 = arith.constant 0 : i32
      %dma_start3A_995 = tpu.memref_slice %arg6[%dma_start3A_992, %dma_start3A_993, %dma_start3A_994] : memref<24x32x128xf32, #tpu.memory_space<vmem>> -> memref<1x32x128xf32, #tpu.memory_space<vmem>>
      %dma_start3A_996 = tpu.memref_squeeze %dma_start3A_995 : memref<1x32x128xf32, #tpu.memory_space<vmem>> -> memref<32x128xf32, #tpu.memory_space<vmem>>
      %dma_start3A_997 = arith.constant 0 : i32
      %dma_start3A_998 = tpu.memref_slice %arg2[%dma_start3A_997, %multiple_of3A_991] : memref<32x1000000xf32, #tpu.memory_space<hbm>> -> memref<32x128xf32, #tpu.memory_space<hbm>>
      %dma_start3A_999 = arith.constant 0 : i32
      %dma_start3A_1000 = arith.constant 0 : i32
      %dma_start3A_1001 = tpu.memref_slice %arg6[%dma_start3A_992, %dma_start3A_999, %dma_start3A_1000] : memref<24x32x128xf32, #tpu.memory_space<vmem>> -> memref<1x32x128xf32, #tpu.memory_space<vmem>>
      %dma_start3A_1002 = tpu.memref_squeeze %dma_start3A_1001 : memref<1x32x128xf32, #tpu.memory_space<vmem>> -> memref<32x128xf32, #tpu.memory_space<vmem>>
      %dma_start3A_1003 = arith.constant 0 : i32
      %dma_start3A_1004 = tpu.memref_slice %arg2[%dma_start3A_1003, %multiple_of3A_991] : memref<32x1000000xf32, #tpu.memory_space<hbm>> -> memref<32x128xf32, #tpu.memory_space<hbm>>
      tpu.enqueue_dma source(%dma_start3A_1004 : memref<32x128xf32, #tpu.memory_space<hbm>>) target(%dma_start3A_1002 : memref<32x128xf32, #tpu.memory_space<vmem>>) target_semaphore(%arg10 : memref<!tpu.dma_semaphore, #tpu.memory_space<semaphore_mem>>)
      %slice3A_1005 = vector.extract_strided_slice %get3A_920 {offsets = [2], sizes = [1], strides = [1]} : vector<16xi32> to vector<1xi32>
      %squeeze3A_1006 = vector.extract %slice3A_1005[0] : i32 from vector<1xi32>
      %jit3A_1007 = arith.constant 128 : i32
      %div3A_1008 = arith.divsi %squeeze3A_1006, %jit3A_1007 : i32
      %sign3A_1009 = arith.constant 0 : i32
      %sign3A_1010 = arith.cmpi sgt, %squeeze3A_1006, %sign3A_1009 : i32
      %sign3A_1011 = arith.extui %sign3A_1010 : i1 to i32
      %sign3A_1012 = arith.constant 0 : i32
      %sign3A_1013 = arith.cmpi slt, %squeeze3A_1006, %sign3A_1012 : i32
      %sign3A_1014 = arith.extui %sign3A_1013 : i1 to i32
      %sign3A_1015 = arith.subi %sign3A_1011, %sign3A_1014 : i32
      %sign3A_1016 = arith.constant 0 : i32
      %sign3A_1017 = arith.cmpi sgt, %jit3A_1007, %sign3A_1016 : i32
      %sign3A_1018 = arith.extui %sign3A_1017 : i1 to i32
      %sign3A_1019 = arith.constant 0 : i32
      %sign3A_1020 = arith.cmpi slt, %jit3A_1007, %sign3A_1019 : i32
      %sign3A_1021 = arith.extui %sign3A_1020 : i1 to i32
      %sign3A_1022 = arith.subi %sign3A_1018, %sign3A_1021 : i32
      %ne3A_1023 = arith.cmpi ne, %sign3A_1015, %sign3A_1022 : i32
      %rem3A_1024 = arith.remsi %squeeze3A_1006, %jit3A_1007 : i32
      %ne3A_1025 = arith.constant 0 : i32
      %ne3A_1026 = arith.cmpi ne, %rem3A_1024, %ne3A_1025 : i32
      %and3A_1027 = arith.andi %ne3A_1023, %ne3A_1026 : i1
      %sub3A_1028 = arith.constant 1 : i32
      %sub3A_1029 = arith.subi %div3A_1008, %sub3A_1028 : i32
      %select_n3A_1030 = arith.select %and3A_1027, %sub3A_1029, %div3A_1008 : i32
      %mul3A_1031 = arith.constant 128 : i32
      %mul3A_1032 = arith.muli %select_n3A_1030, %mul3A_1031 : i32
      %multiple_of3A_1033 = tpu.assume_multiple %mul3A_1032, 128 : i32
      %dma_start3A_1034 = arith.constant 18 : i32
      %dma_start3A_1035 = arith.constant 0 : i32
      %dma_start3A_1036 = arith.constant 0 : i32
      %dma_start3A_1037 = tpu.memref_slice %arg6[%dma_start3A_1034, %dma_start3A_1035, %dma_start3A_1036] : memref<24x32x128xf32, #tpu.memory_space<vmem>> -> memref<1x32x128xf32, #tpu.memory_space<vmem>>
      %dma_start3A_1038 = tpu.memref_squeeze %dma_start3A_1037 : memref<1x32x128xf32, #tpu.memory_space<vmem>> -> memref<32x128xf32, #tpu.memory_space<vmem>>
      %dma_start3A_1039 = arith.constant 0 : i32
      %dma_start3A_1040 = tpu.memref_slice %arg2[%dma_start3A_1039, %multiple_of3A_1033] : memref<32x1000000xf32, #tpu.memory_space<hbm>> -> memref<32x128xf32, #tpu.memory_space<hbm>>
      %dma_start3A_1041 = arith.constant 0 : i32
      %dma_start3A_1042 = arith.constant 0 : i32
      %dma_start3A_1043 = tpu.memref_slice %arg6[%dma_start3A_1034, %dma_start3A_1041, %dma_start3A_1042] : memref<24x32x128xf32, #tpu.memory_space<vmem>> -> memref<1x32x128xf32, #tpu.memory_space<vmem>>
      %dma_start3A_1044 = tpu.memref_squeeze %dma_start3A_1043 : memref<1x32x128xf32, #tpu.memory_space<vmem>> -> memref<32x128xf32, #tpu.memory_space<vmem>>
      %dma_start3A_1045 = arith.constant 0 : i32
      %dma_start3A_1046 = tpu.memref_slice %arg2[%dma_start3A_1045, %multiple_of3A_1033] : memref<32x1000000xf32, #tpu.memory_space<hbm>> -> memref<32x128xf32, #tpu.memory_space<hbm>>
      tpu.enqueue_dma source(%dma_start3A_1046 : memref<32x128xf32, #tpu.memory_space<hbm>>) target(%dma_start3A_1044 : memref<32x128xf32, #tpu.memory_space<vmem>>) target_semaphore(%arg10 : memref<!tpu.dma_semaphore, #tpu.memory_space<semaphore_mem>>)
      %slice3A_1047 = vector.extract_strided_slice %get3A_920 {offsets = [3], sizes = [1], strides = [1]} : vector<16xi32> to vector<1xi32>
      %squeeze3A_1048 = vector.extract %slice3A_1047[0] : i32 from vector<1xi32>
      %jit3A_1049 = arith.constant 128 : i32
      %div3A_1050 = arith.divsi %squeeze3A_1048, %jit3A_1049 : i32
      %sign3A_1051 = arith.constant 0 : i32
      %sign3A_1052 = arith.cmpi sgt, %squeeze3A_1048, %sign3A_1051 : i32
      %sign3A_1053 = arith.extui %sign3A_1052 : i1 to i32
      %sign3A_1054 = arith.constant 0 : i32
      %sign3A_1055 = arith.cmpi slt, %squeeze3A_1048, %sign3A_1054 : i32
      %sign3A_1056 = arith.extui %sign3A_1055 : i1 to i32
      %sign3A_1057 = arith.subi %sign3A_1053, %sign3A_1056 : i32
      %sign3A_1058 = arith.constant 0 : i32
      %sign3A_1059 = arith.cmpi sgt, %jit3A_1049, %sign3A_1058 : i32
      %sign3A_1060 = arith.extui %sign3A_1059 : i1 to i32
      %sign3A_1061 = arith.constant 0 : i32
      %sign3A_1062 = arith.cmpi slt, %jit3A_1049, %sign3A_1061 : i32
      %sign3A_1063 = arith.extui %sign3A_1062 : i1 to i32
      %sign3A_1064 = arith.subi %sign3A_1060, %sign3A_1063 : i32
      %ne3A_1065 = arith.cmpi ne, %sign3A_1057, %sign3A_1064 : i32
      %rem3A_1066 = arith.remsi %squeeze3A_1048, %jit3A_1049 : i32
      %ne3A_1067 = arith.constant 0 : i32
      %ne3A_1068 = arith.cmpi ne, %rem3A_1066, %ne3A_1067 : i32
      %and3A_1069 = arith.andi %ne3A_1065, %ne3A_1068 : i1
      %sub3A_1070 = arith.constant 1 : i32
      %sub3A_1071 = arith.subi %div3A_1050, %sub3A_1070 : i32
      %select_n3A_1072 = arith.select %and3A_1069, %sub3A_1071, %div3A_1050 : i32
      %mul3A_1073 = arith.constant 128 : i32
      %mul3A_1074 = arith.muli %select_n3A_1072, %mul3A_1073 : i32
      %multiple_of3A_1075 = tpu.assume_multiple %mul3A_1074, 128 : i32
      %dma_start3A_1076 = arith.constant 19 : i32
      %dma_start3A_1077 = arith.constant 0 : i32
      %dma_start3A_1078 = arith.constant 0 : i32
      %dma_start3A_1079 = tpu.memref_slice %arg6[%dma_start3A_1076, %dma_start3A_1077, %dma_start3A_1078] : memref<24x32x128xf32, #tpu.memory_space<vmem>> -> memref<1x32x128xf32, #tpu.memory_space<vmem>>
      %dma_start3A_1080 = tpu.memref_squeeze %dma_start3A_1079 : memref<1x32x128xf32, #tpu.memory_space<vmem>> -> memref<32x128xf32, #tpu.memory_space<vmem>>
      %dma_start3A_1081 = arith.constant 0 : i32
      %dma_start3A_1082 = tpu.memref_slice %arg2[%dma_start3A_1081, %multiple_of3A_1075] : memref<32x1000000xf32, #tpu.memory_space<hbm>> -> memref<32x128xf32, #tpu.memory_space<hbm>>
      %dma_start3A_1083 = arith.constant 0 : i32
      %dma_start3A_1084 = arith.constant 0 : i32
      %dma_start3A_1085 = tpu.memref_slice %arg6[%dma_start3A_1076, %dma_start3A_1083, %dma_start3A_1084] : memref<24x32x128xf32, #tpu.memory_space<vmem>> -> memref<1x32x128xf32, #tpu.memory_space<vmem>>
      %dma_start3A_1086 = tpu.memref_squeeze %dma_start3A_1085 : memref<1x32x128xf32, #tpu.memory_space<vmem>> -> memref<32x128xf32, #tpu.memory_space<vmem>>
      %dma_start3A_1087 = arith.constant 0 : i32
      %dma_start3A_1088 = tpu.memref_slice %arg2[%dma_start3A_1087, %multiple_of3A_1075] : memref<32x1000000xf32, #tpu.memory_space<hbm>> -> memref<32x128xf32, #tpu.memory_space<hbm>>
      tpu.enqueue_dma source(%dma_start3A_1088 : memref<32x128xf32, #tpu.memory_space<hbm>>) target(%dma_start3A_1086 : memref<32x128xf32, #tpu.memory_space<vmem>>) target_semaphore(%arg10 : memref<!tpu.dma_semaphore, #tpu.memory_space<semaphore_mem>>)
      %slice3A_1089 = vector.extract_strided_slice %get3A_920 {offsets = [4], sizes = [1], strides = [1]} : vector<16xi32> to vector<1xi32>
      %squeeze3A_1090 = vector.extract %slice3A_1089[0] : i32 from vector<1xi32>
      %jit3A_1091 = arith.constant 128 : i32
      %div3A_1092 = arith.divsi %squeeze3A_1090, %jit3A_1091 : i32
      %sign3A_1093 = arith.constant 0 : i32
      %sign3A_1094 = arith.cmpi sgt, %squeeze3A_1090, %sign3A_1093 : i32
      %sign3A_1095 = arith.extui %sign3A_1094 : i1 to i32
      %sign3A_1096 = arith.constant 0 : i32
      %sign3A_1097 = arith.cmpi slt, %squeeze3A_1090, %sign3A_1096 : i32
      %sign3A_1098 = arith.extui %sign3A_1097 : i1 to i32
      %sign3A_1099 = arith.subi %sign3A_1095, %sign3A_1098 : i32
      %sign3A_1100 = arith.constant 0 : i32
      %sign3A_1101 = arith.cmpi sgt, %jit3A_1091, %sign3A_1100 : i32
      %sign3A_1102 = arith.extui %sign3A_1101 : i1 to i32
      %sign3A_1103 = arith.constant 0 : i32
      %sign3A_1104 = arith.cmpi slt, %jit3A_1091, %sign3A_1103 : i32
      %sign3A_1105 = arith.extui %sign3A_1104 : i1 to i32
      %sign3A_1106 = arith.subi %sign3A_1102, %sign3A_1105 : i32
      %ne3A_1107 = arith.cmpi ne, %sign3A_1099, %sign3A_1106 : i32
      %rem3A_1108 = arith.remsi %squeeze3A_1090, %jit3A_1091 : i32
      %ne3A_1109 = arith.constant 0 : i32
      %ne3A_1110 = arith.cmpi ne, %rem3A_1108, %ne3A_1109 : i32
      %and3A_1111 = arith.andi %ne3A_1107, %ne3A_1110 : i1
      %sub3A_1112 = arith.constant 1 : i32
      %sub3A_1113 = arith.subi %div3A_1092, %sub3A_1112 : i32
      %select_n3A_1114 = arith.select %and3A_1111, %sub3A_1113, %div3A_1092 : i32
      %mul3A_1115 = arith.constant 128 : i32
      %mul3A_1116 = arith.muli %select_n3A_1114, %mul3A_1115 : i32
      %multiple_of3A_1117 = tpu.assume_multiple %mul3A_1116, 128 : i32
      %dma_start3A_1118 = arith.constant 20 : i32
      %dma_start3A_1119 = arith.constant 0 : i32
      %dma_start3A_1120 = arith.constant 0 : i32
      %dma_start3A_1121 = tpu.memref_slice %arg6[%dma_start3A_1118, %dma_start3A_1119, %dma_start3A_1120] : memref<24x32x128xf32, #tpu.memory_space<vmem>> -> memref<1x32x128xf32, #tpu.memory_space<vmem>>
      %dma_start3A_1122 = tpu.memref_squeeze %dma_start3A_1121 : memref<1x32x128xf32, #tpu.memory_space<vmem>> -> memref<32x128xf32, #tpu.memory_space<vmem>>
      %dma_start3A_1123 = arith.constant 0 : i32
      %dma_start3A_1124 = tpu.memref_slice %arg2[%dma_start3A_1123, %multiple_of3A_1117] : memref<32x1000000xf32, #tpu.memory_space<hbm>> -> memref<32x128xf32, #tpu.memory_space<hbm>>
      %dma_start3A_1125 = arith.constant 0 : i32
      %dma_start3A_1126 = arith.constant 0 : i32
      %dma_start3A_1127 = tpu.memref_slice %arg6[%dma_start3A_1118, %dma_start3A_1125, %dma_start3A_1126] : memref<24x32x128xf32, #tpu.memory_space<vmem>> -> memref<1x32x128xf32, #tpu.memory_space<vmem>>
      %dma_start3A_1128 = tpu.memref_squeeze %dma_start3A_1127 : memref<1x32x128xf32, #tpu.memory_space<vmem>> -> memref<32x128xf32, #tpu.memory_space<vmem>>
      %dma_start3A_1129 = arith.constant 0 : i32
      %dma_start3A_1130 = tpu.memref_slice %arg2[%dma_start3A_1129, %multiple_of3A_1117] : memref<32x1000000xf32, #tpu.memory_space<hbm>> -> memref<32x128xf32, #tpu.memory_space<hbm>>
      tpu.enqueue_dma source(%dma_start3A_1130 : memref<32x128xf32, #tpu.memory_space<hbm>>) target(%dma_start3A_1128 : memref<32x128xf32, #tpu.memory_space<vmem>>) target_semaphore(%arg10 : memref<!tpu.dma_semaphore, #tpu.memory_space<semaphore_mem>>)
      %slice3A_1131 = vector.extract_strided_slice %get3A_920 {offsets = [5], sizes = [1], strides = [1]} : vector<16xi32> to vector<1xi32>
      %squeeze3A_1132 = vector.extract %slice3A_1131[0] : i32 from vector<1xi32>
      %jit3A_1133 = arith.constant 128 : i32
      %div3A_1134 = arith.divsi %squeeze3A_1132, %jit3A_1133 : i32
      %sign3A_1135 = arith.constant 0 : i32
      %sign3A_1136 = arith.cmpi sgt, %squeeze3A_1132, %sign3A_1135 : i32
      %sign3A_1137 = arith.extui %sign3A_1136 : i1 to i32
      %sign3A_1138 = arith.constant 0 : i32
      %sign3A_1139 = arith.cmpi slt, %squeeze3A_1132, %sign3A_1138 : i32
      %sign3A_1140 = arith.extui %sign3A_1139 : i1 to i32
      %sign3A_1141 = arith.subi %sign3A_1137, %sign3A_1140 : i32
      %sign3A_1142 = arith.constant 0 : i32
      %sign3A_1143 = arith.cmpi sgt, %jit3A_1133, %sign3A_1142 : i32
      %sign3A_1144 = arith.extui %sign3A_1143 : i1 to i32
      %sign3A_1145 = arith.constant 0 : i32
      %sign3A_1146 = arith.cmpi slt, %jit3A_1133, %sign3A_1145 : i32
      %sign3A_1147 = arith.extui %sign3A_1146 : i1 to i32
      %sign3A_1148 = arith.subi %sign3A_1144, %sign3A_1147 : i32
      %ne3A_1149 = arith.cmpi ne, %sign3A_1141, %sign3A_1148 : i32
      %rem3A_1150 = arith.remsi %squeeze3A_1132, %jit3A_1133 : i32
      %ne3A_1151 = arith.constant 0 : i32
      %ne3A_1152 = arith.cmpi ne, %rem3A_1150, %ne3A_1151 : i32
      %and3A_1153 = arith.andi %ne3A_1149, %ne3A_1152 : i1
      %sub3A_1154 = arith.constant 1 : i32
      %sub3A_1155 = arith.subi %div3A_1134, %sub3A_1154 : i32
      %select_n3A_1156 = arith.select %and3A_1153, %sub3A_1155, %div3A_1134 : i32
      %mul3A_1157 = arith.constant 128 : i32
      %mul3A_1158 = arith.muli %select_n3A_1156, %mul3A_1157 : i32
      %multiple_of3A_1159 = tpu.assume_multiple %mul3A_1158, 128 : i32
      %dma_start3A_1160 = arith.constant 21 : i32
      %dma_start3A_1161 = arith.constant 0 : i32
      %dma_start3A_1162 = arith.constant 0 : i32
      %dma_start3A_1163 = tpu.memref_slice %arg6[%dma_start3A_1160, %dma_start3A_1161, %dma_start3A_1162] : memref<24x32x128xf32, #tpu.memory_space<vmem>> -> memref<1x32x128xf32, #tpu.memory_space<vmem>>
      %dma_start3A_1164 = tpu.memref_squeeze %dma_start3A_1163 : memref<1x32x128xf32, #tpu.memory_space<vmem>> -> memref<32x128xf32, #tpu.memory_space<vmem>>
      %dma_start3A_1165 = arith.constant 0 : i32
      %dma_start3A_1166 = tpu.memref_slice %arg2[%dma_start3A_1165, %multiple_of3A_1159] : memref<32x1000000xf32, #tpu.memory_space<hbm>> -> memref<32x128xf32, #tpu.memory_space<hbm>>
      %dma_start3A_1167 = arith.constant 0 : i32
      %dma_start3A_1168 = arith.constant 0 : i32
      %dma_start3A_1169 = tpu.memref_slice %arg6[%dma_start3A_1160, %dma_start3A_1167, %dma_start3A_1168] : memref<24x32x128xf32, #tpu.memory_space<vmem>> -> memref<1x32x128xf32, #tpu.memory_space<vmem>>
      %dma_start3A_1170 = tpu.memref_squeeze %dma_start3A_1169 : memref<1x32x128xf32, #tpu.memory_space<vmem>> -> memref<32x128xf32, #tpu.memory_space<vmem>>
      %dma_start3A_1171 = arith.constant 0 : i32
      %dma_start3A_1172 = tpu.memref_slice %arg2[%dma_start3A_1171, %multiple_of3A_1159] : memref<32x1000000xf32, #tpu.memory_space<hbm>> -> memref<32x128xf32, #tpu.memory_space<hbm>>
      tpu.enqueue_dma source(%dma_start3A_1172 : memref<32x128xf32, #tpu.memory_space<hbm>>) target(%dma_start3A_1170 : memref<32x128xf32, #tpu.memory_space<vmem>>) target_semaphore(%arg10 : memref<!tpu.dma_semaphore, #tpu.memory_space<semaphore_mem>>)
      %slice3A_1173 = vector.extract_strided_slice %get3A_920 {offsets = [6], sizes = [1], strides = [1]} : vector<16xi32> to vector<1xi32>
      %squeeze3A_1174 = vector.extract %slice3A_1173[0] : i32 from vector<1xi32>
      %jit3A_1175 = arith.constant 128 : i32
      %div3A_1176 = arith.divsi %squeeze3A_1174, %jit3A_1175 : i32
      %sign3A_1177 = arith.constant 0 : i32
      %sign3A_1178 = arith.cmpi sgt, %squeeze3A_1174, %sign3A_1177 : i32
      %sign3A_1179 = arith.extui %sign3A_1178 : i1 to i32
      %sign3A_1180 = arith.constant 0 : i32
      %sign3A_1181 = arith.cmpi slt, %squeeze3A_1174, %sign3A_1180 : i32
      %sign3A_1182 = arith.extui %sign3A_1181 : i1 to i32
      %sign3A_1183 = arith.subi %sign3A_1179, %sign3A_1182 : i32
      %sign3A_1184 = arith.constant 0 : i32
      %sign3A_1185 = arith.cmpi sgt, %jit3A_1175, %sign3A_1184 : i32
      %sign3A_1186 = arith.extui %sign3A_1185 : i1 to i32
      %sign3A_1187 = arith.constant 0 : i32
      %sign3A_1188 = arith.cmpi slt, %jit3A_1175, %sign3A_1187 : i32
      %sign3A_1189 = arith.extui %sign3A_1188 : i1 to i32
      %sign3A_1190 = arith.subi %sign3A_1186, %sign3A_1189 : i32
      %ne3A_1191 = arith.cmpi ne, %sign3A_1183, %sign3A_1190 : i32
      %rem3A_1192 = arith.remsi %squeeze3A_1174, %jit3A_1175 : i32
      %ne3A_1193 = arith.constant 0 : i32
      %ne3A_1194 = arith.cmpi ne, %rem3A_1192, %ne3A_1193 : i32
      %and3A_1195 = arith.andi %ne3A_1191, %ne3A_1194 : i1
      %sub3A_1196 = arith.constant 1 : i32
      %sub3A_1197 = arith.subi %div3A_1176, %sub3A_1196 : i32
      %select_n3A_1198 = arith.select %and3A_1195, %sub3A_1197, %div3A_1176 : i32
      %mul3A_1199 = arith.constant 128 : i32
      %mul3A_1200 = arith.muli %select_n3A_1198, %mul3A_1199 : i32
      %multiple_of3A_1201 = tpu.assume_multiple %mul3A_1200, 128 : i32
      %dma_start3A_1202 = arith.constant 22 : i32
      %dma_start3A_1203 = arith.constant 0 : i32
      %dma_start3A_1204 = arith.constant 0 : i32
      %dma_start3A_1205 = tpu.memref_slice %arg6[%dma_start3A_1202, %dma_start3A_1203, %dma_start3A_1204] : memref<24x32x128xf32, #tpu.memory_space<vmem>> -> memref<1x32x128xf32, #tpu.memory_space<vmem>>
      %dma_start3A_1206 = tpu.memref_squeeze %dma_start3A_1205 : memref<1x32x128xf32, #tpu.memory_space<vmem>> -> memref<32x128xf32, #tpu.memory_space<vmem>>
      %dma_start3A_1207 = arith.constant 0 : i32
      %dma_start3A_1208 = tpu.memref_slice %arg2[%dma_start3A_1207, %multiple_of3A_1201] : memref<32x1000000xf32, #tpu.memory_space<hbm>> -> memref<32x128xf32, #tpu.memory_space<hbm>>
      %dma_start3A_1209 = arith.constant 0 : i32
      %dma_start3A_1210 = arith.constant 0 : i32
      %dma_start3A_1211 = tpu.memref_slice %arg6[%dma_start3A_1202, %dma_start3A_1209, %dma_start3A_1210] : memref<24x32x128xf32, #tpu.memory_space<vmem>> -> memref<1x32x128xf32, #tpu.memory_space<vmem>>
      %dma_start3A_1212 = tpu.memref_squeeze %dma_start3A_1211 : memref<1x32x128xf32, #tpu.memory_space<vmem>> -> memref<32x128xf32, #tpu.memory_space<vmem>>
      %dma_start3A_1213 = arith.constant 0 : i32
      %dma_start3A_1214 = tpu.memref_slice %arg2[%dma_start3A_1213, %multiple_of3A_1201] : memref<32x1000000xf32, #tpu.memory_space<hbm>> -> memref<32x128xf32, #tpu.memory_space<hbm>>
      tpu.enqueue_dma source(%dma_start3A_1214 : memref<32x128xf32, #tpu.memory_space<hbm>>) target(%dma_start3A_1212 : memref<32x128xf32, #tpu.memory_space<vmem>>) target_semaphore(%arg10 : memref<!tpu.dma_semaphore, #tpu.memory_space<semaphore_mem>>)
      %slice3A_1215 = vector.extract_strided_slice %get3A_920 {offsets = [7], sizes = [1], strides = [1]} : vector<16xi32> to vector<1xi32>
      %squeeze3A_1216 = vector.extract %slice3A_1215[0] : i32 from vector<1xi32>
      %jit3A_1217 = arith.constant 128 : i32
      %div3A_1218 = arith.divsi %squeeze3A_1216, %jit3A_1217 : i32
      %sign3A_1219 = arith.constant 0 : i32
      %sign3A_1220 = arith.cmpi sgt, %squeeze3A_1216, %sign3A_1219 : i32
      %sign3A_1221 = arith.extui %sign3A_1220 : i1 to i32
      %sign3A_1222 = arith.constant 0 : i32
      %sign3A_1223 = arith.cmpi slt, %squeeze3A_1216, %sign3A_1222 : i32
      %sign3A_1224 = arith.extui %sign3A_1223 : i1 to i32
      %sign3A_1225 = arith.subi %sign3A_1221, %sign3A_1224 : i32
      %sign3A_1226 = arith.constant 0 : i32
      %sign3A_1227 = arith.cmpi sgt, %jit3A_1217, %sign3A_1226 : i32
      %sign3A_1228 = arith.extui %sign3A_1227 : i1 to i32
      %sign3A_1229 = arith.constant 0 : i32
      %sign3A_1230 = arith.cmpi slt, %jit3A_1217, %sign3A_1229 : i32
      %sign3A_1231 = arith.extui %sign3A_1230 : i1 to i32
      %sign3A_1232 = arith.subi %sign3A_1228, %sign3A_1231 : i32
      %ne3A_1233 = arith.cmpi ne, %sign3A_1225, %sign3A_1232 : i32
      %rem3A_1234 = arith.remsi %squeeze3A_1216, %jit3A_1217 : i32
      %ne3A_1235 = arith.constant 0 : i32
      %ne3A_1236 = arith.cmpi ne, %rem3A_1234, %ne3A_1235 : i32
      %and3A_1237 = arith.andi %ne3A_1233, %ne3A_1236 : i1
      %sub3A_1238 = arith.constant 1 : i32
      %sub3A_1239 = arith.subi %div3A_1218, %sub3A_1238 : i32
      %select_n3A_1240 = arith.select %and3A_1237, %sub3A_1239, %div3A_1218 : i32
      %mul3A_1241 = arith.constant 128 : i32
      %mul3A_1242 = arith.muli %select_n3A_1240, %mul3A_1241 : i32
      %multiple_of3A_1243 = tpu.assume_multiple %mul3A_1242, 128 : i32
      %dma_start3A_1244 = arith.constant 23 : i32
      %dma_start3A_1245 = arith.constant 0 : i32
      %dma_start3A_1246 = arith.constant 0 : i32
      %dma_start3A_1247 = tpu.memref_slice %arg6[%dma_start3A_1244, %dma_start3A_1245, %dma_start3A_1246] : memref<24x32x128xf32, #tpu.memory_space<vmem>> -> memref<1x32x128xf32, #tpu.memory_space<vmem>>
      %dma_start3A_1248 = tpu.memref_squeeze %dma_start3A_1247 : memref<1x32x128xf32, #tpu.memory_space<vmem>> -> memref<32x128xf32, #tpu.memory_space<vmem>>
      %dma_start3A_1249 = arith.constant 0 : i32
      %dma_start3A_1250 = tpu.memref_slice %arg2[%dma_start3A_1249, %multiple_of3A_1243] : memref<32x1000000xf32, #tpu.memory_space<hbm>> -> memref<32x128xf32, #tpu.memory_space<hbm>>
      %dma_start3A_1251 = arith.constant 0 : i32
      %dma_start3A_1252 = arith.constant 0 : i32
      %dma_start3A_1253 = tpu.memref_slice %arg6[%dma_start3A_1244, %dma_start3A_1251, %dma_start3A_1252] : memref<24x32x128xf32, #tpu.memory_space<vmem>> -> memref<1x32x128xf32, #tpu.memory_space<vmem>>
      %dma_start3A_1254 = tpu.memref_squeeze %dma_start3A_1253 : memref<1x32x128xf32, #tpu.memory_space<vmem>> -> memref<32x128xf32, #tpu.memory_space<vmem>>
      %dma_start3A_1255 = arith.constant 0 : i32
      %dma_start3A_1256 = tpu.memref_slice %arg2[%dma_start3A_1255, %multiple_of3A_1243] : memref<32x1000000xf32, #tpu.memory_space<hbm>> -> memref<32x128xf32, #tpu.memory_space<hbm>>
      tpu.enqueue_dma source(%dma_start3A_1256 : memref<32x128xf32, #tpu.memory_space<hbm>>) target(%dma_start3A_1254 : memref<32x128xf32, #tpu.memory_space<vmem>>) target_semaphore(%arg10 : memref<!tpu.dma_semaphore, #tpu.memory_space<semaphore_mem>>)
    } else {
    }
    %dma_wait3A = arith.constant 0 : i32
    %dma_wait3A_715 = arith.constant 0 : i32
    %dma_wait3A_716 = arith.constant 0 : i32
    %dma_wait3A_717 = tpu.memref_slice %arg6[%dma_wait3A, %dma_wait3A_715, %dma_wait3A_716] : memref<24x32x128xf32, #tpu.memory_space<vmem>> -> memref<1x32x128xf32, #tpu.memory_space<vmem>>
    %dma_wait3A_718 = tpu.memref_squeeze %dma_wait3A_717 : memref<1x32x128xf32, #tpu.memory_space<vmem>> -> memref<32x128xf32, #tpu.memory_space<vmem>>
    %dma_wait3A_719 = arith.constant 0 : i32
    %dma_wait3A_720 = arith.constant 0 : i32
    %dma_wait3A_721 = tpu.memref_slice %arg2[%dma_wait3A_719, %dma_wait3A_720] : memref<32x1000000xf32, #tpu.memory_space<hbm>> -> memref<32x128xf32, #tpu.memory_space<hbm>>
    %dma_wait3A_722 = arith.constant 0 : i32
    %dma_wait3A_723 = arith.constant 0 : i32
    %dma_wait3A_724 = tpu.memref_slice %arg6[%dma_wait3A, %dma_wait3A_722, %dma_wait3A_723] : memref<24x32x128xf32, #tpu.memory_space<vmem>> -> memref<1x32x128xf32, #tpu.memory_space<vmem>>
    %dma_wait3A_725 = tpu.memref_squeeze %dma_wait3A_724 : memref<1x32x128xf32, #tpu.memory_space<vmem>> -> memref<32x128xf32, #tpu.memory_space<vmem>>
    %dma_wait3A_726 = arith.constant 0 : i32
    %dma_wait3A_727 = arith.constant 0 : i32
    %dma_wait3A_728 = tpu.memref_slice %arg2[%dma_wait3A_726, %dma_wait3A_727] : memref<32x1000000xf32, #tpu.memory_space<hbm>> -> memref<32x128xf32, #tpu.memory_space<hbm>>
    tpu.wait_dma2 semaphore(%arg8 : memref<!tpu.dma_semaphore, #tpu.memory_space<semaphore_mem>>) src(%dma_wait3A_728 : memref<32x128xf32, #tpu.memory_space<hbm>>) dst(%dma_wait3A_725 : memref<32x128xf32, #tpu.memory_space<vmem>>)
    %dma_wait3A_729 = arith.constant 1 : i32
    %dma_wait3A_730 = arith.constant 0 : i32
    %dma_wait3A_731 = arith.constant 0 : i32
    %dma_wait3A_732 = tpu.memref_slice %arg6[%dma_wait3A_729, %dma_wait3A_730, %dma_wait3A_731] : memref<24x32x128xf32, #tpu.memory_space<vmem>> -> memref<1x32x128xf32, #tpu.memory_space<vmem>>
    %dma_wait3A_733 = tpu.memref_squeeze %dma_wait3A_732 : memref<1x32x128xf32, #tpu.memory_space<vmem>> -> memref<32x128xf32, #tpu.memory_space<vmem>>
    %dma_wait3A_734 = arith.constant 0 : i32
    %dma_wait3A_735 = arith.constant 0 : i32
    %dma_wait3A_736 = tpu.memref_slice %arg2[%dma_wait3A_734, %dma_wait3A_735] : memref<32x1000000xf32, #tpu.memory_space<hbm>> -> memref<32x128xf32, #tpu.memory_space<hbm>>
    %dma_wait3A_737 = arith.constant 0 : i32
    %dma_wait3A_738 = arith.constant 0 : i32
    %dma_wait3A_739 = tpu.memref_slice %arg6[%dma_wait3A_729, %dma_wait3A_737, %dma_wait3A_738] : memref<24x32x128xf32, #tpu.memory_space<vmem>> -> memref<1x32x128xf32, #tpu.memory_space<vmem>>
    %dma_wait3A_740 = tpu.memref_squeeze %dma_wait3A_739 : memref<1x32x128xf32, #tpu.memory_space<vmem>> -> memref<32x128xf32, #tpu.memory_space<vmem>>
    %dma_wait3A_741 = arith.constant 0 : i32
    %dma_wait3A_742 = arith.constant 0 : i32
    %dma_wait3A_743 = tpu.memref_slice %arg2[%dma_wait3A_741, %dma_wait3A_742] : memref<32x1000000xf32, #tpu.memory_space<hbm>> -> memref<32x128xf32, #tpu.memory_space<hbm>>
    tpu.wait_dma2 semaphore(%arg8 : memref<!tpu.dma_semaphore, #tpu.memory_space<semaphore_mem>>) src(%dma_wait3A_743 : memref<32x128xf32, #tpu.memory_space<hbm>>) dst(%dma_wait3A_740 : memref<32x128xf32, #tpu.memory_space<vmem>>)
    %dma_wait3A_744 = arith.constant 2 : i32
    %dma_wait3A_745 = arith.constant 0 : i32
    %dma_wait3A_746 = arith.constant 0 : i32
    %dma_wait3A_747 = tpu.memref_slice %arg6[%dma_wait3A_744, %dma_wait3A_745, %dma_wait3A_746] : memref<24x32x128xf32, #tpu.memory_space<vmem>> -> memref<1x32x128xf32, #tpu.memory_space<vmem>>
    %dma_wait3A_748 = tpu.memref_squeeze %dma_wait3A_747 : memref<1x32x128xf32, #tpu.memory_space<vmem>> -> memref<32x128xf32, #tpu.memory_space<vmem>>
    %dma_wait3A_749 = arith.constant 0 : i32
    %dma_wait3A_750 = arith.constant 0 : i32
    %dma_wait3A_751 = tpu.memref_slice %arg2[%dma_wait3A_749, %dma_wait3A_750] : memref<32x1000000xf32, #tpu.memory_space<hbm>> -> memref<32x128xf32, #tpu.memory_space<hbm>>
    %dma_wait3A_752 = arith.constant 0 : i32
    %dma_wait3A_753 = arith.constant 0 : i32
    %dma_wait3A_754 = tpu.memref_slice %arg6[%dma_wait3A_744, %dma_wait3A_752, %dma_wait3A_753] : memref<24x32x128xf32, #tpu.memory_space<vmem>> -> memref<1x32x128xf32, #tpu.memory_space<vmem>>
    %dma_wait3A_755 = tpu.memref_squeeze %dma_wait3A_754 : memref<1x32x128xf32, #tpu.memory_space<vmem>> -> memref<32x128xf32, #tpu.memory_space<vmem>>
    %dma_wait3A_756 = arith.constant 0 : i32
    %dma_wait3A_757 = arith.constant 0 : i32
    %dma_wait3A_758 = tpu.memref_slice %arg2[%dma_wait3A_756, %dma_wait3A_757] : memref<32x1000000xf32, #tpu.memory_space<hbm>> -> memref<32x128xf32, #tpu.memory_space<hbm>>
    tpu.wait_dma2 semaphore(%arg8 : memref<!tpu.dma_semaphore, #tpu.memory_space<semaphore_mem>>) src(%dma_wait3A_758 : memref<32x128xf32, #tpu.memory_space<hbm>>) dst(%dma_wait3A_755 : memref<32x128xf32, #tpu.memory_space<vmem>>)
    %dma_wait3A_759 = arith.constant 3 : i32
    %dma_wait3A_760 = arith.constant 0 : i32
    %dma_wait3A_761 = arith.constant 0 : i32
    %dma_wait3A_762 = tpu.memref_slice %arg6[%dma_wait3A_759, %dma_wait3A_760, %dma_wait3A_761] : memref<24x32x128xf32, #tpu.memory_space<vmem>> -> memref<1x32x128xf32, #tpu.memory_space<vmem>>
    %dma_wait3A_763 = tpu.memref_squeeze %dma_wait3A_762 : memref<1x32x128xf32, #tpu.memory_space<vmem>> -> memref<32x128xf32, #tpu.memory_space<vmem>>
    %dma_wait3A_764 = arith.constant 0 : i32
    %dma_wait3A_765 = arith.constant 0 : i32
    %dma_wait3A_766 = tpu.memref_slice %arg2[%dma_wait3A_764, %dma_wait3A_765] : memref<32x1000000xf32, #tpu.memory_space<hbm>> -> memref<32x128xf32, #tpu.memory_space<hbm>>
    %dma_wait3A_767 = arith.constant 0 : i32
    %dma_wait3A_768 = arith.constant 0 : i32
    %dma_wait3A_769 = tpu.memref_slice %arg6[%dma_wait3A_759, %dma_wait3A_767, %dma_wait3A_768] : memref<24x32x128xf32, #tpu.memory_space<vmem>> -> memref<1x32x128xf32, #tpu.memory_space<vmem>>
    %dma_wait3A_770 = tpu.memref_squeeze %dma_wait3A_769 : memref<1x32x128xf32, #tpu.memory_space<vmem>> -> memref<32x128xf32, #tpu.memory_space<vmem>>
    %dma_wait3A_771 = arith.constant 0 : i32
    %dma_wait3A_772 = arith.constant 0 : i32
    %dma_wait3A_773 = tpu.memref_slice %arg2[%dma_wait3A_771, %dma_wait3A_772] : memref<32x1000000xf32, #tpu.memory_space<hbm>> -> memref<32x128xf32, #tpu.memory_space<hbm>>
    tpu.wait_dma2 semaphore(%arg8 : memref<!tpu.dma_semaphore, #tpu.memory_space<semaphore_mem>>) src(%dma_wait3A_773 : memref<32x128xf32, #tpu.memory_space<hbm>>) dst(%dma_wait3A_770 : memref<32x128xf32, #tpu.memory_space<vmem>>)
    %dma_wait3A_774 = arith.constant 4 : i32
    %dma_wait3A_775 = arith.constant 0 : i32
    %dma_wait3A_776 = arith.constant 0 : i32
    %dma_wait3A_777 = tpu.memref_slice %arg6[%dma_wait3A_774, %dma_wait3A_775, %dma_wait3A_776] : memref<24x32x128xf32, #tpu.memory_space<vmem>> -> memref<1x32x128xf32, #tpu.memory_space<vmem>>
    %dma_wait3A_778 = tpu.memref_squeeze %dma_wait3A_777 : memref<1x32x128xf32, #tpu.memory_space<vmem>> -> memref<32x128xf32, #tpu.memory_space<vmem>>
    %dma_wait3A_779 = arith.constant 0 : i32
    %dma_wait3A_780 = arith.constant 0 : i32
    %dma_wait3A_781 = tpu.memref_slice %arg2[%dma_wait3A_779, %dma_wait3A_780] : memref<32x1000000xf32, #tpu.memory_space<hbm>> -> memref<32x128xf32, #tpu.memory_space<hbm>>
    %dma_wait3A_782 = arith.constant 0 : i32
    %dma_wait3A_783 = arith.constant 0 : i32
    %dma_wait3A_784 = tpu.memref_slice %arg6[%dma_wait3A_774, %dma_wait3A_782, %dma_wait3A_783] : memref<24x32x128xf32, #tpu.memory_space<vmem>> -> memref<1x32x128xf32, #tpu.memory_space<vmem>>
    %dma_wait3A_785 = tpu.memref_squeeze %dma_wait3A_784 : memref<1x32x128xf32, #tpu.memory_space<vmem>> -> memref<32x128xf32, #tpu.memory_space<vmem>>
    %dma_wait3A_786 = arith.constant 0 : i32
    %dma_wait3A_787 = arith.constant 0 : i32
    %dma_wait3A_788 = tpu.memref_slice %arg2[%dma_wait3A_786, %dma_wait3A_787] : memref<32x1000000xf32, #tpu.memory_space<hbm>> -> memref<32x128xf32, #tpu.memory_space<hbm>>
    tpu.wait_dma2 semaphore(%arg8 : memref<!tpu.dma_semaphore, #tpu.memory_space<semaphore_mem>>) src(%dma_wait3A_788 : memref<32x128xf32, #tpu.memory_space<hbm>>) dst(%dma_wait3A_785 : memref<32x128xf32, #tpu.memory_space<vmem>>)
    %dma_wait3A_789 = arith.constant 5 : i32
    %dma_wait3A_790 = arith.constant 0 : i32
    %dma_wait3A_791 = arith.constant 0 : i32
    %dma_wait3A_792 = tpu.memref_slice %arg6[%dma_wait3A_789, %dma_wait3A_790, %dma_wait3A_791] : memref<24x32x128xf32, #tpu.memory_space<vmem>> -> memref<1x32x128xf32, #tpu.memory_space<vmem>>
    %dma_wait3A_793 = tpu.memref_squeeze %dma_wait3A_792 : memref<1x32x128xf32, #tpu.memory_space<vmem>> -> memref<32x128xf32, #tpu.memory_space<vmem>>
    %dma_wait3A_794 = arith.constant 0 : i32
    %dma_wait3A_795 = arith.constant 0 : i32
    %dma_wait3A_796 = tpu.memref_slice %arg2[%dma_wait3A_794, %dma_wait3A_795] : memref<32x1000000xf32, #tpu.memory_space<hbm>> -> memref<32x128xf32, #tpu.memory_space<hbm>>
    %dma_wait3A_797 = arith.constant 0 : i32
    %dma_wait3A_798 = arith.constant 0 : i32
    %dma_wait3A_799 = tpu.memref_slice %arg6[%dma_wait3A_789, %dma_wait3A_797, %dma_wait3A_798] : memref<24x32x128xf32, #tpu.memory_space<vmem>> -> memref<1x32x128xf32, #tpu.memory_space<vmem>>
    %dma_wait3A_800 = tpu.memref_squeeze %dma_wait3A_799 : memref<1x32x128xf32, #tpu.memory_space<vmem>> -> memref<32x128xf32, #tpu.memory_space<vmem>>
    %dma_wait3A_801 = arith.constant 0 : i32
    %dma_wait3A_802 = arith.constant 0 : i32
    %dma_wait3A_803 = tpu.memref_slice %arg2[%dma_wait3A_801, %dma_wait3A_802] : memref<32x1000000xf32, #tpu.memory_space<hbm>> -> memref<32x128xf32, #tpu.memory_space<hbm>>
    tpu.wait_dma2 semaphore(%arg8 : memref<!tpu.dma_semaphore, #tpu.memory_space<semaphore_mem>>) src(%dma_wait3A_803 : memref<32x128xf32, #tpu.memory_space<hbm>>) dst(%dma_wait3A_800 : memref<32x128xf32, #tpu.memory_space<vmem>>)
    %dma_wait3A_804 = arith.constant 6 : i32
    %dma_wait3A_805 = arith.constant 0 : i32
    %dma_wait3A_806 = arith.constant 0 : i32
    %dma_wait3A_807 = tpu.memref_slice %arg6[%dma_wait3A_804, %dma_wait3A_805, %dma_wait3A_806] : memref<24x32x128xf32, #tpu.memory_space<vmem>> -> memref<1x32x128xf32, #tpu.memory_space<vmem>>
    %dma_wait3A_808 = tpu.memref_squeeze %dma_wait3A_807 : memref<1x32x128xf32, #tpu.memory_space<vmem>> -> memref<32x128xf32, #tpu.memory_space<vmem>>
    %dma_wait3A_809 = arith.constant 0 : i32
    %dma_wait3A_810 = arith.constant 0 : i32
    %dma_wait3A_811 = tpu.memref_slice %arg2[%dma_wait3A_809, %dma_wait3A_810] : memref<32x1000000xf32, #tpu.memory_space<hbm>> -> memref<32x128xf32, #tpu.memory_space<hbm>>
    %dma_wait3A_812 = arith.constant 0 : i32
    %dma_wait3A_813 = arith.constant 0 : i32
    %dma_wait3A_814 = tpu.memref_slice %arg6[%dma_wait3A_804, %dma_wait3A_812, %dma_wait3A_813] : memref<24x32x128xf32, #tpu.memory_space<vmem>> -> memref<1x32x128xf32, #tpu.memory_space<vmem>>
    %dma_wait3A_815 = tpu.memref_squeeze %dma_wait3A_814 : memref<1x32x128xf32, #tpu.memory_space<vmem>> -> memref<32x128xf32, #tpu.memory_space<vmem>>
    %dma_wait3A_816 = arith.constant 0 : i32
    %dma_wait3A_817 = arith.constant 0 : i32
    %dma_wait3A_818 = tpu.memref_slice %arg2[%dma_wait3A_816, %dma_wait3A_817] : memref<32x1000000xf32, #tpu.memory_space<hbm>> -> memref<32x128xf32, #tpu.memory_space<hbm>>
    tpu.wait_dma2 semaphore(%arg8 : memref<!tpu.dma_semaphore, #tpu.memory_space<semaphore_mem>>) src(%dma_wait3A_818 : memref<32x128xf32, #tpu.memory_space<hbm>>) dst(%dma_wait3A_815 : memref<32x128xf32, #tpu.memory_space<vmem>>)
    %dma_wait3A_819 = arith.constant 7 : i32
    %dma_wait3A_820 = arith.constant 0 : i32
    %dma_wait3A_821 = arith.constant 0 : i32
    %dma_wait3A_822 = tpu.memref_slice %arg6[%dma_wait3A_819, %dma_wait3A_820, %dma_wait3A_821] : memref<24x32x128xf32, #tpu.memory_space<vmem>> -> memref<1x32x128xf32, #tpu.memory_space<vmem>>
    %dma_wait3A_823 = tpu.memref_squeeze %dma_wait3A_822 : memref<1x32x128xf32, #tpu.memory_space<vmem>> -> memref<32x128xf32, #tpu.memory_space<vmem>>
    %dma_wait3A_824 = arith.constant 0 : i32
    %dma_wait3A_825 = arith.constant 0 : i32
    %dma_wait3A_826 = tpu.memref_slice %arg2[%dma_wait3A_824, %dma_wait3A_825] : memref<32x1000000xf32, #tpu.memory_space<hbm>> -> memref<32x128xf32, #tpu.memory_space<hbm>>
    %dma_wait3A_827 = arith.constant 0 : i32
    %dma_wait3A_828 = arith.constant 0 : i32
    %dma_wait3A_829 = tpu.memref_slice %arg6[%dma_wait3A_819, %dma_wait3A_827, %dma_wait3A_828] : memref<24x32x128xf32, #tpu.memory_space<vmem>> -> memref<1x32x128xf32, #tpu.memory_space<vmem>>
    %dma_wait3A_830 = tpu.memref_squeeze %dma_wait3A_829 : memref<1x32x128xf32, #tpu.memory_space<vmem>> -> memref<32x128xf32, #tpu.memory_space<vmem>>
    %dma_wait3A_831 = arith.constant 0 : i32
    %dma_wait3A_832 = arith.constant 0 : i32
    %dma_wait3A_833 = tpu.memref_slice %arg2[%dma_wait3A_831, %dma_wait3A_832] : memref<32x1000000xf32, #tpu.memory_space<hbm>> -> memref<32x128xf32, #tpu.memory_space<hbm>>
    tpu.wait_dma2 semaphore(%arg8 : memref<!tpu.dma_semaphore, #tpu.memory_space<semaphore_mem>>) src(%dma_wait3A_833 : memref<32x128xf32, #tpu.memory_space<hbm>>) dst(%dma_wait3A_830 : memref<32x128xf32, #tpu.memory_space<vmem>>)
    %mul3A_834 = arith.constant 63 : i32
    %mul3A_835 = arith.constant 8 : i32
    %mul3A_836 = arith.muli %mul3A_834, %mul3A_835 : i32
    %add3A_837 = vector.broadcast %mul3A_836 : i32 to vector<16xi32>
    %add3A_838 = arith.addi %add3A_837, %rem3A_674 : vector<16xi32>
    %gather3A = tpu.vector_load_idx %arg5[%add3A_838] : memref<520xi32, #tpu.memory_space<vmem>>[vector<16xi32>], vector<16xi32>,
    %rem3A_839 = arith.constant 128 : i32
    %rem3A_840 = vector.broadcast %rem3A_839 : i32 to vector<16xi32>
    %rem3A_841 = arith.remsi %gather3A, %rem3A_840 : vector<16xi32>
    %add3A_842 = arith.constant 0 : i32
    %add3A_843 = vector.broadcast %add3A_842 : i32 to vector<16xi32>
    %add3A_844 = arith.addi %add3A_843, %rem3A_674 : vector<16xi32>
    %mul3A_845 = arith.constant 63 : i32
    %mul3A_846 = arith.constant 8 : i32
    %mul3A_847 = arith.muli %mul3A_845, %mul3A_846 : i32
    %add3A_848 = vector.broadcast %mul3A_847 : i32 to vector<16xi32>
    %add3A_849 = arith.addi %add3A_848, %rem3A_674 : vector<16xi32>
    %add3A_850 = arith.constant 0 : i32
    %add3A_851 = vector.broadcast %add3A_850 : i32 to vector<16xi32>
    %add3A_852 = arith.addi %select_n3A_705, %add3A_851 : vector<16xi32>
    %gather3A_853 = tpu.vector_load_idx %arg6[%add3A_844, %add3A_852, %rem3A_841] : memref<24x32x128xf32, #tpu.memory_space<vmem>>[vector<16xi32>, vector<16xi32>, vector<16xi32>], vector<16xf32>,
    tpu.vector_store_idx %arg7[%add3A_852, %add3A_849], %gather3A_853 : memref<32x512xf32, #tpu.memory_space<vmem>>[vector<16xi32>, vector<16xi32>], vector<16xf32>,
    %add3A_854 = arith.constant 2 : i32
    %add3A_855 = vector.broadcast %add3A_854 : i32 to vector<16xi32>
    %add3A_856 = arith.addi %select_n3A_705, %add3A_855 : vector<16xi32>
    %gather3A_857 = tpu.vector_load_idx %arg6[%add3A_844, %add3A_856, %rem3A_841] : memref<24x32x128xf32, #tpu.memory_space<vmem>>[vector<16xi32>, vector<16xi32>, vector<16xi32>], vector<16xf32>,
    tpu.vector_store_idx %arg7[%add3A_856, %add3A_849], %gather3A_857 : memref<32x512xf32, #tpu.memory_space<vmem>>[vector<16xi32>, vector<16xi32>], vector<16xf32>,
    %add3A_858 = arith.constant 4 : i32
    %add3A_859 = vector.broadcast %add3A_858 : i32 to vector<16xi32>
    %add3A_860 = arith.addi %select_n3A_705, %add3A_859 : vector<16xi32>
    %gather3A_861 = tpu.vector_load_idx %arg6[%add3A_844, %add3A_860, %rem3A_841] : memref<24x32x128xf32, #tpu.memory_space<vmem>>[vector<16xi32>, vector<16xi32>, vector<16xi32>], vector<16xf32>,
    tpu.vector_store_idx %arg7[%add3A_860, %add3A_849], %gather3A_861 : memref<32x512xf32, #tpu.memory_space<vmem>>[vector<16xi32>, vector<16xi32>], vector<16xf32>,
    %add3A_862 = arith.constant 6 : i32
    %add3A_863 = vector.broadcast %add3A_862 : i32 to vector<16xi32>
    %add3A_864 = arith.addi %select_n3A_705, %add3A_863 : vector<16xi32>
    %gather3A_865 = tpu.vector_load_idx %arg6[%add3A_844, %add3A_864, %rem3A_841] : memref<24x32x128xf32, #tpu.memory_space<vmem>>[vector<16xi32>, vector<16xi32>, vector<16xi32>], vector<16xf32>,
    tpu.vector_store_idx %arg7[%add3A_864, %add3A_849], %gather3A_865 : memref<32x512xf32, #tpu.memory_space<vmem>>[vector<16xi32>, vector<16xi32>], vector<16xf32>,
    %add3A_866 = arith.constant 8 : i32
    %add3A_867 = vector.broadcast %add3A_866 : i32 to vector<16xi32>
    %add3A_868 = arith.addi %select_n3A_705, %add3A_867 : vector<16xi32>
    %gather3A_869 = tpu.vector_load_idx %arg6[%add3A_844, %add3A_868, %rem3A_841] : memref<24x32x128xf32, #tpu.memory_space<vmem>>[vector<16xi32>, vector<16xi32>, vector<16xi32>], vector<16xf32>,
    tpu.vector_store_idx %arg7[%add3A_868, %add3A_849], %gather3A_869 : memref<32x512xf32, #tpu.memory_space<vmem>>[vector<16xi32>, vector<16xi32>], vector<16xf32>,
    %add3A_870 = arith.constant 10 : i32
    %add3A_871 = vector.broadcast %add3A_870 : i32 to vector<16xi32>
    %add3A_872 = arith.addi %select_n3A_705, %add3A_871 : vector<16xi32>
    %gather3A_873 = tpu.vector_load_idx %arg6[%add3A_844, %add3A_872, %rem3A_841] : memref<24x32x128xf32, #tpu.memory_space<vmem>>[vector<16xi32>, vector<16xi32>, vector<16xi32>], vector<16xf32>,
    tpu.vector_store_idx %arg7[%add3A_872, %add3A_849], %gather3A_873 : memref<32x512xf32, #tpu.memory_space<vmem>>[vector<16xi32>, vector<16xi32>], vector<16xf32>,
    %add3A_874 = arith.constant 12 : i32
    %add3A_875 = vector.broadcast %add3A_874 : i32 to vector<16xi32>
    %add3A_876 = arith.addi %select_n3A_705, %add3A_875 : vector<16xi32>
    %gather3A_877 = tpu.vector_load_idx %arg6[%add3A_844, %add3A_876, %rem3A_841] : memref<24x32x128xf32, #tpu.memory_space<vmem>>[vector<16xi32>, vector<16xi32>, vector<16xi32>], vector<16xf32>,
    tpu.vector_store_idx %arg7[%add3A_876, %add3A_849], %gather3A_877 : memref<32x512xf32, #tpu.memory_space<vmem>>[vector<16xi32>, vector<16xi32>], vector<16xf32>,
    %add3A_878 = arith.constant 14 : i32
    %add3A_879 = vector.broadcast %add3A_878 : i32 to vector<16xi32>
    %add3A_880 = arith.addi %select_n3A_705, %add3A_879 : vector<16xi32>
    %gather3A_881 = tpu.vector_load_idx %arg6[%add3A_844, %add3A_880, %rem3A_841] : memref<24x32x128xf32, #tpu.memory_space<vmem>>[vector<16xi32>, vector<16xi32>, vector<16xi32>], vector<16xf32>,
    tpu.vector_store_idx %arg7[%add3A_880, %add3A_849], %gather3A_881 : memref<32x512xf32, #tpu.memory_space<vmem>>[vector<16xi32>, vector<16xi32>], vector<16xf32>,
    %add3A_882 = arith.constant 16 : i32
    %add3A_883 = vector.broadcast %add3A_882 : i32 to vector<16xi32>
    %add3A_884 = arith.addi %select_n3A_705, %add3A_883 : vector<16xi32>
    %gather3A_885 = tpu.vector_load_idx %arg6[%add3A_844, %add3A_884, %rem3A_841] : memref<24x32x128xf32, #tpu.memory_space<vmem>>[vector<16xi32>, vector<16xi32>, vector<16xi32>], vector<16xf32>,
    tpu.vector_store_idx %arg7[%add3A_884, %add3A_849], %gather3A_885 : memref<32x512xf32, #tpu.memory_space<vmem>>[vector<16xi32>, vector<16xi32>], vector<16xf32>,
    %add3A_886 = arith.constant 18 : i32
    %add3A_887 = vector.broadcast %add3A_886 : i32 to vector<16xi32>
    %add3A_888 = arith.addi %select_n3A_705, %add3A_887 : vector<16xi32>
    %gather3A_889 = tpu.vector_load_idx %arg6[%add3A_844, %add3A_888, %rem3A_841] : memref<24x32x128xf32, #tpu.memory_space<vmem>>[vector<16xi32>, vector<16xi32>, vector<16xi32>], vector<16xf32>,
    tpu.vector_store_idx %arg7[%add3A_888, %add3A_849], %gather3A_889 : memref<32x512xf32, #tpu.memory_space<vmem>>[vector<16xi32>, vector<16xi32>], vector<16xf32>,
    %add3A_890 = arith.constant 20 : i32
    %add3A_891 = vector.broadcast %add3A_890 : i32 to vector<16xi32>
    %add3A_892 = arith.addi %select_n3A_705, %add3A_891 : vector<16xi32>
    %gather3A_893 = tpu.vector_load_idx %arg6[%add3A_844, %add3A_892, %rem3A_841] : memref<24x32x128xf32, #tpu.memory_space<vmem>>[vector<16xi32>, vector<16xi32>, vector<16xi32>], vector<16xf32>,
    tpu.vector_store_idx %arg7[%add3A_892, %add3A_849], %gather3A_893 : memref<32x512xf32, #tpu.memory_space<vmem>>[vector<16xi32>, vector<16xi32>], vector<16xf32>,
    %add3A_894 = arith.constant 22 : i32
    %add3A_895 = vector.broadcast %add3A_894 : i32 to vector<16xi32>
    %add3A_896 = arith.addi %select_n3A_705, %add3A_895 : vector<16xi32>
    %gather3A_897 = tpu.vector_load_idx %arg6[%add3A_844, %add3A_896, %rem3A_841] : memref<24x32x128xf32, #tpu.memory_space<vmem>>[vector<16xi32>, vector<16xi32>, vector<16xi32>], vector<16xf32>,
    tpu.vector_store_idx %arg7[%add3A_896, %add3A_849], %gather3A_897 : memref<32x512xf32, #tpu.memory_space<vmem>>[vector<16xi32>, vector<16xi32>], vector<16xf32>,
    %add3A_898 = arith.constant 24 : i32
    %add3A_899 = vector.broadcast %add3A_898 : i32 to vector<16xi32>
    %add3A_900 = arith.addi %select_n3A_705, %add3A_899 : vector<16xi32>
    %gather3A_901 = tpu.vector_load_idx %arg6[%add3A_844, %add3A_900, %rem3A_841] : memref<24x32x128xf32, #tpu.memory_space<vmem>>[vector<16xi32>, vector<16xi32>, vector<16xi32>], vector<16xf32>,
    tpu.vector_store_idx %arg7[%add3A_900, %add3A_849], %gather3A_901 : memref<32x512xf32, #tpu.memory_space<vmem>>[vector<16xi32>, vector<16xi32>], vector<16xf32>,
    %add3A_902 = arith.constant 26 : i32
    %add3A_903 = vector.broadcast %add3A_902 : i32 to vector<16xi32>
    %add3A_904 = arith.addi %select_n3A_705, %add3A_903 : vector<16xi32>
    %gather3A_905 = tpu.vector_load_idx %arg6[%add3A_844, %add3A_904, %rem3A_841] : memref<24x32x128xf32, #tpu.memory_space<vmem>>[vector<16xi32>, vector<16xi32>, vector<16xi32>], vector<16xf32>,
    tpu.vector_store_idx %arg7[%add3A_904, %add3A_849], %gather3A_905 : memref<32x512xf32, #tpu.memory_space<vmem>>[vector<16xi32>, vector<16xi32>], vector<16xf32>,
    %add3A_906 = arith.constant 28 : i32
    %add3A_907 = vector.broadcast %add3A_906 : i32 to vector<16xi32>
    %add3A_908 = arith.addi %select_n3A_705, %add3A_907 : vector<16xi32>
    %gather3A_909 = tpu.vector_load_idx %arg6[%add3A_844, %add3A_908, %rem3A_841] : memref<24x32x128xf32, #tpu.memory_space<vmem>>[vector<16xi32>, vector<16xi32>, vector<16xi32>], vector<16xf32>,
    tpu.vector_store_idx %arg7[%add3A_908, %add3A_849], %gather3A_909 : memref<32x512xf32, #tpu.memory_space<vmem>>[vector<16xi32>, vector<16xi32>], vector<16xf32>,
    %add3A_910 = arith.constant 30 : i32
    %add3A_911 = vector.broadcast %add3A_910 : i32 to vector<16xi32>
    %add3A_912 = arith.addi %select_n3A_705, %add3A_911 : vector<16xi32>
    %gather3A_913 = tpu.vector_load_idx %arg6[%add3A_844, %add3A_912, %rem3A_841] : memref<24x32x128xf32, #tpu.memory_space<vmem>>[vector<16xi32>, vector<16xi32>, vector<16xi32>], vector<16xf32>,
    tpu.vector_store_idx %arg7[%add3A_912, %add3A_849], %gather3A_913 : memref<32x512xf32, #tpu.memory_space<vmem>>[vector<16xi32>, vector<16xi32>], vector<16xf32>,
    %multiple_of3A_914 = tpu.assume_multiple %mul3A_2, 128 : i32
    "tpu.region"() ({
      %run_scoped3A = tpu.sem_alloc : memref<!tpu.dma_semaphore, #tpu.memory_space<semaphore_mem>>
      %dma_start3A_915 = arith.constant 0 : i32
      %dma_start3A_916 = tpu.memref_slice %arg4[%dma_start3A_915, %multiple_of3A_914] : memref<32x16384xf32, #tpu.memory_space<hbm>> -> memref<32x512xf32, #tpu.memory_space<hbm>>
      %dma_start3A_917 = arith.constant 0 : i32
      %dma_start3A_918 = tpu.memref_slice %arg4[%dma_start3A_917, %multiple_of3A_914] : memref<32x16384xf32, #tpu.memory_space<hbm>> -> memref<32x512xf32, #tpu.memory_space<hbm>>
      tpu.enqueue_dma source(%arg7 : memref<32x512xf32, #tpu.memory_space<vmem>>) target(%dma_start3A_918 : memref<32x512xf32, #tpu.memory_space<hbm>>) target_semaphore(%run_scoped3A : memref<!tpu.dma_semaphore, #tpu.memory_space<semaphore_mem>>)
      %dma_wait3A_919 = arith.constant 0 : i32
      %dma_wait3A_920 = tpu.memref_slice %arg4[%dma_wait3A_919, %multiple_of3A_914] : memref<32x16384xf32, #tpu.memory_space<hbm>> -> memref<32x512xf32, #tpu.memory_space<hbm>>
      %dma_wait3A_921 = arith.constant 0 : i32
      %dma_wait3A_922 = tpu.memref_slice %arg4[%dma_wait3A_921, %multiple_of3A_914] : memref<32x16384xf32, #tpu.memory_space<hbm>> -> memref<32x512xf32, #tpu.memory_space<hbm>>
      tpu.wait_dma2 semaphore(%run_scoped3A : memref<!tpu.dma_semaphore, #tpu.memory_space<semaphore_mem>>) src(%arg7 : memref<32x512xf32, #tpu.memory_space<vmem>>) dst(%dma_wait3A_922 : memref<32x512xf32, #tpu.memory_space<hbm>>)
      tpu.yield
    }) : () -> ()
    return
  }
}

</mosaic_0001>

<sc_bundles>
// kernel: kernel.3.cloned.1.call-start
scs
__scs_entry_jumppad:
0x0: {  	(pc) =	sbr.rel $0x88, $3  }
0x1: {  	(tag) =	ssettag $0x0;
	lr =	simm.s32 $0x1  }
0x2: {  	[smem:$0x3F9F] =	sst lr;
	_ =	strace $0xD0000000  }
0x3: {  	_ = 	snop  }
0x4: {  	_ = 	snop  }
0x5: {  	_ = 	snop  }
0x6: {  	_ = 	snop  }
0x7: {  	_ = 	snop  }
__scs_overlays_trampoline_lowered:
0x8: {  	[smem:$0x3FAE] =	sst s0  }
0x9: {  	[smem:$0x3FAF] =	sst s1  }
0xa: {  	[smem:$0x3FB0] =	sst s2  }
0xb: {  	[smem:$0x3FB1] =	sst s3  }
0xc: {  	[smem:$0x3FB2] =	sst s4  }
0xd: {  	[smem:$0x3FB3] =	sst s5  }
0xe: {  	[smem:$0x3FB4] =	sst s6  }
0xf: {  	[smem:$0x3FB5] =	sst s7  }
0x10: {  	[smem:$0x3FB6] =	sst s8  }
0x11: {  	[smem:$0x3FB7] =	sst s9;
	s0 =	simm.s32 @!p0 $0x0  }
0x12: {  	s1 =	sld [smem:$0x3F9D];
	s0 =	simm.s32 @p0 $0x1  }
0x13: {  	[smem:$0x3FB8] =	sst s0;
	s0 =	simm.s32 @!p1 $0x0  }
0x14: {  	s2 =	sld [smem:$0x3F9C];
	s0 =	simm.s32 @p1 $0x1  }
0x15: {  	[smem:$0x3FB9] =	sst s0;
	s0 =	simm.s32 @!p2 $0x0  }
0x16: {  	s3 =	sld [smem:$0x3FDB];
	s0 =	simm.s32 @p2 $0x1  }
0x17: {  	s4 =	simm.s32 $0x1BF5;
	[smem:$0x3FBB] =	sst s0  }
0x18: {  	s0 =	sld [smem:$0x3F9E];
	_ =	swait.ge [sflag:s4], $0x0  }
0x19: {  	s7 =	sld [smem:$0x3F9F]  }
0x1a: {  	s8 =	sadd.s32 $0xFFFFE003, lr  }
0x1b: {  	s9 =	sadd.s32 $0xFFFFFEF7, lr;
	s5 =	simm.s32 $0xFFFFFFFF;
	p2 =	slt.u32 s8, $0xFFFFF086  }
0x1c: {  	p1 =	slt.u32 s9, $0xF7A;
	s5 =	simm.s32 @!p2 $0x0  }
0x1d: {  	s5 =	simm.s32 @p1 $0x1;
	p0 =	seq.s32 s7, s2  }
0x1e: {  	s7 =	smul.u32 @!p0 $0xF7A, s2;
	p2 =	seq.s32 @!p0 s5, $0x0  }
0x1f: {  	s9 =	smul.u32 $0xF7A, s1;
	s8 =	simm.s32 @!p0 $0x1BF5;
	p2 =	por !p2, p0  }
0x20: {  	[sflag:s8] =	ssyncset.s32 @!p0 $0xFFFFF086;
	s6 =	sadd.s32 @!p0 s3, s7;
	s7 =	simm.s32 @!p0 $0x108  }
0x21: {  	s3 =	sadd.s32 s3, s9;
	s6 =	sadd.s32 @!p0 $0x88, s6;
	s7 =	simm.s32 @p2 $0x1082  }
0x22: {  	[simem:s7], [sflag:s8] =	dma.local @!p0 [hbm:s6], $0xF7A  }
0x23: {  	s9 =	sor.u32 $0xD0000000, s2;
	s6 =	simm.s32 $0x108;
	_ =	swait.ge @!p0 [sflag:s8], $0x0  }
0x24: {  	s3 =	sadd.s32 $0x88, s3;
	s6 =	simm.s32 @!p1 $0x1082;
	[sflag:s4] =	ssyncset.s32 $0xFFFFF086  }
0x25: {  	[simem:s6], [sflag:s4] =	dma.local [hbm:s3], $0xF7A  }
0x26: {  	[smem:$0x3F9F] =	sst s1;
	(tag) =	ssettag s2;
	_ =	strace s9  }
0x27: {  	s1 =	sld [smem:$0x3FAF]  }
0x28: {  	s2 =	sld [smem:$0x3FB0]  }
0x29: {  	s4 =	sld [smem:$0x3FB2]  }
0x2a: {  	p0 =	seq.s32 s5, $0x0;
	s5 =	sld [smem:$0x3FB3]  }
0x2b: {  	s6 =	sld [smem:$0x3FB4]  }
0x2c: {  	s7 =	sld [smem:$0x3FB5]  }
0x2d: {  	s3 =	simm.s32 $0x108;
	s8 =	sld [smem:$0x3FB6]  }
0x2e: {  	s3 =	simm.s32 @!p0 $0x1082;
	s9 =	sld [smem:$0x3FB7]  }
0x2f: {  	lr =	sadd.s32 s0, s3;
	s0 =	sld [smem:$0x3FAE]  }
0x30: {  	s3 =	sld [smem:$0x3FB1]  }
0x31: {  	[smem:$0x3FBA] =	sst s10  }
0x32: {  	s10 =	sld [smem:$0x3FB8];
	_ =	sdelay $0x3  }
0x33: {  	p0 =	seq.s32 s10, $0x1;
	s10 =	sld [smem:$0x3FBA];
	_ =	sdelay $0x3  }
0x34: {  	[smem:$0x3FBA] =	sst s10  }
0x35: {  	s10 =	sld [smem:$0x3FB9];
	_ =	sdelay $0x3  }
0x36: {  	p1 =	seq.s32 s10, $0x1;
	s10 =	sld [smem:$0x3FBA];
	_ =	sdelay $0x3  }
0x37: {  	[smem:$0x3FBA] =	sst s10  }
0x38: {  	s10 =	sld [smem:$0x3FBB]  }
0x39: {  	_ = 	snop;
	(pc) =	sbr.ind lr, $3  }
0x3a: {  	_ = 	snop  }
0x3b: {  	_ = 	snop  }
0x3c: {  	p2 =	seq.s32 s10, $0x1;
	s10 =	sld [smem:$0x3FBA]  }
0x3d: {  	_ =	shalt  }
0x3e: {  	_ =	shalt  }
0x3f: {  	_ =	shalt  }
0x40: {  	_ =	shalt  }
0x41: {  	_ =	shalt  }
0x42: {  	_ =	shalt  }
0x43: {  	_ =	shalt  }
0x44: {  	_ =	shalt  }
0x45: {  	_ =	shalt  }
0x46: {  	_ =	shalt  }
0x47: {  	_ =	shalt  }
0x48: {  	_ =	shalt  }
0x49: {  	_ =	shalt  }
0x4a: {  	_ =	shalt  }
0x4b: {  	_ =	shalt  }
0x4c: {  	_ =	shalt  }
0x4d: {  	_ =	shalt  }
0x4e: {  	_ =	shalt  }
0x4f: {  	_ =	shalt  }
0x50: {  	_ =	shalt  }
0x51: {  	_ =	shalt  }
0x52: {  	_ =	shalt  }
0x53: {  	_ =	shalt  }
0x54: {  	_ =	shalt  }
0x55: {  	_ =	shalt  }
0x56: {  	_ =	shalt  }
0x57: {  	_ =	shalt  }
0x58: {  	_ =	shalt  }
0x59: {  	_ =	shalt  }
0x5a: {  	_ =	shalt  }
0x5b: {  	_ =	shalt  }
0x5c: {  	_ =	shalt  }
0x5d: {  	_ =	shalt  }
0x5e: {  	_ =	shalt  }
0x5f: {  	_ =	shalt  }
0x60: {  	_ =	shalt  }
0x61: {  	_ =	shalt  }
0x62: {  	_ =	shalt  }
0x63: {  	_ =	shalt  }
0x64: {  	_ =	shalt  }
0x65: {  	_ =	shalt  }
0x66: {  	_ =	shalt  }
0x67: {  	_ =	shalt  }
0x68: {  	_ =	shalt  }
0x69: {  	_ =	shalt  }
0x6a: {  	_ =	shalt  }
0x6b: {  	_ =	shalt  }
0x6c: {  	_ =	shalt  }
0x6d: {  	_ =	shalt  }
0x6e: {  	_ =	shalt  }
0x6f: {  	_ =	shalt  }
0x70: {  	_ =	shalt  }
0x71: {  	_ =	shalt  }
0x72: {  	_ =	shalt  }
0x73: {  	_ =	shalt  }
0x74: {  	_ =	shalt  }
0x75: {  	_ =	shalt  }
0x76: {  	_ =	shalt  }
0x77: {  	_ =	shalt  }
0x78: {  	_ =	shalt  }
0x79: {  	_ =	shalt  }
0x7a: {  	_ =	shalt  }
0x7b: {  	_ =	shalt  }
0x7c: {  	_ =	shalt  }
0x7d: {  	_ =	shalt  }
0x7e: {  	_ =	shalt  }
0x7f: {  	_ =	shalt  }
0x80: {  	_ =	shalt  }
0x81: {  	_ =	shalt  }
0x82: {  	_ =	shalt  }
0x83: {  	_ =	shalt  }
0x84: {  	_ =	shalt  }
0x85: {  	_ =	shalt  }
0x86: {  	_ =	shalt  }
0x87: {  	_ =	shalt  }
.Lfunc_end0:
.L_simem_size_0:
called_computation_lowered:
.L_overlay_start_0:
0x88: {  	s2 =	sld [smem:$0x3FD9]  }
0x89: {  	s3 =	sld [smem:$0x3FFE];
	_ =	sdelay $0x1  }
0x8a: {  	s1 =	srdreg.scid  }
0x8b: {  	s0 =	sand.u32 $0x1, s1  }
0x8c: {  	s18 =	sshll.u32 s0, $0xA;
	s2 =	sadd.s32 s3, s2  }
0x8d: {  	s2 =	sadd.s32 s2, s18  }
0x8e: {  	[smem:$0x3FC6] =	sst s2  }
0x8f: {  	_ = 	snop  }
0x90: {  	s2 =	sld [smem:$0x3FC9]  }
0x91: {  	s19 =	sld [smem:$0x3FC8]  }
0x92: {  	s4 =	sld [smem:$0x3FD0];
	(tm) =	ssettm $0x1  }
0x93: {  	s5 =	sld [smem:$0x3FFB];
	_ =	sdelay $0x3  }
0x94: {  	_ =	strace s5  }
0x95: {  	s5 =	sld [smem:$0x3FFC];
	_ =	sdelay $0x3  }
0x96: {  	_ =	strace s5  }
0x97: {  	s5 =	sld [smem:$0x3FFD];
	_ =	sdelay $0x3  }
0x98: {  	_ =	strace s5  }
0x99: {  	_ =	strace $0x8FFFFFFF  }
0x9a: {  	s20 =	sld [smem:$0x3FDB];
	_ =	sdelay $0x1  }
0x9b: {  	s6 =	simm.s32 $_scs_section_size  }
0x9c: {  	s7 =	simm.s32 $_size__tile_overlayer_lowered;
	s8 =	simm.s32 $_tile_overlayer_lowered  }
0x9d: {  	s23 =	simm.s32 $0x1BFF;
	s22 =	sshll.u32 s8, $0x1;
	s5 =	sadd.s32 s6, s20  }
0x9e: {  	s9 =	simm.s32 $0x0;
	s21 =	sshll.u32 s7, $0x1;
	s7 =	sadd.s32 s22, s5  }
0x9f: {  	[timem:s9], [sflag:s23] =	dma.local [hbm:s7], s21  }
0xa0: {  	_ =	swait.ge [sflag:s23], s21  }
0xa1: {  	s6 =	ssub.s32 $0x0, s21;
	[sflag:s23] =	ssyncset.done $0x0  }
0xa2: {  	[sflag:s23] =	ssyncadd.s32 s6;
	_ =	sdelay $0x1  }
0xa3: {  	s24 =	simm.s32 $0x1B8B  }
0xa4: {  	_ =	swait.ge [sflag:s24], $0x1  }
0xa5: {  	[sflag:s24] =	ssyncset.done $0x0  }
0xa6: {  	s25 =	simm.s32 $0x1B8E;
	[sflag:s24] =	ssyncadd.s32 $0xFFFFFFFF  }
0xa7: {  	s26 =	simm.s32 $execute0_lowered;
	[smem:$0x3FD2] =	sst s25  }
0xa8: {  	s6 =	sshll.u32 s26, $0x1;
	_ =	strace $0x80000046;
	[dreg:$0x1] =	wrdreg $0xFFFFFFFF  }
0xa9: {  	s28 =	simm.s32 $_size_execute0_lowered;
	s5 =	sadd.s32 s5, s6;
	[dreg:$0x0] =	wrdreg $0x0  }
0xaa: {  	s6 =	sshll.u32 s28, $0x1;
	[dreg:$0x2] =	wrdreg s5  }
0xab: {  	[dreg:$0x3] =	wrdreg s6  }
0xac: {  	[dreg:$0x4] =	wrdreg $0xC0  }
0xad: {  	_ =	task [dreg:s9], $0x5FFFF  }
0xae: {  	[dreg:$0x1] =	wrdreg $0xFFFFFFFF  }
0xaf: {  	[dreg:$0x0] =	wrdreg $0x60  }
0xb0: {  	[dreg:$0x2] =	wrdreg s19  }
0xb1: {  	[dreg:$0x3] =	wrdreg s2  }
0xb2: {  	[dreg:$0x4] =	wrdreg s4  }
0xb3: {  	[dreg:$0x5] =	wrdreg $0x9  }
0xb4: {  	_ =	task.clear_ibuf [dreg:s9], $0x6FFFF;
	_ =	strace $0x90000046  }
0xb5: {  	s29 =	simm.s32 $0x9;
	_ =	strace $0x80000048  }
0xb6: {  	_ =	swait.ge [sflag:s29], $0x1  }
0xb7: {  	[sflag:s29] =	ssyncadd.s32 $0xFFFFFFFF  }
0xb8: {  	_ =	strace $0x90000048  }
0xb9: {  	_ =	sfence  }
0xba: {  	s30 =	sld [smem:$0x0];
	_ =	sdelay $0x2  }
0xbb: {  	s31 =	sshll.u32 s1, $0xD;
	s1 =	sshrl.u32 s1, $0x2  }
0xbc: {  	s3 =	sand.u32 $0x4000, s31;
	s1 =	sadd.s32 s1, s30  }
0xbd: {  	s0 =	sor.u32 s3, s0;
	s1 =	sshll.u32 s1, $0x11  }
0xbe: {  	s0 =	sor.u32 s1, s0  }
0xbf: {  	s0 =	sadd.s32 $0x8F2B, s0  }
0xc0: {  	[sflag:s0] =	ssyncadd.remote.s32 $0x1  }
0xc1: {  	_ =	sfence.sel $0xFFFF  }
0xc2: {  	[dreg:$0x0] =	wrdreg $0xFFFFFFFF;
	(pc) =	sbr.abs _section_cstart, $3  }
0xc3: {  	[dreg:$0x1] =	wrdreg $0xFFFFFFFF  }
0xc4: {  	_ =	task.clear_ibuf [dreg:s9], $0x2FFFF;
	_ =	strace $0x9FFFFFFF  }
0xc5: {  	(tm) =	ssettm $0x7FFFFFFF  }
tec
execute0_lowered:
.L_overlay_start_1:
0x0: {  	(tag) =	ssettag $0x1  }
0x1: {  	v0 =	vimm.s32 $0x7080;
	vm14 =	vcmask $0x300  }
0x2: {  	vm13 =	vcmask $0x704;
	v0 =	vsel vm14, $0x0, v0  }
0x3: {  	vm12 =	vcmask $0xB08;
	v0 =	vsel vm13, $0x1000, v0  }
0x4: {  	vm11 =	vcmask $0xF0C;
	v0 =	vsel vm12, $0x2000, v0  }
0x5: {  	vm10 =	vcmask $0x1310;
	v0 =	vsel vm11, $0x3000, v0  }
0x6: {  	vm9 =	vcmask $0x1714;
	v0 =	vsel vm10, $0x4000, v0  }
0x7: {  	vm8 =	vcmask $0x1B18;
	v0 =	vsel vm9, $0x5000, v0  }
0x8: {  	vm7 =	vcmask $0x1F1C;
	v0 =	vsel vm8, $0x6000, v0  }
0x9: {  	vm6 =	vcmask $0x2320;
	v0 =	vsel vm7, $0x7000, v0  }
0xa: {  	vm5 =	vcmask $0x2724;
	v0 =	vsel vm6, $0x80, v0  }
0xb: {  	vm4 =	vcmask $0x2B28;
	v0 =	vsel vm5, $0x1080, v0  }
0xc: {  	vm3 =	vcmask $0x2F2C;
	v0 =	vsel vm4, $0x2080, v0  }
0xd: {  	vm2 =	vcmask $0x3330;
	v0 =	vsel vm3, $0x3080, v0  }
0xe: {  	vm1 =	vcmask $0x3734;
	v0 =	vsel vm2, $0x4080, v0  }
0xf: {  	vm0 =	vcmask $0x3B38;
	v0 =	vsel vm1, $0x5080, v0  }
0x10: {  	v0 =	vsel vm0, $0x6080, v0  }
0x11: {  	v5 =	vlaneseq.u32;
	[tilespmem:$0x1FEA0] =	vst v0;
	v0 =	vimm.s32 $0x7180  }
0x12: {  	v1 =	vshrl.u32 v5, $0x3;
	v0 =	vsel vm14, $0x100, v0  }
0x13: {  	v2 =	vmul.u32 $0x80, v1;
	v1 =	vimm.s32 $0x7280;
	v0 =	vsel vm13, $0x1100, v0  }
0x14: {  	v3 =	vimm.s32 $0x7380;
	v1 =	vsel vm14, $0x200, v1;
	v0 =	vsel vm12, $0x2100, v0  }
0x15: {  	v3 =	vsel vm14, $0x300, v3;
	v1 =	vsel vm13, $0x1200, v1;
	v0 =	vsel vm11, $0x3100, v0  }
0x16: {  	v3 =	vsel vm13, $0x1300, v3;
	v1 =	vsel vm12, $0x2200, v1;
	v0 =	vsel vm10, $0x4100, v0  }
0x17: {  	v3 =	vsel vm12, $0x2300, v3;
	v1 =	vsel vm11, $0x3200, v1;
	v0 =	vsel vm9, $0x5100, v0  }
0x18: {  	v3 =	vsel vm11, $0x3300, v3;
	v1 =	vsel vm10, $0x4200, v1;
	v0 =	vsel vm8, $0x6100, v0  }
0x19: {  	v3 =	vsel vm10, $0x4300, v3;
	v1 =	vsel vm9, $0x5200, v1;
	v0 =	vsel vm7, $0x7100, v0  }
0x1a: {  	v3 =	vsel vm9, $0x5300, v3;
	v1 =	vsel vm8, $0x6200, v1;
	v0 =	vsel vm6, $0x180, v0  }
0x1b: {  	v3 =	vsel vm8, $0x6300, v3;
	v1 =	vsel vm7, $0x7200, v1;
	v0 =	vsel vm5, $0x1180, v0  }
0x1c: {  	v3 =	vsel vm7, $0x7300, v3;
	v1 =	vsel vm6, $0x280, v1;
	v0 =	vsel vm4, $0x2180, v0  }
0x1d: {  	v3 =	vsel vm6, $0x380, v3;
	v1 =	vsel vm5, $0x1280, v1;
	v0 =	vsel vm3, $0x3180, v0  }
0x1e: {  	v3 =	vsel vm5, $0x1380, v3;
	v1 =	vsel vm4, $0x2280, v1;
	v0 =	vsel vm2, $0x4180, v0  }
0x1f: {  	v3 =	vsel vm4, $0x2380, v3;
	v1 =	vsel vm3, $0x3280, v1;
	v0 =	vsel vm1, $0x5180, v0  }
0x20: {  	v3 =	vsel vm3, $0x3380, v3;
	v1 =	vsel vm2, $0x4280, v1;
	v0 =	vsel vm0, $0x6180, v0  }
0x21: {  	v4 =	vsel vm2, $0x4380, v3;
	[tilespmem:$0x1FEB0] =	vst v0;
	v0 =	vsel vm1, $0x5280, v1  }
0x22: {  	v1 =	vsel vm1, $0x5380, v4;
	v0 =	vsel vm0, $0x6280, v0  }
0x23: {  	[tilespmem:$0x1FEC0] =	vst v0;
	v0 =	vsel vm0, $0x6380, v1  }
0x24: {  	[tilespmem:$0x1FED0] =	vst v0;
	v0 =	vimm.s32 $0x7480  }
0x25: {  	v0 =	vsel vm14, $0x400, v0  }
0x26: {  	v1 =	vimm.s32 $0x7580;
	v0 =	vsel vm13, $0x1400, v0  }
0x27: {  	v1 =	vsel vm14, $0x500, v1;
	v0 =	vsel vm12, $0x2400, v0  }
0x28: {  	v6 =	vimm.s32 $0x7680;
	v1 =	vsel vm13, $0x1500, v1;
	v0 =	vsel vm11, $0x3400, v0  }
0x29: {  	v6 =	vsel vm14, $0x600, v6;
	v1 =	vsel vm12, $0x2500, v1;
	v0 =	vsel vm10, $0x4400, v0  }
0x2a: {  	v6 =	vsel vm13, $0x1600, v6;
	v1 =	vsel vm11, $0x3500, v1;
	v0 =	vsel vm9, $0x5400, v0  }
0x2b: {  	v6 =	vsel vm12, $0x2600, v6;
	v1 =	vsel vm10, $0x4500, v1;
	v0 =	vsel vm8, $0x6400, v0  }
0x2c: {  	v6 =	vsel vm11, $0x3600, v6;
	v1 =	vsel vm9, $0x5500, v1;
	v0 =	vsel vm7, $0x7400, v0  }
0x2d: {  	v6 =	vsel vm10, $0x4600, v6;
	v1 =	vsel vm8, $0x6500, v1;
	v0 =	vsel vm6, $0x480, v0  }
0x2e: {  	v6 =	vsel vm9, $0x5600, v6;
	v1 =	vsel vm7, $0x7500, v1;
	v0 =	vsel vm5, $0x1480, v0  }
0x2f: {  	v6 =	vsel vm8, $0x6600, v6;
	v1 =	vsel vm6, $0x580, v1;
	v0 =	vsel vm4, $0x2480, v0  }
0x30: {  	v6 =	vsel vm7, $0x7600, v6;
	v1 =	vsel vm5, $0x1580, v1;
	v0 =	vsel vm3, $0x3480, v0  }
0x31: {  	v6 =	vsel vm6, $0x680, v6;
	v1 =	vsel vm4, $0x2580, v1;
	v0 =	vsel vm2, $0x4480, v0  }
0x32: {  	v6 =	vsel vm5, $0x1680, v6;
	v1 =	vsel vm3, $0x3580, v1;
	v0 =	vsel vm1, $0x5480, v0  }
0x33: {  	v6 =	vsel vm4, $0x2680, v6;
	v1 =	vsel vm2, $0x4580, v1;
	v0 =	vsel vm0, $0x6480, v0  }
0x34: {  	v6 =	vsel vm3, $0x3680, v6;
	[tilespmem:$0x1FEE0] =	vst v0;
	v0 =	vsel vm1, $0x5580, v1  }
0x35: {  	v7 =	vsel vm2, $0x4680, v6;
	v0 =	vsel vm0, $0x6580, v0  }
0x36: {  	v9 =	vimm.s32 $0x7980;
	v1 =	vsel vm1, $0x5680, v7;
	[tilespmem:$0x1FEF0] =	vst v0;
	v0 =	vimm.s32 $0x7780  }
0x37: {  	v8 =	vsel vm0, $0x6680, v1;
	v1 =	vimm.s32 $0x7880;
	v0 =	vsel vm14, $0x700, v0  }
0x38: {  	v12 =	vimm.s32 $0x7C80;
	v1 =	vsel vm14, $0x800, v1;
	v0 =	vsel vm13, $0x1700, v0  }
0x39: {  	v9 =	vsel vm14, $0x900, v9;
	v1 =	vsel vm13, $0x1800, v1;
	v0 =	vsel vm12, $0x2700, v0  }
0x3a: {  	v9 =	vsel vm13, $0x1900, v9;
	v1 =	vsel vm12, $0x2800, v1;
	v0 =	vsel vm11, $0x3700, v0  }
0x3b: {  	v9 =	vsel vm12, $0x2900, v9;
	v1 =	vsel vm11, $0x3800, v1;
	v0 =	vsel vm10, $0x4700, v0  }
0x3c: {  	v9 =	vsel vm11, $0x3900, v9;
	v1 =	vsel vm10, $0x4800, v1;
	v0 =	vsel vm9, $0x5700, v0  }
0x3d: {  	v9 =	vsel vm10, $0x4900, v9;
	v1 =	vsel vm9, $0x5800, v1;
	v0 =	vsel vm8, $0x6700, v0  }
0x3e: {  	v9 =	vsel vm9, $0x5900, v9;
	v1 =	vsel vm8, $0x6800, v1;
	v0 =	vsel vm7, $0x7700, v0  }
0x3f: {  	v9 =	vsel vm8, $0x6900, v9;
	v1 =	vsel vm7, $0x7800, v1;
	v0 =	vsel vm6, $0x780, v0  }
0x40: {  	v9 =	vsel vm7, $0x7900, v9;
	v1 =	vsel vm6, $0x880, v1;
	v0 =	vsel vm5, $0x1780, v0  }
0x41: {  	v9 =	vsel vm6, $0x980, v9;
	v1 =	vsel vm5, $0x1880, v1;
	v0 =	vsel vm4, $0x2780, v0  }
0x42: {  	v9 =	vsel vm5, $0x1980, v9;
	v1 =	vsel vm4, $0x2880, v1;
	v0 =	vsel vm3, $0x3780, v0  }
0x43: {  	v9 =	vsel vm4, $0x2980, v9;
	v1 =	vsel vm3, $0x3880, v1;
	v0 =	vsel vm2, $0x4780, v0  }
0x44: {  	v9 =	vsel vm3, $0x3980, v9;
	v1 =	vsel vm2, $0x4880, v1;
	v0 =	vsel vm1, $0x5780, v0  }
0x45: {  	v10 =	vsel vm2, $0x4980, v9;
	v9 =	vsel vm0, $0x6780, v0;
	v0 =	vsel vm1, $0x5880, v1  }
0x46: {  	v1 =	vsel vm1, $0x5980, v10;
	v10 =	vsel vm0, $0x6880, v0;
	v0 =	vimm.s32 $0x7A80  }
0x47: {  	v11 =	vsel vm0, $0x6980, v1;
	v1 =	vimm.s32 $0x7B80;
	v0 =	vsel vm14, $0xA00, v0  }
0x48: {  	v15 =	vimm.s32 $0x7F80;
	v1 =	vsel vm14, $0xB00, v1;
	v0 =	vsel vm13, $0x1A00, v0  }
0x49: {  	v12 =	vsel vm14, $0xC00, v12;
	v1 =	vsel vm13, $0x1B00, v1;
	v0 =	vsel vm12, $0x2A00, v0  }
0x4a: {  	v12 =	vsel vm13, $0x1C00, v12;
	v1 =	vsel vm12, $0x2B00, v1;
	v0 =	vsel vm11, $0x3A00, v0  }
0x4b: {  	v12 =	vsel vm12, $0x2C00, v12;
	v1 =	vsel vm11, $0x3B00, v1;
	v0 =	vsel vm10, $0x4A00, v0  }
0x4c: {  	v12 =	vsel vm11, $0x3C00, v12;
	v1 =	vsel vm10, $0x4B00, v1;
	v0 =	vsel vm9, $0x5A00, v0  }
0x4d: {  	v12 =	vsel vm10, $0x4C00, v12;
	v1 =	vsel vm9, $0x5B00, v1;
	v0 =	vsel vm8, $0x6A00, v0  }
0x4e: {  	v12 =	vsel vm9, $0x5C00, v12;
	v1 =	vsel vm8, $0x6B00, v1;
	v0 =	vsel vm7, $0x7A00, v0  }
0x4f: {  	v12 =	vsel vm8, $0x6C00, v12;
	v1 =	vsel vm7, $0x7B00, v1;
	v0 =	vsel vm6, $0xA80, v0  }
0x50: {  	v12 =	vsel vm7, $0x7C00, v12;
	v1 =	vsel vm6, $0xB80, v1;
	v0 =	vsel vm5, $0x1A80, v0  }
0x51: {  	v12 =	vsel vm6, $0xC80, v12;
	v1 =	vsel vm5, $0x1B80, v1;
	v0 =	vsel vm4, $0x2A80, v0  }
0x52: {  	v12 =	vsel vm5, $0x1C80, v12;
	v1 =	vsel vm4, $0x2B80, v1;
	v0 =	vsel vm3, $0x3A80, v0  }
0x53: {  	v12 =	vsel vm4, $0x2C80, v12;
	v1 =	vsel vm3, $0x3B80, v1;
	v0 =	vsel vm2, $0x4A80, v0  }
0x54: {  	v12 =	vsel vm3, $0x3C80, v12;
	v1 =	vsel vm2, $0x4B80, v1;
	v0 =	vsel vm1, $0x5A80, v0  }
0x55: {  	v13 =	vsel vm2, $0x4C80, v12;
	v12 =	vsel vm0, $0x6A80, v0;
	v0 =	vsel vm1, $0x5B80, v1  }
0x56: {  	v1 =	vsel vm1, $0x5C80, v13;
	v13 =	vsel vm0, $0x6B80, v0;
	v0 =	vimm.s32 $0x7D80  }
0x57: {  	v14 =	vsel vm0, $0x6C80, v1;
	v1 =	vimm.s32 $0x7E80;
	v0 =	vsel vm14, $0xD00, v0  }
0x58: {  	v18 =	vimm.s32 $0xF280;
	v1 =	vsel vm14, $0xE00, v1;
	v0 =	vsel vm13, $0x1D00, v0  }
0x59: {  	v15 =	vsel vm14, $0xF00, v15;
	v1 =	vsel vm13, $0x1E00, v1;
	v0 =	vsel vm12, $0x2D00, v0  }
0x5a: {  	v15 =	vsel vm13, $0x1F00, v15;
	v1 =	vsel vm12, $0x2E00, v1;
	v0 =	vsel vm11, $0x3D00, v0  }
0x5b: {  	v15 =	vsel vm12, $0x2F00, v15;
	v1 =	vsel vm11, $0x3E00, v1;
	v0 =	vsel vm10, $0x4D00, v0  }
0x5c: {  	v15 =	vsel vm11, $0x3F00, v15;
	v1 =	vsel vm10, $0x4E00, v1;
	v0 =	vsel vm9, $0x5D00, v0  }
0x5d: {  	v15 =	vsel vm10, $0x4F00, v15;
	v1 =	vsel vm9, $0x5E00, v1;
	v0 =	vsel vm8, $0x6D00, v0  }
0x5e: {  	v15 =	vsel vm9, $0x5F00, v15;
	v1 =	vsel vm8, $0x6E00, v1;
	v0 =	vsel vm7, $0x7D00, v0  }
0x5f: {  	v15 =	vsel vm8, $0x6F00, v15;
	v1 =	vsel vm7, $0x7E00, v1;
	v0 =	vsel vm6, $0xD80, v0  }
0x60: {  	v15 =	vsel vm7, $0x7F00, v15;
	v1 =	vsel vm6, $0xE80, v1;
	v0 =	vsel vm5, $0x1D80, v0  }
0x61: {  	v15 =	vsel vm6, $0xF80, v15;
	v1 =	vsel vm5, $0x1E80, v1;
	v0 =	vsel vm4, $0x2D80, v0  }
0x62: {  	v15 =	vsel vm5, $0x1F80, v15;
	v1 =	vsel vm4, $0x2E80, v1;
	v0 =	vsel vm3, $0x3D80, v0  }
0x63: {  	v15 =	vsel vm4, $0x2F80, v15;
	v1 =	vsel vm3, $0x3E80, v1;
	v0 =	vsel vm2, $0x4D80, v0  }
0x64: {  	v15 =	vsel vm3, $0x3F80, v15;
	v1 =	vsel vm2, $0x4E80, v1;
	v0 =	vsel vm1, $0x5D80, v0  }
0x65: {  	v16 =	vsel vm2, $0x4F80, v15;
	v15 =	vsel vm0, $0x6D80, v0;
	v0 =	vsel vm1, $0x5E80, v1  }
0x66: {  	v1 =	vsel vm1, $0x5F80, v16;
	v16 =	vsel vm0, $0x6E80, v0;
	v0 =	vimm.s32 $0xF080  }
0x67: {  	v17 =	vsel vm0, $0x6F80, v1;
	v1 =	vimm.s32 $0xF180;
	v0 =	vsel vm14, $0x8000, v0  }
0x68: {  	v21 =	vimm.s32 $0xF580;
	v1 =	vsel vm14, $0x8100, v1;
	v0 =	vsel vm13, $0x9000, v0  }
0x69: {  	v18 =	vsel vm14, $0x8200, v18;
	v1 =	vsel vm13, $0x9100, v1;
	v0 =	vsel vm12, $0xA000, v0  }
0x6a: {  	v18 =	vsel vm13, $0x9200, v18;
	v1 =	vsel vm12, $0xA100, v1;
	v0 =	vsel vm11, $0xB000, v0  }
0x6b: {  	v18 =	vsel vm12, $0xA200, v18;
	v1 =	vsel vm11, $0xB100, v1;
	v0 =	vsel vm10, $0xC000, v0  }
0x6c: {  	v18 =	vsel vm11, $0xB200, v18;
	v1 =	vsel vm10, $0xC100, v1;
	v0 =	vsel vm9, $0xD000, v0  }
0x6d: {  	v18 =	vsel vm10, $0xC200, v18;
	v1 =	vsel vm9, $0xD100, v1;
	v0 =	vsel vm8, $0xE000, v0  }
0x6e: {  	v18 =	vsel vm9, $0xD200, v18;
	v1 =	vsel vm8, $0xE100, v1;
	v0 =	vsel vm7, $0xF000, v0  }
0x6f: {  	v18 =	vsel vm8, $0xE200, v18;
	v1 =	vsel vm7, $0xF100, v1;
	v0 =	vsel vm6, $0x8080, v0  }
0x70: {  	v18 =	vsel vm7, $0xF200, v18;
	v1 =	vsel vm6, $0x8180, v1;
	v0 =	vsel vm5, $0x9080, v0  }
0x71: {  	v18 =	vsel vm6, $0x8280, v18;
	v1 =	vsel vm5, $0x9180, v1;
	v0 =	vsel vm4, $0xA080, v0  }
0x72: {  	v18 =	vsel vm5, $0x9280, v18;
	v1 =	vsel vm4, $0xA180, v1;
	v0 =	vsel vm3, $0xB080, v0  }
0x73: {  	v18 =	vsel vm4, $0xA280, v18;
	v1 =	vsel vm3, $0xB180, v1;
	v0 =	vsel vm2, $0xC080, v0  }
0x74: {  	v18 =	vsel vm3, $0xB280, v18;
	v1 =	vsel vm2, $0xC180, v1;
	v0 =	vsel vm1, $0xD080, v0  }
0x75: {  	v19 =	vsel vm2, $0xC280, v18;
	v18 =	vsel vm0, $0xE080, v0;
	v0 =	vsel vm1, $0xD180, v1  }
0x76: {  	v1 =	vsel vm1, $0xD280, v19;
	v19 =	vsel vm0, $0xE180, v0;
	v0 =	vimm.s32 $0xF380  }
0x77: {  	v20 =	vsel vm0, $0xE280, v1;
	v1 =	vimm.s32 $0xF480;
	v0 =	vsel vm14, $0x8300, v0  }
0x78: {  	v24 =	vimm.s32 $0xF880;
	v1 =	vsel vm14, $0x8400, v1;
	v0 =	vsel vm13, $0x9300, v0  }
0x79: {  	v21 =	vsel vm14, $0x8500, v21;
	v1 =	vsel vm13, $0x9400, v1;
	v0 =	vsel vm12, $0xA300, v0  }
0x7a: {  	v21 =	vsel vm13, $0x9500, v21;
	v1 =	vsel vm12, $0xA400, v1;
	v0 =	vsel vm11, $0xB300, v0  }
0x7b: {  	v21 =	vsel vm12, $0xA500, v21;
	v1 =	vsel vm11, $0xB400, v1;
	v0 =	vsel vm10, $0xC300, v0  }
0x7c: {  	v21 =	vsel vm11, $0xB500, v21;
	v1 =	vsel vm10, $0xC400, v1;
	v0 =	vsel vm9, $0xD300, v0  }
0x7d: {  	v21 =	vsel vm10, $0xC500, v21;
	v1 =	vsel vm9, $0xD400, v1;
	v0 =	vsel vm8, $0xE300, v0  }
0x7e: {  	v21 =	vsel vm9, $0xD500, v21;
	v1 =	vsel vm8, $0xE400, v1;
	v0 =	vsel vm7, $0xF300, v0  }
0x7f: {  	v21 =	vsel vm8, $0xE500, v21;
	v1 =	vsel vm7, $0xF400, v1;
	v0 =	vsel vm6, $0x8380, v0  }
0x80: {  	v21 =	vsel vm7, $0xF500, v21;
	v1 =	vsel vm6, $0x8480, v1;
	v0 =	vsel vm5, $0x9380, v0  }
0x81: {  	v21 =	vsel vm6, $0x8580, v21;
	v1 =	vsel vm5, $0x9480, v1;
	v0 =	vsel vm4, $0xA380, v0  }
0x82: {  	v21 =	vsel vm5, $0x9580, v21;
	v1 =	vsel vm4, $0xA480, v1;
	v0 =	vsel vm3, $0xB380, v0  }
0x83: {  	v21 =	vsel vm4, $0xA580, v21;
	v1 =	vsel vm3, $0xB480, v1;
	v0 =	vsel vm2, $0xC380, v0  }
0x84: {  	v21 =	vsel vm3, $0xB580, v21;
	v1 =	vsel vm2, $0xC480, v1;
	v0 =	vsel vm1, $0xD380, v0  }
0x85: {  	v22 =	vsel vm2, $0xC580, v21;
	v21 =	vsel vm0, $0xE380, v0;
	v0 =	vsel vm1, $0xD480, v1  }
0x86: {  	v1 =	vsel vm1, $0xD580, v22;
	v22 =	vsel vm0, $0xE480, v0;
	v0 =	vimm.s32 $0xF680  }
0x87: {  	v23 =	vsel vm0, $0xE580, v1;
	v1 =	vimm.s32 $0xF780;
	v0 =	vsel vm14, $0x8600, v0  }
0x88: {  	v27 =	vimm.s32 $0xFB80;
	v1 =	vsel vm14, $0x8700, v1;
	v0 =	vsel vm13, $0x9600, v0  }
0x89: {  	v24 =	vsel vm14, $0x8800, v24;
	v1 =	vsel vm13, $0x9700, v1;
	v0 =	vsel vm12, $0xA600, v0  }
0x8a: {  	v24 =	vsel vm13, $0x9800, v24;
	v1 =	vsel vm12, $0xA700, v1;
	v0 =	vsel vm11, $0xB600, v0  }
0x8b: {  	v24 =	vsel vm12, $0xA800, v24;
	v1 =	vsel vm11, $0xB700, v1;
	v0 =	vsel vm10, $0xC600, v0  }
0x8c: {  	v24 =	vsel vm11, $0xB800, v24;
	v1 =	vsel vm10, $0xC700, v1;
	v0 =	vsel vm9, $0xD600, v0  }
0x8d: {  	v24 =	vsel vm10, $0xC800, v24;
	v1 =	vsel vm9, $0xD700, v1;
	v0 =	vsel vm8, $0xE600, v0  }
0x8e: {  	v24 =	vsel vm9, $0xD800, v24;
	v1 =	vsel vm8, $0xE700, v1;
	v0 =	vsel vm7, $0xF600, v0  }
0x8f: {  	v24 =	vsel vm8, $0xE800, v24;
	v1 =	vsel vm7, $0xF700, v1;
	v0 =	vsel vm6, $0x8680, v0  }
0x90: {  	v24 =	vsel vm7, $0xF800, v24;
	v1 =	vsel vm6, $0x8780, v1;
	v0 =	vsel vm5, $0x9680, v0  }
0x91: {  	v24 =	vsel vm6, $0x8880, v24;
	v1 =	vsel vm5, $0x9780, v1;
	v0 =	vsel vm4, $0xA680, v0  }
0x92: {  	v24 =	vsel vm5, $0x9880, v24;
	v1 =	vsel vm4, $0xA780, v1;
	v0 =	vsel vm3, $0xB680, v0  }
0x93: {  	v24 =	vsel vm4, $0xA880, v24;
	v1 =	vsel vm3, $0xB780, v1;
	v0 =	vsel vm2, $0xC680, v0  }
0x94: {  	v24 =	vsel vm3, $0xB880, v24;
	v1 =	vsel vm2, $0xC780, v1;
	v0 =	vsel vm1, $0xD680, v0  }
0x95: {  	v25 =	vsel vm2, $0xC880, v24;
	v24 =	vsel vm0, $0xE680, v0;
	v0 =	vsel vm1, $0xD780, v1  }
0x96: {  	v1 =	vsel vm1, $0xD880, v25;
	v25 =	vsel vm0, $0xE780, v0;
	v0 =	vimm.s32 $0xF980  }
0x97: {  	v26 =	vsel vm0, $0xE880, v1;
	v1 =	vimm.s32 $0xFA80;
	v0 =	vsel vm14, $0x8900, v0  }
0x98: {  	v30 =	vimm.s32 $0xFE80;
	v1 =	vsel vm14, $0x8A00, v1;
	v0 =	vsel vm13, $0x9900, v0  }
0x99: {  	v27 =	vsel vm14, $0x8B00, v27;
	v1 =	vsel vm13, $0x9A00, v1;
	v0 =	vsel vm12, $0xA900, v0  }
0x9a: {  	v27 =	vsel vm13, $0x9B00, v27;
	v1 =	vsel vm12, $0xAA00, v1;
	v0 =	vsel vm11, $0xB900, v0  }
0x9b: {  	v27 =	vsel vm12, $0xAB00, v27;
	v1 =	vsel vm11, $0xBA00, v1;
	v0 =	vsel vm10, $0xC900, v0  }
0x9c: {  	v27 =	vsel vm11, $0xBB00, v27;
	v1 =	vsel vm10, $0xCA00, v1;
	v0 =	vsel vm9, $0xD900, v0  }
0x9d: {  	v27 =	vsel vm10, $0xCB00, v27;
	v1 =	vsel vm9, $0xDA00, v1;
	v0 =	vsel vm8, $0xE900, v0  }
0x9e: {  	v27 =	vsel vm9, $0xDB00, v27;
	v1 =	vsel vm8, $0xEA00, v1;
	v0 =	vsel vm7, $0xF900, v0  }
0x9f: {  	v27 =	vsel vm8, $0xEB00, v27;
	v1 =	vsel vm7, $0xFA00, v1;
	v0 =	vsel vm6, $0x8980, v0  }
0xa0: {  	v27 =	vsel vm7, $0xFB00, v27;
	v1 =	vsel vm6, $0x8A80, v1;
	v0 =	vsel vm5, $0x9980, v0  }
0xa1: {  	v27 =	vsel vm6, $0x8B80, v27;
	v1 =	vsel vm5, $0x9A80, v1;
	v0 =	vsel vm4, $0xA980, v0  }
0xa2: {  	v27 =	vsel vm5, $0x9B80, v27;
	v1 =	vsel vm4, $0xAA80, v1;
	v0 =	vsel vm3, $0xB980, v0  }
0xa3: {  	v27 =	vsel vm4, $0xAB80, v27;
	v1 =	vsel vm3, $0xBA80, v1;
	v0 =	vsel vm2, $0xC980, v0  }
0xa4: {  	v27 =	vsel vm3, $0xBB80, v27;
	v1 =	vsel vm2, $0xCA80, v1;
	v0 =	vsel vm1, $0xD980, v0  }
0xa5: {  	v28 =	vsel vm2, $0xCB80, v27;
	v27 =	vsel vm0, $0xE980, v0;
	v0 =	vsel vm1, $0xDA80, v1  }
0xa6: {  	v1 =	vsel vm1, $0xDB80, v28;
	v28 =	vsel vm0, $0xEA80, v0;
	v0 =	vimm.s32 $0xFC80  }
0xa7: {  	v29 =	vsel vm0, $0xEB80, v1;
	v1 =	vimm.s32 $0xFD80;
	v0 =	vsel vm14, $0x8C00, v0  }
0xa8: {  	v33 =	vimm.s32 $0x17180;
	v1 =	vsel vm14, $0x8D00, v1;
	v0 =	vsel vm13, $0x9C00, v0  }
0xa9: {  	v30 =	vsel vm14, $0x8E00, v30;
	v1 =	vsel vm13, $0x9D00, v1;
	v0 =	vsel vm12, $0xAC00, v0  }
0xaa: {  	v30 =	vsel vm13, $0x9E00, v30;
	v1 =	vsel vm12, $0xAD00, v1;
	v0 =	vsel vm11, $0xBC00, v0  }
0xab: {  	v30 =	vsel vm12, $0xAE00, v30;
	v1 =	vsel vm11, $0xBD00, v1;
	v0 =	vsel vm10, $0xCC00, v0  }
0xac: {  	v30 =	vsel vm11, $0xBE00, v30;
	v1 =	vsel vm10, $0xCD00, v1;
	v0 =	vsel vm9, $0xDC00, v0  }
0xad: {  	v30 =	vsel vm10, $0xCE00, v30;
	v1 =	vsel vm9, $0xDD00, v1;
	v0 =	vsel vm8, $0xEC00, v0  }
0xae: {  	v30 =	vsel vm9, $0xDE00, v30;
	v1 =	vsel vm8, $0xED00, v1;
	v0 =	vsel vm7, $0xFC00, v0  }
0xaf: {  	v30 =	vsel vm8, $0xEE00, v30;
	v1 =	vsel vm7, $0xFD00, v1;
	v0 =	vsel vm6, $0x8C80, v0  }
0xb0: {  	v30 =	vsel vm7, $0xFE00, v30;
	v1 =	vsel vm6, $0x8D80, v1;
	v0 =	vsel vm5, $0x9C80, v0  }
0xb1: {  	v30 =	vsel vm6, $0x8E80, v30;
	v1 =	vsel vm5, $0x9D80, v1;
	v0 =	vsel vm4, $0xAC80, v0  }
0xb2: {  	v30 =	vsel vm5, $0x9E80, v30;
	v1 =	vsel vm4, $0xAD80, v1;
	v0 =	vsel vm3, $0xBC80, v0  }
0xb3: {  	v30 =	vsel vm4, $0xAE80, v30;
	v1 =	vsel vm3, $0xBD80, v1;
	v0 =	vsel vm2, $0xCC80, v0  }
0xb4: {  	v30 =	vsel vm3, $0xBE80, v30;
	v1 =	vsel vm2, $0xCD80, v1;
	v0 =	vsel vm1, $0xDC80, v0  }
0xb5: {  	v31 =	vsel vm2, $0xCE80, v30;
	v30 =	vsel vm0, $0xEC80, v0;
	v0 =	vsel vm1, $0xDD80, v1  }
0xb6: {  	v1 =	vsel vm1, $0xDE80, v31;
	v31 =	vsel vm0, $0xED80, v0;
	v0 =	vimm.s32 $0xFF80  }
0xb7: {  	v32 =	vsel vm0, $0xEE80, v1;
	v1 =	vimm.s32 $0x17080;
	v0 =	vsel vm14, $0x8F00, v0  }
0xb8: {  	v36 =	vimm.s32 $0x17480;
	v1 =	vsel vm14, $0x10000, v1;
	v0 =	vsel vm13, $0x9F00, v0  }
0xb9: {  	v33 =	vsel vm14, $0x10100, v33;
	v1 =	vsel vm13, $0x11000, v1;
	v0 =	vsel vm12, $0xAF00, v0  }
0xba: {  	v33 =	vsel vm13, $0x11100, v33;
	v1 =	vsel vm12, $0x12000, v1;
	v0 =	vsel vm11, $0xBF00, v0  }
0xbb: {  	v33 =	vsel vm12, $0x12100, v33;
	v1 =	vsel vm11, $0x13000, v1;
	v0 =	vsel vm10, $0xCF00, v0  }
0xbc: {  	v33 =	vsel vm11, $0x13100, v33;
	v1 =	vsel vm10, $0x14000, v1;
	v0 =	vsel vm9, $0xDF00, v0  }
0xbd: {  	v33 =	vsel vm10, $0x14100, v33;
	v1 =	vsel vm9, $0x15000, v1;
	v0 =	vsel vm8, $0xEF00, v0  }
0xbe: {  	v33 =	vsel vm9, $0x15100, v33;
	v1 =	vsel vm8, $0x16000, v1;
	v0 =	vsel vm7, $0xFF00, v0  }
0xbf: {  	v33 =	vsel vm8, $0x16100, v33;
	v1 =	vsel vm7, $0x17000, v1;
	v0 =	vsel vm6, $0x8F80, v0  }
0xc0: {  	v33 =	vsel vm7, $0x17100, v33;
	v1 =	vsel vm6, $0x10080, v1;
	v0 =	vsel vm5, $0x9F80, v0  }
0xc1: {  	v33 =	vsel vm6, $0x10180, v33;
	v1 =	vsel vm5, $0x11080, v1;
	v0 =	vsel vm4, $0xAF80, v0  }
0xc2: {  	v33 =	vsel vm5, $0x11180, v33;
	v1 =	vsel vm4, $0x12080, v1;
	v0 =	vsel vm3, $0xBF80, v0  }
0xc3: {  	v33 =	vsel vm4, $0x12180, v33;
	v1 =	vsel vm3, $0x13080, v1;
	v0 =	vsel vm2, $0xCF80, v0  }
0xc4: {  	v33 =	vsel vm3, $0x13180, v33;
	v1 =	vsel vm2, $0x14080, v1;
	v0 =	vsel vm1, $0xDF80, v0  }
0xc5: {  	v34 =	vsel vm2, $0x14180, v33;
	v33 =	vsel vm0, $0xEF80, v0;
	v0 =	vsel vm1, $0x15080, v1  }
0xc6: {  	v1 =	vsel vm1, $0x15180, v34;
	v34 =	vsel vm0, $0x16080, v0;
	v0 =	vimm.s32 $0x17280  }
0xc7: {  	v35 =	vsel vm0, $0x16180, v1;
	v1 =	vimm.s32 $0x17380;
	v0 =	vsel vm14, $0x10200, v0  }
0xc8: {  	v39 =	vimm.s32 $0x17780;
	v1 =	vsel vm14, $0x10300, v1;
	v0 =	vsel vm13, $0x11200, v0  }
0xc9: {  	v36 =	vsel vm14, $0x10400, v36;
	v1 =	vsel vm13, $0x11300, v1;
	v0 =	vsel vm12, $0x12200, v0  }
0xca: {  	v36 =	vsel vm13, $0x11400, v36;
	v1 =	vsel vm12, $0x12300, v1;
	v0 =	vsel vm11, $0x13200, v0  }
0xcb: {  	v36 =	vsel vm12, $0x12400, v36;
	v1 =	vsel vm11, $0x13300, v1;
	v0 =	vsel vm10, $0x14200, v0  }
0xcc: {  	v36 =	vsel vm11, $0x13400, v36;
	v1 =	vsel vm10, $0x14300, v1;
	v0 =	vsel vm9, $0x15200, v0  }
0xcd: {  	v36 =	vsel vm10, $0x14400, v36;
	v1 =	vsel vm9, $0x15300, v1;
	v0 =	vsel vm8, $0x16200, v0  }
0xce: {  	v36 =	vsel vm9, $0x15400, v36;
	v1 =	vsel vm8, $0x16300, v1;
	v0 =	vsel vm7, $0x17200, v0  }
0xcf: {  	v36 =	vsel vm8, $0x16400, v36;
	v1 =	vsel vm7, $0x17300, v1;
	v0 =	vsel vm6, $0x10280, v0  }
0xd0: {  	v36 =	vsel vm7, $0x17400, v36;
	v1 =	vsel vm6, $0x10380, v1;
	v0 =	vsel vm5, $0x11280, v0  }
0xd1: {  	v36 =	vsel vm6, $0x10480, v36;
	v1 =	vsel vm5, $0x11380, v1;
	v0 =	vsel vm4, $0x12280, v0  }
0xd2: {  	v36 =	vsel vm5, $0x11480, v36;
	v1 =	vsel vm4, $0x12380, v1;
	v0 =	vsel vm3, $0x13280, v0  }
0xd3: {  	v36 =	vsel vm4, $0x12480, v36;
	v1 =	vsel vm3, $0x13380, v1;
	v0 =	vsel vm2, $0x14280, v0  }
0xd4: {  	v36 =	vsel vm3, $0x13480, v36;
	v1 =	vsel vm2, $0x14380, v1;
	v0 =	vsel vm1, $0x15280, v0  }
0xd5: {  	v37 =	vsel vm2, $0x14480, v36;
	v36 =	vsel vm0, $0x16280, v0;
	v0 =	vsel vm1, $0x15380, v1  }
0xd6: {  	v1 =	vsel vm1, $0x15480, v37;
	v37 =	vsel vm0, $0x16380, v0;
	v0 =	vimm.s32 $0x17580  }
0xd7: {  	v38 =	vsel vm0, $0x16480, v1;
	v1 =	vimm.s32 $0x17680;
	v0 =	vsel vm14, $0x10500, v0  }
0xd8: {  	v42 =	vimm.s32 $0x17A80;
	v1 =	vsel vm14, $0x10600, v1;
	v0 =	vsel vm13, $0x11500, v0  }
0xd9: {  	v39 =	vsel vm14, $0x10700, v39;
	v1 =	vsel vm13, $0x11600, v1;
	v0 =	vsel vm12, $0x12500, v0  }
0xda: {  	v39 =	vsel vm13, $0x11700, v39;
	v1 =	vsel vm12, $0x12600, v1;
	v0 =	vsel vm11, $0x13500, v0  }
0xdb: {  	v39 =	vsel vm12, $0x12700, v39;
	v1 =	vsel vm11, $0x13600, v1;
	v0 =	vsel vm10, $0x14500, v0  }
0xdc: {  	v39 =	vsel vm11, $0x13700, v39;
	v1 =	vsel vm10, $0x14600, v1;
	v0 =	vsel vm9, $0x15500, v0  }
0xdd: {  	v39 =	vsel vm10, $0x14700, v39;
	v1 =	vsel vm9, $0x15600, v1;
	v0 =	vsel vm8, $0x16500, v0  }
0xde: {  	v39 =	vsel vm9, $0x15700, v39;
	v1 =	vsel vm8, $0x16600, v1;
	v0 =	vsel vm7, $0x17500, v0  }
0xdf: {  	v39 =	vsel vm8, $0x16700, v39;
	v1 =	vsel vm7, $0x17600, v1;
	v0 =	vsel vm6, $0x10580, v0  }
0xe0: {  	v39 =	vsel vm7, $0x17700, v39;
	v1 =	vsel vm6, $0x10680, v1;
	v0 =	vsel vm5, $0x11580, v0  }
0xe1: {  	v39 =	vsel vm6, $0x10780, v39;
	v1 =	vsel vm5, $0x11680, v1;
	v0 =	vsel vm4, $0x12580, v0  }
0xe2: {  	v39 =	vsel vm5, $0x11780, v39;
	v1 =	vsel vm4, $0x12680, v1;
	v0 =	vsel vm3, $0x13580, v0  }
0xe3: {  	v39 =	vsel vm4, $0x12780, v39;
	v1 =	vsel vm3, $0x13680, v1;
	v0 =	vsel vm2, $0x14580, v0  }
0xe4: {  	v39 =	vsel vm3, $0x13780, v39;
	v1 =	vsel vm2, $0x14680, v1;
	v0 =	vsel vm1, $0x15580, v0  }
0xe5: {  	v40 =	vsel vm2, $0x14780, v39;
	v39 =	vsel vm0, $0x16580, v0;
	v0 =	vsel vm1, $0x15680, v1  }
0xe6: {  	v1 =	vsel vm1, $0x15780, v40;
	v40 =	vsel vm0, $0x16680, v0;
	v0 =	vimm.s32 $0x17880  }
0xe7: {  	v41 =	vsel vm0, $0x16780, v1;
	v1 =	vimm.s32 $0x17980;
	v0 =	vsel vm14, $0x10800, v0  }
0xe8: {  	v45 =	vimm.s32 $0x17D80;
	v1 =	vsel vm14, $0x10900, v1;
	v0 =	vsel vm13, $0x11800, v0  }
0xe9: {  	v42 =	vsel vm14, $0x10A00, v42;
	v1 =	vsel vm13, $0x11900, v1;
	v0 =	vsel vm12, $0x12800, v0  }
0xea: {  	v42 =	vsel vm13, $0x11A00, v42;
	v1 =	vsel vm12, $0x12900, v1;
	v0 =	vsel vm11, $0x13800, v0  }
0xeb: {  	v42 =	vsel vm12, $0x12A00, v42;
	v1 =	vsel vm11, $0x13900, v1;
	v0 =	vsel vm10, $0x14800, v0  }
0xec: {  	v42 =	vsel vm11, $0x13A00, v42;
	v1 =	vsel vm10, $0x14900, v1;
	v0 =	vsel vm9, $0x15800, v0  }
0xed: {  	v42 =	vsel vm10, $0x14A00, v42;
	v1 =	vsel vm9, $0x15900, v1;
	v0 =	vsel vm8, $0x16800, v0  }
0xee: {  	v42 =	vsel vm9, $0x15A00, v42;
	v1 =	vsel vm8, $0x16900, v1;
	v0 =	vsel vm7, $0x17800, v0  }
0xef: {  	v42 =	vsel vm8, $0x16A00, v42;
	v1 =	vsel vm7, $0x17900, v1;
	v0 =	vsel vm6, $0x10880, v0  }
0xf0: {  	v42 =	vsel vm7, $0x17A00, v42;
	v1 =	vsel vm6, $0x10980, v1;
	v0 =	vsel vm5, $0x11880, v0  }
0xf1: {  	v42 =	vsel vm6, $0x10A80, v42;
	v1 =	vsel vm5, $0x11980, v1;
	v0 =	vsel vm4, $0x12880, v0  }
0xf2: {  	v42 =	vsel vm5, $0x11A80, v42;
	v1 =	vsel vm4, $0x12980, v1;
	v0 =	vsel vm3, $0x13880, v0  }
0xf3: {  	v42 =	vsel vm4, $0x12A80, v42;
	v1 =	vsel vm3, $0x13980, v1;
	v0 =	vsel vm2, $0x14880, v0  }
0xf4: {  	v42 =	vsel vm3, $0x13A80, v42;
	v1 =	vsel vm2, $0x14980, v1;
	v0 =	vsel vm1, $0x15880, v0  }
0xf5: {  	v43 =	vsel vm2, $0x14A80, v42;
	v42 =	vsel vm0, $0x16880, v0;
	v0 =	vsel vm1, $0x15980, v1  }
0xf6: {  	v1 =	vsel vm1, $0x15A80, v43;
	v43 =	vsel vm0, $0x16980, v0;
	v0 =	vimm.s32 $0x17B80  }
0xf7: {  	v44 =	vsel vm0, $0x16A80, v1;
	v1 =	vimm.s32 $0x17C80;
	v0 =	vsel vm14, $0x10B00, v0  }
0xf8: {  	v48 =	vimm.s32 $0xCFF;
	v1 =	vsel vm14, $0x10C00, v1;
	v0 =	vsel vm13, $0x11B00, v0  }
0xf9: {  	v45 =	vsel vm14, $0x10D00, v45;
	v1 =	vsel vm13, $0x11C00, v1;
	v0 =	vsel vm12, $0x12B00, v0  }
0xfa: {  	v45 =	vsel vm13, $0x11D00, v45;
	v1 =	vsel vm12, $0x12C00, v1;
	v0 =	vsel vm11, $0x13B00, v0  }
0xfb: {  	v45 =	vsel vm12, $0x12D00, v45;
	v1 =	vsel vm11, $0x13C00, v1;
	v0 =	vsel vm10, $0x14B00, v0  }
0xfc: {  	v45 =	vsel vm11, $0x13D00, v45;
	v1 =	vsel vm10, $0x14C00, v1;
	v0 =	vsel vm9, $0x15B00, v0  }
0xfd: {  	v45 =	vsel vm10, $0x14D00, v45;
	v1 =	vsel vm9, $0x15C00, v1;
	v0 =	vsel vm8, $0x16B00, v0  }
0xfe: {  	v45 =	vsel vm9, $0x15D00, v45;
	v1 =	vsel vm8, $0x16C00, v1;
	v0 =	vsel vm7, $0x17B00, v0  }
0xff: {  	v45 =	vsel vm8, $0x16D00, v45;
	v1 =	vsel vm7, $0x17C00, v1;
	v0 =	vsel vm6, $0x10B80, v0  }
0x100: {  	v45 =	vsel vm7, $0x17D00, v45;
	v1 =	vsel vm6, $0x10C80, v1;
	v0 =	vsel vm5, $0x11B80, v0  }
0x101: {  	v45 =	vsel vm6, $0x10D80, v45;
	v1 =	vsel vm5, $0x11C80, v1;
	v0 =	vsel vm4, $0x12B80, v0  }
0x102: {  	v45 =	vsel vm5, $0x11D80, v45;
	v1 =	vsel vm4, $0x12C80, v1;
	v0 =	vsel vm3, $0x13B80, v0  }
0x103: {  	v45 =	vsel vm4, $0x12D80, v45;
	v1 =	vsel vm3, $0x13C80, v1;
	v0 =	vsel vm2, $0x14B80, v0  }
0x104: {  	v45 =	vsel vm3, $0x13D80, v45;
	v1 =	vsel vm2, $0x14C80, v1;
	v0 =	vsel vm1, $0x15B80, v0  }
0x105: {  	v46 =	vsel vm2, $0x14D80, v45;
	v45 =	vsel vm0, $0x16B80, v0;
	v0 =	vsel vm1, $0x15C80, v1  }
0x106: {  	v1 =	vsel vm1, $0x15D80, v46;
	v46 =	vsel vm0, $0x16C80, v0;
	v0 =	vimm.s32 $0x17E80  }
0x107: {  	v47 =	vsel vm0, $0x16D80, v1;
	v1 =	vimm.s32 $0x17F80;
	v0 =	vsel vm14, $0x10E00, v0  }
0x108: {  	v48 =	vsel vm14, $0xC78, v48;
	v1 =	vsel vm14, $0x10F00, v1;
	v0 =	vsel vm13, $0x11E00, v0  }
0x109: {  	v48 =	vsel vm13, $0xC79, v48;
	v1 =	vsel vm13, $0x11F00, v1;
	v0 =	vsel vm12, $0x12E00, v0  }
0x10a: {  	v48 =	vsel vm12, $0xC7A, v48;
	v1 =	vsel vm12, $0x12F00, v1;
	v0 =	vsel vm11, $0x13E00, v0  }
0x10b: {  	v48 =	vsel vm11, $0xC7B, v48;
	v1 =	vsel vm11, $0x13F00, v1;
	v0 =	vsel vm10, $0x14E00, v0  }
0x10c: {  	v48 =	vsel vm10, $0xC7C, v48;
	v1 =	vsel vm10, $0x14F00, v1;
	v0 =	vsel vm9, $0x15E00, v0  }
0x10d: {  	v48 =	vsel vm9, $0xC7D, v48;
	v1 =	vsel vm9, $0x15F00, v1;
	v0 =	vsel vm8, $0x16E00, v0  }
0x10e: {  	v48 =	vsel vm8, $0xC7E, v48;
	v1 =	vsel vm8, $0x16F00, v1;
	v0 =	vsel vm7, $0x17E00, v0  }
0x10f: {  	v48 =	vsel vm7, $0xC7F, v48;
	v1 =	vsel vm7, $0x17F00, v1;
	v0 =	vsel vm6, $0x10E80, v0  }
0x110: {  	v48 =	vsel vm6, $0xCF8, v48;
	v1 =	vsel vm6, $0x10F80, v1;
	v0 =	vsel vm5, $0x11E80, v0  }
0x111: {  	v48 =	vsel vm5, $0xCF9, v48;
	v1 =	vsel vm5, $0x11F80, v1;
	v0 =	vsel vm4, $0x12E80, v0  }
0x112: {  	v48 =	vsel vm4, $0xCFA, v48;
	v1 =	vsel vm4, $0x12F80, v1;
	v0 =	vsel vm3, $0x13E80, v0  }
0x113: {  	v48 =	vsel vm3, $0xCFB, v48;
	v1 =	vsel vm3, $0x13F80, v1;
	v0 =	vsel vm2, $0x14E80, v0  }
0x114: {  	v49 =	vsel vm2, $0xCFC, v48;
	v1 =	vsel vm2, $0x14F80, v1;
	v0 =	vsel vm1, $0x15E80, v0  }
0x115: {  	v48 =	vsel vm0, $0x16E80, v0;
	v0 =	vsel vm1, $0x15F80, v1;
	v1 =	vsel vm1, $0xCFD, v49  }
0x116: {  	v49 =	vsel vm0, $0x16F80, v0;
	v0 =	vsel vm0, $0xCFE, v1  }
0x117: {  	[tilespmem:$0x1FF00] =	vst v0;
	v0 =	vimm.s32 $0xDFF  }
0x118: {  	v0 =	vsel vm14, $0xD78, v0  }
0x119: {  	v1 =	vimm.s32 $0xEFF;
	v0 =	vsel vm13, $0xD79, v0  }
0x11a: {  	v50 =	vimm.s32 $0xFFF;
	v1 =	vsel vm14, $0xE78, v1;
	v0 =	vsel vm12, $0xD7A, v0  }
0x11b: {  	v50 =	vsel vm14, $0xF78, v50;
	v1 =	vsel vm13, $0xE79, v1;
	v0 =	vsel vm11, $0xD7B, v0  }
0x11c: {  	v50 =	vsel vm13, $0xF79, v50;
	v1 =	vsel vm12, $0xE7A, v1;
	v0 =	vsel vm10, $0xD7C, v0  }
0x11d: {  	v50 =	vsel vm12, $0xF7A, v50;
	v1 =	vsel vm11, $0xE7B, v1;
	v0 =	vsel vm9, $0xD7D, v0  }
0x11e: {  	v50 =	vsel vm11, $0xF7B, v50;
	v1 =	vsel vm10, $0xE7C, v1;
	v0 =	vsel vm8, $0xD7E, v0  }
0x11f: {  	v50 =	vsel vm10, $0xF7C, v50;
	v1 =	vsel vm9, $0xE7D, v1;
	v0 =	vsel vm7, $0xD7F, v0  }
0x120: {  	v50 =	vsel vm9, $0xF7D, v50;
	v1 =	vsel vm8, $0xE7E, v1;
	v0 =	vsel vm6, $0xDF8, v0  }
0x121: {  	v50 =	vsel vm8, $0xF7E, v50;
	v1 =	vsel vm7, $0xE7F, v1;
	v0 =	vsel vm5, $0xDF9, v0  }
0x122: {  	v50 =	vsel vm7, $0xF7F, v50;
	v1 =	vsel vm6, $0xEF8, v1;
	v0 =	vsel vm4, $0xDFA, v0  }
0x123: {  	v50 =	vsel vm6, $0xFF8, v50;
	v1 =	vsel vm5, $0xEF9, v1;
	v0 =	vsel vm3, $0xDFB, v0  }
0x124: {  	v50 =	vsel vm5, $0xFF9, v50;
	v1 =	vsel vm4, $0xEFA, v1;
	v0 =	vsel vm2, $0xDFC, v0  }
0x125: {  	v50 =	vsel vm4, $0xFFA, v50;
	v1 =	vsel vm3, $0xEFB, v1;
	v0 =	vsel vm1, $0xDFD, v0  }
0x126: {  	v50 =	vsel vm3, $0xFFB, v50;
	v1 =	vsel vm2, $0xEFC, v1;
	v0 =	vsel vm0, $0xDFE, v0  }
0x127: {  	v50 =	vsel vm2, $0xFFC, v50;
	[tilespmem:$0x1FF10] =	vst v0;
	v0 =	vsel vm1, $0xEFD, v1  }
0x128: {  	v1 =	vsel vm1, $0xFFD, v50;
	v0 =	vsel vm0, $0xEFE, v0  }
0x129: {  	[tilespmem:$0x1FF20] =	vst v0;
	v0 =	vsel vm0, $0xFFE, v1  }
0x12a: {  	[tilespmem:$0x1FF30] =	vst v0;
	v0 =	vimm.s32 $0x1CFF  }
0x12b: {  	v0 =	vsel vm14, $0x1C78, v0  }
0x12c: {  	v1 =	vimm.s32 $0x1DFF;
	v0 =	vsel vm13, $0x1C79, v0  }
0x12d: {  	v60 =	vimm.s32 $0x1EFF;
	v1 =	vsel vm14, $0x1D78, v1;
	v0 =	vsel vm12, $0x1C7A, v0  }
0x12e: {  	v50 =	vsel vm14, $0x1E78, v60;
	v1 =	vsel vm13, $0x1D79, v1;
	v0 =	vsel vm11, $0x1C7B, v0  }
0x12f: {  	v50 =	vsel vm13, $0x1E79, v50;
	v1 =	vsel vm12, $0x1D7A, v1;
	v0 =	vsel vm10, $0x1C7C, v0  }
0x130: {  	v50 =	vsel vm12, $0x1E7A, v50;
	v1 =	vsel vm11, $0x1D7B, v1;
	v0 =	vsel vm9, $0x1C7D, v0  }
0x131: {  	v50 =	vsel vm11, $0x1E7B, v50;
	v1 =	vsel vm10, $0x1D7C, v1;
	v0 =	vsel vm8, $0x1C7E, v0  }
0x132: {  	v50 =	vsel vm10, $0x1E7C, v50;
	v1 =	vsel vm9, $0x1D7D, v1;
	v0 =	vsel vm7, $0x1C7F, v0  }
0x133: {  	v50 =	vsel vm9, $0x1E7D, v50;
	v1 =	vsel vm8, $0x1D7E, v1;
	v0 =	vsel vm6, $0x1CF8, v0  }
0x134: {  	v50 =	vsel vm8, $0x1E7E, v50;
	v1 =	vsel vm7, $0x1D7F, v1;
	v0 =	vsel vm5, $0x1CF9, v0  }
0x135: {  	v50 =	vsel vm7, $0x1E7F, v50;
	v1 =	vsel vm6, $0x1DF8, v1;
	v0 =	vsel vm4, $0x1CFA, v0  }
0x136: {  	v50 =	vsel vm6, $0x1EF8, v50;
	v1 =	vsel vm5, $0x1DF9, v1;
	v0 =	vsel vm3, $0x1CFB, v0  }
0x137: {  	v50 =	vsel vm5, $0x1EF9, v50;
	v1 =	vsel vm4, $0x1DFA, v1;
	v0 =	vsel vm2, $0x1CFC, v0  }
0x138: {  	v50 =	vsel vm4, $0x1EFA, v50;
	v1 =	vsel vm3, $0x1DFB, v1;
	v0 =	vsel vm1, $0x1CFD, v0  }
0x139: {  	v50 =	vsel vm3, $0x1EFB, v50;
	v1 =	vsel vm2, $0x1DFC, v1;
	v0 =	vsel vm0, $0x1CFE, v0  }
0x13a: {  	v50 =	vsel vm2, $0x1EFC, v50;
	[tilespmem:$0x1FF40] =	vst v0;
	v0 =	vsel vm1, $0x1DFD, v1  }
0x13b: {  	v1 =	vsel vm1, $0x1EFD, v50;
	v0 =	vsel vm0, $0x1DFE, v0  }
0x13c: {  	[tilespmem:$0x1FF50] =	vst v0;
	v0 =	vsel vm0, $0x1EFE, v1  }
0x13d: {  	[tilespmem:$0x1FF60] =	vst v0;
	v0 =	vimm.s32 $0x1FFF  }
0x13e: {  	v0 =	vsel vm14, $0x1F78, v0  }
0x13f: {  	v1 =	vimm.s32 $0x2CFF;
	v0 =	vsel vm13, $0x1F79, v0  }
0x140: {  	v61 =	vimm.s32 $0x2DFF;
	v1 =	vsel vm14, $0x2C78, v1;
	v0 =	vsel vm12, $0x1F7A, v0  }
0x141: {  	v50 =	vsel vm14, $0x2D78, v61;
	v1 =	vsel vm13, $0x2C79, v1;
	v0 =	vsel vm11, $0x1F7B, v0  }
0x142: {  	v50 =	vsel vm13, $0x2D79, v50;
	v1 =	vsel vm12, $0x2C7A, v1;
	v0 =	vsel vm10, $0x1F7C, v0  }
0x143: {  	v50 =	vsel vm12, $0x2D7A, v50;
	v1 =	vsel vm11, $0x2C7B, v1;
	v0 =	vsel vm9, $0x1F7D, v0  }
0x144: {  	v50 =	vsel vm11, $0x2D7B, v50;
	v1 =	vsel vm10, $0x2C7C, v1;
	v0 =	vsel vm8, $0x1F7E, v0  }
0x145: {  	v50 =	vsel vm10, $0x2D7C, v50;
	v1 =	vsel vm9, $0x2C7D, v1;
	v0 =	vsel vm7, $0x1F7F, v0  }
0x146: {  	v50 =	vsel vm9, $0x2D7D, v50;
	v1 =	vsel vm8, $0x2C7E, v1;
	v0 =	vsel vm6, $0x1FF8, v0  }
0x147: {  	v50 =	vsel vm8, $0x2D7E, v50;
	v1 =	vsel vm7, $0x2C7F, v1;
	v0 =	vsel vm5, $0x1FF9, v0  }
0x148: {  	v50 =	vsel vm7, $0x2D7F, v50;
	v1 =	vsel vm6, $0x2CF8, v1;
	v0 =	vsel vm4, $0x1FFA, v0  }
0x149: {  	v50 =	vsel vm6, $0x2DF8, v50;
	v1 =	vsel vm5, $0x2CF9, v1;
	v0 =	vsel vm3, $0x1FFB, v0  }
0x14a: {  	v50 =	vsel vm5, $0x2DF9, v50;
	v1 =	vsel vm4, $0x2CFA, v1;
	v0 =	vsel vm2, $0x1FFC, v0  }
0x14b: {  	v50 =	vsel vm4, $0x2DFA, v50;
	v1 =	vsel vm3, $0x2CFB, v1;
	v0 =	vsel vm1, $0x1FFD, v0  }
0x14c: {  	v50 =	vsel vm3, $0x2DFB, v50;
	v1 =	vsel vm2, $0x2CFC, v1;
	v0 =	vsel vm0, $0x1FFE, v0  }
0x14d: {  	v50 =	vsel vm2, $0x2DFC, v50;
	[tilespmem:$0x1FF70] =	vst v0;
	v0 =	vsel vm1, $0x2CFD, v1  }
0x14e: {  	v1 =	vsel vm1, $0x2DFD, v50;
	v0 =	vsel vm0, $0x2CFE, v0  }
0x14f: {  	[tilespmem:$0x1FF80] =	vst v0;
	v0 =	vsel vm0, $0x2DFE, v1  }
0x150: {  	[tilespmem:$0x1FF90] =	vst v0;
	v0 =	vimm.s32 $0x2EFF  }
0x151: {  	v0 =	vsel vm14, $0x2E78, v0  }
0x152: {  	v1 =	vimm.s32 $0x2FFF;
	v0 =	vsel vm13, $0x2E79, v0  }
0x153: {  	v62 =	vimm.s32 $0x3CFF;
	v1 =	vsel vm14, $0x2F78, v1;
	v0 =	vsel vm12, $0x2E7A, v0  }
0x154: {  	v50 =	vsel vm14, $0x3C78, v62;
	v1 =	vsel vm13, $0x2F79, v1;
	v0 =	vsel vm11, $0x2E7B, v0  }
0x155: {  	v50 =	vsel vm13, $0x3C79, v50;
	v1 =	vsel vm12, $0x2F7A, v1;
	v0 =	vsel vm10, $0x2E7C, v0  }
0x156: {  	v50 =	vsel vm12, $0x3C7A, v50;
	v1 =	vsel vm11, $0x2F7B, v1;
	v0 =	vsel vm9, $0x2E7D, v0  }
0x157: {  	v50 =	vsel vm11, $0x3C7B, v50;
	v1 =	vsel vm10, $0x2F7C, v1;
	v0 =	vsel vm8, $0x2E7E, v0  }
0x158: {  	v50 =	vsel vm10, $0x3C7C, v50;
	v1 =	vsel vm9, $0x2F7D, v1;
	v0 =	vsel vm7, $0x2E7F, v0  }
0x159: {  	v50 =	vsel vm9, $0x3C7D, v50;
	v1 =	vsel vm8, $0x2F7E, v1;
	v0 =	vsel vm6, $0x2EF8, v0  }
0x15a: {  	v50 =	vsel vm8, $0x3C7E, v50;
	v1 =	vsel vm7, $0x2F7F, v1;
	v0 =	vsel vm5, $0x2EF9, v0  }
0x15b: {  	v50 =	vsel vm7, $0x3C7F, v50;
	v1 =	vsel vm6, $0x2FF8, v1;
	v0 =	vsel vm4, $0x2EFA, v0  }
0x15c: {  	v50 =	vsel vm6, $0x3CF8, v50;
	v1 =	vsel vm5, $0x2FF9, v1;
	v0 =	vsel vm3, $0x2EFB, v0  }
0x15d: {  	v50 =	vsel vm5, $0x3CF9, v50;
	v1 =	vsel vm4, $0x2FFA, v1;
	v0 =	vsel vm2, $0x2EFC, v0  }
0x15e: {  	v50 =	vsel vm4, $0x3CFA, v50;
	v1 =	vsel vm3, $0x2FFB, v1;
	v0 =	vsel vm1, $0x2EFD, v0  }
0x15f: {  	v50 =	vsel vm3, $0x3CFB, v50;
	v1 =	vsel vm2, $0x2FFC, v1;
	v0 =	vsel vm0, $0x2EFE, v0  }
0x160: {  	v63 =	vimm.s32 $0x3FFF;
	v50 =	vsel vm2, $0x3CFC, v50;
	[tilespmem:$0x1FFA0] =	vst v0;
	v0 =	vsel vm1, $0x2FFD, v1  }
0x161: {  	v51 =	vand.u32 $0x7, v5;
	v1 =	vsel vm1, $0x3CFD, v50;
	v0 =	vsel vm0, $0x2FFE, v0  }
0x162: {  	v52 =	vor.u32 $0x100, v2;
	v53 =	vor.u32 $0x200, v2;
	[tilespmem:$0x1FFB0] =	vst v0;
	v0 =	vsel vm0, $0x3CFE, v1  }
0x163: {  	v54 =	vor.u32 $0x300, v2;
	v55 =	vor.u32 $0x1000, v2;
	[tilespmem:$0x1FFC0] =	vst v0;
	v0 =	vimm.s32 $0x3DFF  }
0x164: {  	v56 =	vor.u32 $0x1100, v2;
	v57 =	vor.u32 $0x1200, v2;
	v0 =	vsel vm14, $0x3D78, v0  }
0x165: {  	s0 =	rddreg [dreg:$0x0];
	v58 =	vor.u32 $0x1300, v2;
	v1 =	vimm.s32 $0x3EFF;
	v0 =	vsel vm13, $0x3D79, v0  }
0x166: {  	s1 =	rddreg [dreg:$0x1];
	s2 =	srdreg.scid;
	v59 =	vor.u32 $0x2000, v2;
	v1 =	vsel vm14, $0x3E78, v1;
	v0 =	vsel vm12, $0x3D7A, v0  }
0x167: {  	s4 =	rddreg [dreg:$0x2];
	s3 =	stileid.u32;
	v50 =	vsel vm14, $0x3F78, v63;
	v1 =	vsel vm13, $0x3E79, v1;
	v0 =	vsel vm11, $0x3D7B, v0  }
0x168: {  	s21 =	simm.s32 $0x4;
	s8 =	simm.s32 $0x1;
	s10 =	simm.s32 $0x7A1400;
	v50 =	vsel vm13, $0x3F79, v50;
	v1 =	vsel vm12, $0x3E7A, v1;
	v0 =	vsel vm10, $0x3D7C, v0  }
0x169: {  	s9 =	simm.s32 $0x400;
	s11 =	simm.s32 $0x280;
	s12 =	simm.s32 $0x1280;
	v50 =	vsel vm12, $0x3F7A, v50;
	v1 =	vsel vm11, $0x3E7B, v1;
	v0 =	vsel vm9, $0x3D7D, v0  }
0x16a: {  	s13 =	simm.s32 $0x2280;
	s14 =	simm.s32 $0x3280;
	s15 =	simm.s32 $0x4280;
	v50 =	vsel vm11, $0x3F7B, v50;
	v1 =	vsel vm10, $0x3E7C, v1;
	v0 =	vsel vm8, $0x3D7E, v0  }
0x16b: {  	s16 =	simm.s32 $0x5280;
	s17 =	simm.s32 $0x6280;
	s18 =	simm.s32 $0x7280;
	v50 =	vsel vm10, $0x3F7C, v50;
	v1 =	vsel vm9, $0x3E7D, v1;
	v0 =	vsel vm7, $0x3D7F, v0  }
0x16c: {  	s28 =	simm.s32 $0x10280;
	s29 =	simm.s32 $0x11280;
	s30 =	simm.s32 $0x12280;
	v50 =	vsel vm9, $0x3F7D, v50;
	v1 =	vsel vm8, $0x3E7E, v1;
	v0 =	vsel vm6, $0x3DF8, v0  }
0x16d: {  	s31 =	simm.s32 $0x13280;
	s19 =	simm.s32 $0x3;
	s2 =	sand.u32 $0x1, s2;
	v50 =	vsel vm8, $0x3F7E, v50;
	v1 =	vsel vm7, $0x3E7F, v1;
	v0 =	vsel vm5, $0x3DF9, v0  }
0x16e: {  	s5 =	sshll.u32 s3, $0xA;
	s3 =	simm.s32 $0x0;
	s6 =	sshll.u32 s2, $0x9;
	v50 =	vsel vm7, $0x3F7F, v50;
	v1 =	vsel vm6, $0x3EF8, v1;
	v0 =	vsel vm4, $0x3DFA, v0  }
0x16f: {  	s2 =	ssub.s32 $0x2, s2;
	[smem:$0x7FF] =	sst s3;
	s5 =	sor.u32 s6, s5;
	v50 =	vsel vm6, $0x3FF8, v50;
	v1 =	vsel vm5, $0x3EF9, v1;
	v0 =	vsel vm3, $0x3DFB, v0  }
0x170: {  	s24 =	sshrl.u32 s2, $0x1;
	s6 =	simm.s32 $0x18280;
	s7 =	sshrl.u32 s5, $0x3;
	v50 =	vsel vm5, $0x3FF9, v50;
	v1 =	vsel vm4, $0x3EFA, v1;
	v0 =	vsel vm2, $0x3DFC, v0  }
0x171: {  	s2 =	ssub.s32 s2, s24;
	s25 =	sadd.s32 s4, s5;
	s24 =	simm.s32 $0xD280;
	v50 =	vsel vm4, $0x3FFA, v50;
	v1 =	vsel vm3, $0x3EFB, v1;
	v0 =	vsel vm1, $0x3DFD, v0  }
.Ltmp0:
0x172: {  	s4 =	simm.s32 $0x16280;
	s5 =	simm.s32 $0x17280;
	v50 =	vsel vm3, $0x3FFB, v50;
	v1 =	vsel vm2, $0x3EFC, v1;
	v0 =	vsel vm0, $0x3DFE, v0;
	(pc) =	sbr.rel .LBB2_1-.Ltmp0, $4  }
0x173: {  	s22 =	simm.s32 $0x0;
	s1 =	sadd.s32 s1, s7;
	v60 =	vor.u32 $0x2100, v2;
	_ =	strace $0x80000047;
	v50 =	vsel vm2, $0x3FFC, v50;
	[tilespmem:$0x1FFD0] =	vst v0;
	v0 =	vsel vm1, $0x3EFD, v1  }
0x174: {  	s26 =	smax.u32 s2, $0x1;
	s2 =	simm.s32 $0x14280;
	v61 =	vor.u32 $0x2200, v2;
	[dreg:$0x4] =	wrdreg s1;
	v1 =	vsel vm1, $0x3FFD, v50;
	v0 =	vsel vm0, $0x3EFE, v0  }
0x175: {  	s7 =	simm.s32 $0x2;
	v62 =	vor.u32 $0x2300, v2;
	v63 =	vor.u32 $0x3000, v2;
	[dreg:$0x5] =	wrdreg s25;
	s25 =	simm.s32 $0xE280;
	[tilespmem:$0x1FFE0] =	vst v0;
	v0 =	vsel vm0, $0x3FFE, v1  }
0x176: {  	[dreg:$0x6] =	wrdreg s26;
	s26 =	simm.s32 $0xF280;
	s1 =	simm.s32 $0x15280;
	v50 =	vor.u32 $0x3200, v2;
	v1 =	vor.u32 $0x3300, v2;
	[tilespmem:$0x1FFF0] =	vst v0;
	v0 =	vor.u32 $0x3100, v2  }
.LBB2_5:
0x177: {  	_ =	swait.ge [sflag:s8], $0x1000  }
0x178: {  	[sflag:s8] =	ssyncset.done $0x0  }
0x179: {  	[sflag:s8] =	ssyncadd.s32 $0xFFFFF000  }
0x17a: {  	_ =	swait.ge [sflag:s8], $0x1000  }
0x17b: {  	[sflag:s8] =	ssyncset.done $0x0  }
0x17c: {  	[sflag:s8] =	ssyncadd.s32 $0xFFFFF000  }
0x17d: {  	_ =	swait.ge [sflag:s8], $0x1000  }
0x17e: {  	[sflag:s8] =	ssyncset.done $0x0  }
0x17f: {  	[sflag:s8] =	ssyncadd.s32 $0xFFFFF000  }
0x180: {  	_ =	swait.ge [sflag:s8], $0x1000  }
0x181: {  	[sflag:s8] =	ssyncset.done $0x0  }
0x182: {  	[sflag:s8] =	ssyncadd.s32 $0xFFFFF000  }
0x183: {  	_ =	swait.ge [sflag:s8], $0x1000  }
0x184: {  	[sflag:s8] =	ssyncset.done $0x0  }
0x185: {  	[sflag:s8] =	ssyncadd.s32 $0xFFFFF000  }
0x186: {  	_ =	swait.ge [sflag:s8], $0x1000  }
0x187: {  	[sflag:s8] =	ssyncset.done $0x0  }
0x188: {  	[sflag:s8] =	ssyncadd.s32 $0xFFFFF000  }
0x189: {  	v3 =	vlaneseq.u32;
	_ =	swait.ge [sflag:s8], $0x1000  }
0x18a: {  	v3 =	vor.u32 $0x1F8, v3;
	[sflag:s8] =	ssyncset.done $0x0  }
0x18b: {  	[sflag:s8] =	ssyncadd.s32 $0xFFFFF000  }
0x18c: {  	_ =	swait.ge [sflag:s8], $0x1000  }
0x18d: {  	[sflag:s8] =	ssyncset.done $0x0  }
0x18e: {  	[sflag:s8] =	ssyncadd.s32 $0xFFFFF000  }
0x18f: {  	v3 =	vld.idx.msk [tilespmem:v3+s3+$0x0], $0xffff;
	_ =	sdelay $0x4  }
0x190: {  	v4 =	vshra.s32 v3, $0x1F  }
0x191: {  	v4 =	vshrl.u32 v4, $0x19  }
0x192: {  	v4 =	vadd.s32 v4, v3  }
0x193: {  	v4 =	vshrl.u32 v4, $0x7  }
0x194: {  	v4 =	vshll.u32 v4, $0x7  }
0x195: {  	v3 =	vsub.s32 v3, v4;
	v4 =	vld [tilespmem:$0x1FEA0];
	_ =	sdelay $0x4  }
0x196: {  	v4 =	vadd.s32 v4, v3  }
0x197: {  	v5 =	vld [tilespmem:$0x1FEB0]  }
0x198: {  	v6 =	vld [tilespmem:$0x1FF00];
	_ =	sdelay $0x2  }
0x199: {  	v4 =	vld.idx.msk [tilespmem:v4+s11+$0x0], $0xffff  }
0x19a: {  	v5 =	vadd.s32 v5, v3;
	_ =	sdelay $0x3  }
0x19b: {  	[tilespmem:v6+s6+$0x0] =	vst.idx.msk $0xffff, v4  }
0x19c: {  	v4 =	vld.idx.msk [tilespmem:v5+s11+$0x0], $0xffff  }
0x19d: {  	v5 =	vld [tilespmem:$0x1FEC0]  }
0x19e: {  	v6 =	vld [tilespmem:$0x1FF10];
	_ =	sdelay $0x3  }
0x19f: {  	v5 =	vadd.s32 v5, v3;
	_ =	sdelay $0x3  }
0x1a0: {  	[tilespmem:v6+s6+$0x0] =	vst.idx.msk $0xffff, v4  }
0x1a1: {  	v4 =	vld.idx.msk [tilespmem:v5+s11+$0x0], $0xffff  }
0x1a2: {  	v5 =	vld [tilespmem:$0x1FED0]  }
0x1a3: {  	v6 =	vld [tilespmem:$0x1FF20];
	_ =	sdelay $0x3  }
0x1a4: {  	v5 =	vadd.s32 v5, v3;
	_ =	sdelay $0x3  }
0x1a5: {  	[tilespmem:v6+s6+$0x0] =	vst.idx.msk $0xffff, v4  }
0x1a6: {  	v4 =	vld.idx.msk [tilespmem:v5+s11+$0x0], $0xffff  }
0x1a7: {  	v5 =	vld [tilespmem:$0x1FEE0]  }
0x1a8: {  	v6 =	vld [tilespmem:$0x1FF30];
	_ =	sdelay $0x3  }
0x1a9: {  	v5 =	vadd.s32 v5, v3;
	_ =	sdelay $0x3  }
0x1aa: {  	[tilespmem:v6+s6+$0x0] =	vst.idx.msk $0xffff, v4;
	v6 =	vld [tilespmem:$0x1FF40]  }
0x1ab: {  	v4 =	vld.idx.msk [tilespmem:v5+s11+$0x0], $0xffff  }
0x1ac: {  	v5 =	vld [tilespmem:$0x1FEF0];
	_ =	sdelay $0x4  }
0x1ad: {  	v5 =	vadd.s32 v5, v3;
	_ =	sdelay $0x1  }
0x1ae: {  	[tilespmem:v6+s6+$0x0] =	vst.idx.msk $0xffff, v4;
	v6 =	vld [tilespmem:$0x1FF50];
	_ =	sdelay $0x2  }
0x1af: {  	v4 =	vld.idx.msk [tilespmem:v5+s11+$0x0], $0xffff;
	_ =	sdelay $0x2  }
0x1b0: {  	v5 =	vadd.s32 v8, v3;
	_ =	sdelay $0x1  }
0x1b1: {  	[tilespmem:v6+s6+$0x0] =	vst.idx.msk $0xffff, v4;
	v6 =	vld [tilespmem:$0x1FF60];
	_ =	sdelay $0x2  }
0x1b2: {  	v4 =	vld.idx.msk [tilespmem:v5+s11+$0x0], $0xffff;
	_ =	sdelay $0x2  }
0x1b3: {  	v5 =	vadd.s32 v9, v3;
	_ =	sdelay $0x1  }
0x1b4: {  	[tilespmem:v6+s6+$0x0] =	vst.idx.msk $0xffff, v4;
	v6 =	vld [tilespmem:$0x1FF70];
	_ =	sdelay $0x2  }
0x1b5: {  	v4 =	vld.idx.msk [tilespmem:v5+s11+$0x0], $0xffff;
	_ =	sdelay $0x2  }
0x1b6: {  	v5 =	vadd.s32 v10, v3;
	_ =	sdelay $0x1  }
0x1b7: {  	[tilespmem:v6+s6+$0x0] =	vst.idx.msk $0xffff, v4;
	v6 =	vld [tilespmem:$0x1FF80];
	_ =	sdelay $0x2  }
0x1b8: {  	v4 =	vld.idx.msk [tilespmem:v5+s11+$0x0], $0xffff;
	_ =	sdelay $0x2  }
0x1b9: {  	v5 =	vadd.s32 v11, v3;
	_ =	sdelay $0x1  }
0x1ba: {  	[tilespmem:v6+s6+$0x0] =	vst.idx.msk $0xffff, v4;
	v6 =	vld [tilespmem:$0x1FF90];
	_ =	sdelay $0x2  }
0x1bb: {  	v4 =	vld.idx.msk [tilespmem:v5+s11+$0x0], $0xffff;
	_ =	sdelay $0x2  }
0x1bc: {  	v5 =	vadd.s32 v12, v3;
	_ =	sdelay $0x1  }
0x1bd: {  	[tilespmem:v6+s6+$0x0] =	vst.idx.msk $0xffff, v4;
	v6 =	vld [tilespmem:$0x1FFA0];
	_ =	sdelay $0x2  }
0x1be: {  	v4 =	vld.idx.msk [tilespmem:v5+s11+$0x0], $0xffff;
	_ =	sdelay $0x2  }
0x1bf: {  	v5 =	vadd.s32 v13, v3;
	_ =	sdelay $0x1  }
0x1c0: {  	[tilespmem:v6+s6+$0x0] =	vst.idx.msk $0xffff, v4;
	v6 =	vld [tilespmem:$0x1FFB0];
	_ =	sdelay $0x2  }
0x1c1: {  	v4 =	vld.idx.msk [tilespmem:v5+s11+$0x0], $0xffff;
	_ =	sdelay $0x2  }
0x1c2: {  	v5 =	vadd.s32 v14, v3;
	_ =	sdelay $0x1  }
0x1c3: {  	[tilespmem:v6+s6+$0x0] =	vst.idx.msk $0xffff, v4;
	v6 =	vld [tilespmem:$0x1FFC0];
	_ =	sdelay $0x2  }
0x1c4: {  	v4 =	vld.idx.msk [tilespmem:v5+s11+$0x0], $0xffff;
	_ =	sdelay $0x2  }
0x1c5: {  	v5 =	vadd.s32 v15, v3;
	_ =	sdelay $0x1  }
0x1c6: {  	[tilespmem:v6+s6+$0x0] =	vst.idx.msk $0xffff, v4;
	v6 =	vld [tilespmem:$0x1FFD0];
	_ =	sdelay $0x2  }
0x1c7: {  	v4 =	vld.idx.msk [tilespmem:v5+s11+$0x0], $0xffff  }
0x1c8: {  	v5 =	vadd.s32 v16, v3;
	_ =	sdelay $0x3  }
0x1c9: {  	[tilespmem:v6+s6+$0x0] =	vst.idx.msk $0xffff, v4  }
0x1ca: {  	v4 =	vld.idx.msk [tilespmem:v5+s11+$0x0], $0xffff  }
0x1cb: {  	v5 =	vld [tilespmem:$0x1FFE0];
	_ =	sdelay $0x5  }
0x1cc: {  	v3 =	vadd.s32 v17, v3;
	_ =	sdelay $0x1  }
0x1cd: {  	[tilespmem:v5+s6+$0x0] =	vst.idx.msk $0xffff, v4;
	v4 =	vld [tilespmem:$0x1FFF0];
	_ =	sdelay $0x2  }
0x1ce: {  	v3 =	vld.idx.msk [tilespmem:v3+s11+$0x0], $0xffff;
	_ =	sdelay $0x4  }
0x1cf: {  	s21 =	simm.s32 $0x1000;
	s22 =	simm.s32 $0x20000;
	s20 =	rddreg [dreg:$0x5];
	[tilespmem:v4+s6+$0x0] =	vst.idx.msk $0xffff, v3  }
0x1d0: {  	[hbm4b:s20+s21] =	stream.strided.scatter [tilespmem:s6], [sflag:$0x4], $0x4000, s22, s21, $0x38;
	[tilespmem:$0x1C280] =	vst v63  }
0x1d1: {  	s21 =	simm.s32 $0x4  }
0x1d2: {  	_ =	swait.ge [sflag:s21], $0x4000  }
0x1d3: {  	s20 =	rddreg [dreg:$0x7]  }
0x1d4: {  	s23 =	rddreg [dreg:$0x6];
	s22 =	sadd.s32 $0x1, s20  }
0x1d5: {  	p0 =	sne.s32 s22, s23  }
.Ltmp1:
0x1d6: {  	_ = 	snop;
	(pc) =	sbr.rel @!p0 .LBB2_6-.Ltmp1, $3  }
0x1d7: {  	_ =	sdelay $0x1  }
0x1d8: {  	[sflag:s21] =	ssyncset.done $0x0  }
0x1d9: {  	[sflag:s21] =	ssyncadd.s32 $0xFFFFC000  }
.LBB2_1:
0x1da: {  	[dreg:$0x7] =	wrdreg s22  }
0x1db: {  	s20 =	rddreg [dreg:$0x4]  }
0x1dc: {  	[tilespmem:s3], [sflag:$0x4] =	stream.linear.gather [hbm4b:s20+s3], $0x200, $0x38;
	[tilespmem:$0x1C280] =	vst v63  }
0x1dd: {  	_ =	swait.ge [sflag:s21], $0x200  }
0x1de: {  	[sflag:s21] =	ssyncset.done $0x0  }
0x1df: {  	[sflag:s21] =	ssyncadd.s32 $0xFFFFFE00  }
0x1e0: {  	v3 =	vld [tilespmem:$0x0];
	_ =	sdelay $0x4  }
0x1e1: {  	(v2sf) =	vpush v3, $0x0;
	_ =	sdelay $0xa  }
0x1e2: {  	(v2sf) =	vpush v3, $0x1;
	_ =	sdelay $0x3  }
0x1e3: {  	s20 =	spop (v2sf)  }
0x1e4: {  	s23 =	sand.u32 $0x7F, s20  }
0x1e5: {  	s22 =	sshra.s32 s20, $0x1F;
	p1 =	slt.s32 s20, $0x1;
	p0 =	sne.s32 s23, $0x0  }
0x1e6: {  	s21 =	sshrl.u32 s22, $0x19;
	p0 =	por !p1, !p0  }
0x1e7: {  	s20 =	sadd.s32 s21, s20;
	s21 =	simm.s32 $0x1;
	p0 =	por !p0, !p0  }
0x1e8: {  	s20 =	sshrl.u32 s20, $0x7;
	s21 =	simm.s32 @!p0 $0x0  }
0x1e9: {  	s20 =	ssub.s32 s20, s21  }
0x1ea: {  	(v2sf) =	vpush v3, $0x2;
	s20 =	sshll.u32 s20, $0x7  }
0x1eb: {  	s20 =	sand.u32 $0x1FFFFF80, s20  }
0x1ec: {  	s20 =	sadd.s32 s0, s20  }
0x1ed: {  	[tilespmem:s11], [sflag:$0x1] =	stream.strided.gather [hbm4b:s20+s9], $0x1000, s10, s9, $0x38;
	[tilespmem:$0x1C280] =	vst v63  }
0x1ee: {  	s20 =	spop (v2sf)  }
0x1ef: {  	s23 =	sand.u32 $0x7F, s20  }
0x1f0: {  	s22 =	sshra.s32 s20, $0x1F;
	p2 =	slt.s32 s20, $0x1;
	p1 =	sne.s32 s23, $0x0  }
0x1f1: {  	s21 =	sshrl.u32 s22, $0x19;
	p0 =	por !p2, !p1  }
0x1f2: {  	s20 =	sadd.s32 s21, s20;
	s21 =	simm.s32 $0x1;
	p0 =	por !p0, !p0  }
0x1f3: {  	s20 =	sshrl.u32 s20, $0x7;
	s21 =	simm.s32 @!p0 $0x0  }
0x1f4: {  	s20 =	ssub.s32 s20, s21  }
0x1f5: {  	(v2sf) =	vpush v3, $0x3;
	s20 =	sshll.u32 s20, $0x7  }
0x1f6: {  	s20 =	sand.u32 $0x1FFFFF80, s20  }
0x1f7: {  	s20 =	sadd.s32 s0, s20  }
0x1f8: {  	[tilespmem:s12], [sflag:$0x1] =	stream.strided.gather [hbm4b:s20+s9], $0x1000, s10, s9, $0x38;
	[tilespmem:$0x1C280] =	vst v63  }
0x1f9: {  	s20 =	spop (v2sf)  }
0x1fa: {  	s23 =	sand.u32 $0x7F, s20  }
0x1fb: {  	s22 =	sshra.s32 s20, $0x1F;
	p4 =	slt.s32 s20, $0x1;
	p3 =	sne.s32 s23, $0x0  }
0x1fc: {  	s21 =	sshrl.u32 s22, $0x19;
	p0 =	por !p4, !p3  }
0x1fd: {  	s20 =	sadd.s32 s21, s20;
	s21 =	simm.s32 $0x1;
	p0 =	por !p0, !p0  }
0x1fe: {  	s20 =	sshrl.u32 s20, $0x7;
	s21 =	simm.s32 @!p0 $0x0  }
0x1ff: {  	s20 =	ssub.s32 s20, s21  }
0x200: {  	(v2sf) =	vpush v3, $0x4;
	s20 =	sshll.u32 s20, $0x7  }
0x201: {  	s20 =	sand.u32 $0x1FFFFF80, s20  }
0x202: {  	s20 =	sadd.s32 s0, s20  }
0x203: {  	[tilespmem:s13], [sflag:$0x1] =	stream.strided.gather [hbm4b:s20+s9], $0x1000, s10, s9, $0x38;
	[tilespmem:$0x1C280] =	vst v63  }
0x204: {  	s20 =	spop (v2sf)  }
0x205: {  	s23 =	sand.u32 $0x7F, s20  }
0x206: {  	s22 =	sshra.s32 s20, $0x1F;
	p6 =	slt.s32 s20, $0x1;
	p5 =	sne.s32 s23, $0x0  }
0x207: {  	s21 =	sshrl.u32 s22, $0x19;
	p0 =	por !p6, !p5  }
0x208: {  	s20 =	sadd.s32 s21, s20;
	s21 =	simm.s32 $0x1;
	p0 =	por !p0, !p0  }
0x209: {  	s20 =	sshrl.u32 s20, $0x7;
	s21 =	simm.s32 @!p0 $0x0  }
0x20a: {  	s20 =	ssub.s32 s20, s21  }
0x20b: {  	(v2sf) =	vpush v3, $0x5;
	s20 =	sshll.u32 s20, $0x7  }
0x20c: {  	s20 =	sand.u32 $0x1FFFFF80, s20  }
0x20d: {  	s20 =	sadd.s32 s0, s20  }
0x20e: {  	[tilespmem:s14], [sflag:$0x1] =	stream.strided.gather [hbm4b:s20+s9], $0x1000, s10, s9, $0x38;
	[tilespmem:$0x1C280] =	vst v63  }
0x20f: {  	s20 =	spop (v2sf)  }
0x210: {  	s23 =	sand.u32 $0x7F, s20  }
0x211: {  	s22 =	sshra.s32 s20, $0x1F;
	p2 =	slt.s32 s20, $0x1;
	p1 =	sne.s32 s23, $0x0  }
0x212: {  	s21 =	sshrl.u32 s22, $0x19;
	p0 =	por !p2, !p1  }
0x213: {  	s20 =	sadd.s32 s21, s20;
	s21 =	simm.s32 $0x1;
	p0 =	por !p0, !p0  }
0x214: {  	s20 =	sshrl.u32 s20, $0x7;
	s21 =	simm.s32 @!p0 $0x0  }
0x215: {  	s20 =	ssub.s32 s20, s21  }
0x216: {  	(v2sf) =	vpush v3, $0x6;
	s20 =	sshll.u32 s20, $0x7  }
0x217: {  	s20 =	sand.u32 $0x1FFFFF80, s20  }
0x218: {  	s20 =	sadd.s32 s0, s20  }
0x219: {  	[tilespmem:s15], [sflag:$0x1] =	stream.strided.gather [hbm4b:s20+s9], $0x1000, s10, s9, $0x38;
	[tilespmem:$0x1C280] =	vst v63  }
0x21a: {  	s20 =	spop (v2sf)  }
0x21b: {  	s23 =	sand.u32 $0x7F, s20  }
0x21c: {  	s22 =	sshra.s32 s20, $0x1F;
	p4 =	slt.s32 s20, $0x1;
	p3 =	sne.s32 s23, $0x0  }
0x21d: {  	s21 =	sshrl.u32 s22, $0x19;
	p0 =	por !p4, !p3  }
0x21e: {  	s20 =	sadd.s32 s21, s20;
	s21 =	simm.s32 $0x1;
	p0 =	por !p0, !p0  }
0x21f: {  	s20 =	sshrl.u32 s20, $0x7;
	s21 =	simm.s32 @!p0 $0x0  }
0x220: {  	s20 =	ssub.s32 s20, s21  }
0x221: {  	(v2sf) =	vpush v3, $0x7;
	s20 =	sshll.u32 s20, $0x7  }
0x222: {  	s20 =	sand.u32 $0x1FFFFF80, s20  }
0x223: {  	s20 =	sadd.s32 s0, s20  }
0x224: {  	[tilespmem:s16], [sflag:$0x1] =	stream.strided.gather [hbm4b:s20+s9], $0x1000, s10, s9, $0x38;
	[tilespmem:$0x1C280] =	vst v63  }
0x225: {  	s20 =	spop (v2sf)  }
0x226: {  	s23 =	sand.u32 $0x7F, s20  }
0x227: {  	s22 =	sshra.s32 s20, $0x1F;
	p6 =	slt.s32 s20, $0x1;
	p5 =	sne.s32 s23, $0x0  }
0x228: {  	s21 =	sshrl.u32 s22, $0x19;
	p0 =	por !p6, !p5  }
0x229: {  	s20 =	sadd.s32 s21, s20;
	s21 =	simm.s32 $0x1;
	p0 =	por !p0, !p0  }
0x22a: {  	s20 =	sshrl.u32 s20, $0x7;
	s21 =	simm.s32 @!p0 $0x0  }
0x22b: {  	s20 =	ssub.s32 s20, s21  }
0x22c: {  	s20 =	sshll.u32 s20, $0x7  }
0x22d: {  	s20 =	sand.u32 $0x1FFFFF80, s20  }
0x22e: {  	s20 =	sadd.s32 s0, s20  }
0x22f: {  	[tilespmem:s17], [sflag:$0x1] =	stream.strided.gather [hbm4b:s20+s9], $0x1000, s10, s9, $0x38;
	[tilespmem:$0x1C280] =	vst v63  }
0x230: {  	s20 =	spop (v2sf)  }
0x231: {  	s23 =	sand.u32 $0x7F, s20  }
0x232: {  	s22 =	sshra.s32 s20, $0x1F;
	p2 =	slt.s32 s20, $0x1;
	p1 =	sne.s32 s23, $0x0  }
0x233: {  	s21 =	sshrl.u32 s22, $0x19;
	p0 =	por !p2, !p1  }
0x234: {  	s20 =	sadd.s32 s21, s20;
	s21 =	simm.s32 $0x1;
	p0 =	por !p0, !p0  }
0x235: {  	s20 =	sshrl.u32 s20, $0x7;
	s21 =	simm.s32 @!p0 $0x0  }
0x236: {  	s20 =	ssub.s32 s20, s21  }
0x237: {  	s20 =	sshll.u32 s20, $0x7  }
0x238: {  	s20 =	sand.u32 $0x1FFFFF80, s20  }
0x239: {  	s20 =	sadd.s32 s0, s20  }
0x23a: {  	[tilespmem:s18], [sflag:$0x1] =	stream.strided.gather [hbm4b:s20+s9], $0x1000, s10, s9, $0x38;
	[tilespmem:$0x1C280] =	vst v63  }
0x23b: {  	v3 =	vld [tilespmem:$0x8];
	_ =	sdelay $0x4  }
0x23c: {  	(v2sf) =	vpush v3, $0x0;
	_ =	sdelay $0xa  }
0x23d: {  	(v2sf) =	vpush v3, $0x1;
	_ =	sdelay $0x3  }
0x23e: {  	s20 =	spop (v2sf)  }
0x23f: {  	s23 =	sand.u32 $0x7F, s20  }
0x240: {  	s22 =	sshra.s32 s20, $0x1F;
	p4 =	slt.s32 s20, $0x1;
	p3 =	sne.s32 s23, $0x0  }
0x241: {  	s21 =	sshrl.u32 s22, $0x19;
	p0 =	por !p4, !p3  }
0x242: {  	s20 =	sadd.s32 s21, s20;
	s21 =	simm.s32 $0x1;
	p0 =	por !p0, !p0  }
0x243: {  	s20 =	sshrl.u32 s20, $0x7;
	s21 =	simm.s32 @!p0 $0x0  }
0x244: {  	s20 =	ssub.s32 s20, s21  }
0x245: {  	(v2sf) =	vpush v3, $0x2;
	s20 =	sshll.u32 s20, $0x7  }
0x246: {  	s20 =	sand.u32 $0x1FFFFF80, s20  }
0x247: {  	s23 =	simm.s32 $0x8280;
	s20 =	sadd.s32 s0, s20  }
0x248: {  	[tilespmem:s23], [sflag:$0x2] =	stream.strided.gather [hbm4b:s20+s9], $0x1000, s10, s9, $0x38;
	[tilespmem:$0x1C280] =	vst v63  }
0x249: {  	s20 =	spop (v2sf)  }
0x24a: {  	s22 =	sand.u32 $0x7F, s20  }
0x24b: {  	s23 =	sshra.s32 s20, $0x1F;
	p6 =	slt.s32 s20, $0x1;
	p5 =	sne.s32 s22, $0x0  }
0x24c: {  	s21 =	sshrl.u32 s23, $0x19;
	p0 =	por !p6, !p5  }
0x24d: {  	s20 =	sadd.s32 s21, s20;
	s21 =	simm.s32 $0x1;
	p0 =	por !p0, !p0  }
0x24e: {  	s20 =	sshrl.u32 s20, $0x7;
	s21 =	simm.s32 @!p0 $0x0  }
0x24f: {  	s20 =	ssub.s32 s20, s21  }
0x250: {  	(v2sf) =	vpush v3, $0x3;
	s20 =	sshll.u32 s20, $0x7  }
0x251: {  	s20 =	sand.u32 $0x1FFFFF80, s20  }
0x252: {  	s22 =	simm.s32 $0x9280;
	s20 =	sadd.s32 s0, s20  }
0x253: {  	[tilespmem:s22], [sflag:$0x2] =	stream.strided.gather [hbm4b:s20+s9], $0x1000, s10, s9, $0x38;
	[tilespmem:$0x1C280] =	vst v63  }
0x254: {  	s20 =	spop (v2sf)  }
0x255: {  	s23 =	sand.u32 $0x7F, s20  }
0x256: {  	s22 =	sshra.s32 s20, $0x1F;
	p2 =	slt.s32 s20, $0x1;
	p1 =	sne.s32 s23, $0x0  }
0x257: {  	s21 =	sshrl.u32 s22, $0x19;
	p0 =	por !p2, !p1  }
0x258: {  	s20 =	sadd.s32 s21, s20;
	s21 =	simm.s32 $0x1;
	p0 =	por !p0, !p0  }
0x259: {  	s20 =	sshrl.u32 s20, $0x7;
	s21 =	simm.s32 @!p0 $0x0  }
0x25a: {  	s20 =	ssub.s32 s20, s21  }
0x25b: {  	(v2sf) =	vpush v3, $0x4;
	s20 =	sshll.u32 s20, $0x7  }
0x25c: {  	s20 =	sand.u32 $0x1FFFFF80, s20  }
0x25d: {  	s23 =	simm.s32 $0xA280;
	s20 =	sadd.s32 s0, s20  }
0x25e: {  	[tilespmem:s23], [sflag:$0x2] =	stream.strided.gather [hbm4b:s20+s9], $0x1000, s10, s9, $0x38;
	[tilespmem:$0x1C280] =	vst v63  }
0x25f: {  	s20 =	spop (v2sf)  }
0x260: {  	s22 =	sand.u32 $0x7F, s20  }
0x261: {  	s23 =	sshra.s32 s20, $0x1F;
	p4 =	slt.s32 s20, $0x1;
	p3 =	sne.s32 s22, $0x0  }
0x262: {  	s21 =	sshrl.u32 s23, $0x19;
	p0 =	por !p4, !p3  }
0x263: {  	s20 =	sadd.s32 s21, s20;
	s21 =	simm.s32 $0x1;
	p0 =	por !p0, !p0  }
0x264: {  	s20 =	sshrl.u32 s20, $0x7;
	s21 =	simm.s32 @!p0 $0x0  }
0x265: {  	s20 =	ssub.s32 s20, s21  }
0x266: {  	(v2sf) =	vpush v3, $0x5;
	s20 =	sshll.u32 s20, $0x7  }
0x267: {  	s20 =	sand.u32 $0x1FFFFF80, s20  }
0x268: {  	s22 =	simm.s32 $0xB280;
	s20 =	sadd.s32 s0, s20  }
0x269: {  	[tilespmem:s22], [sflag:$0x2] =	stream.strided.gather [hbm4b:s20+s9], $0x1000, s10, s9, $0x38;
	[tilespmem:$0x1C280] =	vst v63  }
0x26a: {  	s20 =	spop (v2sf)  }
0x26b: {  	s23 =	sand.u32 $0x7F, s20  }
0x26c: {  	s22 =	sshra.s32 s20, $0x1F;
	p6 =	slt.s32 s20, $0x1;
	p5 =	sne.s32 s23, $0x0  }
0x26d: {  	(v2sf) =	vpush v3, $0x6;
	s21 =	sshrl.u32 s22, $0x19;
	p0 =	por !p6, !p5  }
0x26e: {  	s20 =	sadd.s32 s21, s20;
	s21 =	simm.s32 $0x1;
	p0 =	por !p0, !p0  }
0x26f: {  	s20 =	sshrl.u32 s20, $0x7;
	s21 =	simm.s32 @!p0 $0x0  }
0x270: {  	s20 =	ssub.s32 s20, s21  }
0x271: {  	s20 =	sshll.u32 s20, $0x7  }
0x272: {  	s20 =	sand.u32 $0x1FFFFF80, s20  }
0x273: {  	s23 =	simm.s32 $0xC280;
	s20 =	sadd.s32 s0, s20  }
0x274: {  	[tilespmem:s23], [sflag:$0x2] =	stream.strided.gather [hbm4b:s20+s9], $0x1000, s10, s9, $0x38;
	[tilespmem:$0x1C280] =	vst v63  }
0x275: {  	s20 =	spop (v2sf)  }
0x276: {  	s22 =	sand.u32 $0x7F, s20  }
0x277: {  	s23 =	sshra.s32 s20, $0x1F;
	p2 =	slt.s32 s20, $0x1;
	p1 =	sne.s32 s22, $0x0  }
0x278: {  	s21 =	sshrl.u32 s23, $0x19;
	p0 =	por !p2, !p1  }
0x279: {  	(v2sf) =	vpush v3, $0x7;
	s20 =	sadd.s32 s21, s20;
	s21 =	simm.s32 $0x1;
	p0 =	por !p0, !p0  }
0x27a: {  	s20 =	sshrl.u32 s20, $0x7;
	s21 =	simm.s32 @!p0 $0x0  }
0x27b: {  	s20 =	ssub.s32 s20, s21  }
0x27c: {  	s21 =	spop (v2sf);
	s20 =	sshll.u32 s20, $0x7  }
0x27d: {  	s22 =	sand.u32 $0x7F, s21;
	s23 =	sshra.s32 s21, $0x1F;
	s20 =	sand.u32 $0x1FFFFF80, s20  }
0x27e: {  	p4 =	slt.s32 s21, $0x1;
	p3 =	sne.s32 s22, $0x0;
	s20 =	sadd.s32 s0, s20  }
0x27f: {  	[tilespmem:s24], [sflag:$0x2] =	stream.strided.gather [hbm4b:s20+s9], $0x1000, s10, s9, $0x38;
	[tilespmem:$0x1C280] =	vst v63  }
0x280: {  	p0 =	por !p4, !p3;
	s20 =	sshrl.u32 s23, $0x19  }
0x281: {  	p0 =	por !p0, !p0;
	s20 =	sadd.s32 s20, s21;
	s21 =	simm.s32 $0x1  }
0x282: {  	s20 =	sshrl.u32 s20, $0x7;
	s21 =	simm.s32 @!p0 $0x0  }
0x283: {  	s20 =	ssub.s32 s20, s21  }
0x284: {  	s20 =	sshll.u32 s20, $0x7  }
0x285: {  	s20 =	sand.u32 $0x1FFFFF80, s20  }
0x286: {  	s20 =	sadd.s32 s0, s20  }
0x287: {  	[tilespmem:s25], [sflag:$0x2] =	stream.strided.gather [hbm4b:s20+s9], $0x1000, s10, s9, $0x38;
	[tilespmem:$0x1C280] =	vst v63  }
0x288: {  	s20 =	spop (v2sf)  }
0x289: {  	s22 =	sand.u32 $0x7F, s20  }
0x28a: {  	s23 =	sshra.s32 s20, $0x1F;
	p6 =	slt.s32 s20, $0x1;
	p5 =	sne.s32 s22, $0x0  }
0x28b: {  	s21 =	sshrl.u32 s23, $0x19;
	p0 =	por !p6, !p5  }
0x28c: {  	s20 =	sadd.s32 s21, s20;
	s21 =	simm.s32 $0x1;
	p0 =	por !p0, !p0  }
0x28d: {  	s20 =	sshrl.u32 s20, $0x7;
	s21 =	simm.s32 @!p0 $0x0  }
0x28e: {  	s20 =	ssub.s32 s20, s21  }
.Ltmp2:
0x28f: {  	s20 =	sshll.u32 s20, $0x7;
	(pc) =	sbr.rel .LBB2_2-.Ltmp2, $4  }
0x290: {  	s20 =	sand.u32 $0x1FFFFF80, s20  }
0x291: {  	s20 =	sadd.s32 s0, s20  }
0x292: {  	[tilespmem:s26], [sflag:$0x2] =	stream.strided.gather [hbm4b:s20+s9], $0x1000, s10, s9, $0x38;
	[tilespmem:$0x1C280] =	vst v63  }
0x293: {  	s21 =	simm.s32 $0x0;
	s20 =	simm.s32 $0x20  }
.LBB2_4:
0x294: {  	_ =	swait.ge [sflag:s19], $0x1000  }
0x295: {  	[sflag:s19] =	ssyncset.done $0x0  }
0x296: {  	[sflag:s19] =	ssyncadd.s32 $0xFFFFF000  }
0x297: {  	_ =	swait.ge [sflag:s19], $0x1000  }
0x298: {  	[sflag:s19] =	ssyncset.done $0x0  }
0x299: {  	[sflag:s19] =	ssyncadd.s32 $0xFFFFF000  }
0x29a: {  	_ =	swait.ge [sflag:s19], $0x1000  }
0x29b: {  	[sflag:s19] =	ssyncset.done $0x0  }
0x29c: {  	[sflag:s19] =	ssyncadd.s32 $0xFFFFF000  }
0x29d: {  	_ =	swait.ge [sflag:s19], $0x1000  }
0x29e: {  	[sflag:s19] =	ssyncset.done $0x0  }
0x29f: {  	[sflag:s19] =	ssyncadd.s32 $0xFFFFF000  }
0x2a0: {  	_ =	swait.ge [sflag:s19], $0x1000  }
0x2a1: {  	[sflag:s19] =	ssyncset.done $0x0  }
0x2a2: {  	[sflag:s19] =	ssyncadd.s32 $0xFFFFF000  }
0x2a3: {  	_ =	swait.ge [sflag:s19], $0x1000  }
0x2a4: {  	[sflag:s19] =	ssyncset.done $0x0  }
0x2a5: {  	[sflag:s19] =	ssyncadd.s32 $0xFFFFF000  }
0x2a6: {  	s22 =	sadd.s32 $0x10, s21;
	_ =	swait.ge [sflag:s19], $0x1000  }
0x2a7: {  	v3 =	vor.u32 s22, v51;
	[sflag:s19] =	ssyncset.done $0x0  }
0x2a8: {  	[sflag:s19] =	ssyncadd.s32 $0xFFFFF000  }
0x2a9: {  	_ =	swait.ge [sflag:s19], $0x1000  }
0x2aa: {  	[sflag:s19] =	ssyncset.done $0x0  }
0x2ab: {  	[sflag:s19] =	ssyncadd.s32 $0xFFFFF000  }
0x2ac: {  	v4 =	vld.idx.msk [tilespmem:v3+s3+$0x0], $0xffff;
	_ =	sdelay $0x4  }
0x2ad: {  	v5 =	vshra.s32 v4, $0x1F  }
0x2ae: {  	v5 =	vshrl.u32 v5, $0x19  }
0x2af: {  	v5 =	vadd.s32 v5, v4  }
0x2b0: {  	v5 =	vshrl.u32 v5, $0x7  }
0x2b1: {  	v5 =	vshll.u32 v5, $0x7  }
0x2b2: {  	v4 =	vsub.s32 v4, v5  }
0x2b3: {  	v5 =	vadd.s32 v34, v4  }
0x2b4: {  	v6 =	vmov s22  }
0x2b5: {  	v6 =	vshll.u32 v6, $0x3  }
0x2b6: {  	v6 =	vand.u32 $0x3C00, v6;
	v3 =	vand.u32 $0x7F, v3  }
0x2b7: {  	v3 =	vor.u32 v6, v3  }
0x2b8: {  	v6 =	vor.u32 v2, v3;
	v5 =	vld.idx.msk [tilespmem:v5+s11+$0x0], $0xffff  }
0x2b9: {  	v7 =	vadd.s32 v35, v4;
	_ =	sdelay $0x3  }
0x2ba: {  	[tilespmem:v6+s6+$0x0] =	vst.idx.msk $0xffff, v5  }
0x2bb: {  	v6 =	vor.u32 v52, v3;
	v5 =	vld.idx.msk [tilespmem:v7+s11+$0x0], $0xffff  }
0x2bc: {  	v7 =	vadd.s32 v36, v4;
	_ =	sdelay $0x3  }
0x2bd: {  	[tilespmem:v6+s6+$0x0] =	vst.idx.msk $0xffff, v5  }
0x2be: {  	v6 =	vor.u32 v53, v3;
	v5 =	vld.idx.msk [tilespmem:v7+s11+$0x0], $0xffff  }
0x2bf: {  	v7 =	vadd.s32 v37, v4;
	_ =	sdelay $0x3  }
0x2c0: {  	[tilespmem:v6+s6+$0x0] =	vst.idx.msk $0xffff, v5  }
0x2c1: {  	v6 =	vor.u32 v54, v3;
	v5 =	vld.idx.msk [tilespmem:v7+s11+$0x0], $0xffff  }
0x2c2: {  	v7 =	vadd.s32 v38, v4;
	_ =	sdelay $0x3  }
0x2c3: {  	[tilespmem:v6+s6+$0x0] =	vst.idx.msk $0xffff, v5  }
0x2c4: {  	v6 =	vadd.s32 v55, v3;
	v5 =	vld.idx.msk [tilespmem:v7+s11+$0x0], $0xffff  }
0x2c5: {  	v7 =	vadd.s32 v39, v4;
	_ =	sdelay $0x3  }
0x2c6: {  	[tilespmem:v6+s6+$0x0] =	vst.idx.msk $0xffff, v5  }
0x2c7: {  	v6 =	vadd.s32 v56, v3;
	v5 =	vld.idx.msk [tilespmem:v7+s11+$0x0], $0xffff  }
0x2c8: {  	v7 =	vadd.s32 v40, v4;
	_ =	sdelay $0x3  }
0x2c9: {  	[tilespmem:v6+s6+$0x0] =	vst.idx.msk $0xffff, v5  }
0x2ca: {  	v6 =	vadd.s32 v57, v3;
	v5 =	vld.idx.msk [tilespmem:v7+s11+$0x0], $0xffff  }
0x2cb: {  	v7 =	vadd.s32 v41, v4;
	_ =	sdelay $0x3  }
0x2cc: {  	[tilespmem:v6+s6+$0x0] =	vst.idx.msk $0xffff, v5  }
0x2cd: {  	v6 =	vadd.s32 v58, v3;
	v5 =	vld.idx.msk [tilespmem:v7+s11+$0x0], $0xffff  }
0x2ce: {  	v7 =	vadd.s32 v42, v4;
	_ =	sdelay $0x3  }
0x2cf: {  	[tilespmem:v6+s6+$0x0] =	vst.idx.msk $0xffff, v5  }
0x2d0: {  	v6 =	vadd.s32 v59, v3;
	v5 =	vld.idx.msk [tilespmem:v7+s11+$0x0], $0xffff  }
0x2d1: {  	v7 =	vadd.s32 v43, v4;
	_ =	sdelay $0x3  }
0x2d2: {  	[tilespmem:v6+s6+$0x0] =	vst.idx.msk $0xffff, v5  }
0x2d3: {  	v6 =	vadd.s32 v60, v3;
	v5 =	vld.idx.msk [tilespmem:v7+s11+$0x0], $0xffff  }
0x2d4: {  	v7 =	vadd.s32 v44, v4;
	_ =	sdelay $0x3  }
0x2d5: {  	[tilespmem:v6+s6+$0x0] =	vst.idx.msk $0xffff, v5  }
0x2d6: {  	v6 =	vadd.s32 v61, v3;
	v5 =	vld.idx.msk [tilespmem:v7+s11+$0x0], $0xffff  }
0x2d7: {  	v7 =	vadd.s32 v45, v4;
	_ =	sdelay $0x3  }
0x2d8: {  	[tilespmem:v6+s6+$0x0] =	vst.idx.msk $0xffff, v5  }
0x2d9: {  	v6 =	vadd.s32 v62, v3;
	v5 =	vld.idx.msk [tilespmem:v7+s11+$0x0], $0xffff  }
0x2da: {  	v7 =	vadd.s32 v46, v4;
	_ =	sdelay $0x3  }
0x2db: {  	[tilespmem:v6+s6+$0x0] =	vst.idx.msk $0xffff, v5  }
0x2dc: {  	v6 =	vadd.s32 v63, v3;
	v5 =	vld.idx.msk [tilespmem:v7+s11+$0x0], $0xffff  }
0x2dd: {  	v7 =	vadd.s32 v47, v4;
	_ =	sdelay $0x3  }
0x2de: {  	[tilespmem:v6+s6+$0x0] =	vst.idx.msk $0xffff, v5  }
0x2df: {  	v6 =	vadd.s32 v0, v3;
	v5 =	vld.idx.msk [tilespmem:v7+s11+$0x0], $0xffff  }
0x2e0: {  	v7 =	vadd.s32 v48, v4;
	_ =	sdelay $0x3  }
0x2e1: {  	[tilespmem:v6+s6+$0x0] =	vst.idx.msk $0xffff, v5  }
0x2e2: {  	v6 =	vadd.s32 v50, v3;
	v5 =	vld.idx.msk [tilespmem:v7+s11+$0x0], $0xffff  }
0x2e3: {  	v4 =	vadd.s32 v49, v4;
	_ =	sdelay $0x3  }
0x2e4: {  	s21 =	sadd.s32 $0x18, s21;
	[tilespmem:v6+s6+$0x0] =	vst.idx.msk $0xffff, v5  }
0x2e5: {  	p0 =	sne.s32 s21, $0x1F8;
	v3 =	vadd.s32 v1, v3;
	v4 =	vld.idx.msk [tilespmem:v4+s11+$0x0], $0xffff  }
.Ltmp3:
0x2e6: {  	_ = 	snop;
	(pc) =	sbr.rel @!p0 .LBB2_5-.Ltmp3, $2  }
0x2e7: {  	_ =	sdelay $0x2  }
0x2e8: {  	s20 =	sadd.s32 $0x18, s20;
	[tilespmem:v3+s6+$0x0] =	vst.idx.msk $0xffff, v4  }
.LBB2_2:
0x2e9: {  	v3 =	vld [tilespmem:s20+$0xFFFFFFF0];
	_ =	sdelay $0x4  }
0x2ea: {  	(v2sf) =	vpush v3, $0x0;
	_ =	sdelay $0xa  }
0x2eb: {  	(v2sf) =	vpush v3, $0x1;
	_ =	sdelay $0x3  }
0x2ec: {  	s22 =	spop (v2sf)  }
0x2ed: {  	s23 =	sand.u32 $0x7F, s22  }
0x2ee: {  	p1 =	slt.s32 s22, $0x1;
	p0 =	sne.s32 s23, $0x0;
	s23 =	sshra.s32 s22, $0x1F  }
0x2ef: {  	s23 =	sshrl.u32 s23, $0x19;
	p0 =	por !p1, !p0  }
0x2f0: {  	s22 =	sadd.s32 s23, s22;
	p0 =	por !p0, !p0;
	s23 =	simm.s32 $0x1  }
0x2f1: {  	s22 =	sshrl.u32 s22, $0x7;
	s23 =	simm.s32 @!p0 $0x0  }
0x2f2: {  	s22 =	ssub.s32 s22, s23  }
0x2f3: {  	(v2sf) =	vpush v3, $0x2;
	s22 =	sshll.u32 s22, $0x7  }
0x2f4: {  	s22 =	sand.u32 $0x1FFFFF80, s22  }
0x2f5: {  	s22 =	sadd.s32 s0, s22  }
0x2f6: {  	[tilespmem:s28], [sflag:$0x3] =	stream.strided.gather [hbm4b:s22+s9], $0x1000, s10, s9, $0x38;
	[tilespmem:$0x1C280] =	vst v63  }
0x2f7: {  	s22 =	spop (v2sf)  }
0x2f8: {  	s23 =	sand.u32 $0x7F, s22  }
0x2f9: {  	p2 =	slt.s32 s22, $0x1;
	p1 =	sne.s32 s23, $0x0;
	s23 =	sshra.s32 s22, $0x1F  }
0x2fa: {  	s23 =	sshrl.u32 s23, $0x19;
	p0 =	por !p2, !p1  }
0x2fb: {  	s22 =	sadd.s32 s23, s22;
	p0 =	por !p0, !p0;
	s23 =	simm.s32 $0x1  }
0x2fc: {  	s22 =	sshrl.u32 s22, $0x7;
	s23 =	simm.s32 @!p0 $0x0  }
0x2fd: {  	s22 =	ssub.s32 s22, s23  }
0x2fe: {  	(v2sf) =	vpush v3, $0x3;
	s22 =	sshll.u32 s22, $0x7  }
0x2ff: {  	s22 =	sand.u32 $0x1FFFFF80, s22  }
0x300: {  	s22 =	sadd.s32 s0, s22  }
0x301: {  	[tilespmem:s29], [sflag:$0x3] =	stream.strided.gather [hbm4b:s22+s9], $0x1000, s10, s9, $0x38;
	[tilespmem:$0x1C280] =	vst v63  }
0x302: {  	s22 =	spop (v2sf)  }
0x303: {  	s23 =	sand.u32 $0x7F, s22  }
0x304: {  	p4 =	slt.s32 s22, $0x1;
	p3 =	sne.s32 s23, $0x0;
	s23 =	sshra.s32 s22, $0x1F  }
0x305: {  	s23 =	sshrl.u32 s23, $0x19;
	p0 =	por !p4, !p3  }
0x306: {  	s22 =	sadd.s32 s23, s22;
	p0 =	por !p0, !p0;
	s23 =	simm.s32 $0x1  }
0x307: {  	s22 =	sshrl.u32 s22, $0x7;
	s23 =	simm.s32 @!p0 $0x0  }
0x308: {  	s22 =	ssub.s32 s22, s23  }
0x309: {  	(v2sf) =	vpush v3, $0x4;
	s22 =	sshll.u32 s22, $0x7  }
0x30a: {  	s22 =	sand.u32 $0x1FFFFF80, s22  }
0x30b: {  	s22 =	sadd.s32 s0, s22  }
0x30c: {  	[tilespmem:s30], [sflag:$0x3] =	stream.strided.gather [hbm4b:s22+s9], $0x1000, s10, s9, $0x38;
	[tilespmem:$0x1C280] =	vst v63  }
0x30d: {  	s22 =	spop (v2sf)  }
0x30e: {  	s23 =	sand.u32 $0x7F, s22  }
0x30f: {  	p6 =	slt.s32 s22, $0x1;
	p5 =	sne.s32 s23, $0x0;
	s23 =	sshra.s32 s22, $0x1F  }
0x310: {  	s23 =	sshrl.u32 s23, $0x19;
	p0 =	por !p6, !p5  }
0x311: {  	s22 =	sadd.s32 s23, s22;
	p0 =	por !p0, !p0;
	s23 =	simm.s32 $0x1  }
0x312: {  	s22 =	sshrl.u32 s22, $0x7;
	s23 =	simm.s32 @!p0 $0x0  }
0x313: {  	s22 =	ssub.s32 s22, s23  }
0x314: {  	(v2sf) =	vpush v3, $0x5;
	s22 =	sshll.u32 s22, $0x7  }
0x315: {  	s22 =	sand.u32 $0x1FFFFF80, s22  }
0x316: {  	s22 =	sadd.s32 s0, s22  }
0x317: {  	[tilespmem:s31], [sflag:$0x3] =	stream.strided.gather [hbm4b:s22+s9], $0x1000, s10, s9, $0x38;
	[tilespmem:$0x1C280] =	vst v63  }
0x318: {  	s22 =	spop (v2sf)  }
0x319: {  	s23 =	sand.u32 $0x7F, s22  }
0x31a: {  	p2 =	slt.s32 s22, $0x1;
	p1 =	sne.s32 s23, $0x0;
	s23 =	sshra.s32 s22, $0x1F  }
0x31b: {  	s23 =	sshrl.u32 s23, $0x19;
	p0 =	por !p2, !p1  }
0x31c: {  	s22 =	sadd.s32 s23, s22;
	p0 =	por !p0, !p0;
	s23 =	simm.s32 $0x1  }
0x31d: {  	s22 =	sshrl.u32 s22, $0x7;
	s23 =	simm.s32 @!p0 $0x0  }
0x31e: {  	s22 =	ssub.s32 s22, s23  }
0x31f: {  	(v2sf) =	vpush v3, $0x6;
	s22 =	sshll.u32 s22, $0x7  }
0x320: {  	s22 =	sand.u32 $0x1FFFFF80, s22  }
0x321: {  	s22 =	sadd.s32 s0, s22  }
0x322: {  	[tilespmem:s2], [sflag:$0x3] =	stream.strided.gather [hbm4b:s22+s9], $0x1000, s10, s9, $0x38;
	[tilespmem:$0x1C280] =	vst v63  }
0x323: {  	s22 =	spop (v2sf)  }
0x324: {  	s23 =	sand.u32 $0x7F, s22  }
0x325: {  	p4 =	slt.s32 s22, $0x1;
	p3 =	sne.s32 s23, $0x0;
	s23 =	sshra.s32 s22, $0x1F  }
0x326: {  	s23 =	sshrl.u32 s23, $0x19;
	p0 =	por !p4, !p3  }
0x327: {  	s22 =	sadd.s32 s23, s22;
	p0 =	por !p0, !p0;
	s23 =	simm.s32 $0x1  }
0x328: {  	s22 =	sshrl.u32 s22, $0x7;
	s23 =	simm.s32 @!p0 $0x0  }
0x329: {  	s22 =	ssub.s32 s22, s23  }
0x32a: {  	(v2sf) =	vpush v3, $0x7;
	s22 =	sshll.u32 s22, $0x7  }
0x32b: {  	s22 =	sand.u32 $0x1FFFFF80, s22  }
0x32c: {  	s22 =	sadd.s32 s0, s22  }
0x32d: {  	[tilespmem:s1], [sflag:$0x3] =	stream.strided.gather [hbm4b:s22+s9], $0x1000, s10, s9, $0x38;
	[tilespmem:$0x1C280] =	vst v63  }
0x32e: {  	s22 =	spop (v2sf)  }
0x32f: {  	s23 =	sand.u32 $0x7F, s22  }
0x330: {  	p6 =	slt.s32 s22, $0x1;
	p5 =	sne.s32 s23, $0x0;
	s23 =	sshra.s32 s22, $0x1F  }
0x331: {  	s23 =	sshrl.u32 s23, $0x19;
	p0 =	por !p6, !p5  }
0x332: {  	s22 =	sadd.s32 s23, s22;
	p0 =	por !p0, !p0;
	s23 =	simm.s32 $0x1  }
0x333: {  	s22 =	sshrl.u32 s22, $0x7;
	s23 =	simm.s32 @!p0 $0x0  }
0x334: {  	s22 =	ssub.s32 s22, s23  }
0x335: {  	s22 =	sshll.u32 s22, $0x7  }
0x336: {  	s22 =	sand.u32 $0x1FFFFF80, s22  }
0x337: {  	s22 =	sadd.s32 s0, s22  }
0x338: {  	[tilespmem:s4], [sflag:$0x3] =	stream.strided.gather [hbm4b:s22+s9], $0x1000, s10, s9, $0x38;
	[tilespmem:$0x1C280] =	vst v63  }
0x339: {  	s22 =	spop (v2sf)  }
0x33a: {  	s23 =	sand.u32 $0x7F, s22  }
0x33b: {  	p2 =	slt.s32 s22, $0x1;
	p1 =	sne.s32 s23, $0x0;
	s23 =	sshra.s32 s22, $0x1F  }
0x33c: {  	s23 =	sshrl.u32 s23, $0x19;
	p0 =	por !p2, !p1  }
0x33d: {  	s22 =	sadd.s32 s23, s22;
	p0 =	por !p0, !p0;
	s23 =	simm.s32 $0x1  }
0x33e: {  	s22 =	sshrl.u32 s22, $0x7;
	s23 =	simm.s32 @!p0 $0x0  }
0x33f: {  	s22 =	ssub.s32 s22, s23  }
0x340: {  	s22 =	sshll.u32 s22, $0x7  }
0x341: {  	s22 =	sand.u32 $0x1FFFFF80, s22  }
0x342: {  	s22 =	sadd.s32 s0, s22  }
0x343: {  	[tilespmem:s5], [sflag:$0x3] =	stream.strided.gather [hbm4b:s22+s9], $0x1000, s10, s9, $0x38;
	[tilespmem:$0x1C280] =	vst v63  }
0x344: {  	_ =	swait.ge [sflag:s8], $0x1000  }
0x345: {  	[sflag:s8] =	ssyncset.done $0x0  }
0x346: {  	[sflag:s8] =	ssyncadd.s32 $0xFFFFF000  }
0x347: {  	_ =	swait.ge [sflag:s8], $0x1000  }
0x348: {  	[sflag:s8] =	ssyncset.done $0x0  }
0x349: {  	[sflag:s8] =	ssyncadd.s32 $0xFFFFF000  }
0x34a: {  	_ =	swait.ge [sflag:s8], $0x1000  }
0x34b: {  	[sflag:s8] =	ssyncset.done $0x0  }
0x34c: {  	[sflag:s8] =	ssyncadd.s32 $0xFFFFF000  }
0x34d: {  	_ =	swait.ge [sflag:s8], $0x1000  }
0x34e: {  	[sflag:s8] =	ssyncset.done $0x0  }
0x34f: {  	[sflag:s8] =	ssyncadd.s32 $0xFFFFF000  }
0x350: {  	_ =	swait.ge [sflag:s8], $0x1000  }
0x351: {  	[sflag:s8] =	ssyncset.done $0x0  }
0x352: {  	[sflag:s8] =	ssyncadd.s32 $0xFFFFF000  }
0x353: {  	_ =	swait.ge [sflag:s8], $0x1000  }
0x354: {  	[sflag:s8] =	ssyncset.done $0x0  }
0x355: {  	[sflag:s8] =	ssyncadd.s32 $0xFFFFF000  }
0x356: {  	_ =	swait.ge [sflag:s8], $0x1000  }
0x357: {  	v3 =	vor.u32 s21, v51;
	[sflag:s8] =	ssyncset.done $0x0  }
0x358: {  	[sflag:s8] =	ssyncadd.s32 $0xFFFFF000  }
0x359: {  	_ =	swait.ge [sflag:s8], $0x1000  }
0x35a: {  	[sflag:s8] =	ssyncset.done $0x0  }
0x35b: {  	[sflag:s8] =	ssyncadd.s32 $0xFFFFF000  }
0x35c: {  	v4 =	vld.idx.msk [tilespmem:v3+s3+$0x0], $0xffff;
	_ =	sdelay $0x4  }
0x35d: {  	v5 =	vshra.s32 v4, $0x1F  }
0x35e: {  	v5 =	vshrl.u32 v5, $0x19  }
0x35f: {  	v5 =	vadd.s32 v5, v4  }
0x360: {  	v5 =	vshrl.u32 v5, $0x7  }
0x361: {  	v5 =	vshll.u32 v5, $0x7  }
0x362: {  	v4 =	vsub.s32 v4, v5;
	v5 =	vld [tilespmem:$0x1FEA0];
	_ =	sdelay $0x4  }
0x363: {  	v5 =	vadd.s32 v5, v4  }
0x364: {  	v6 =	vmov s21;
	v7 =	vld [tilespmem:$0x1FEB0]  }
0x365: {  	v6 =	vshll.u32 v6, $0x3  }
0x366: {  	v6 =	vand.u32 $0x1C00, v6;
	v3 =	vand.u32 $0x7F, v3  }
0x367: {  	v3 =	vor.u32 v6, v3  }
0x368: {  	v6 =	vor.u32 v2, v3;
	v5 =	vld.idx.msk [tilespmem:v5+s11+$0x0], $0xffff  }
0x369: {  	v7 =	vadd.s32 v7, v4;
	_ =	sdelay $0x3  }
0x36a: {  	[tilespmem:v6+s6+$0x0] =	vst.idx.msk $0xffff, v5  }
0x36b: {  	v5 =	vld.idx.msk [tilespmem:v7+s11+$0x0], $0xffff  }
0x36c: {  	v7 =	vld [tilespmem:$0x1FEC0];
	_ =	sdelay $0x3  }
0x36d: {  	v6 =	vor.u32 v52, v3  }
0x36e: {  	v7 =	vadd.s32 v7, v4;
	_ =	sdelay $0x3  }
0x36f: {  	[tilespmem:v6+s6+$0x0] =	vst.idx.msk $0xffff, v5  }
0x370: {  	v5 =	vld.idx.msk [tilespmem:v7+s11+$0x0], $0xffff  }
0x371: {  	v7 =	vld [tilespmem:$0x1FED0];
	_ =	sdelay $0x3  }
0x372: {  	v6 =	vor.u32 v53, v3  }
0x373: {  	v7 =	vadd.s32 v7, v4;
	_ =	sdelay $0x3  }
0x374: {  	[tilespmem:v6+s6+$0x0] =	vst.idx.msk $0xffff, v5  }
0x375: {  	v5 =	vld.idx.msk [tilespmem:v7+s11+$0x0], $0xffff  }
0x376: {  	v7 =	vld [tilespmem:$0x1FEE0];
	_ =	sdelay $0x3  }
0x377: {  	v6 =	vor.u32 v54, v3  }
0x378: {  	v7 =	vadd.s32 v7, v4;
	_ =	sdelay $0x3  }
0x379: {  	[tilespmem:v6+s6+$0x0] =	vst.idx.msk $0xffff, v5  }
0x37a: {  	v5 =	vld.idx.msk [tilespmem:v7+s11+$0x0], $0xffff  }
0x37b: {  	v7 =	vld [tilespmem:$0x1FEF0];
	_ =	sdelay $0x3  }
0x37c: {  	v6 =	vadd.s32 v55, v3  }
0x37d: {  	v7 =	vadd.s32 v7, v4;
	_ =	sdelay $0x3  }
0x37e: {  	[tilespmem:v6+s6+$0x0] =	vst.idx.msk $0xffff, v5  }
0x37f: {  	v6 =	vadd.s32 v56, v3;
	v5 =	vld.idx.msk [tilespmem:v7+s11+$0x0], $0xffff  }
0x380: {  	v7 =	vadd.s32 v8, v4;
	_ =	sdelay $0x3  }
0x381: {  	[tilespmem:v6+s6+$0x0] =	vst.idx.msk $0xffff, v5  }
0x382: {  	v6 =	vadd.s32 v57, v3;
	v5 =	vld.idx.msk [tilespmem:v7+s11+$0x0], $0xffff  }
0x383: {  	v7 =	vadd.s32 v9, v4;
	_ =	sdelay $0x3  }
0x384: {  	[tilespmem:v6+s6+$0x0] =	vst.idx.msk $0xffff, v5  }
0x385: {  	v6 =	vadd.s32 v58, v3;
	v5 =	vld.idx.msk [tilespmem:v7+s11+$0x0], $0xffff  }
0x386: {  	v7 =	vadd.s32 v10, v4;
	_ =	sdelay $0x3  }
0x387: {  	[tilespmem:v6+s6+$0x0] =	vst.idx.msk $0xffff, v5  }
0x388: {  	v6 =	vor.u32 v59, v3;
	v5 =	vld.idx.msk [tilespmem:v7+s11+$0x0], $0xffff  }
0x389: {  	v7 =	vadd.s32 v11, v4;
	_ =	sdelay $0x3  }
0x38a: {  	[tilespmem:v6+s6+$0x0] =	vst.idx.msk $0xffff, v5  }
0x38b: {  	v6 =	vor.u32 v60, v3;
	v5 =	vld.idx.msk [tilespmem:v7+s11+$0x0], $0xffff  }
0x38c: {  	v7 =	vadd.s32 v12, v4;
	_ =	sdelay $0x3  }
0x38d: {  	[tilespmem:v6+s6+$0x0] =	vst.idx.msk $0xffff, v5  }
0x38e: {  	v6 =	vor.u32 v61, v3;
	v5 =	vld.idx.msk [tilespmem:v7+s11+$0x0], $0xffff  }
0x38f: {  	v7 =	vadd.s32 v13, v4;
	_ =	sdelay $0x3  }
0x390: {  	[tilespmem:v6+s6+$0x0] =	vst.idx.msk $0xffff, v5  }
0x391: {  	v6 =	vor.u32 v62, v3;
	v5 =	vld.idx.msk [tilespmem:v7+s11+$0x0], $0xffff  }
0x392: {  	v7 =	vadd.s32 v14, v4;
	_ =	sdelay $0x3  }
0x393: {  	[tilespmem:v6+s6+$0x0] =	vst.idx.msk $0xffff, v5  }
0x394: {  	v6 =	vadd.s32 v63, v3;
	v5 =	vld.idx.msk [tilespmem:v7+s11+$0x0], $0xffff  }
0x395: {  	v7 =	vadd.s32 v15, v4;
	_ =	sdelay $0x3  }
0x396: {  	[tilespmem:v6+s6+$0x0] =	vst.idx.msk $0xffff, v5  }
0x397: {  	v6 =	vadd.s32 v0, v3;
	v5 =	vld.idx.msk [tilespmem:v7+s11+$0x0], $0xffff  }
0x398: {  	v7 =	vadd.s32 v16, v4;
	_ =	sdelay $0x3  }
0x399: {  	[tilespmem:v6+s6+$0x0] =	vst.idx.msk $0xffff, v5  }
0x39a: {  	v6 =	vadd.s32 v50, v3;
	v5 =	vld.idx.msk [tilespmem:v7+s11+$0x0], $0xffff  }
0x39b: {  	v4 =	vadd.s32 v17, v4;
	_ =	sdelay $0x3  }
0x39c: {  	[tilespmem:v6+s6+$0x0] =	vst.idx.msk $0xffff, v5  }
0x39d: {  	v3 =	vadd.s32 v1, v3;
	v4 =	vld.idx.msk [tilespmem:v4+s11+$0x0], $0xffff;
	_ =	sdelay $0x4  }
0x39e: {  	[tilespmem:v3+s6+$0x0] =	vst.idx.msk $0xffff, v4  }
0x39f: {  	v3 =	vld [tilespmem:s20+$0xFFFFFFF8];
	_ =	sdelay $0x4  }
0x3a0: {  	(v2sf) =	vpush v3, $0x0;
	_ =	sdelay $0xa  }
0x3a1: {  	(v2sf) =	vpush v3, $0x1;
	_ =	sdelay $0x3  }
0x3a2: {  	s22 =	spop (v2sf)  }
0x3a3: {  	s23 =	sand.u32 $0x7F, s22  }
0x3a4: {  	p4 =	slt.s32 s22, $0x1;
	p3 =	sne.s32 s23, $0x0;
	s23 =	sshra.s32 s22, $0x1F  }
0x3a5: {  	s23 =	sshrl.u32 s23, $0x19;
	p0 =	por !p4, !p3  }
0x3a6: {  	s22 =	sadd.s32 s23, s22;
	p0 =	por !p0, !p0;
	s23 =	simm.s32 $0x1  }
0x3a7: {  	s22 =	sshrl.u32 s22, $0x7;
	s23 =	simm.s32 @!p0 $0x0  }
0x3a8: {  	s22 =	ssub.s32 s22, s23  }
0x3a9: {  	(v2sf) =	vpush v3, $0x2;
	s22 =	sshll.u32 s22, $0x7  }
0x3aa: {  	s22 =	sand.u32 $0x1FFFFF80, s22  }
0x3ab: {  	s22 =	sadd.s32 s0, s22  }
0x3ac: {  	[tilespmem:s11], [sflag:$0x1] =	stream.strided.gather [hbm4b:s22+s9], $0x1000, s10, s9, $0x38;
	[tilespmem:$0x1C280] =	vst v63  }
0x3ad: {  	s22 =	spop (v2sf)  }
0x3ae: {  	s23 =	sand.u32 $0x7F, s22  }
0x3af: {  	p6 =	slt.s32 s22, $0x1;
	p5 =	sne.s32 s23, $0x0;
	s23 =	sshra.s32 s22, $0x1F  }
0x3b0: {  	s23 =	sshrl.u32 s23, $0x19;
	p0 =	por !p6, !p5  }
0x3b1: {  	s22 =	sadd.s32 s23, s22;
	p0 =	por !p0, !p0;
	s23 =	simm.s32 $0x1  }
0x3b2: {  	s22 =	sshrl.u32 s22, $0x7;
	s23 =	simm.s32 @!p0 $0x0  }
0x3b3: {  	s22 =	ssub.s32 s22, s23  }
0x3b4: {  	(v2sf) =	vpush v3, $0x3;
	s22 =	sshll.u32 s22, $0x7  }
0x3b5: {  	s22 =	sand.u32 $0x1FFFFF80, s22  }
0x3b6: {  	s22 =	sadd.s32 s0, s22  }
0x3b7: {  	[tilespmem:s12], [sflag:$0x1] =	stream.strided.gather [hbm4b:s22+s9], $0x1000, s10, s9, $0x38;
	[tilespmem:$0x1C280] =	vst v63  }
0x3b8: {  	s22 =	spop (v2sf)  }
0x3b9: {  	s23 =	sand.u32 $0x7F, s22  }
0x3ba: {  	p2 =	slt.s32 s22, $0x1;
	p1 =	sne.s32 s23, $0x0;
	s23 =	sshra.s32 s22, $0x1F  }
0x3bb: {  	s23 =	sshrl.u32 s23, $0x19;
	p0 =	por !p2, !p1  }
0x3bc: {  	s22 =	sadd.s32 s23, s22;
	p0 =	por !p0, !p0;
	s23 =	simm.s32 $0x1  }
0x3bd: {  	s22 =	sshrl.u32 s22, $0x7;
	s23 =	simm.s32 @!p0 $0x0  }
0x3be: {  	s22 =	ssub.s32 s22, s23  }
0x3bf: {  	(v2sf) =	vpush v3, $0x4;
	s22 =	sshll.u32 s22, $0x7  }
0x3c0: {  	s22 =	sand.u32 $0x1FFFFF80, s22  }
0x3c1: {  	s22 =	sadd.s32 s0, s22  }
0x3c2: {  	[tilespmem:s13], [sflag:$0x1] =	stream.strided.gather [hbm4b:s22+s9], $0x1000, s10, s9, $0x38;
	[tilespmem:$0x1C280] =	vst v63  }
0x3c3: {  	s22 =	spop (v2sf)  }
0x3c4: {  	s23 =	sand.u32 $0x7F, s22  }
0x3c5: {  	p4 =	slt.s32 s22, $0x1;
	p3 =	sne.s32 s23, $0x0;
	s23 =	sshra.s32 s22, $0x1F  }
0x3c6: {  	s23 =	sshrl.u32 s23, $0x19;
	p0 =	por !p4, !p3  }
0x3c7: {  	s22 =	sadd.s32 s23, s22;
	p0 =	por !p0, !p0;
	s23 =	simm.s32 $0x1  }
0x3c8: {  	s22 =	sshrl.u32 s22, $0x7;
	s23 =	simm.s32 @!p0 $0x0  }
0x3c9: {  	s22 =	ssub.s32 s22, s23  }
0x3ca: {  	(v2sf) =	vpush v3, $0x5;
	s22 =	sshll.u32 s22, $0x7  }
0x3cb: {  	s22 =	sand.u32 $0x1FFFFF80, s22  }
0x3cc: {  	s22 =	sadd.s32 s0, s22  }
0x3cd: {  	[tilespmem:s14], [sflag:$0x1] =	stream.strided.gather [hbm4b:s22+s9], $0x1000, s10, s9, $0x38;
	[tilespmem:$0x1C280] =	vst v63  }
0x3ce: {  	s22 =	spop (v2sf)  }
0x3cf: {  	s23 =	sand.u32 $0x7F, s22  }
0x3d0: {  	p6 =	slt.s32 s22, $0x1;
	p5 =	sne.s32 s23, $0x0;
	s23 =	sshra.s32 s22, $0x1F  }
0x3d1: {  	s23 =	sshrl.u32 s23, $0x19;
	p0 =	por !p6, !p5  }
0x3d2: {  	s22 =	sadd.s32 s23, s22;
	p0 =	por !p0, !p0;
	s23 =	simm.s32 $0x1  }
0x3d3: {  	(v2sf) =	vpush v3, $0x6;
	s22 =	sshrl.u32 s22, $0x7;
	s23 =	simm.s32 @!p0 $0x0  }
0x3d4: {  	s22 =	ssub.s32 s22, s23  }
0x3d5: {  	s22 =	sshll.u32 s22, $0x7  }
0x3d6: {  	s22 =	sand.u32 $0x1FFFFF80, s22  }
0x3d7: {  	s22 =	sadd.s32 s0, s22  }
0x3d8: {  	[tilespmem:s15], [sflag:$0x1] =	stream.strided.gather [hbm4b:s22+s9], $0x1000, s10, s9, $0x38;
	[tilespmem:$0x1C280] =	vst v63  }
0x3d9: {  	s22 =	spop (v2sf)  }
0x3da: {  	s23 =	sand.u32 $0x7F, s22  }
0x3db: {  	p2 =	slt.s32 s22, $0x1;
	p1 =	sne.s32 s23, $0x0;
	s23 =	sshra.s32 s22, $0x1F  }
0x3dc: {  	s23 =	sshrl.u32 s23, $0x19;
	p0 =	por !p2, !p1  }
0x3dd: {  	s22 =	sadd.s32 s23, s22;
	p0 =	por !p0, !p0;
	s23 =	simm.s32 $0x1  }
0x3de: {  	s22 =	sshrl.u32 s22, $0x7;
	s23 =	simm.s32 @!p0 $0x0  }
0x3df: {  	(v2sf) =	vpush v3, $0x7;
	s22 =	ssub.s32 s22, s23  }
0x3e0: {  	s22 =	sshll.u32 s22, $0x7  }
0x3e1: {  	s22 =	sand.u32 $0x1FFFFF80, s22  }
0x3e2: {  	s23 =	spop (v2sf);
	s22 =	sadd.s32 s0, s22  }
0x3e3: {  	[tilespmem:s16], [sflag:$0x1] =	stream.strided.gather [hbm4b:s22+s9], $0x1000, s10, s9, $0x38;
	[tilespmem:$0x1C280] =	vst v63  }
0x3e4: {  	s22 =	sand.u32 $0x7F, s23  }
0x3e5: {  	p4 =	slt.s32 s23, $0x1;
	p3 =	sne.s32 s22, $0x0;
	s22 =	sshra.s32 s23, $0x1F  }
0x3e6: {  	s22 =	sshrl.u32 s22, $0x19;
	p0 =	por !p4, !p3  }
0x3e7: {  	s22 =	sadd.s32 s22, s23;
	p0 =	por !p0, !p0;
	s23 =	simm.s32 $0x1  }
0x3e8: {  	s22 =	sshrl.u32 s22, $0x7;
	s23 =	simm.s32 @!p0 $0x0  }
0x3e9: {  	s22 =	ssub.s32 s22, s23  }
0x3ea: {  	s22 =	sshll.u32 s22, $0x7  }
0x3eb: {  	s22 =	sand.u32 $0x1FFFFF80, s22  }
0x3ec: {  	s22 =	sadd.s32 s0, s22  }
0x3ed: {  	[tilespmem:s17], [sflag:$0x1] =	stream.strided.gather [hbm4b:s22+s9], $0x1000, s10, s9, $0x38;
	[tilespmem:$0x1C280] =	vst v63  }
0x3ee: {  	s22 =	spop (v2sf)  }
0x3ef: {  	s23 =	sand.u32 $0x7F, s22  }
0x3f0: {  	p6 =	slt.s32 s22, $0x1;
	p5 =	sne.s32 s23, $0x0;
	s23 =	sshra.s32 s22, $0x1F  }
0x3f1: {  	s23 =	sshrl.u32 s23, $0x19;
	p0 =	por !p6, !p5  }
0x3f2: {  	s22 =	sadd.s32 s23, s22;
	p0 =	por !p0, !p0;
	s23 =	simm.s32 $0x1  }
0x3f3: {  	s22 =	sshrl.u32 s22, $0x7;
	s23 =	simm.s32 @!p0 $0x0  }
0x3f4: {  	s22 =	ssub.s32 s22, s23  }
0x3f5: {  	s22 =	sshll.u32 s22, $0x7  }
0x3f6: {  	s22 =	sand.u32 $0x1FFFFF80, s22  }
0x3f7: {  	s22 =	sadd.s32 s0, s22  }
0x3f8: {  	[tilespmem:s18], [sflag:$0x1] =	stream.strided.gather [hbm4b:s22+s9], $0x1000, s10, s9, $0x38;
	[tilespmem:$0x1C280] =	vst v63  }
0x3f9: {  	_ =	swait.ge [sflag:s7], $0x1000  }
0x3fa: {  	[sflag:s7] =	ssyncset.done $0x0  }
0x3fb: {  	[sflag:s7] =	ssyncadd.s32 $0xFFFFF000  }
0x3fc: {  	_ =	swait.ge [sflag:s7], $0x1000  }
0x3fd: {  	[sflag:s7] =	ssyncset.done $0x0  }
0x3fe: {  	[sflag:s7] =	ssyncadd.s32 $0xFFFFF000  }
0x3ff: {  	_ =	swait.ge [sflag:s7], $0x1000  }
0x400: {  	[sflag:s7] =	ssyncset.done $0x0  }
0x401: {  	[sflag:s7] =	ssyncadd.s32 $0xFFFFF000  }
0x402: {  	_ =	swait.ge [sflag:s7], $0x1000  }
0x403: {  	[sflag:s7] =	ssyncset.done $0x0  }
0x404: {  	[sflag:s7] =	ssyncadd.s32 $0xFFFFF000  }
0x405: {  	_ =	swait.ge [sflag:s7], $0x1000  }
0x406: {  	[sflag:s7] =	ssyncset.done $0x0  }
0x407: {  	[sflag:s7] =	ssyncadd.s32 $0xFFFFF000  }
0x408: {  	_ =	swait.ge [sflag:s7], $0x1000  }
0x409: {  	[sflag:s7] =	ssyncset.done $0x0  }
0x40a: {  	[sflag:s7] =	ssyncadd.s32 $0xFFFFF000  }
0x40b: {  	s23 =	sadd.s32 $0x8, s21;
	_ =	swait.ge [sflag:s7], $0x1000  }
0x40c: {  	v3 =	vor.u32 s23, v51;
	[sflag:s7] =	ssyncset.done $0x0  }
0x40d: {  	[sflag:s7] =	ssyncadd.s32 $0xFFFFF000  }
0x40e: {  	_ =	swait.ge [sflag:s7], $0x1000  }
0x40f: {  	[sflag:s7] =	ssyncset.done $0x0  }
0x410: {  	[sflag:s7] =	ssyncadd.s32 $0xFFFFF000  }
0x411: {  	v4 =	vld.idx.msk [tilespmem:v3+s3+$0x0], $0xffff;
	_ =	sdelay $0x4  }
0x412: {  	v5 =	vshra.s32 v4, $0x1F  }
0x413: {  	v5 =	vshrl.u32 v5, $0x19  }
0x414: {  	v5 =	vadd.s32 v5, v4  }
0x415: {  	v5 =	vshrl.u32 v5, $0x7  }
0x416: {  	v5 =	vshll.u32 v5, $0x7  }
0x417: {  	v4 =	vsub.s32 v4, v5  }
0x418: {  	v5 =	vadd.s32 v18, v4  }
0x419: {  	v6 =	vmov s23  }
0x41a: {  	v6 =	vshll.u32 v6, $0x3  }
0x41b: {  	v6 =	vand.u32 $0x3C00, v6;
	v3 =	vand.u32 $0x7F, v3  }
0x41c: {  	v3 =	vor.u32 v6, v3  }
0x41d: {  	v6 =	vor.u32 v2, v3;
	v5 =	vld.idx.msk [tilespmem:v5+s11+$0x0], $0xffff  }
0x41e: {  	v7 =	vadd.s32 v19, v4;
	_ =	sdelay $0x3  }
0x41f: {  	[tilespmem:v6+s6+$0x0] =	vst.idx.msk $0xffff, v5  }
0x420: {  	v6 =	vor.u32 v52, v3;
	v5 =	vld.idx.msk [tilespmem:v7+s11+$0x0], $0xffff  }
0x421: {  	v7 =	vadd.s32 v20, v4;
	_ =	sdelay $0x3  }
0x422: {  	[tilespmem:v6+s6+$0x0] =	vst.idx.msk $0xffff, v5  }
0x423: {  	v6 =	vor.u32 v53, v3;
	v5 =	vld.idx.msk [tilespmem:v7+s11+$0x0], $0xffff  }
0x424: {  	v7 =	vadd.s32 v21, v4;
	_ =	sdelay $0x3  }
0x425: {  	[tilespmem:v6+s6+$0x0] =	vst.idx.msk $0xffff, v5  }
0x426: {  	v6 =	vor.u32 v54, v3;
	v5 =	vld.idx.msk [tilespmem:v7+s11+$0x0], $0xffff  }
0x427: {  	v7 =	vadd.s32 v22, v4;
	_ =	sdelay $0x3  }
0x428: {  	[tilespmem:v6+s6+$0x0] =	vst.idx.msk $0xffff, v5  }
0x429: {  	v6 =	vadd.s32 v55, v3;
	v5 =	vld.idx.msk [tilespmem:v7+s11+$0x0], $0xffff  }
0x42a: {  	v7 =	vadd.s32 v23, v4;
	_ =	sdelay $0x3  }
0x42b: {  	[tilespmem:v6+s6+$0x0] =	vst.idx.msk $0xffff, v5  }
0x42c: {  	v6 =	vadd.s32 v56, v3;
	v5 =	vld.idx.msk [tilespmem:v7+s11+$0x0], $0xffff  }
0x42d: {  	v7 =	vadd.s32 v24, v4;
	_ =	sdelay $0x3  }
0x42e: {  	[tilespmem:v6+s6+$0x0] =	vst.idx.msk $0xffff, v5  }
0x42f: {  	v6 =	vadd.s32 v57, v3;
	v5 =	vld.idx.msk [tilespmem:v7+s11+$0x0], $0xffff  }
0x430: {  	v7 =	vadd.s32 v25, v4;
	_ =	sdelay $0x3  }
0x431: {  	[tilespmem:v6+s6+$0x0] =	vst.idx.msk $0xffff, v5  }
0x432: {  	v6 =	vadd.s32 v58, v3;
	v5 =	vld.idx.msk [tilespmem:v7+s11+$0x0], $0xffff  }
0x433: {  	v7 =	vadd.s32 v26, v4;
	_ =	sdelay $0x3  }
0x434: {  	[tilespmem:v6+s6+$0x0] =	vst.idx.msk $0xffff, v5  }
0x435: {  	v6 =	vadd.s32 v59, v3;
	v5 =	vld.idx.msk [tilespmem:v7+s11+$0x0], $0xffff  }
0x436: {  	v7 =	vadd.s32 v27, v4;
	_ =	sdelay $0x3  }
0x437: {  	[tilespmem:v6+s6+$0x0] =	vst.idx.msk $0xffff, v5  }
0x438: {  	v6 =	vadd.s32 v60, v3;
	v5 =	vld.idx.msk [tilespmem:v7+s11+$0x0], $0xffff  }
0x439: {  	v7 =	vadd.s32 v28, v4;
	_ =	sdelay $0x3  }
0x43a: {  	[tilespmem:v6+s6+$0x0] =	vst.idx.msk $0xffff, v5  }
0x43b: {  	v6 =	vadd.s32 v61, v3;
	v5 =	vld.idx.msk [tilespmem:v7+s11+$0x0], $0xffff  }
0x43c: {  	v7 =	vadd.s32 v29, v4;
	_ =	sdelay $0x3  }
0x43d: {  	[tilespmem:v6+s6+$0x0] =	vst.idx.msk $0xffff, v5  }
0x43e: {  	v6 =	vadd.s32 v62, v3;
	v5 =	vld.idx.msk [tilespmem:v7+s11+$0x0], $0xffff  }
0x43f: {  	v7 =	vadd.s32 v30, v4;
	_ =	sdelay $0x3  }
0x440: {  	[tilespmem:v6+s6+$0x0] =	vst.idx.msk $0xffff, v5  }
0x441: {  	v6 =	vadd.s32 v63, v3;
	v5 =	vld.idx.msk [tilespmem:v7+s11+$0x0], $0xffff  }
0x442: {  	v7 =	vadd.s32 v31, v4;
	_ =	sdelay $0x3  }
0x443: {  	[tilespmem:v6+s6+$0x0] =	vst.idx.msk $0xffff, v5  }
0x444: {  	v6 =	vadd.s32 v0, v3;
	v5 =	vld.idx.msk [tilespmem:v7+s11+$0x0], $0xffff  }
0x445: {  	v7 =	vadd.s32 v32, v4;
	_ =	sdelay $0x3  }
0x446: {  	[tilespmem:v6+s6+$0x0] =	vst.idx.msk $0xffff, v5  }
0x447: {  	v6 =	vadd.s32 v50, v3;
	v5 =	vld.idx.msk [tilespmem:v7+s11+$0x0], $0xffff  }
0x448: {  	v4 =	vadd.s32 v33, v4;
	_ =	sdelay $0x3  }
0x449: {  	[tilespmem:v6+s6+$0x0] =	vst.idx.msk $0xffff, v5  }
0x44a: {  	p0 =	seq.s32 s21, $0x1E0;
	v3 =	vadd.s32 v1, v3;
	v4 =	vld.idx.msk [tilespmem:v4+s11+$0x0], $0xffff  }
.Ltmp4:
0x44b: {  	_ = 	snop;
	(pc) =	sbr.rel @p0 .LBB2_4-.Ltmp4, $2  }
0x44c: {  	_ =	sdelay $0x2  }
0x44d: {  	[tilespmem:v3+s6+$0x0] =	vst.idx.msk $0xffff, v4  }
0x44e: {  	v3 =	vld [tilespmem:s20+$0x0];
	_ =	sdelay $0x4  }
0x44f: {  	(v2sf) =	vpush v3, $0x0;
	_ =	sdelay $0xa  }
0x450: {  	(v2sf) =	vpush v3, $0x1;
	_ =	sdelay $0x3  }
0x451: {  	s22 =	spop (v2sf)  }
0x452: {  	s23 =	sand.u32 $0x7F, s22  }
0x453: {  	p1 =	slt.s32 s22, $0x1;
	p0 =	sne.s32 s23, $0x0;
	s23 =	sshra.s32 s22, $0x1F  }
0x454: {  	s23 =	sshrl.u32 s23, $0x19;
	p0 =	por !p1, !p0  }
0x455: {  	s22 =	sadd.s32 s23, s22;
	p0 =	por !p0, !p0;
	s23 =	simm.s32 $0x1  }
0x456: {  	s22 =	sshrl.u32 s22, $0x7;
	s23 =	simm.s32 @!p0 $0x0  }
0x457: {  	s22 =	ssub.s32 s22, s23  }
0x458: {  	(v2sf) =	vpush v3, $0x2;
	s22 =	sshll.u32 s22, $0x7  }
0x459: {  	s22 =	sand.u32 $0x1FFFFF80, s22  }
0x45a: {  	s23 =	simm.s32 $0x8280;
	s22 =	sadd.s32 s0, s22  }
0x45b: {  	[tilespmem:s23], [sflag:$0x2] =	stream.strided.gather [hbm4b:s22+s9], $0x1000, s10, s9, $0x38;
	[tilespmem:$0x1C280] =	vst v63  }
0x45c: {  	s22 =	spop (v2sf)  }
0x45d: {  	s23 =	sand.u32 $0x7F, s22  }
0x45e: {  	p6 =	slt.s32 s22, $0x1;
	p5 =	sne.s32 s23, $0x0;
	s23 =	sshra.s32 s22, $0x1F  }
0x45f: {  	s23 =	sshrl.u32 s23, $0x19;
	p0 =	por !p6, !p5  }
0x460: {  	s22 =	sadd.s32 s23, s22;
	p0 =	por !p0, !p0;
	s23 =	simm.s32 $0x1  }
0x461: {  	s22 =	sshrl.u32 s22, $0x7;
	s23 =	simm.s32 @!p0 $0x0  }
0x462: {  	s22 =	ssub.s32 s22, s23  }
0x463: {  	(v2sf) =	vpush v3, $0x3;
	s22 =	sshll.u32 s22, $0x7  }
0x464: {  	s22 =	sand.u32 $0x1FFFFF80, s22  }
0x465: {  	s23 =	simm.s32 $0x9280;
	s22 =	sadd.s32 s0, s22  }
0x466: {  	[tilespmem:s23], [sflag:$0x2] =	stream.strided.gather [hbm4b:s22+s9], $0x1000, s10, s9, $0x38;
	[tilespmem:$0x1C280] =	vst v63  }
0x467: {  	s22 =	spop (v2sf)  }
0x468: {  	s23 =	sand.u32 $0x7F, s22  }
0x469: {  	p2 =	slt.s32 s22, $0x1;
	p1 =	sne.s32 s23, $0x0;
	s23 =	sshra.s32 s22, $0x1F  }
0x46a: {  	s23 =	sshrl.u32 s23, $0x19;
	p0 =	por !p2, !p1  }
0x46b: {  	s22 =	sadd.s32 s23, s22;
	p0 =	por !p0, !p0;
	s23 =	simm.s32 $0x1  }
0x46c: {  	s22 =	sshrl.u32 s22, $0x7;
	s23 =	simm.s32 @!p0 $0x0  }
0x46d: {  	s22 =	ssub.s32 s22, s23  }
0x46e: {  	(v2sf) =	vpush v3, $0x4;
	s22 =	sshll.u32 s22, $0x7  }
0x46f: {  	s22 =	sand.u32 $0x1FFFFF80, s22  }
0x470: {  	s23 =	simm.s32 $0xA280;
	s22 =	sadd.s32 s0, s22  }
0x471: {  	[tilespmem:s23], [sflag:$0x2] =	stream.strided.gather [hbm4b:s22+s9], $0x1000, s10, s9, $0x38;
	[tilespmem:$0x1C280] =	vst v63  }
0x472: {  	s22 =	spop (v2sf)  }
0x473: {  	s23 =	sand.u32 $0x7F, s22  }
0x474: {  	p4 =	slt.s32 s22, $0x1;
	p3 =	sne.s32 s23, $0x0;
	s23 =	sshra.s32 s22, $0x1F  }
0x475: {  	s23 =	sshrl.u32 s23, $0x19;
	p0 =	por !p4, !p3  }
0x476: {  	s22 =	sadd.s32 s23, s22;
	p0 =	por !p0, !p0;
	s23 =	simm.s32 $0x1  }
0x477: {  	s22 =	sshrl.u32 s22, $0x7;
	s23 =	simm.s32 @!p0 $0x0  }
0x478: {  	s22 =	ssub.s32 s22, s23  }
0x479: {  	(v2sf) =	vpush v3, $0x5;
	s22 =	sshll.u32 s22, $0x7  }
0x47a: {  	s22 =	sand.u32 $0x1FFFFF80, s22  }
0x47b: {  	s23 =	simm.s32 $0xB280;
	s22 =	sadd.s32 s0, s22  }
0x47c: {  	[tilespmem:s23], [sflag:$0x2] =	stream.strided.gather [hbm4b:s22+s9], $0x1000, s10, s9, $0x38;
	[tilespmem:$0x1C280] =	vst v63  }
0x47d: {  	s22 =	spop (v2sf)  }
0x47e: {  	s23 =	sand.u32 $0x7F, s22  }
0x47f: {  	p6 =	slt.s32 s22, $0x1;
	p5 =	sne.s32 s23, $0x0;
	s23 =	sshra.s32 s22, $0x1F  }
0x480: {  	s23 =	sshrl.u32 s23, $0x19;
	p0 =	por !p6, !p5  }
0x481: {  	s22 =	sadd.s32 s23, s22;
	p0 =	por !p0, !p0;
	s23 =	simm.s32 $0x1  }
0x482: {  	(v2sf) =	vpush v3, $0x6;
	s22 =	sshrl.u32 s22, $0x7;
	s23 =	simm.s32 @!p0 $0x0  }
0x483: {  	s22 =	ssub.s32 s22, s23  }
0x484: {  	s22 =	sshll.u32 s22, $0x7  }
0x485: {  	s22 =	sand.u32 $0x1FFFFF80, s22  }
0x486: {  	s23 =	simm.s32 $0xC280;
	s22 =	sadd.s32 s0, s22  }
0x487: {  	[tilespmem:s23], [sflag:$0x2] =	stream.strided.gather [hbm4b:s22+s9], $0x1000, s10, s9, $0x38;
	[tilespmem:$0x1C280] =	vst v63  }
0x488: {  	s22 =	spop (v2sf)  }
0x489: {  	s23 =	sand.u32 $0x7F, s22  }
0x48a: {  	p2 =	slt.s32 s22, $0x1;
	p1 =	sne.s32 s23, $0x0;
	s23 =	sshra.s32 s22, $0x1F  }
0x48b: {  	s23 =	sshrl.u32 s23, $0x19;
	p0 =	por !p2, !p1  }
0x48c: {  	s22 =	sadd.s32 s23, s22;
	p0 =	por !p0, !p0;
	s23 =	simm.s32 $0x1  }
0x48d: {  	s22 =	sshrl.u32 s22, $0x7;
	s23 =	simm.s32 @!p0 $0x0  }
0x48e: {  	(v2sf) =	vpush v3, $0x7;
	s22 =	ssub.s32 s22, s23  }
0x48f: {  	s22 =	sshll.u32 s22, $0x7  }
0x490: {  	s22 =	sand.u32 $0x1FFFFF80, s22  }
0x491: {  	s23 =	spop (v2sf);
	s22 =	sadd.s32 s0, s22  }
0x492: {  	[tilespmem:s24], [sflag:$0x2] =	stream.strided.gather [hbm4b:s22+s9], $0x1000, s10, s9, $0x38;
	[tilespmem:$0x1C280] =	vst v63  }
0x493: {  	s22 =	sand.u32 $0x7F, s23  }
0x494: {  	p4 =	slt.s32 s23, $0x1;
	p3 =	sne.s32 s22, $0x0;
	s22 =	sshra.s32 s23, $0x1F  }
0x495: {  	s22 =	sshrl.u32 s22, $0x19;
	p0 =	por !p4, !p3  }
0x496: {  	s22 =	sadd.s32 s22, s23;
	p0 =	por !p0, !p0;
	s23 =	simm.s32 $0x1  }
0x497: {  	s22 =	sshrl.u32 s22, $0x7;
	s23 =	simm.s32 @!p0 $0x0  }
0x498: {  	s22 =	ssub.s32 s22, s23  }
0x499: {  	s22 =	sshll.u32 s22, $0x7  }
0x49a: {  	s22 =	sand.u32 $0x1FFFFF80, s22  }
0x49b: {  	s22 =	sadd.s32 s0, s22  }
0x49c: {  	[tilespmem:s25], [sflag:$0x2] =	stream.strided.gather [hbm4b:s22+s9], $0x1000, s10, s9, $0x38;
	[tilespmem:$0x1C280] =	vst v63  }
0x49d: {  	s22 =	spop (v2sf)  }
0x49e: {  	s23 =	sand.u32 $0x7F, s22  }
0x49f: {  	p6 =	slt.s32 s22, $0x1;
	p5 =	sne.s32 s23, $0x0;
	s23 =	sshra.s32 s22, $0x1F  }
0x4a0: {  	s23 =	sshrl.u32 s23, $0x19;
	p0 =	por !p6, !p5  }
0x4a1: {  	s22 =	sadd.s32 s23, s22;
	p0 =	por !p0, !p0;
	s23 =	simm.s32 $0x1  }
0x4a2: {  	s22 =	sshrl.u32 s22, $0x7;
	s23 =	simm.s32 @!p0 $0x0  }
.Ltmp5:
0x4a3: {  	s22 =	ssub.s32 s22, s23;
	(pc) =	sbr.rel .LBB2_4-.Ltmp5, $4  }
0x4a4: {  	s22 =	sshll.u32 s22, $0x7  }
0x4a5: {  	s22 =	sand.u32 $0x1FFFFF80, s22  }
0x4a6: {  	s22 =	sadd.s32 s0, s22  }
0x4a7: {  	[tilespmem:s26], [sflag:$0x2] =	stream.strided.gather [hbm4b:s22+s9], $0x1000, s10, s9, $0x38;
	[tilespmem:$0x1C280] =	vst v63  }
.LBB2_6:
0x4a8: {  	_ =	sfence.sel $0x180000  }
0x4a9: {  	[bflag:$0x0] =	sbarrier.arrive $0xFFFF  }
0x4aa: {  	_ =	strace $0x90000047  }
0x4ab: {  	s0 =	stileid.u32;
	[bflag:$0x2] =	sbarrier.arrive $0xFFFF  }
0x4ac: {  	p0 =	sne.s32 s0, $0x0;
	s0 =	rddreg [dreg:$0x3]  }
0x4ad: {  	s0 =	sadd.s32 @!p0 $0x100000, s0  }
0x4ae: {  	[sflag:s0] =	ssyncadd.tile.s32 @!p0 $0x1;
	_ =	shalt  }
.Lfunc_end2:
_tile_overlayer_lowered:
.L_overlay_start_2:
0x4af: {  	(tag) =	ssettag $0x2  }
0x4b0: {  	s0 =	rddreg [dreg:$0x0];
	s2 =	stileid.u32  }
0x4b1: {  	s1 =	rddreg [dreg:$0x1];
	p0 =	sne.s32 s2, $0x0  }
0x4b2: {  	s3 =	rddreg [dreg:$0x2];
	[bflag:$0x3] =	sbarrier.arrive $0xFFFF;
	s2 =	simm.s32 @!p0 $0x1C04  }
0x4b3: {  	[timem:s3], [sflag:s2] =	dma.local @!p0 [hbm:s0], s1  }
0x4b4: {  	s0 =	simm.s32 @!p0 $0x4  }
0x4b5: {  	_ =	swait.ge @!p0 [sflag:s0], s1  }
0x4b6: {  	s1 =	ssub.s32 @!p0 $0x0, s1;
	[sflag:s0] =	ssyncset.done @!p0 $0x0  }
0x4b7: {  	[sflag:s0] =	ssyncadd.s32 @!p0 s1  }
0x4b8: {  	[bflag:$0x3] =	sbarrier.arrive $0xFFFF  }
0x4b9: {  	_ =	shalt  }

</sc_bundles>
